<compile_context>
chip_gen: v7x
topology: tpu7x:2x2x1
jax: 0.10.2.dev20260603
libtpu: 0.0.44.dev20260713+nightly
codegen_flags: <defaults>
</compile_context>

<pallas_src>
import functools

import jax
import jax.numpy as jnp
from jax import lax
from jax.experimental import pallas as pl
from jax.experimental.pallas import tpu as pltpu
from jax.experimental.pallas import tpu_sc as plsc


def _sc_geometry():
    try:
        info = plsc.get_sparse_core_info()
        return info.num_cores, info.num_subcores
    except Exception:
        return 2, 16


def _embed_lookup(xg, table, pe, B, S):
    V, D = table.shape
    NW, NCH, M = xg.shape
    C = S // NW
    H = C // NCH
    NP = 2

    mesh = plsc.VectorSubcoreMesh(core_axis_name="c", subcore_axis_name="s")

    @functools.partial(
        pl.kernel,
        mesh=mesh,
        out_type=jax.ShapeDtypeStruct((B, S, D), jnp.float32),
        scratch_types=[
            pltpu.VMEM((NCH, M), jnp.int32),
            [pltpu.VMEM((M, D), jnp.float32)] * NP,
            pltpu.VMEM((C, D), jnp.float32),
            [pltpu.SemaphoreType.DMA] * NP,
            [pltpu.SemaphoreType.DMA] * NP,
            pltpu.SemaphoreType.DMA,
        ],
    )
    def emb(xg_hbm, table_hbm, pe_hbm, out_hbm, idx_v, rows_v, pe_v, gsem,
            wsem, ssem):
        wid = lax.axis_index("s") * NC + lax.axis_index("c")
        base = wid * C
        nj = D // 16
        d1 = pltpu.async_copy(xg_hbm.at[wid], idx_v, ssem)
        d2 = pltpu.async_copy(pe_hbm.at[pl.ds(base, C)], pe_v, ssem)

        def start_gather(g, p):
            pltpu.async_copy(table_hbm.at[idx_v.at[g]], rows_v[p], gsem[p])

        def drain_gather(p):
            pltpu.make_async_copy(table_hbm.at[idx_v.at[0]], rows_v[p],
                                  gsem[p]).wait()

        def start_writes(g, p):
            for b in range(B):
                pltpu.async_copy(
                    rows_v[p].at[pl.ds(b * H, H)],
                    out_hbm.at[b, pl.ds(base + g * H, H)], wsem[p])

        def drain_writes(p):
            pltpu.make_async_copy(rows_v[p], out_hbm.at[0, pl.ds(base, M)],
                                  wsem[p]).wait()

        def process(g, p):
            gH = g * H

            def add_pe_row(r, _p=p):
                for j in range(nj):
                    v = pe_v[gH + r, pl.ds(j * 16, 16)]
                    for b in range(B):
                        plsc.addupdate(
                            rows_v[_p].at[b * H + r, pl.ds(j * 16, 16)], v)

            plsc.parallel_loop(0, H, 1, unroll=2)(add_pe_row)
            start_writes(g, p)

        d1.wait()
        d2.wait()
        start_gather(0, 0)

        def pair(g2, carry):
            g = 2 * g2
            drain_gather(0)

            @pl.when(g2 > 0)
            def _():
                drain_writes(1)
            start_gather(g + 1, 1)
            process(g, 0)

            drain_gather(1)

            @pl.when(g2 < NCH // 2 - 1)
            def _():
                drain_writes(0)
                start_gather(g + 2, 0)
            process(g + 1, 1)
            return carry

        lax.fori_loop(0, NCH // 2, pair, 0)
        drain_writes(0)
        drain_writes(1)

    return emb(xg, table, pe)


NC, NS = _sc_geometry()


def kernel(x, table, pe):
    B, S = x.shape
    NW = NC * NS
    NCH = 8
    H = S // NW // NCH
    xg = (x.astype(jnp.int32)
          .reshape(B, NW, NCH, H)
          .transpose(1, 2, 0, 3)
          .reshape(NW, NCH, B * H))
    return _embed_lookup(xg, table, pe.astype(jnp.float32), B, S)

# --- scband reference (transcript-rebuilt; emitter-appended) ---
"""Pipeline reference for scband-transformer-embedding-29265907155191 (READ-ONLY COPY).

The authoritative reference and input builder live on the scoring server;
editing this copy changes nothing except your own understanding.
"""

import jax, jax.numpy as jnp
import numpy as np

VOCAB = 100000
SEQ = 2048
D = 768
B = 4


def _sinusoidal_pe(seq_len, d_model):
    pos = np.arange(seq_len, dtype=np.float32)[:, None]
    div = np.exp(np.arange(0, d_model, 2, dtype=np.float32) * (-np.log(10000.0) / d_model))
    pe = np.zeros((seq_len, d_model), dtype=np.float32)
    pe[:, 0::2] = np.sin(pos * div)
    pe[:, 1::2] = np.cos(pos * div)
    return jnp.asarray(pe)


def setup_inputs(seed: int = 0) -> dict:
    key = jax.random.key(seed)
    k1, k2 = jax.random.split(key)
    x = jax.random.randint(k1, (B, SEQ), 0, VOCAB, dtype=jnp.int64)
    table = jax.random.normal(k2, (VOCAB, D), dtype=jnp.float32) * 0.02
    pe = _sinusoidal_pe(SEQ, D)
    return {"x": x, "table": table, "pe": pe}


def reference(x, table, pe):
    # TokenEmbedding: gather rows of the embedding table
    tok = jnp.take(table, x, axis=0)  # [B, SEQ, D]
    # PositionalEncoding: fixed sinusoidal encoding sliced to seq_len
    pos = pe[None, : x.shape[1], :]  # [1, SEQ, D]
    # Dropout in eval mode == identity
    return tok + pos

if __name__ == "__main__":
    import jax
    _d = setup_inputs()
    print(jax.jit(kernel)(*tuple(_d.values())))

</pallas_src>

<mosaic_0001>
#map = affine_map<(d0, d1) -> (0, 0, 0)>
#map1 = affine_map<(d0, d1) -> (0, 0)>
module attributes {stable_mosaic.version = 14 : i64} {
  func.func @emb(%arg0: i32, %arg1: i32, %arg2: memref<32x8x32xi32, #tpu.memory_space<hbm>>, %arg3: memref<100000x768xf32, #tpu.memory_space<hbm>>, %arg4: memref<2048x768xf32, #tpu.memory_space<hbm>>, %arg5: memref<4x2048x768xf32, #tpu.memory_space<hbm>>, %arg6: memref<8x32xi32, #tpu.memory_space<vmem>>, %arg7: memref<32x768xf32, #tpu.memory_space<vmem>>, %arg8: memref<32x768xf32, #tpu.memory_space<vmem>>, %arg9: memref<64x768xf32, #tpu.memory_space<vmem>>, %arg10: memref<!tpu.dma_semaphore, #tpu.memory_space<semaphore_mem>>, %arg11: memref<!tpu.dma_semaphore, #tpu.memory_space<semaphore_mem>>, %arg12: memref<!tpu.dma_semaphore, #tpu.memory_space<semaphore_mem>>, %arg13: memref<!tpu.dma_semaphore, #tpu.memory_space<semaphore_mem>>, %arg14: memref<!tpu.dma_semaphore, #tpu.memory_space<semaphore_mem>>) attributes {dimension_semantics = [#tpu.dimension_semantics<core_parallel>, #tpu.dimension_semantics<subcore_parallel>], iteration_bounds = array<i64: 2, 16>, scalar_prefetch = 0 : i64, scratch_operands = 9 : i64, tpu.core_type = #tpu.core_type<sc_vector_subcore>, window_params = [{transform_indices = #map}, {transform_indices = #map1}, {transform_indices = #map1}, {transform_indices = #map}]} {
    %mul3A = arith.constant 2 : i32
    %mul3A_0 = arith.muli %arg1, %mul3A : i32
    %add3A = arith.addi %mul3A_0, %arg0 : i32
    %mul3A_1 = arith.constant 64 : i32
    %mul3A_2 = arith.muli %add3A, %mul3A_1 : i32
    %dma_start3A = arith.constant 0 : i32
    %dma_start3A_3 = arith.constant 0 : i32
    %dma_start3A_4 = tpu.memref_slice %arg2[%add3A, %dma_start3A, %dma_start3A_3] : memref<32x8x32xi32, #tpu.memory_space<hbm>> -> memref<1x8x32xi32, #tpu.memory_space<hbm>>
    %dma_start3A_5 = tpu.memref_squeeze %dma_start3A_4 : memref<1x8x32xi32, #tpu.memory_space<hbm>> -> memref<8x32xi32, #tpu.memory_space<hbm>>
    %dma_start3A_6 = arith.constant 0 : i32
    %dma_start3A_7 = arith.constant 0 : i32
    %dma_start3A_8 = tpu.memref_slice %arg2[%add3A, %dma_start3A_6, %dma_start3A_7] : memref<32x8x32xi32, #tpu.memory_space<hbm>> -> memref<1x8x32xi32, #tpu.memory_space<hbm>>
    %dma_start3A_9 = tpu.memref_squeeze %dma_start3A_8 : memref<1x8x32xi32, #tpu.memory_space<hbm>> -> memref<8x32xi32, #tpu.memory_space<hbm>>
    tpu.enqueue_dma source(%dma_start3A_9 : memref<8x32xi32, #tpu.memory_space<hbm>>) target(%arg6 : memref<8x32xi32, #tpu.memory_space<vmem>>) target_semaphore(%arg14 : memref<!tpu.dma_semaphore, #tpu.memory_space<semaphore_mem>>)
    %dma_start3A_10 = arith.constant 0 : i32
    %dma_start3A_11 = tpu.memref_slice %arg4[%mul3A_2, %dma_start3A_10] : memref<2048x768xf32, #tpu.memory_space<hbm>> -> memref<64x768xf32, #tpu.memory_space<hbm>>
    %dma_start3A_12 = arith.constant 0 : i32
    %dma_start3A_13 = tpu.memref_slice %arg4[%mul3A_2, %dma_start3A_12] : memref<2048x768xf32, #tpu.memory_space<hbm>> -> memref<64x768xf32, #tpu.memory_space<hbm>>
    tpu.enqueue_dma source(%dma_start3A_13 : memref<64x768xf32, #tpu.memory_space<hbm>>) target(%arg9 : memref<64x768xf32, #tpu.memory_space<vmem>>) target_semaphore(%arg14 : memref<!tpu.dma_semaphore, #tpu.memory_space<semaphore_mem>>)
    %dma_wait3A = arith.constant 0 : i32
    %dma_wait3A_14 = arith.constant 0 : i32
    %dma_wait3A_15 = tpu.memref_slice %arg2[%add3A, %dma_wait3A, %dma_wait3A_14] : memref<32x8x32xi32, #tpu.memory_space<hbm>> -> memref<1x8x32xi32, #tpu.memory_space<hbm>>
    %dma_wait3A_16 = tpu.memref_squeeze %dma_wait3A_15 : memref<1x8x32xi32, #tpu.memory_space<hbm>> -> memref<8x32xi32, #tpu.memory_space<hbm>>
    %dma_wait3A_17 = arith.constant 0 : i32
    %dma_wait3A_18 = arith.constant 0 : i32
    %dma_wait3A_19 = tpu.memref_slice %arg2[%add3A, %dma_wait3A_17, %dma_wait3A_18] : memref<32x8x32xi32, #tpu.memory_space<hbm>> -> memref<1x8x32xi32, #tpu.memory_space<hbm>>
    %dma_wait3A_20 = tpu.memref_squeeze %dma_wait3A_19 : memref<1x8x32xi32, #tpu.memory_space<hbm>> -> memref<8x32xi32, #tpu.memory_space<hbm>>
    tpu.wait_dma2 semaphore(%arg14 : memref<!tpu.dma_semaphore, #tpu.memory_space<semaphore_mem>>) src(%dma_wait3A_20 : memref<8x32xi32, #tpu.memory_space<hbm>>) dst(%arg6 : memref<8x32xi32, #tpu.memory_space<vmem>>)
    %dma_wait3A_21 = arith.constant 0 : i32
    %dma_wait3A_22 = tpu.memref_slice %arg4[%mul3A_2, %dma_wait3A_21] : memref<2048x768xf32, #tpu.memory_space<hbm>> -> memref<64x768xf32, #tpu.memory_space<hbm>>
    %dma_wait3A_23 = arith.constant 0 : i32
    %dma_wait3A_24 = tpu.memref_slice %arg4[%mul3A_2, %dma_wait3A_23] : memref<2048x768xf32, #tpu.memory_space<hbm>> -> memref<64x768xf32, #tpu.memory_space<hbm>>
    tpu.wait_dma2 semaphore(%arg14 : memref<!tpu.dma_semaphore, #tpu.memory_space<semaphore_mem>>) src(%dma_wait3A_24 : memref<64x768xf32, #tpu.memory_space<hbm>>) dst(%arg9 : memref<64x768xf32, #tpu.memory_space<vmem>>)
    %dma_start3A_25 = arith.constant 0 : i32
    %dma_start3A_26 = arith.constant 0 : i32
    %dma_start3A_27 = tpu.memref_slice %arg6[%dma_start3A_25, %dma_start3A_26] : memref<8x32xi32, #tpu.memory_space<vmem>> -> memref<1x32xi32, #tpu.memory_space<vmem>>
    %dma_start3A_28 = tpu.memref_squeeze %dma_start3A_27 : memref<1x32xi32, #tpu.memory_space<vmem>> -> memref<32xi32, #tpu.memory_space<vmem>>
    %dma_start3A_29 = arith.constant 0 : i32
    %dma_start3A_30 = arith.constant 0 : i32
    %dma_start3A_31 = tpu.memref_slice %arg3[%dma_start3A_29, %dma_start3A_30] : memref<100000x768xf32, #tpu.memory_space<hbm>> -> memref<100000x768xf32, #tpu.memory_space<hbm>>
    tpu.enqueue_indirect_dma source(%dma_start3A_31 : memref<100000x768xf32, #tpu.memory_space<hbm>>) target(%arg7 : memref<32x768xf32, #tpu.memory_space<vmem>>) offsets(%dma_start3A_28 : memref<32xi32, #tpu.memory_space<vmem>>) semaphore(%arg10 : memref<!tpu.dma_semaphore, #tpu.memory_space<semaphore_mem>>)
    %scan3A = arith.constant 0 : i32
    %scan3A_32 = arith.constant 0 : i32
    %scan3A_33 = arith.constant 4 : i32
    %scan3A_34 = arith.addi %scan3A_32, %scan3A_33 : i32
    %scan3A_35 = arith.constant 1 : i32
    scf.for %scan3A_51 = %scan3A_32 to %scan3A_34 step %scan3A_35  : i32 {
      %mul3A_52 = arith.constant 2 : i32
      %mul3A_53 = arith.muli %mul3A_52, %scan3A_51 : i32
      %dma_wait3A_54 = arith.constant 0 : i32
      %dma_wait3A_55 = arith.constant 0 : i32
      %dma_wait3A_56 = tpu.memref_slice %arg6[%dma_wait3A_54, %dma_wait3A_55] : memref<8x32xi32, #tpu.memory_space<vmem>> -> memref<1x32xi32, #tpu.memory_space<vmem>>
      %dma_wait3A_57 = tpu.memref_squeeze %dma_wait3A_56 : memref<1x32xi32, #tpu.memory_space<vmem>> -> memref<32xi32, #tpu.memory_space<vmem>>
      %dma_wait3A_58 = arith.constant 0 : i32
      %dma_wait3A_59 = arith.constant 0 : i32
      %dma_wait3A_60 = tpu.memref_slice %arg3[%dma_wait3A_58, %dma_wait3A_59] : memref<100000x768xf32, #tpu.memory_space<hbm>> -> memref<100000x768xf32, #tpu.memory_space<hbm>>
      tpu.wait_indirect_dma semaphore(%arg10 : memref<!tpu.dma_semaphore, #tpu.memory_space<semaphore_mem>>) src(%dma_wait3A_60 : memref<100000x768xf32, #tpu.memory_space<hbm>>) dst(%arg7 : memref<32x768xf32, #tpu.memory_space<vmem>>)
      %gt3A = arith.constant 0 : i32
      %gt3A_61 = arith.cmpi sgt, %scan3A_51, %gt3A : i32
      %convert_element_type3A = arith.extui %gt3A_61 : i1 to i32
      %cond3A = arith.constant 0 : i32
      %cond3A_62 = arith.cmpi ne, %convert_element_type3A, %cond3A : i32
      scf.if %cond3A_62 {
        %dma_wait3A_221 = arith.constant 0 : i32
        %dma_wait3A_222 = arith.constant 0 : i32
        %dma_wait3A_223 = tpu.memref_slice %arg5[%dma_wait3A_221, %mul3A_2, %dma_wait3A_222] : memref<4x2048x768xf32, #tpu.memory_space<hbm>> -> memref<1x32x768xf32, #tpu.memory_space<hbm>>
        %dma_wait3A_224 = tpu.memref_squeeze %dma_wait3A_223 : memref<1x32x768xf32, #tpu.memory_space<hbm>> -> memref<32x768xf32, #tpu.memory_space<hbm>>
        %dma_wait3A_225 = arith.constant 0 : i32
        %dma_wait3A_226 = tpu.memref_slice %arg5[%dma_wait3A_221, %mul3A_2, %dma_wait3A_225] : memref<4x2048x768xf32, #tpu.memory_space<hbm>> -> memref<1x32x768xf32, #tpu.memory_space<hbm>>
        %dma_wait3A_227 = tpu.memref_squeeze %dma_wait3A_226 : memref<1x32x768xf32, #tpu.memory_space<hbm>> -> memref<32x768xf32, #tpu.memory_space<hbm>>
        tpu.wait_dma2 semaphore(%arg13 : memref<!tpu.dma_semaphore, #tpu.memory_space<semaphore_mem>>) src(%arg8 : memref<32x768xf32, #tpu.memory_space<vmem>>) dst(%dma_wait3A_227 : memref<32x768xf32, #tpu.memory_space<hbm>>)
      } else {
      }
      %add3A_63 = arith.constant 1 : i32
      %add3A_64 = arith.addi %mul3A_53, %add3A_63 : i32
      %dma_start3A_65 = arith.constant 0 : i32
      %dma_start3A_66 = tpu.memref_slice %arg6[%add3A_64, %dma_start3A_65] : memref<8x32xi32, #tpu.memory_space<vmem>> -> memref<1x32xi32, #tpu.memory_space<vmem>>
      %dma_start3A_67 = tpu.memref_squeeze %dma_start3A_66 : memref<1x32xi32, #tpu.memory_space<vmem>> -> memref<32xi32, #tpu.memory_space<vmem>>
      %dma_start3A_68 = arith.constant 0 : i32
      %dma_start3A_69 = arith.constant 0 : i32
      %dma_start3A_70 = tpu.memref_slice %arg3[%dma_start3A_68, %dma_start3A_69] : memref<100000x768xf32, #tpu.memory_space<hbm>> -> memref<100000x768xf32, #tpu.memory_space<hbm>>
      tpu.enqueue_indirect_dma source(%dma_start3A_70 : memref<100000x768xf32, #tpu.memory_space<hbm>>) target(%arg8 : memref<32x768xf32, #tpu.memory_space<vmem>>) offsets(%dma_start3A_67 : memref<32xi32, #tpu.memory_space<vmem>>) semaphore(%arg11 : memref<!tpu.dma_semaphore, #tpu.memory_space<semaphore_mem>>)
      %mul3A_71 = arith.constant 8 : i32
      %mul3A_72 = arith.muli %mul3A_53, %mul3A_71 : i32
      %parallel_loop3A = arith.constant 0 : i32
      %parallel_loop3A_73 = arith.constant 8 : i32
      %parallel_loop3A_74 = arith.constant 1 : i32
      scf.for %parallel_loop3A_221 = %parallel_loop3A to %parallel_loop3A_73 step %parallel_loop3A_74  : i32 {
        %parallel_loop3A_222 = arith.addi %mul3A_72, %parallel_loop3A_221 : i32
        %parallel_loop3A_223 = arith.index_cast %parallel_loop3A_222 : i32 to index
        %parallel_loop3A_224 = arith.constant 0 : index
        %parallel_loop3A_225 = tpu.vector_load %arg9[%parallel_loop3A_223, %parallel_loop3A_224] {strides = array<i32>} : memref<64x768xf32, #tpu.memory_space<vmem>>, vector<1x16xf32>,
        %parallel_loop3A_226 = vector.shape_cast %parallel_loop3A_225 : vector<1x16xf32> to vector<16xf32>
        %parallel_loop3A_227 = arith.constant 0 : i32
        %parallel_loop3A_228 = arith.addi %parallel_loop3A_227, %parallel_loop3A_221 : i32
        %parallel_loop3A_229 = arith.index_cast %parallel_loop3A_228 : i32 to index
        %parallel_loop3A_230 = arith.constant 0 : index
        %parallel_loop3A_231 = tpu.vector_load %arg7[%parallel_loop3A_229, %parallel_loop3A_230] {strides = array<i32>} : memref<32x768xf32, #tpu.memory_space<vmem>>, vector<1x16xf32>,
        %parallel_loop3A_232 = vector.shape_cast %parallel_loop3A_231 : vector<1x16xf32> to vector<16xf32>
        %parallel_loop3A_233 = vector.shape_cast %parallel_loop3A_226 : vector<16xf32> to vector<1x16xf32>
        tpu.vector_store %arg7[%parallel_loop3A_229, %parallel_loop3A_230], %parallel_loop3A_233 {add = true, strides = array<i32>} : memref<32x768xf32, #tpu.memory_space<vmem>>, vector<1x16xf32>,
        %parallel_loop3A_234 = arith.constant 8 : i32
        %parallel_loop3A_235 = arith.addi %parallel_loop3A_234, %parallel_loop3A_221 : i32
        %parallel_loop3A_236 = arith.index_cast %parallel_loop3A_235 : i32 to index
        %parallel_loop3A_237 = arith.constant 0 : index
        %parallel_loop3A_238 = tpu.vector_load %arg7[%parallel_loop3A_236, %parallel_loop3A_237] {strides = array<i32>} : memref<32x768xf32, #tpu.memory_space<vmem>>, vector<1x16xf32>,
        %parallel_loop3A_239 = vector.shape_cast %parallel_loop3A_238 : vector<1x16xf32> to vector<16xf32>
        %parallel_loop3A_240 = vector.shape_cast %parallel_loop3A_226 : vector<16xf32> to vector<1x16xf32>
        tpu.vector_store %arg7[%parallel_loop3A_236, %parallel_loop3A_237], %parallel_loop3A_240 {add = true, strides = array<i32>} : memref<32x768xf32, #tpu.memory_space<vmem>>, vector<1x16xf32>,
        %parallel_loop3A_241 = arith.constant 16 : i32
        %parallel_loop3A_242 = arith.addi %parallel_loop3A_241, %parallel_loop3A_221 : i32
        %parallel_loop3A_243 = arith.index_cast %parallel_loop3A_242 : i32 to index
        %parallel_loop3A_244 = arith.constant 0 : index
        %parallel_loop3A_245 = tpu.vector_load %arg7[%parallel_loop3A_243, %parallel_loop3A_244] {strides = array<i32>} : memref<32x768xf32, #tpu.memory_space<vmem>>, vector<1x16xf32>,
        %parallel_loop3A_246 = vector.shape_cast %parallel_loop3A_245 : vector<1x16xf32> to vector<16xf32>
        %parallel_loop3A_247 = vector.shape_cast %parallel_loop3A_226 : vector<16xf32> to vector<1x16xf32>
        tpu.vector_store %arg7[%parallel_loop3A_243, %parallel_loop3A_244], %parallel_loop3A_247 {add = true, strides = array<i32>} : memref<32x768xf32, #tpu.memory_space<vmem>>, vector<1x16xf32>,
        %parallel_loop3A_248 = arith.constant 24 : i32
        %parallel_loop3A_249 = arith.addi %parallel_loop3A_248, %parallel_loop3A_221 : i32
        %parallel_loop3A_250 = arith.index_cast %parallel_loop3A_249 : i32 to index
        %parallel_loop3A_251 = arith.constant 0 : index
        %parallel_loop3A_252 = tpu.vector_load %arg7[%parallel_loop3A_250, %parallel_loop3A_251] {strides = array<i32>} : memref<32x768xf32, #tpu.memory_space<vmem>>, vector<1x16xf32>,
        %parallel_loop3A_253 = vector.shape_cast %parallel_loop3A_252 : vector<1x16xf32> to vector<16xf32>
        %parallel_loop3A_254 = vector.shape_cast %parallel_loop3A_226 : vector<16xf32> to vector<1x16xf32>
        tpu.vector_store %arg7[%parallel_loop3A_250, %parallel_loop3A_251], %parallel_loop3A_254 {add = true, strides = array<i32>} : memref<32x768xf32, #tpu.memory_space<vmem>>, vector<1x16xf32>,
        %parallel_loop3A_255 = arith.addi %mul3A_72, %parallel_loop3A_221 : i32
        %parallel_loop3A_256 = arith.index_cast %parallel_loop3A_255 : i32 to index
        %parallel_loop3A_257 = arith.constant 16 : index
        %parallel_loop3A_258 = tpu.vector_load %arg9[%parallel_loop3A_256, %parallel_loop3A_257] {strides = array<i32>} : memref<64x768xf32, #tpu.memory_space<vmem>>, vector<1x16xf32>,
        %parallel_loop3A_259 = vector.shape_cast %parallel_loop3A_258 : vector<1x16xf32> to vector<16xf32>
        %parallel_loop3A_260 = arith.constant 0 : i32
        %parallel_loop3A_261 = arith.addi %parallel_loop3A_260, %parallel_loop3A_221 : i32
        %parallel_loop3A_262 = arith.index_cast %parallel_loop3A_261 : i32 to index
        %parallel_loop3A_263 = arith.constant 16 : index
        %parallel_loop3A_264 = tpu.vector_load %arg7[%parallel_loop3A_262, %parallel_loop3A_263] {strides = array<i32>} : memref<32x768xf32, #tpu.memory_space<vmem>>, vector<1x16xf32>,
        %parallel_loop3A_265 = vector.shape_cast %parallel_loop3A_264 : vector<1x16xf32> to vector<16xf32>
        %parallel_loop3A_266 = vector.shape_cast %parallel_loop3A_259 : vector<16xf32> to vector<1x16xf32>
        tpu.vector_store %arg7[%parallel_loop3A_262, %parallel_loop3A_263], %parallel_loop3A_266 {add = true, strides = array<i32>} : memref<32x768xf32, #tpu.memory_space<vmem>>, vector<1x16xf32>,
        %parallel_loop3A_267 = arith.constant 8 : i32
        %parallel_loop3A_268 = arith.addi %parallel_loop3A_267, %parallel_loop3A_221 : i32
        %parallel_loop3A_269 = arith.index_cast %parallel_loop3A_268 : i32 to index
        %parallel_loop3A_270 = arith.constant 16 : index
        %parallel_loop3A_271 = tpu.vector_load %arg7[%parallel_loop3A_269, %parallel_loop3A_270] {strides = array<i32>} : memref<32x768xf32, #tpu.memory_space<vmem>>, vector<1x16xf32>,
        %parallel_loop3A_272 = vector.shape_cast %parallel_loop3A_271 : vector<1x16xf32> to vector<16xf32>
        %parallel_loop3A_273 = vector.shape_cast %parallel_loop3A_259 : vector<16xf32> to vector<1x16xf32>
        tpu.vector_store %arg7[%parallel_loop3A_269, %parallel_loop3A_270], %parallel_loop3A_273 {add = true, strides = array<i32>} : memref<32x768xf32, #tpu.memory_space<vmem>>, vector<1x16xf32>,
        %parallel_loop3A_274 = arith.constant 16 : i32
        %parallel_loop3A_275 = arith.addi %parallel_loop3A_274, %parallel_loop3A_221 : i32
        %parallel_loop3A_276 = arith.index_cast %parallel_loop3A_275 : i32 to index
        %parallel_loop3A_277 = arith.constant 16 : index
        %parallel_loop3A_278 = tpu.vector_load %arg7[%parallel_loop3A_276, %parallel_loop3A_277] {strides = array<i32>} : memref<32x768xf32, #tpu.memory_space<vmem>>, vector<1x16xf32>,
        %parallel_loop3A_279 = vector.shape_cast %parallel_loop3A_278 : vector<1x16xf32> to vector<16xf32>
        %parallel_loop3A_280 = vector.shape_cast %parallel_loop3A_259 : vector<16xf32> to vector<1x16xf32>
        tpu.vector_store %arg7[%parallel_loop3A_276, %parallel_loop3A_277], %parallel_loop3A_280 {add = true, strides = array<i32>} : memref<32x768xf32, #tpu.memory_space<vmem>>, vector<1x16xf32>,
        %parallel_loop3A_281 = arith.constant 24 : i32
        %parallel_loop3A_282 = arith.addi %parallel_loop3A_281, %parallel_loop3A_221 : i32
        %parallel_loop3A_283 = arith.index_cast %parallel_loop3A_282 : i32 to index
        %parallel_loop3A_284 = arith.constant 16 : index
        %parallel_loop3A_285 = tpu.vector_load %arg7[%parallel_loop3A_283, %parallel_loop3A_284] {strides = array<i32>} : memref<32x768xf32, #tpu.memory_space<vmem>>, vector<1x16xf32>,
        %parallel_loop3A_286 = vector.shape_cast %parallel_loop3A_285 : vector<1x16xf32> to vector<16xf32>
        %parallel_loop3A_287 = vector.shape_cast %parallel_loop3A_259 : vector<16xf32> to vector<1x16xf32>
        tpu.vector_store %arg7[%parallel_loop3A_283, %parallel_loop3A_284], %parallel_loop3A_287 {add = true, strides = array<i32>} : memref<32x768xf32, #tpu.memory_space<vmem>>, vector<1x16xf32>,
        %parallel_loop3A_288 = arith.addi %mul3A_72, %parallel_loop3A_221 : i32
        %parallel_loop3A_289 = arith.index_cast %parallel_loop3A_288 : i32 to index
        %parallel_loop3A_290 = arith.constant 32 : index
        %parallel_loop3A_291 = tpu.vector_load %arg9[%parallel_loop3A_289, %parallel_loop3A_290] {strides = array<i32>} : memref<64x768xf32, #tpu.memory_space<vmem>>, vector<1x16xf32>,
        %parallel_loop3A_292 = vector.shape_cast %parallel_loop3A_291 : vector<1x16xf32> to vector<16xf32>
        %parallel_loop3A_293 = arith.constant 0 : i32
        %parallel_loop3A_294 = arith.addi %parallel_loop3A_293, %parallel_loop3A_221 : i32
        %parallel_loop3A_295 = arith.index_cast %parallel_loop3A_294 : i32 to index
        %parallel_loop3A_296 = arith.constant 32 : index
        %parallel_loop3A_297 = tpu.vector_load %arg7[%parallel_loop3A_295, %parallel_loop3A_296] {strides = array<i32>} : memref<32x768xf32, #tpu.memory_space<vmem>>, vector<1x16xf32>,
        %parallel_loop3A_298 = vector.shape_cast %parallel_loop3A_297 : vector<1x16xf32> to vector<16xf32>
        %parallel_loop3A_299 = vector.shape_cast %parallel_loop3A_292 : vector<16xf32> to vector<1x16xf32>
        tpu.vector_store %arg7[%parallel_loop3A_295, %parallel_loop3A_296], %parallel_loop3A_299 {add = true, strides = array<i32>} : memref<32x768xf32, #tpu.memory_space<vmem>>, vector<1x16xf32>,
        %parallel_loop3A_300 = arith.constant 8 : i32
        %parallel_loop3A_301 = arith.addi %parallel_loop3A_300, %parallel_loop3A_221 : i32
        %parallel_loop3A_302 = arith.index_cast %parallel_loop3A_301 : i32 to index
        %parallel_loop3A_303 = arith.constant 32 : index
        %parallel_loop3A_304 = tpu.vector_load %arg7[%parallel_loop3A_302, %parallel_loop3A_303] {strides = array<i32>} : memref<32x768xf32, #tpu.memory_space<vmem>>, vector<1x16xf32>,
        %parallel_loop3A_305 = vector.shape_cast %parallel_loop3A_304 : vector<1x16xf32> to vector<16xf32>
        %parallel_loop3A_306 = vector.shape_cast %parallel_loop3A_292 : vector<16xf32> to vector<1x16xf32>
        tpu.vector_store %arg7[%parallel_loop3A_302, %parallel_loop3A_303], %parallel_loop3A_306 {add = true, strides = array<i32>} : memref<32x768xf32, #tpu.memory_space<vmem>>, vector<1x16xf32>,
        %parallel_loop3A_307 = arith.constant 16 : i32
        %parallel_loop3A_308 = arith.addi %parallel_loop3A_307, %parallel_loop3A_221 : i32
        %parallel_loop3A_309 = arith.index_cast %parallel_loop3A_308 : i32 to index
        %parallel_loop3A_310 = arith.constant 32 : index
        %parallel_loop3A_311 = tpu.vector_load %arg7[%parallel_loop3A_309, %parallel_loop3A_310] {strides = array<i32>} : memref<32x768xf32, #tpu.memory_space<vmem>>, vector<1x16xf32>,
        %parallel_loop3A_312 = vector.shape_cast %parallel_loop3A_311 : vector<1x16xf32> to vector<16xf32>
        %parallel_loop3A_313 = vector.shape_cast %parallel_loop3A_292 : vector<16xf32> to vector<1x16xf32>
        tpu.vector_store %arg7[%parallel_loop3A_309, %parallel_loop3A_310], %parallel_loop3A_313 {add = true, strides = array<i32>} : memref<32x768xf32, #tpu.memory_space<vmem>>, vector<1x16xf32>,
        %parallel_loop3A_314 = arith.constant 24 : i32
        %parallel_loop3A_315 = arith.addi %parallel_loop3A_314, %parallel_loop3A_221 : i32
        %parallel_loop3A_316 = arith.index_cast %parallel_loop3A_315 : i32 to index
        %parallel_loop3A_317 = arith.constant 32 : index
        %parallel_loop3A_318 = tpu.vector_load %arg7[%parallel_loop3A_316, %parallel_loop3A_317] {strides = array<i32>} : memref<32x768xf32, #tpu.memory_space<vmem>>, vector<1x16xf32>,
        %parallel_loop3A_319 = vector.shape_cast %parallel_loop3A_318 : vector<1x16xf32> to vector<16xf32>
        %parallel_loop3A_320 = vector.shape_cast %parallel_loop3A_292 : vector<16xf32> to vector<1x16xf32>
        tpu.vector_store %arg7[%parallel_loop3A_316, %parallel_loop3A_317], %parallel_loop3A_320 {add = true, strides = array<i32>} : memref<32x768xf32, #tpu.memory_space<vmem>>, vector<1x16xf32>,
        %parallel_loop3A_321 = arith.addi %mul3A_72, %parallel_loop3A_221 : i32
        %parallel_loop3A_322 = arith.index_cast %parallel_loop3A_321 : i32 to index
        %parallel_loop3A_323 = arith.constant 48 : index
        %parallel_loop3A_324 = tpu.vector_load %arg9[%parallel_loop3A_322, %parallel_loop3A_323] {strides = array<i32>} : memref<64x768xf32, #tpu.memory_space<vmem>>, vector<1x16xf32>,
        %parallel_loop3A_325 = vector.shape_cast %parallel_loop3A_324 : vector<1x16xf32> to vector<16xf32>
        %parallel_loop3A_326 = arith.constant 0 : i32
        %parallel_loop3A_327 = arith.addi %parallel_loop3A_326, %parallel_loop3A_221 : i32
        %parallel_loop3A_328 = arith.index_cast %parallel_loop3A_327 : i32 to index
        %parallel_loop3A_329 = arith.constant 48 : index
        %parallel_loop3A_330 = tpu.vector_load %arg7[%parallel_loop3A_328, %parallel_loop3A_329] {strides = array<i32>} : memref<32x768xf32, #tpu.memory_space<vmem>>, vector<1x16xf32>,
        %parallel_loop3A_331 = vector.shape_cast %parallel_loop3A_330 : vector<1x16xf32> to vector<16xf32>
        %parallel_loop3A_332 = vector.shape_cast %parallel_loop3A_325 : vector<16xf32> to vector<1x16xf32>
        tpu.vector_store %arg7[%parallel_loop3A_328, %parallel_loop3A_329], %parallel_loop3A_332 {add = true, strides = array<i32>} : memref<32x768xf32, #tpu.memory_space<vmem>>, vector<1x16xf32>,
        %parallel_loop3A_333 = arith.constant 8 : i32
        %parallel_loop3A_334 = arith.addi %parallel_loop3A_333, %parallel_loop3A_221 : i32
        %parallel_loop3A_335 = arith.index_cast %parallel_loop3A_334 : i32 to index
        %parallel_loop3A_336 = arith.constant 48 : index
        %parallel_loop3A_337 = tpu.vector_load %arg7[%parallel_loop3A_335, %parallel_loop3A_336] {strides = array<i32>} : memref<32x768xf32, #tpu.memory_space<vmem>>, vector<1x16xf32>,
        %parallel_loop3A_338 = vector.shape_cast %parallel_loop3A_337 : vector<1x16xf32> to vector<16xf32>
        %parallel_loop3A_339 = vector.shape_cast %parallel_loop3A_325 : vector<16xf32> to vector<1x16xf32>
        tpu.vector_store %arg7[%parallel_loop3A_335, %parallel_loop3A_336], %parallel_loop3A_339 {add = true, strides = array<i32>} : memref<32x768xf32, #tpu.memory_space<vmem>>, vector<1x16xf32>,
        %parallel_loop3A_340 = arith.constant 16 : i32
        %parallel_loop3A_341 = arith.addi %parallel_loop3A_340, %parallel_loop3A_221 : i32
        %parallel_loop3A_342 = arith.index_cast %parallel_loop3A_341 : i32 to index
        %parallel_loop3A_343 = arith.constant 48 : index
        %parallel_loop3A_344 = tpu.vector_load %arg7[%parallel_loop3A_342, %parallel_loop3A_343] {strides = array<i32>} : memref<32x768xf32, #tpu.memory_space<vmem>>, vector<1x16xf32>,
        %parallel_loop3A_345 = vector.shape_cast %parallel_loop3A_344 : vector<1x16xf32> to vector<16xf32>
        %parallel_loop3A_346 = vector.shape_cast %parallel_loop3A_325 : vector<16xf32> to vector<1x16xf32>
        tpu.vector_store %arg7[%parallel_loop3A_342, %parallel_loop3A_343], %parallel_loop3A_346 {add = true, strides = array<i32>} : memref<32x768xf32, #tpu.memory_space<vmem>>, vector<1x16xf32>,
        %parallel_loop3A_347 = arith.constant 24 : i32
        %parallel_loop3A_348 = arith.addi %parallel_loop3A_347, %parallel_loop3A_221 : i32
        %parallel_loop3A_349 = arith.index_cast %parallel_loop3A_348 : i32 to index
        %parallel_loop3A_350 = arith.constant 48 : index
        %parallel_loop3A_351 = tpu.vector_load %arg7[%parallel_loop3A_349, %parallel_loop3A_350] {strides = array<i32>} : memref<32x768xf32, #tpu.memory_space<vmem>>, vector<1x16xf32>,
        %parallel_loop3A_352 = vector.shape_cast %parallel_loop3A_351 : vector<1x16xf32> to vector<16xf32>
        %parallel_loop3A_353 = vector.shape_cast %parallel_loop3A_325 : vector<16xf32> to vector<1x16xf32>
        tpu.vector_store %arg7[%parallel_loop3A_349, %parallel_loop3A_350], %parallel_loop3A_353 {add = true, strides = array<i32>} : memref<32x768xf32, #tpu.memory_space<vmem>>, vector<1x16xf32>,
        %parallel_loop3A_354 = arith.addi %mul3A_72, %parallel_loop3A_221 : i32
        %parallel_loop3A_355 = arith.index_cast %parallel_loop3A_354 : i32 to index
        %parallel_loop3A_356 = arith.constant 64 : index
        %parallel_loop3A_357 = tpu.vector_load %arg9[%parallel_loop3A_355, %parallel_loop3A_356] {strides = array<i32>} : memref<64x768xf32, #tpu.memory_space<vmem>>, vector<1x16xf32>,
        %parallel_loop3A_358 = vector.shape_cast %parallel_loop3A_357 : vector<1x16xf32> to vector<16xf32>
        %parallel_loop3A_359 = arith.constant 0 : i32
        %parallel_loop3A_360 = arith.addi %parallel_loop3A_359, %parallel_loop3A_221 : i32
        %parallel_loop3A_361 = arith.index_cast %parallel_loop3A_360 : i32 to index
        %parallel_loop3A_362 = arith.constant 64 : index
        %parallel_loop3A_363 = tpu.vector_load %arg7[%parallel_loop3A_361, %parallel_loop3A_362] {strides = array<i32>} : memref<32x768xf32, #tpu.memory_space<vmem>>, vector<1x16xf32>,
        %parallel_loop3A_364 = vector.shape_cast %parallel_loop3A_363 : vector<1x16xf32> to vector<16xf32>
        %parallel_loop3A_365 = vector.shape_cast %parallel_loop3A_358 : vector<16xf32> to vector<1x16xf32>
        tpu.vector_store %arg7[%parallel_loop3A_361, %parallel_loop3A_362], %parallel_loop3A_365 {add = true, strides = array<i32>} : memref<32x768xf32, #tpu.memory_space<vmem>>, vector<1x16xf32>,
        %parallel_loop3A_366 = arith.constant 8 : i32
        %parallel_loop3A_367 = arith.addi %parallel_loop3A_366, %parallel_loop3A_221 : i32
        %parallel_loop3A_368 = arith.index_cast %parallel_loop3A_367 : i32 to index
        %parallel_loop3A_369 = arith.constant 64 : index
        %parallel_loop3A_370 = tpu.vector_load %arg7[%parallel_loop3A_368, %parallel_loop3A_369] {strides = array<i32>} : memref<32x768xf32, #tpu.memory_space<vmem>>, vector<1x16xf32>,
        %parallel_loop3A_371 = vector.shape_cast %parallel_loop3A_370 : vector<1x16xf32> to vector<16xf32>
        %parallel_loop3A_372 = vector.shape_cast %parallel_loop3A_358 : vector<16xf32> to vector<1x16xf32>
        tpu.vector_store %arg7[%parallel_loop3A_368, %parallel_loop3A_369], %parallel_loop3A_372 {add = true, strides = array<i32>} : memref<32x768xf32, #tpu.memory_space<vmem>>, vector<1x16xf32>,
        %parallel_loop3A_373 = arith.constant 16 : i32
        %parallel_loop3A_374 = arith.addi %parallel_loop3A_373, %parallel_loop3A_221 : i32
        %parallel_loop3A_375 = arith.index_cast %parallel_loop3A_374 : i32 to index
        %parallel_loop3A_376 = arith.constant 64 : index
        %parallel_loop3A_377 = tpu.vector_load %arg7[%parallel_loop3A_375, %parallel_loop3A_376] {strides = array<i32>} : memref<32x768xf32, #tpu.memory_space<vmem>>, vector<1x16xf32>,
        %parallel_loop3A_378 = vector.shape_cast %parallel_loop3A_377 : vector<1x16xf32> to vector<16xf32>
        %parallel_loop3A_379 = vector.shape_cast %parallel_loop3A_358 : vector<16xf32> to vector<1x16xf32>
        tpu.vector_store %arg7[%parallel_loop3A_375, %parallel_loop3A_376], %parallel_loop3A_379 {add = true, strides = array<i32>} : memref<32x768xf32, #tpu.memory_space<vmem>>, vector<1x16xf32>,
        %parallel_loop3A_380 = arith.constant 24 : i32
        %parallel_loop3A_381 = arith.addi %parallel_loop3A_380, %parallel_loop3A_221 : i32
        %parallel_loop3A_382 = arith.index_cast %parallel_loop3A_381 : i32 to index
        %parallel_loop3A_383 = arith.constant 64 : index
        %parallel_loop3A_384 = tpu.vector_load %arg7[%parallel_loop3A_382, %parallel_loop3A_383] {strides = array<i32>} : memref<32x768xf32, #tpu.memory_space<vmem>>, vector<1x16xf32>,
        %parallel_loop3A_385 = vector.shape_cast %parallel_loop3A_384 : vector<1x16xf32> to vector<16xf32>
        %parallel_loop3A_386 = vector.shape_cast %parallel_loop3A_358 : vector<16xf32> to vector<1x16xf32>
        tpu.vector_store %arg7[%parallel_loop3A_382, %parallel_loop3A_383], %parallel_loop3A_386 {add = true, strides = array<i32>} : memref<32x768xf32, #tpu.memory_space<vmem>>, vector<1x16xf32>,
        %parallel_loop3A_387 = arith.addi %mul3A_72, %parallel_loop3A_221 : i32
        %parallel_loop3A_388 = arith.index_cast %parallel_loop3A_387 : i32 to index
        %parallel_loop3A_389 = arith.constant 80 : index
        %parallel_loop3A_390 = tpu.vector_load %arg9[%parallel_loop3A_388, %parallel_loop3A_389] {strides = array<i32>} : memref<64x768xf32, #tpu.memory_space<vmem>>, vector<1x16xf32>,
        %parallel_loop3A_391 = vector.shape_cast %parallel_loop3A_390 : vector<1x16xf32> to vector<16xf32>
        %parallel_loop3A_392 = arith.constant 0 : i32
        %parallel_loop3A_393 = arith.addi %parallel_loop3A_392, %parallel_loop3A_221 : i32
        %parallel_loop3A_394 = arith.index_cast %parallel_loop3A_393 : i32 to index
        %parallel_loop3A_395 = arith.constant 80 : index
        %parallel_loop3A_396 = tpu.vector_load %arg7[%parallel_loop3A_394, %parallel_loop3A_395] {strides = array<i32>} : memref<32x768xf32, #tpu.memory_space<vmem>>, vector<1x16xf32>,
        %parallel_loop3A_397 = vector.shape_cast %parallel_loop3A_396 : vector<1x16xf32> to vector<16xf32>
        %parallel_loop3A_398 = vector.shape_cast %parallel_loop3A_391 : vector<16xf32> to vector<1x16xf32>
        tpu.vector_store %arg7[%parallel_loop3A_394, %parallel_loop3A_395], %parallel_loop3A_398 {add = true, strides = array<i32>} : memref<32x768xf32, #tpu.memory_space<vmem>>, vector<1x16xf32>,
        %parallel_loop3A_399 = arith.constant 8 : i32
        %parallel_loop3A_400 = arith.addi %parallel_loop3A_399, %parallel_loop3A_221 : i32
        %parallel_loop3A_401 = arith.index_cast %parallel_loop3A_400 : i32 to index
        %parallel_loop3A_402 = arith.constant 80 : index
        %parallel_loop3A_403 = tpu.vector_load %arg7[%parallel_loop3A_401, %parallel_loop3A_402] {strides = array<i32>} : memref<32x768xf32, #tpu.memory_space<vmem>>, vector<1x16xf32>,
        %parallel_loop3A_404 = vector.shape_cast %parallel_loop3A_403 : vector<1x16xf32> to vector<16xf32>
        %parallel_loop3A_405 = vector.shape_cast %parallel_loop3A_391 : vector<16xf32> to vector<1x16xf32>
        tpu.vector_store %arg7[%parallel_loop3A_401, %parallel_loop3A_402], %parallel_loop3A_405 {add = true, strides = array<i32>} : memref<32x768xf32, #tpu.memory_space<vmem>>, vector<1x16xf32>,
        %parallel_loop3A_406 = arith.constant 16 : i32
        %parallel_loop3A_407 = arith.addi %parallel_loop3A_406, %parallel_loop3A_221 : i32
        %parallel_loop3A_408 = arith.index_cast %parallel_loop3A_407 : i32 to index
        %parallel_loop3A_409 = arith.constant 80 : index
        %parallel_loop3A_410 = tpu.vector_load %arg7[%parallel_loop3A_408, %parallel_loop3A_409] {strides = array<i32>} : memref<32x768xf32, #tpu.memory_space<vmem>>, vector<1x16xf32>,
        %parallel_loop3A_411 = vector.shape_cast %parallel_loop3A_410 : vector<1x16xf32> to vector<16xf32>
        %parallel_loop3A_412 = vector.shape_cast %parallel_loop3A_391 : vector<16xf32> to vector<1x16xf32>
        tpu.vector_store %arg7[%parallel_loop3A_408, %parallel_loop3A_409], %parallel_loop3A_412 {add = true, strides = array<i32>} : memref<32x768xf32, #tpu.memory_space<vmem>>, vector<1x16xf32>,
        %parallel_loop3A_413 = arith.constant 24 : i32
        %parallel_loop3A_414 = arith.addi %parallel_loop3A_413, %parallel_loop3A_221 : i32
        %parallel_loop3A_415 = arith.index_cast %parallel_loop3A_414 : i32 to index
        %parallel_loop3A_416 = arith.constant 80 : index
        %parallel_loop3A_417 = tpu.vector_load %arg7[%parallel_loop3A_415, %parallel_loop3A_416] {strides = array<i32>} : memref<32x768xf32, #tpu.memory_space<vmem>>, vector<1x16xf32>,
        %parallel_loop3A_418 = vector.shape_cast %parallel_loop3A_417 : vector<1x16xf32> to vector<16xf32>
        %parallel_loop3A_419 = vector.shape_cast %parallel_loop3A_391 : vector<16xf32> to vector<1x16xf32>
        tpu.vector_store %arg7[%parallel_loop3A_415, %parallel_loop3A_416], %parallel_loop3A_419 {add = true, strides = array<i32>} : memref<32x768xf32, #tpu.memory_space<vmem>>, vector<1x16xf32>,
        %parallel_loop3A_420 = arith.addi %mul3A_72, %parallel_loop3A_221 : i32
        %parallel_loop3A_421 = arith.index_cast %parallel_loop3A_420 : i32 to index
        %parallel_loop3A_422 = arith.constant 96 : index
        %parallel_loop3A_423 = tpu.vector_load %arg9[%parallel_loop3A_421, %parallel_loop3A_422] {strides = array<i32>} : memref<64x768xf32, #tpu.memory_space<vmem>>, vector<1x16xf32>,
        %parallel_loop3A_424 = vector.shape_cast %parallel_loop3A_423 : vector<1x16xf32> to vector<16xf32>
        %parallel_loop3A_425 = arith.constant 0 : i32
        %parallel_loop3A_426 = arith.addi %parallel_loop3A_425, %parallel_loop3A_221 : i32
        %parallel_loop3A_427 = arith.index_cast %parallel_loop3A_426 : i32 to index
        %parallel_loop3A_428 = arith.constant 96 : index
        %parallel_loop3A_429 = tpu.vector_load %arg7[%parallel_loop3A_427, %parallel_loop3A_428] {strides = array<i32>} : memref<32x768xf32, #tpu.memory_space<vmem>>, vector<1x16xf32>,
        %parallel_loop3A_430 = vector.shape_cast %parallel_loop3A_429 : vector<1x16xf32> to vector<16xf32>
        %parallel_loop3A_431 = vector.shape_cast %parallel_loop3A_424 : vector<16xf32> to vector<1x16xf32>
        tpu.vector_store %arg7[%parallel_loop3A_427, %parallel_loop3A_428], %parallel_loop3A_431 {add = true, strides = array<i32>} : memref<32x768xf32, #tpu.memory_space<vmem>>, vector<1x16xf32>,
        %parallel_loop3A_432 = arith.constant 8 : i32
        %parallel_loop3A_433 = arith.addi %parallel_loop3A_432, %parallel_loop3A_221 : i32
        %parallel_loop3A_434 = arith.index_cast %parallel_loop3A_433 : i32 to index
        %parallel_loop3A_435 = arith.constant 96 : index
        %parallel_loop3A_436 = tpu.vector_load %arg7[%parallel_loop3A_434, %parallel_loop3A_435] {strides = array<i32>} : memref<32x768xf32, #tpu.memory_space<vmem>>, vector<1x16xf32>,
        %parallel_loop3A_437 = vector.shape_cast %parallel_loop3A_436 : vector<1x16xf32> to vector<16xf32>
        %parallel_loop3A_438 = vector.shape_cast %parallel_loop3A_424 : vector<16xf32> to vector<1x16xf32>
        tpu.vector_store %arg7[%parallel_loop3A_434, %parallel_loop3A_435], %parallel_loop3A_438 {add = true, strides = array<i32>} : memref<32x768xf32, #tpu.memory_space<vmem>>, vector<1x16xf32>,
        %parallel_loop3A_439 = arith.constant 16 : i32
        %parallel_loop3A_440 = arith.addi %parallel_loop3A_439, %parallel_loop3A_221 : i32
        %parallel_loop3A_441 = arith.index_cast %parallel_loop3A_440 : i32 to index
        %parallel_loop3A_442 = arith.constant 96 : index
        %parallel_loop3A_443 = tpu.vector_load %arg7[%parallel_loop3A_441, %parallel_loop3A_442] {strides = array<i32>} : memref<32x768xf32, #tpu.memory_space<vmem>>, vector<1x16xf32>,
        %parallel_loop3A_444 = vector.shape_cast %parallel_loop3A_443 : vector<1x16xf32> to vector<16xf32>
        %parallel_loop3A_445 = vector.shape_cast %parallel_loop3A_424 : vector<16xf32> to vector<1x16xf32>
        tpu.vector_store %arg7[%parallel_loop3A_441, %parallel_loop3A_442], %parallel_loop3A_445 {add = true, strides = array<i32>} : memref<32x768xf32, #tpu.memory_space<vmem>>, vector<1x16xf32>,
        %parallel_loop3A_446 = arith.constant 24 : i32
        %parallel_loop3A_447 = arith.addi %parallel_loop3A_446, %parallel_loop3A_221 : i32
        %parallel_loop3A_448 = arith.index_cast %parallel_loop3A_447 : i32 to index
        %parallel_loop3A_449 = arith.constant 96 : index
        %parallel_loop3A_450 = tpu.vector_load %arg7[%parallel_loop3A_448, %parallel_loop3A_449] {strides = array<i32>} : memref<32x768xf32, #tpu.memory_space<vmem>>, vector<1x16xf32>,
        %parallel_loop3A_451 = vector.shape_cast %parallel_loop3A_450 : vector<1x16xf32> to vector<16xf32>
        %parallel_loop3A_452 = vector.shape_cast %parallel_loop3A_424 : vector<16xf32> to vector<1x16xf32>
        tpu.vector_store %arg7[%parallel_loop3A_448, %parallel_loop3A_449], %parallel_loop3A_452 {add = true, strides = array<i32>} : memref<32x768xf32, #tpu.memory_space<vmem>>, vector<1x16xf32>,
        %parallel_loop3A_453 = arith.addi %mul3A_72, %parallel_loop3A_221 : i32
        %parallel_loop3A_454 = arith.index_cast %parallel_loop3A_453 : i32 to index
        %parallel_loop3A_455 = arith.constant 112 : index
        %parallel_loop3A_456 = tpu.vector_load %arg9[%parallel_loop3A_454, %parallel_loop3A_455] {strides = array<i32>} : memref<64x768xf32, #tpu.memory_space<vmem>>, vector<1x16xf32>,
        %parallel_loop3A_457 = vector.shape_cast %parallel_loop3A_456 : vector<1x16xf32> to vector<16xf32>
        %parallel_loop3A_458 = arith.constant 0 : i32
        %parallel_loop3A_459 = arith.addi %parallel_loop3A_458, %parallel_loop3A_221 : i32
        %parallel_loop3A_460 = arith.index_cast %parallel_loop3A_459 : i32 to index
        %parallel_loop3A_461 = arith.constant 112 : index
        %parallel_loop3A_462 = tpu.vector_load %arg7[%parallel_loop3A_460, %parallel_loop3A_461] {strides = array<i32>} : memref<32x768xf32, #tpu.memory_space<vmem>>, vector<1x16xf32>,
        %parallel_loop3A_463 = vector.shape_cast %parallel_loop3A_462 : vector<1x16xf32> to vector<16xf32>
        %parallel_loop3A_464 = vector.shape_cast %parallel_loop3A_457 : vector<16xf32> to vector<1x16xf32>
        tpu.vector_store %arg7[%parallel_loop3A_460, %parallel_loop3A_461], %parallel_loop3A_464 {add = true, strides = array<i32>} : memref<32x768xf32, #tpu.memory_space<vmem>>, vector<1x16xf32>,
        %parallel_loop3A_465 = arith.constant 8 : i32
        %parallel_loop3A_466 = arith.addi %parallel_loop3A_465, %parallel_loop3A_221 : i32
        %parallel_loop3A_467 = arith.index_cast %parallel_loop3A_466 : i32 to index
        %parallel_loop3A_468 = arith.constant 112 : index
        %parallel_loop3A_469 = tpu.vector_load %arg7[%parallel_loop3A_467, %parallel_loop3A_468] {strides = array<i32>} : memref<32x768xf32, #tpu.memory_space<vmem>>, vector<1x16xf32>,
        %parallel_loop3A_470 = vector.shape_cast %parallel_loop3A_469 : vector<1x16xf32> to vector<16xf32>
        %parallel_loop3A_471 = vector.shape_cast %parallel_loop3A_457 : vector<16xf32> to vector<1x16xf32>
        tpu.vector_store %arg7[%parallel_loop3A_467, %parallel_loop3A_468], %parallel_loop3A_471 {add = true, strides = array<i32>} : memref<32x768xf32, #tpu.memory_space<vmem>>, vector<1x16xf32>,
        %parallel_loop3A_472 = arith.constant 16 : i32
        %parallel_loop3A_473 = arith.addi %parallel_loop3A_472, %parallel_loop3A_221 : i32
        %parallel_loop3A_474 = arith.index_cast %parallel_loop3A_473 : i32 to index
        %parallel_loop3A_475 = arith.constant 112 : index
        %parallel_loop3A_476 = tpu.vector_load %arg7[%parallel_loop3A_474, %parallel_loop3A_475] {strides = array<i32>} : memref<32x768xf32, #tpu.memory_space<vmem>>, vector<1x16xf32>,
        %parallel_loop3A_477 = vector.shape_cast %parallel_loop3A_476 : vector<1x16xf32> to vector<16xf32>
        %parallel_loop3A_478 = vector.shape_cast %parallel_loop3A_457 : vector<16xf32> to vector<1x16xf32>
        tpu.vector_store %arg7[%parallel_loop3A_474, %parallel_loop3A_475], %parallel_loop3A_478 {add = true, strides = array<i32>} : memref<32x768xf32, #tpu.memory_space<vmem>>, vector<1x16xf32>,
        %parallel_loop3A_479 = arith.constant 24 : i32
        %parallel_loop3A_480 = arith.addi %parallel_loop3A_479, %parallel_loop3A_221 : i32
        %parallel_loop3A_481 = arith.index_cast %parallel_loop3A_480 : i32 to index
        %parallel_loop3A_482 = arith.constant 112 : index
        %parallel_loop3A_483 = tpu.vector_load %arg7[%parallel_loop3A_481, %parallel_loop3A_482] {strides = array<i32>} : memref<32x768xf32, #tpu.memory_space<vmem>>, vector<1x16xf32>,
        %parallel_loop3A_484 = vector.shape_cast %parallel_loop3A_483 : vector<1x16xf32> to vector<16xf32>
        %parallel_loop3A_485 = vector.shape_cast %parallel_loop3A_457 : vector<16xf32> to vector<1x16xf32>
        tpu.vector_store %arg7[%parallel_loop3A_481, %parallel_loop3A_482], %parallel_loop3A_485 {add = true, strides = array<i32>} : memref<32x768xf32, #tpu.memory_space<vmem>>, vector<1x16xf32>,
        %parallel_loop3A_486 = arith.addi %mul3A_72, %parallel_loop3A_221 : i32
        %parallel_loop3A_487 = arith.index_cast %parallel_loop3A_486 : i32 to index
        %parallel_loop3A_488 = arith.constant 128 : index
        %parallel_loop3A_489 = tpu.vector_load %arg9[%parallel_loop3A_487, %parallel_loop3A_488] {strides = array<i32>} : memref<64x768xf32, #tpu.memory_space<vmem>>, vector<1x16xf32>,
        %parallel_loop3A_490 = vector.shape_cast %parallel_loop3A_489 : vector<1x16xf32> to vector<16xf32>
        %parallel_loop3A_491 = arith.constant 0 : i32
        %parallel_loop3A_492 = arith.addi %parallel_loop3A_491, %parallel_loop3A_221 : i32
        %parallel_loop3A_493 = arith.index_cast %parallel_loop3A_492 : i32 to index
        %parallel_loop3A_494 = arith.constant 128 : index
        %parallel_loop3A_495 = tpu.vector_load %arg7[%parallel_loop3A_493, %parallel_loop3A_494] {strides = array<i32>} : memref<32x768xf32, #tpu.memory_space<vmem>>, vector<1x16xf32>,
        %parallel_loop3A_496 = vector.shape_cast %parallel_loop3A_495 : vector<1x16xf32> to vector<16xf32>
        %parallel_loop3A_497 = vector.shape_cast %parallel_loop3A_490 : vector<16xf32> to vector<1x16xf32>
        tpu.vector_store %arg7[%parallel_loop3A_493, %parallel_loop3A_494], %parallel_loop3A_497 {add = true, strides = array<i32>} : memref<32x768xf32, #tpu.memory_space<vmem>>, vector<1x16xf32>,
        %parallel_loop3A_498 = arith.constant 8 : i32
        %parallel_loop3A_499 = arith.addi %parallel_loop3A_498, %parallel_loop3A_221 : i32
        %parallel_loop3A_500 = arith.index_cast %parallel_loop3A_499 : i32 to index
        %parallel_loop3A_501 = arith.constant 128 : index
        %parallel_loop3A_502 = tpu.vector_load %arg7[%parallel_loop3A_500, %parallel_loop3A_501] {strides = array<i32>} : memref<32x768xf32, #tpu.memory_space<vmem>>, vector<1x16xf32>,
        %parallel_loop3A_503 = vector.shape_cast %parallel_loop3A_502 : vector<1x16xf32> to vector<16xf32>
        %parallel_loop3A_504 = vector.shape_cast %parallel_loop3A_490 : vector<16xf32> to vector<1x16xf32>
        tpu.vector_store %arg7[%parallel_loop3A_500, %parallel_loop3A_501], %parallel_loop3A_504 {add = true, strides = array<i32>} : memref<32x768xf32, #tpu.memory_space<vmem>>, vector<1x16xf32>,
        %parallel_loop3A_505 = arith.constant 16 : i32
        %parallel_loop3A_506 = arith.addi %parallel_loop3A_505, %parallel_loop3A_221 : i32
        %parallel_loop3A_507 = arith.index_cast %parallel_loop3A_506 : i32 to index
        %parallel_loop3A_508 = arith.constant 128 : index
        %parallel_loop3A_509 = tpu.vector_load %arg7[%parallel_loop3A_507, %parallel_loop3A_508] {strides = array<i32>} : memref<32x768xf32, #tpu.memory_space<vmem>>, vector<1x16xf32>,
        %parallel_loop3A_510 = vector.shape_cast %parallel_loop3A_509 : vector<1x16xf32> to vector<16xf32>
        %parallel_loop3A_511 = vector.shape_cast %parallel_loop3A_490 : vector<16xf32> to vector<1x16xf32>
        tpu.vector_store %arg7[%parallel_loop3A_507, %parallel_loop3A_508], %parallel_loop3A_511 {add = true, strides = array<i32>} : memref<32x768xf32, #tpu.memory_space<vmem>>, vector<1x16xf32>,
        %parallel_loop3A_512 = arith.constant 24 : i32
        %parallel_loop3A_513 = arith.addi %parallel_loop3A_512, %parallel_loop3A_221 : i32
        %parallel_loop3A_514 = arith.index_cast %parallel_loop3A_513 : i32 to index
        %parallel_loop3A_515 = arith.constant 128 : index
        %parallel_loop3A_516 = tpu.vector_load %arg7[%parallel_loop3A_514, %parallel_loop3A_515] {strides = array<i32>} : memref<32x768xf32, #tpu.memory_space<vmem>>, vector<1x16xf32>,
        %parallel_loop3A_517 = vector.shape_cast %parallel_loop3A_516 : vector<1x16xf32> to vector<16xf32>
        %parallel_loop3A_518 = vector.shape_cast %parallel_loop3A_490 : vector<16xf32> to vector<1x16xf32>
        tpu.vector_store %arg7[%parallel_loop3A_514, %parallel_loop3A_515], %parallel_loop3A_518 {add = true, strides = array<i32>} : memref<32x768xf32, #tpu.memory_space<vmem>>, vector<1x16xf32>,
        %parallel_loop3A_519 = arith.addi %mul3A_72, %parallel_loop3A_221 : i32
        %parallel_loop3A_520 = arith.index_cast %parallel_loop3A_519 : i32 to index
        %parallel_loop3A_521 = arith.constant 144 : index
        %parallel_loop3A_522 = tpu.vector_load %arg9[%parallel_loop3A_520, %parallel_loop3A_521] {strides = array<i32>} : memref<64x768xf32, #tpu.memory_space<vmem>>, vector<1x16xf32>,
        %parallel_loop3A_523 = vector.shape_cast %parallel_loop3A_522 : vector<1x16xf32> to vector<16xf32>
        %parallel_loop3A_524 = arith.constant 0 : i32
        %parallel_loop3A_525 = arith.addi %parallel_loop3A_524, %parallel_loop3A_221 : i32
        %parallel_loop3A_526 = arith.index_cast %parallel_loop3A_525 : i32 to index
        %parallel_loop3A_527 = arith.constant 144 : index
        %parallel_loop3A_528 = tpu.vector_load %arg7[%parallel_loop3A_526, %parallel_loop3A_527] {strides = array<i32>} : memref<32x768xf32, #tpu.memory_space<vmem>>, vector<1x16xf32>,
        %parallel_loop3A_529 = vector.shape_cast %parallel_loop3A_528 : vector<1x16xf32> to vector<16xf32>
        %parallel_loop3A_530 = vector.shape_cast %parallel_loop3A_523 : vector<16xf32> to vector<1x16xf32>
        tpu.vector_store %arg7[%parallel_loop3A_526, %parallel_loop3A_527], %parallel_loop3A_530 {add = true, strides = array<i32>} : memref<32x768xf32, #tpu.memory_space<vmem>>, vector<1x16xf32>,
        %parallel_loop3A_531 = arith.constant 8 : i32
        %parallel_loop3A_532 = arith.addi %parallel_loop3A_531, %parallel_loop3A_221 : i32
        %parallel_loop3A_533 = arith.index_cast %parallel_loop3A_532 : i32 to index
        %parallel_loop3A_534 = arith.constant 144 : index
        %parallel_loop3A_535 = tpu.vector_load %arg7[%parallel_loop3A_533, %parallel_loop3A_534] {strides = array<i32>} : memref<32x768xf32, #tpu.memory_space<vmem>>, vector<1x16xf32>,
        %parallel_loop3A_536 = vector.shape_cast %parallel_loop3A_535 : vector<1x16xf32> to vector<16xf32>
        %parallel_loop3A_537 = vector.shape_cast %parallel_loop3A_523 : vector<16xf32> to vector<1x16xf32>
        tpu.vector_store %arg7[%parallel_loop3A_533, %parallel_loop3A_534], %parallel_loop3A_537 {add = true, strides = array<i32>} : memref<32x768xf32, #tpu.memory_space<vmem>>, vector<1x16xf32>,
        %parallel_loop3A_538 = arith.constant 16 : i32
        %parallel_loop3A_539 = arith.addi %parallel_loop3A_538, %parallel_loop3A_221 : i32
        %parallel_loop3A_540 = arith.index_cast %parallel_loop3A_539 : i32 to index
        %parallel_loop3A_541 = arith.constant 144 : index
        %parallel_loop3A_542 = tpu.vector_load %arg7[%parallel_loop3A_540, %parallel_loop3A_541] {strides = array<i32>} : memref<32x768xf32, #tpu.memory_space<vmem>>, vector<1x16xf32>,
        %parallel_loop3A_543 = vector.shape_cast %parallel_loop3A_542 : vector<1x16xf32> to vector<16xf32>
        %parallel_loop3A_544 = vector.shape_cast %parallel_loop3A_523 : vector<16xf32> to vector<1x16xf32>
        tpu.vector_store %arg7[%parallel_loop3A_540, %parallel_loop3A_541], %parallel_loop3A_544 {add = true, strides = array<i32>} : memref<32x768xf32, #tpu.memory_space<vmem>>, vector<1x16xf32>,
        %parallel_loop3A_545 = arith.constant 24 : i32
        %parallel_loop3A_546 = arith.addi %parallel_loop3A_545, %parallel_loop3A_221 : i32
        %parallel_loop3A_547 = arith.index_cast %parallel_loop3A_546 : i32 to index
        %parallel_loop3A_548 = arith.constant 144 : index
        %parallel_loop3A_549 = tpu.vector_load %arg7[%parallel_loop3A_547, %parallel_loop3A_548] {strides = array<i32>} : memref<32x768xf32, #tpu.memory_space<vmem>>, vector<1x16xf32>,
        %parallel_loop3A_550 = vector.shape_cast %parallel_loop3A_549 : vector<1x16xf32> to vector<16xf32>
        %parallel_loop3A_551 = vector.shape_cast %parallel_loop3A_523 : vector<16xf32> to vector<1x16xf32>
        tpu.vector_store %arg7[%parallel_loop3A_547, %parallel_loop3A_548], %parallel_loop3A_551 {add = true, strides = array<i32>} : memref<32x768xf32, #tpu.memory_space<vmem>>, vector<1x16xf32>,
        %parallel_loop3A_552 = arith.addi %mul3A_72, %parallel_loop3A_221 : i32
        %parallel_loop3A_553 = arith.index_cast %parallel_loop3A_552 : i32 to index
        %parallel_loop3A_554 = arith.constant 160 : index
        %parallel_loop3A_555 = tpu.vector_load %arg9[%parallel_loop3A_553, %parallel_loop3A_554] {strides = array<i32>} : memref<64x768xf32, #tpu.memory_space<vmem>>, vector<1x16xf32>,
        %parallel_loop3A_556 = vector.shape_cast %parallel_loop3A_555 : vector<1x16xf32> to vector<16xf32>
        %parallel_loop3A_557 = arith.constant 0 : i32
        %parallel_loop3A_558 = arith.addi %parallel_loop3A_557, %parallel_loop3A_221 : i32
        %parallel_loop3A_559 = arith.index_cast %parallel_loop3A_558 : i32 to index
        %parallel_loop3A_560 = arith.constant 160 : index
        %parallel_loop3A_561 = tpu.vector_load %arg7[%parallel_loop3A_559, %parallel_loop3A_560] {strides = array<i32>} : memref<32x768xf32, #tpu.memory_space<vmem>>, vector<1x16xf32>,
        %parallel_loop3A_562 = vector.shape_cast %parallel_loop3A_561 : vector<1x16xf32> to vector<16xf32>
        %parallel_loop3A_563 = vector.shape_cast %parallel_loop3A_556 : vector<16xf32> to vector<1x16xf32>
        tpu.vector_store %arg7[%parallel_loop3A_559, %parallel_loop3A_560], %parallel_loop3A_563 {add = true, strides = array<i32>} : memref<32x768xf32, #tpu.memory_space<vmem>>, vector<1x16xf32>,
        %parallel_loop3A_564 = arith.constant 8 : i32
        %parallel_loop3A_565 = arith.addi %parallel_loop3A_564, %parallel_loop3A_221 : i32
        %parallel_loop3A_566 = arith.index_cast %parallel_loop3A_565 : i32 to index
        %parallel_loop3A_567 = arith.constant 160 : index
        %parallel_loop3A_568 = tpu.vector_load %arg7[%parallel_loop3A_566, %parallel_loop3A_567] {strides = array<i32>} : memref<32x768xf32, #tpu.memory_space<vmem>>, vector<1x16xf32>,
        %parallel_loop3A_569 = vector.shape_cast %parallel_loop3A_568 : vector<1x16xf32> to vector<16xf32>
        %parallel_loop3A_570 = vector.shape_cast %parallel_loop3A_556 : vector<16xf32> to vector<1x16xf32>
        tpu.vector_store %arg7[%parallel_loop3A_566, %parallel_loop3A_567], %parallel_loop3A_570 {add = true, strides = array<i32>} : memref<32x768xf32, #tpu.memory_space<vmem>>, vector<1x16xf32>,
        %parallel_loop3A_571 = arith.constant 16 : i32
        %parallel_loop3A_572 = arith.addi %parallel_loop3A_571, %parallel_loop3A_221 : i32
        %parallel_loop3A_573 = arith.index_cast %parallel_loop3A_572 : i32 to index
        %parallel_loop3A_574 = arith.constant 160 : index
        %parallel_loop3A_575 = tpu.vector_load %arg7[%parallel_loop3A_573, %parallel_loop3A_574] {strides = array<i32>} : memref<32x768xf32, #tpu.memory_space<vmem>>, vector<1x16xf32>,
        %parallel_loop3A_576 = vector.shape_cast %parallel_loop3A_575 : vector<1x16xf32> to vector<16xf32>
        %parallel_loop3A_577 = vector.shape_cast %parallel_loop3A_556 : vector<16xf32> to vector<1x16xf32>
        tpu.vector_store %arg7[%parallel_loop3A_573, %parallel_loop3A_574], %parallel_loop3A_577 {add = true, strides = array<i32>} : memref<32x768xf32, #tpu.memory_space<vmem>>, vector<1x16xf32>,
        %parallel_loop3A_578 = arith.constant 24 : i32
        %parallel_loop3A_579 = arith.addi %parallel_loop3A_578, %parallel_loop3A_221 : i32
        %parallel_loop3A_580 = arith.index_cast %parallel_loop3A_579 : i32 to index
        %parallel_loop3A_581 = arith.constant 160 : index
        %parallel_loop3A_582 = tpu.vector_load %arg7[%parallel_loop3A_580, %parallel_loop3A_581] {strides = array<i32>} : memref<32x768xf32, #tpu.memory_space<vmem>>, vector<1x16xf32>,
        %parallel_loop3A_583 = vector.shape_cast %parallel_loop3A_582 : vector<1x16xf32> to vector<16xf32>
        %parallel_loop3A_584 = vector.shape_cast %parallel_loop3A_556 : vector<16xf32> to vector<1x16xf32>
        tpu.vector_store %arg7[%parallel_loop3A_580, %parallel_loop3A_581], %parallel_loop3A_584 {add = true, strides = array<i32>} : memref<32x768xf32, #tpu.memory_space<vmem>>, vector<1x16xf32>,
        %parallel_loop3A_585 = arith.addi %mul3A_72, %parallel_loop3A_221 : i32
        %parallel_loop3A_586 = arith.index_cast %parallel_loop3A_585 : i32 to index
        %parallel_loop3A_587 = arith.constant 176 : index
        %parallel_loop3A_588 = tpu.vector_load %arg9[%parallel_loop3A_586, %parallel_loop3A_587] {strides = array<i32>} : memref<64x768xf32, #tpu.memory_space<vmem>>, vector<1x16xf32>,
        %parallel_loop3A_589 = vector.shape_cast %parallel_loop3A_588 : vector<1x16xf32> to vector<16xf32>
        %parallel_loop3A_590 = arith.constant 0 : i32
        %parallel_loop3A_591 = arith.addi %parallel_loop3A_590, %parallel_loop3A_221 : i32
        %parallel_loop3A_592 = arith.index_cast %parallel_loop3A_591 : i32 to index
        %parallel_loop3A_593 = arith.constant 176 : index
        %parallel_loop3A_594 = tpu.vector_load %arg7[%parallel_loop3A_592, %parallel_loop3A_593] {strides = array<i32>} : memref<32x768xf32, #tpu.memory_space<vmem>>, vector<1x16xf32>,
        %parallel_loop3A_595 = vector.shape_cast %parallel_loop3A_594 : vector<1x16xf32> to vector<16xf32>
        %parallel_loop3A_596 = vector.shape_cast %parallel_loop3A_589 : vector<16xf32> to vector<1x16xf32>
        tpu.vector_store %arg7[%parallel_loop3A_592, %parallel_loop3A_593], %parallel_loop3A_596 {add = true, strides = array<i32>} : memref<32x768xf32, #tpu.memory_space<vmem>>, vector<1x16xf32>,
        %parallel_loop3A_597 = arith.constant 8 : i32
        %parallel_loop3A_598 = arith.addi %parallel_loop3A_597, %parallel_loop3A_221 : i32
        %parallel_loop3A_599 = arith.index_cast %parallel_loop3A_598 : i32 to index
        %parallel_loop3A_600 = arith.constant 176 : index
        %parallel_loop3A_601 = tpu.vector_load %arg7[%parallel_loop3A_599, %parallel_loop3A_600] {strides = array<i32>} : memref<32x768xf32, #tpu.memory_space<vmem>>, vector<1x16xf32>,
        %parallel_loop3A_602 = vector.shape_cast %parallel_loop3A_601 : vector<1x16xf32> to vector<16xf32>
        %parallel_loop3A_603 = vector.shape_cast %parallel_loop3A_589 : vector<16xf32> to vector<1x16xf32>
        tpu.vector_store %arg7[%parallel_loop3A_599, %parallel_loop3A_600], %parallel_loop3A_603 {add = true, strides = array<i32>} : memref<32x768xf32, #tpu.memory_space<vmem>>, vector<1x16xf32>,
        %parallel_loop3A_604 = arith.constant 16 : i32
        %parallel_loop3A_605 = arith.addi %parallel_loop3A_604, %parallel_loop3A_221 : i32
        %parallel_loop3A_606 = arith.index_cast %parallel_loop3A_605 : i32 to index
        %parallel_loop3A_607 = arith.constant 176 : index
        %parallel_loop3A_608 = tpu.vector_load %arg7[%parallel_loop3A_606, %parallel_loop3A_607] {strides = array<i32>} : memref<32x768xf32, #tpu.memory_space<vmem>>, vector<1x16xf32>,
        %parallel_loop3A_609 = vector.shape_cast %parallel_loop3A_608 : vector<1x16xf32> to vector<16xf32>
        %parallel_loop3A_610 = vector.shape_cast %parallel_loop3A_589 : vector<16xf32> to vector<1x16xf32>
        tpu.vector_store %arg7[%parallel_loop3A_606, %parallel_loop3A_607], %parallel_loop3A_610 {add = true, strides = array<i32>} : memref<32x768xf32, #tpu.memory_space<vmem>>, vector<1x16xf32>,
        %parallel_loop3A_611 = arith.constant 24 : i32
        %parallel_loop3A_612 = arith.addi %parallel_loop3A_611, %parallel_loop3A_221 : i32
        %parallel_loop3A_613 = arith.index_cast %parallel_loop3A_612 : i32 to index
        %parallel_loop3A_614 = arith.constant 176 : index
        %parallel_loop3A_615 = tpu.vector_load %arg7[%parallel_loop3A_613, %parallel_loop3A_614] {strides = array<i32>} : memref<32x768xf32, #tpu.memory_space<vmem>>, vector<1x16xf32>,
        %parallel_loop3A_616 = vector.shape_cast %parallel_loop3A_615 : vector<1x16xf32> to vector<16xf32>
        %parallel_loop3A_617 = vector.shape_cast %parallel_loop3A_589 : vector<16xf32> to vector<1x16xf32>
        tpu.vector_store %arg7[%parallel_loop3A_613, %parallel_loop3A_614], %parallel_loop3A_617 {add = true, strides = array<i32>} : memref<32x768xf32, #tpu.memory_space<vmem>>, vector<1x16xf32>,
        %parallel_loop3A_618 = arith.addi %mul3A_72, %parallel_loop3A_221 : i32
        %parallel_loop3A_619 = arith.index_cast %parallel_loop3A_618 : i32 to index
        %parallel_loop3A_620 = arith.constant 192 : index
        %parallel_loop3A_621 = tpu.vector_load %arg9[%parallel_loop3A_619, %parallel_loop3A_620] {strides = array<i32>} : memref<64x768xf32, #tpu.memory_space<vmem>>, vector<1x16xf32>,
        %parallel_loop3A_622 = vector.shape_cast %parallel_loop3A_621 : vector<1x16xf32> to vector<16xf32>
        %parallel_loop3A_623 = arith.constant 0 : i32
        %parallel_loop3A_624 = arith.addi %parallel_loop3A_623, %parallel_loop3A_221 : i32
        %parallel_loop3A_625 = arith.index_cast %parallel_loop3A_624 : i32 to index
        %parallel_loop3A_626 = arith.constant 192 : index
        %parallel_loop3A_627 = tpu.vector_load %arg7[%parallel_loop3A_625, %parallel_loop3A_626] {strides = array<i32>} : memref<32x768xf32, #tpu.memory_space<vmem>>, vector<1x16xf32>,
        %parallel_loop3A_628 = vector.shape_cast %parallel_loop3A_627 : vector<1x16xf32> to vector<16xf32>
        %parallel_loop3A_629 = vector.shape_cast %parallel_loop3A_622 : vector<16xf32> to vector<1x16xf32>
        tpu.vector_store %arg7[%parallel_loop3A_625, %parallel_loop3A_626], %parallel_loop3A_629 {add = true, strides = array<i32>} : memref<32x768xf32, #tpu.memory_space<vmem>>, vector<1x16xf32>,
        %parallel_loop3A_630 = arith.constant 8 : i32
        %parallel_loop3A_631 = arith.addi %parallel_loop3A_630, %parallel_loop3A_221 : i32
        %parallel_loop3A_632 = arith.index_cast %parallel_loop3A_631 : i32 to index
        %parallel_loop3A_633 = arith.constant 192 : index
        %parallel_loop3A_634 = tpu.vector_load %arg7[%parallel_loop3A_632, %parallel_loop3A_633] {strides = array<i32>} : memref<32x768xf32, #tpu.memory_space<vmem>>, vector<1x16xf32>,
        %parallel_loop3A_635 = vector.shape_cast %parallel_loop3A_634 : vector<1x16xf32> to vector<16xf32>
        %parallel_loop3A_636 = vector.shape_cast %parallel_loop3A_622 : vector<16xf32> to vector<1x16xf32>
        tpu.vector_store %arg7[%parallel_loop3A_632, %parallel_loop3A_633], %parallel_loop3A_636 {add = true, strides = array<i32>} : memref<32x768xf32, #tpu.memory_space<vmem>>, vector<1x16xf32>,
        %parallel_loop3A_637 = arith.constant 16 : i32
        %parallel_loop3A_638 = arith.addi %parallel_loop3A_637, %parallel_loop3A_221 : i32
        %parallel_loop3A_639 = arith.index_cast %parallel_loop3A_638 : i32 to index
        %parallel_loop3A_640 = arith.constant 192 : index
        %parallel_loop3A_641 = tpu.vector_load %arg7[%parallel_loop3A_639, %parallel_loop3A_640] {strides = array<i32>} : memref<32x768xf32, #tpu.memory_space<vmem>>, vector<1x16xf32>,
        %parallel_loop3A_642 = vector.shape_cast %parallel_loop3A_641 : vector<1x16xf32> to vector<16xf32>
        %parallel_loop3A_643 = vector.shape_cast %parallel_loop3A_622 : vector<16xf32> to vector<1x16xf32>
        tpu.vector_store %arg7[%parallel_loop3A_639, %parallel_loop3A_640], %parallel_loop3A_643 {add = true, strides = array<i32>} : memref<32x768xf32, #tpu.memory_space<vmem>>, vector<1x16xf32>,
        %parallel_loop3A_644 = arith.constant 24 : i32
        %parallel_loop3A_645 = arith.addi %parallel_loop3A_644, %parallel_loop3A_221 : i32
        %parallel_loop3A_646 = arith.index_cast %parallel_loop3A_645 : i32 to index
        %parallel_loop3A_647 = arith.constant 192 : index
        %parallel_loop3A_648 = tpu.vector_load %arg7[%parallel_loop3A_646, %parallel_loop3A_647] {strides = array<i32>} : memref<32x768xf32, #tpu.memory_space<vmem>>, vector<1x16xf32>,
        %parallel_loop3A_649 = vector.shape_cast %parallel_loop3A_648 : vector<1x16xf32> to vector<16xf32>
        %parallel_loop3A_650 = vector.shape_cast %parallel_loop3A_622 : vector<16xf32> to vector<1x16xf32>
        tpu.vector_store %arg7[%parallel_loop3A_646, %parallel_loop3A_647], %parallel_loop3A_650 {add = true, strides = array<i32>} : memref<32x768xf32, #tpu.memory_space<vmem>>, vector<1x16xf32>,
        %parallel_loop3A_651 = arith.addi %mul3A_72, %parallel_loop3A_221 : i32
        %parallel_loop3A_652 = arith.index_cast %parallel_loop3A_651 : i32 to index
        %parallel_loop3A_653 = arith.constant 208 : index
        %parallel_loop3A_654 = tpu.vector_load %arg9[%parallel_loop3A_652, %parallel_loop3A_653] {strides = array<i32>} : memref<64x768xf32, #tpu.memory_space<vmem>>, vector<1x16xf32>,
        %parallel_loop3A_655 = vector.shape_cast %parallel_loop3A_654 : vector<1x16xf32> to vector<16xf32>
        %parallel_loop3A_656 = arith.constant 0 : i32
        %parallel_loop3A_657 = arith.addi %parallel_loop3A_656, %parallel_loop3A_221 : i32
        %parallel_loop3A_658 = arith.index_cast %parallel_loop3A_657 : i32 to index
        %parallel_loop3A_659 = arith.constant 208 : index
        %parallel_loop3A_660 = tpu.vector_load %arg7[%parallel_loop3A_658, %parallel_loop3A_659] {strides = array<i32>} : memref<32x768xf32, #tpu.memory_space<vmem>>, vector<1x16xf32>,
        %parallel_loop3A_661 = vector.shape_cast %parallel_loop3A_660 : vector<1x16xf32> to vector<16xf32>
        %parallel_loop3A_662 = vector.shape_cast %parallel_loop3A_655 : vector<16xf32> to vector<1x16xf32>
        tpu.vector_store %arg7[%parallel_loop3A_658, %parallel_loop3A_659], %parallel_loop3A_662 {add = true, strides = array<i32>} : memref<32x768xf32, #tpu.memory_space<vmem>>, vector<1x16xf32>,
        %parallel_loop3A_663 = arith.constant 8 : i32
        %parallel_loop3A_664 = arith.addi %parallel_loop3A_663, %parallel_loop3A_221 : i32
        %parallel_loop3A_665 = arith.index_cast %parallel_loop3A_664 : i32 to index
        %parallel_loop3A_666 = arith.constant 208 : index
        %parallel_loop3A_667 = tpu.vector_load %arg7[%parallel_loop3A_665, %parallel_loop3A_666] {strides = array<i32>} : memref<32x768xf32, #tpu.memory_space<vmem>>, vector<1x16xf32>,
        %parallel_loop3A_668 = vector.shape_cast %parallel_loop3A_667 : vector<1x16xf32> to vector<16xf32>
        %parallel_loop3A_669 = vector.shape_cast %parallel_loop3A_655 : vector<16xf32> to vector<1x16xf32>
        tpu.vector_store %arg7[%parallel_loop3A_665, %parallel_loop3A_666], %parallel_loop3A_669 {add = true, strides = array<i32>} : memref<32x768xf32, #tpu.memory_space<vmem>>, vector<1x16xf32>,
        %parallel_loop3A_670 = arith.constant 16 : i32
        %parallel_loop3A_671 = arith.addi %parallel_loop3A_670, %parallel_loop3A_221 : i32
        %parallel_loop3A_672 = arith.index_cast %parallel_loop3A_671 : i32 to index
        %parallel_loop3A_673 = arith.constant 208 : index
        %parallel_loop3A_674 = tpu.vector_load %arg7[%parallel_loop3A_672, %parallel_loop3A_673] {strides = array<i32>} : memref<32x768xf32, #tpu.memory_space<vmem>>, vector<1x16xf32>,
        %parallel_loop3A_675 = vector.shape_cast %parallel_loop3A_674 : vector<1x16xf32> to vector<16xf32>
        %parallel_loop3A_676 = vector.shape_cast %parallel_loop3A_655 : vector<16xf32> to vector<1x16xf32>
        tpu.vector_store %arg7[%parallel_loop3A_672, %parallel_loop3A_673], %parallel_loop3A_676 {add = true, strides = array<i32>} : memref<32x768xf32, #tpu.memory_space<vmem>>, vector<1x16xf32>,
        %parallel_loop3A_677 = arith.constant 24 : i32
        %parallel_loop3A_678 = arith.addi %parallel_loop3A_677, %parallel_loop3A_221 : i32
        %parallel_loop3A_679 = arith.index_cast %parallel_loop3A_678 : i32 to index
        %parallel_loop3A_680 = arith.constant 208 : index
        %parallel_loop3A_681 = tpu.vector_load %arg7[%parallel_loop3A_679, %parallel_loop3A_680] {strides = array<i32>} : memref<32x768xf32, #tpu.memory_space<vmem>>, vector<1x16xf32>,
        %parallel_loop3A_682 = vector.shape_cast %parallel_loop3A_681 : vector<1x16xf32> to vector<16xf32>
        %parallel_loop3A_683 = vector.shape_cast %parallel_loop3A_655 : vector<16xf32> to vector<1x16xf32>
        tpu.vector_store %arg7[%parallel_loop3A_679, %parallel_loop3A_680], %parallel_loop3A_683 {add = true, strides = array<i32>} : memref<32x768xf32, #tpu.memory_space<vmem>>, vector<1x16xf32>,
        %parallel_loop3A_684 = arith.addi %mul3A_72, %parallel_loop3A_221 : i32
        %parallel_loop3A_685 = arith.index_cast %parallel_loop3A_684 : i32 to index
        %parallel_loop3A_686 = arith.constant 224 : index
        %parallel_loop3A_687 = tpu.vector_load %arg9[%parallel_loop3A_685, %parallel_loop3A_686] {strides = array<i32>} : memref<64x768xf32, #tpu.memory_space<vmem>>, vector<1x16xf32>,
        %parallel_loop3A_688 = vector.shape_cast %parallel_loop3A_687 : vector<1x16xf32> to vector<16xf32>
        %parallel_loop3A_689 = arith.constant 0 : i32
        %parallel_loop3A_690 = arith.addi %parallel_loop3A_689, %parallel_loop3A_221 : i32
        %parallel_loop3A_691 = arith.index_cast %parallel_loop3A_690 : i32 to index
        %parallel_loop3A_692 = arith.constant 224 : index
        %parallel_loop3A_693 = tpu.vector_load %arg7[%parallel_loop3A_691, %parallel_loop3A_692] {strides = array<i32>} : memref<32x768xf32, #tpu.memory_space<vmem>>, vector<1x16xf32>,
        %parallel_loop3A_694 = vector.shape_cast %parallel_loop3A_693 : vector<1x16xf32> to vector<16xf32>
        %parallel_loop3A_695 = vector.shape_cast %parallel_loop3A_688 : vector<16xf32> to vector<1x16xf32>
        tpu.vector_store %arg7[%parallel_loop3A_691, %parallel_loop3A_692], %parallel_loop3A_695 {add = true, strides = array<i32>} : memref<32x768xf32, #tpu.memory_space<vmem>>, vector<1x16xf32>,
        %parallel_loop3A_696 = arith.constant 8 : i32
        %parallel_loop3A_697 = arith.addi %parallel_loop3A_696, %parallel_loop3A_221 : i32
        %parallel_loop3A_698 = arith.index_cast %parallel_loop3A_697 : i32 to index
        %parallel_loop3A_699 = arith.constant 224 : index
        %parallel_loop3A_700 = tpu.vector_load %arg7[%parallel_loop3A_698, %parallel_loop3A_699] {strides = array<i32>} : memref<32x768xf32, #tpu.memory_space<vmem>>, vector<1x16xf32>,
        %parallel_loop3A_701 = vector.shape_cast %parallel_loop3A_700 : vector<1x16xf32> to vector<16xf32>
        %parallel_loop3A_702 = vector.shape_cast %parallel_loop3A_688 : vector<16xf32> to vector<1x16xf32>
        tpu.vector_store %arg7[%parallel_loop3A_698, %parallel_loop3A_699], %parallel_loop3A_702 {add = true, strides = array<i32>} : memref<32x768xf32, #tpu.memory_space<vmem>>, vector<1x16xf32>,
        %parallel_loop3A_703 = arith.constant 16 : i32
        %parallel_loop3A_704 = arith.addi %parallel_loop3A_703, %parallel_loop3A_221 : i32
        %parallel_loop3A_705 = arith.index_cast %parallel_loop3A_704 : i32 to index
        %parallel_loop3A_706 = arith.constant 224 : index
        %parallel_loop3A_707 = tpu.vector_load %arg7[%parallel_loop3A_705, %parallel_loop3A_706] {strides = array<i32>} : memref<32x768xf32, #tpu.memory_space<vmem>>, vector<1x16xf32>,
        %parallel_loop3A_708 = vector.shape_cast %parallel_loop3A_707 : vector<1x16xf32> to vector<16xf32>
        %parallel_loop3A_709 = vector.shape_cast %parallel_loop3A_688 : vector<16xf32> to vector<1x16xf32>
        tpu.vector_store %arg7[%parallel_loop3A_705, %parallel_loop3A_706], %parallel_loop3A_709 {add = true, strides = array<i32>} : memref<32x768xf32, #tpu.memory_space<vmem>>, vector<1x16xf32>,
        %parallel_loop3A_710 = arith.constant 24 : i32
        %parallel_loop3A_711 = arith.addi %parallel_loop3A_710, %parallel_loop3A_221 : i32
        %parallel_loop3A_712 = arith.index_cast %parallel_loop3A_711 : i32 to index
        %parallel_loop3A_713 = arith.constant 224 : index
        %parallel_loop3A_714 = tpu.vector_load %arg7[%parallel_loop3A_712, %parallel_loop3A_713] {strides = array<i32>} : memref<32x768xf32, #tpu.memory_space<vmem>>, vector<1x16xf32>,
        %parallel_loop3A_715 = vector.shape_cast %parallel_loop3A_714 : vector<1x16xf32> to vector<16xf32>
        %parallel_loop3A_716 = vector.shape_cast %parallel_loop3A_688 : vector<16xf32> to vector<1x16xf32>
        tpu.vector_store %arg7[%parallel_loop3A_712, %parallel_loop3A_713], %parallel_loop3A_716 {add = true, strides = array<i32>} : memref<32x768xf32, #tpu.memory_space<vmem>>, vector<1x16xf32>,
        %parallel_loop3A_717 = arith.addi %mul3A_72, %parallel_loop3A_221 : i32
        %parallel_loop3A_718 = arith.index_cast %parallel_loop3A_717 : i32 to index
        %parallel_loop3A_719 = arith.constant 240 : index
        %parallel_loop3A_720 = tpu.vector_load %arg9[%parallel_loop3A_718, %parallel_loop3A_719] {strides = array<i32>} : memref<64x768xf32, #tpu.memory_space<vmem>>, vector<1x16xf32>,
        %parallel_loop3A_721 = vector.shape_cast %parallel_loop3A_720 : vector<1x16xf32> to vector<16xf32>
        %parallel_loop3A_722 = arith.constant 0 : i32
        %parallel_loop3A_723 = arith.addi %parallel_loop3A_722, %parallel_loop3A_221 : i32
        %parallel_loop3A_724 = arith.index_cast %parallel_loop3A_723 : i32 to index
        %parallel_loop3A_725 = arith.constant 240 : index
        %parallel_loop3A_726 = tpu.vector_load %arg7[%parallel_loop3A_724, %parallel_loop3A_725] {strides = array<i32>} : memref<32x768xf32, #tpu.memory_space<vmem>>, vector<1x16xf32>,
        %parallel_loop3A_727 = vector.shape_cast %parallel_loop3A_726 : vector<1x16xf32> to vector<16xf32>
        %parallel_loop3A_728 = vector.shape_cast %parallel_loop3A_721 : vector<16xf32> to vector<1x16xf32>
        tpu.vector_store %arg7[%parallel_loop3A_724, %parallel_loop3A_725], %parallel_loop3A_728 {add = true, strides = array<i32>} : memref<32x768xf32, #tpu.memory_space<vmem>>, vector<1x16xf32>,
        %parallel_loop3A_729 = arith.constant 8 : i32
        %parallel_loop3A_730 = arith.addi %parallel_loop3A_729, %parallel_loop3A_221 : i32
        %parallel_loop3A_731 = arith.index_cast %parallel_loop3A_730 : i32 to index
        %parallel_loop3A_732 = arith.constant 240 : index
        %parallel_loop3A_733 = tpu.vector_load %arg7[%parallel_loop3A_731, %parallel_loop3A_732] {strides = array<i32>} : memref<32x768xf32, #tpu.memory_space<vmem>>, vector<1x16xf32>,
        %parallel_loop3A_734 = vector.shape_cast %parallel_loop3A_733 : vector<1x16xf32> to vector<16xf32>
        %parallel_loop3A_735 = vector.shape_cast %parallel_loop3A_721 : vector<16xf32> to vector<1x16xf32>
        tpu.vector_store %arg7[%parallel_loop3A_731, %parallel_loop3A_732], %parallel_loop3A_735 {add = true, strides = array<i32>} : memref<32x768xf32, #tpu.memory_space<vmem>>, vector<1x16xf32>,
        %parallel_loop3A_736 = arith.constant 16 : i32
        %parallel_loop3A_737 = arith.addi %parallel_loop3A_736, %parallel_loop3A_221 : i32
        %parallel_loop3A_738 = arith.index_cast %parallel_loop3A_737 : i32 to index
        %parallel_loop3A_739 = arith.constant 240 : index
        %parallel_loop3A_740 = tpu.vector_load %arg7[%parallel_loop3A_738, %parallel_loop3A_739] {strides = array<i32>} : memref<32x768xf32, #tpu.memory_space<vmem>>, vector<1x16xf32>,
        %parallel_loop3A_741 = vector.shape_cast %parallel_loop3A_740 : vector<1x16xf32> to vector<16xf32>
        %parallel_loop3A_742 = vector.shape_cast %parallel_loop3A_721 : vector<16xf32> to vector<1x16xf32>
        tpu.vector_store %arg7[%parallel_loop3A_738, %parallel_loop3A_739], %parallel_loop3A_742 {add = true, strides = array<i32>} : memref<32x768xf32, #tpu.memory_space<vmem>>, vector<1x16xf32>,
        %parallel_loop3A_743 = arith.constant 24 : i32
        %parallel_loop3A_744 = arith.addi %parallel_loop3A_743, %parallel_loop3A_221 : i32
        %parallel_loop3A_745 = arith.index_cast %parallel_loop3A_744 : i32 to index
        %parallel_loop3A_746 = arith.constant 240 : index
        %parallel_loop3A_747 = tpu.vector_load %arg7[%parallel_loop3A_745, %parallel_loop3A_746] {strides = array<i32>} : memref<32x768xf32, #tpu.memory_space<vmem>>, vector<1x16xf32>,
        %parallel_loop3A_748 = vector.shape_cast %parallel_loop3A_747 : vector<1x16xf32> to vector<16xf32>
        %parallel_loop3A_749 = vector.shape_cast %parallel_loop3A_721 : vector<16xf32> to vector<1x16xf32>
        tpu.vector_store %arg7[%parallel_loop3A_745, %parallel_loop3A_746], %parallel_loop3A_749 {add = true, strides = array<i32>} : memref<32x768xf32, #tpu.memory_space<vmem>>, vector<1x16xf32>,
        %parallel_loop3A_750 = arith.addi %mul3A_72, %parallel_loop3A_221 : i32
        %parallel_loop3A_751 = arith.index_cast %parallel_loop3A_750 : i32 to index
        %parallel_loop3A_752 = arith.constant 256 : index
        %parallel_loop3A_753 = tpu.vector_load %arg9[%parallel_loop3A_751, %parallel_loop3A_752] {strides = array<i32>} : memref<64x768xf32, #tpu.memory_space<vmem>>, vector<1x16xf32>,
        %parallel_loop3A_754 = vector.shape_cast %parallel_loop3A_753 : vector<1x16xf32> to vector<16xf32>
        %parallel_loop3A_755 = arith.constant 0 : i32
        %parallel_loop3A_756 = arith.addi %parallel_loop3A_755, %parallel_loop3A_221 : i32
        %parallel_loop3A_757 = arith.index_cast %parallel_loop3A_756 : i32 to index
        %parallel_loop3A_758 = arith.constant 256 : index
        %parallel_loop3A_759 = tpu.vector_load %arg7[%parallel_loop3A_757, %parallel_loop3A_758] {strides = array<i32>} : memref<32x768xf32, #tpu.memory_space<vmem>>, vector<1x16xf32>,
        %parallel_loop3A_760 = vector.shape_cast %parallel_loop3A_759 : vector<1x16xf32> to vector<16xf32>
        %parallel_loop3A_761 = vector.shape_cast %parallel_loop3A_754 : vector<16xf32> to vector<1x16xf32>
        tpu.vector_store %arg7[%parallel_loop3A_757, %parallel_loop3A_758], %parallel_loop3A_761 {add = true, strides = array<i32>} : memref<32x768xf32, #tpu.memory_space<vmem>>, vector<1x16xf32>,
        %parallel_loop3A_762 = arith.constant 8 : i32
        %parallel_loop3A_763 = arith.addi %parallel_loop3A_762, %parallel_loop3A_221 : i32
        %parallel_loop3A_764 = arith.index_cast %parallel_loop3A_763 : i32 to index
        %parallel_loop3A_765 = arith.constant 256 : index
        %parallel_loop3A_766 = tpu.vector_load %arg7[%parallel_loop3A_764, %parallel_loop3A_765] {strides = array<i32>} : memref<32x768xf32, #tpu.memory_space<vmem>>, vector<1x16xf32>,
        %parallel_loop3A_767 = vector.shape_cast %parallel_loop3A_766 : vector<1x16xf32> to vector<16xf32>
        %parallel_loop3A_768 = vector.shape_cast %parallel_loop3A_754 : vector<16xf32> to vector<1x16xf32>
        tpu.vector_store %arg7[%parallel_loop3A_764, %parallel_loop3A_765], %parallel_loop3A_768 {add = true, strides = array<i32>} : memref<32x768xf32, #tpu.memory_space<vmem>>, vector<1x16xf32>,
        %parallel_loop3A_769 = arith.constant 16 : i32
        %parallel_loop3A_770 = arith.addi %parallel_loop3A_769, %parallel_loop3A_221 : i32
        %parallel_loop3A_771 = arith.index_cast %parallel_loop3A_770 : i32 to index
        %parallel_loop3A_772 = arith.constant 256 : index
        %parallel_loop3A_773 = tpu.vector_load %arg7[%parallel_loop3A_771, %parallel_loop3A_772] {strides = array<i32>} : memref<32x768xf32, #tpu.memory_space<vmem>>, vector<1x16xf32>,
        %parallel_loop3A_774 = vector.shape_cast %parallel_loop3A_773 : vector<1x16xf32> to vector<16xf32>
        %parallel_loop3A_775 = vector.shape_cast %parallel_loop3A_754 : vector<16xf32> to vector<1x16xf32>
        tpu.vector_store %arg7[%parallel_loop3A_771, %parallel_loop3A_772], %parallel_loop3A_775 {add = true, strides = array<i32>} : memref<32x768xf32, #tpu.memory_space<vmem>>, vector<1x16xf32>,
        %parallel_loop3A_776 = arith.constant 24 : i32
        %parallel_loop3A_777 = arith.addi %parallel_loop3A_776, %parallel_loop3A_221 : i32
        %parallel_loop3A_778 = arith.index_cast %parallel_loop3A_777 : i32 to index
        %parallel_loop3A_779 = arith.constant 256 : index
        %parallel_loop3A_780 = tpu.vector_load %arg7[%parallel_loop3A_778, %parallel_loop3A_779] {strides = array<i32>} : memref<32x768xf32, #tpu.memory_space<vmem>>, vector<1x16xf32>,
        %parallel_loop3A_781 = vector.shape_cast %parallel_loop3A_780 : vector<1x16xf32> to vector<16xf32>
        %parallel_loop3A_782 = vector.shape_cast %parallel_loop3A_754 : vector<16xf32> to vector<1x16xf32>
        tpu.vector_store %arg7[%parallel_loop3A_778, %parallel_loop3A_779], %parallel_loop3A_782 {add = true, strides = array<i32>} : memref<32x768xf32, #tpu.memory_space<vmem>>, vector<1x16xf32>,
        %parallel_loop3A_783 = arith.addi %mul3A_72, %parallel_loop3A_221 : i32
        %parallel_loop3A_784 = arith.index_cast %parallel_loop3A_783 : i32 to index
        %parallel_loop3A_785 = arith.constant 272 : index
        %parallel_loop3A_786 = tpu.vector_load %arg9[%parallel_loop3A_784, %parallel_loop3A_785] {strides = array<i32>} : memref<64x768xf32, #tpu.memory_space<vmem>>, vector<1x16xf32>,
        %parallel_loop3A_787 = vector.shape_cast %parallel_loop3A_786 : vector<1x16xf32> to vector<16xf32>
        %parallel_loop3A_788 = arith.constant 0 : i32
        %parallel_loop3A_789 = arith.addi %parallel_loop3A_788, %parallel_loop3A_221 : i32
        %parallel_loop3A_790 = arith.index_cast %parallel_loop3A_789 : i32 to index
        %parallel_loop3A_791 = arith.constant 272 : index
        %parallel_loop3A_792 = tpu.vector_load %arg7[%parallel_loop3A_790, %parallel_loop3A_791] {strides = array<i32>} : memref<32x768xf32, #tpu.memory_space<vmem>>, vector<1x16xf32>,
        %parallel_loop3A_793 = vector.shape_cast %parallel_loop3A_792 : vector<1x16xf32> to vector<16xf32>
        %parallel_loop3A_794 = vector.shape_cast %parallel_loop3A_787 : vector<16xf32> to vector<1x16xf32>
        tpu.vector_store %arg7[%parallel_loop3A_790, %parallel_loop3A_791], %parallel_loop3A_794 {add = true, strides = array<i32>} : memref<32x768xf32, #tpu.memory_space<vmem>>, vector<1x16xf32>,
        %parallel_loop3A_795 = arith.constant 8 : i32
        %parallel_loop3A_796 = arith.addi %parallel_loop3A_795, %parallel_loop3A_221 : i32
        %parallel_loop3A_797 = arith.index_cast %parallel_loop3A_796 : i32 to index
        %parallel_loop3A_798 = arith.constant 272 : index
        %parallel_loop3A_799 = tpu.vector_load %arg7[%parallel_loop3A_797, %parallel_loop3A_798] {strides = array<i32>} : memref<32x768xf32, #tpu.memory_space<vmem>>, vector<1x16xf32>,
        %parallel_loop3A_800 = vector.shape_cast %parallel_loop3A_799 : vector<1x16xf32> to vector<16xf32>
        %parallel_loop3A_801 = vector.shape_cast %parallel_loop3A_787 : vector<16xf32> to vector<1x16xf32>
        tpu.vector_store %arg7[%parallel_loop3A_797, %parallel_loop3A_798], %parallel_loop3A_801 {add = true, strides = array<i32>} : memref<32x768xf32, #tpu.memory_space<vmem>>, vector<1x16xf32>,
        %parallel_loop3A_802 = arith.constant 16 : i32
        %parallel_loop3A_803 = arith.addi %parallel_loop3A_802, %parallel_loop3A_221 : i32
        %parallel_loop3A_804 = arith.index_cast %parallel_loop3A_803 : i32 to index
        %parallel_loop3A_805 = arith.constant 272 : index
        %parallel_loop3A_806 = tpu.vector_load %arg7[%parallel_loop3A_804, %parallel_loop3A_805] {strides = array<i32>} : memref<32x768xf32, #tpu.memory_space<vmem>>, vector<1x16xf32>,
        %parallel_loop3A_807 = vector.shape_cast %parallel_loop3A_806 : vector<1x16xf32> to vector<16xf32>
        %parallel_loop3A_808 = vector.shape_cast %parallel_loop3A_787 : vector<16xf32> to vector<1x16xf32>
        tpu.vector_store %arg7[%parallel_loop3A_804, %parallel_loop3A_805], %parallel_loop3A_808 {add = true, strides = array<i32>} : memref<32x768xf32, #tpu.memory_space<vmem>>, vector<1x16xf32>,
        %parallel_loop3A_809 = arith.constant 24 : i32
        %parallel_loop3A_810 = arith.addi %parallel_loop3A_809, %parallel_loop3A_221 : i32
        %parallel_loop3A_811 = arith.index_cast %parallel_loop3A_810 : i32 to index
        %parallel_loop3A_812 = arith.constant 272 : index
        %parallel_loop3A_813 = tpu.vector_load %arg7[%parallel_loop3A_811, %parallel_loop3A_812] {strides = array<i32>} : memref<32x768xf32, #tpu.memory_space<vmem>>, vector<1x16xf32>,
        %parallel_loop3A_814 = vector.shape_cast %parallel_loop3A_813 : vector<1x16xf32> to vector<16xf32>
        %parallel_loop3A_815 = vector.shape_cast %parallel_loop3A_787 : vector<16xf32> to vector<1x16xf32>
        tpu.vector_store %arg7[%parallel_loop3A_811, %parallel_loop3A_812], %parallel_loop3A_815 {add = true, strides = array<i32>} : memref<32x768xf32, #tpu.memory_space<vmem>>, vector<1x16xf32>,
        %parallel_loop3A_816 = arith.addi %mul3A_72, %parallel_loop3A_221 : i32
        %parallel_loop3A_817 = arith.index_cast %parallel_loop3A_816 : i32 to index
        %parallel_loop3A_818 = arith.constant 288 : index
        %parallel_loop3A_819 = tpu.vector_load %arg9[%parallel_loop3A_817, %parallel_loop3A_818] {strides = array<i32>} : memref<64x768xf32, #tpu.memory_space<vmem>>, vector<1x16xf32>,
        %parallel_loop3A_820 = vector.shape_cast %parallel_loop3A_819 : vector<1x16xf32> to vector<16xf32>
        %parallel_loop3A_821 = arith.constant 0 : i32
        %parallel_loop3A_822 = arith.addi %parallel_loop3A_821, %parallel_loop3A_221 : i32
        %parallel_loop3A_823 = arith.index_cast %parallel_loop3A_822 : i32 to index
        %parallel_loop3A_824 = arith.constant 288 : index
        %parallel_loop3A_825 = tpu.vector_load %arg7[%parallel_loop3A_823, %parallel_loop3A_824] {strides = array<i32>} : memref<32x768xf32, #tpu.memory_space<vmem>>, vector<1x16xf32>,
        %parallel_loop3A_826 = vector.shape_cast %parallel_loop3A_825 : vector<1x16xf32> to vector<16xf32>
        %parallel_loop3A_827 = vector.shape_cast %parallel_loop3A_820 : vector<16xf32> to vector<1x16xf32>
        tpu.vector_store %arg7[%parallel_loop3A_823, %parallel_loop3A_824], %parallel_loop3A_827 {add = true, strides = array<i32>} : memref<32x768xf32, #tpu.memory_space<vmem>>, vector<1x16xf32>,
        %parallel_loop3A_828 = arith.constant 8 : i32
        %parallel_loop3A_829 = arith.addi %parallel_loop3A_828, %parallel_loop3A_221 : i32
        %parallel_loop3A_830 = arith.index_cast %parallel_loop3A_829 : i32 to index
        %parallel_loop3A_831 = arith.constant 288 : index
        %parallel_loop3A_832 = tpu.vector_load %arg7[%parallel_loop3A_830, %parallel_loop3A_831] {strides = array<i32>} : memref<32x768xf32, #tpu.memory_space<vmem>>, vector<1x16xf32>,
        %parallel_loop3A_833 = vector.shape_cast %parallel_loop3A_832 : vector<1x16xf32> to vector<16xf32>
        %parallel_loop3A_834 = vector.shape_cast %parallel_loop3A_820 : vector<16xf32> to vector<1x16xf32>
        tpu.vector_store %arg7[%parallel_loop3A_830, %parallel_loop3A_831], %parallel_loop3A_834 {add = true, strides = array<i32>} : memref<32x768xf32, #tpu.memory_space<vmem>>, vector<1x16xf32>,
        %parallel_loop3A_835 = arith.constant 16 : i32
        %parallel_loop3A_836 = arith.addi %parallel_loop3A_835, %parallel_loop3A_221 : i32
        %parallel_loop3A_837 = arith.index_cast %parallel_loop3A_836 : i32 to index
        %parallel_loop3A_838 = arith.constant 288 : index
        %parallel_loop3A_839 = tpu.vector_load %arg7[%parallel_loop3A_837, %parallel_loop3A_838] {strides = array<i32>} : memref<32x768xf32, #tpu.memory_space<vmem>>, vector<1x16xf32>,
        %parallel_loop3A_840 = vector.shape_cast %parallel_loop3A_839 : vector<1x16xf32> to vector<16xf32>
        %parallel_loop3A_841 = vector.shape_cast %parallel_loop3A_820 : vector<16xf32> to vector<1x16xf32>
        tpu.vector_store %arg7[%parallel_loop3A_837, %parallel_loop3A_838], %parallel_loop3A_841 {add = true, strides = array<i32>} : memref<32x768xf32, #tpu.memory_space<vmem>>, vector<1x16xf32>,
        %parallel_loop3A_842 = arith.constant 24 : i32
        %parallel_loop3A_843 = arith.addi %parallel_loop3A_842, %parallel_loop3A_221 : i32
        %parallel_loop3A_844 = arith.index_cast %parallel_loop3A_843 : i32 to index
        %parallel_loop3A_845 = arith.constant 288 : index
        %parallel_loop3A_846 = tpu.vector_load %arg7[%parallel_loop3A_844, %parallel_loop3A_845] {strides = array<i32>} : memref<32x768xf32, #tpu.memory_space<vmem>>, vector<1x16xf32>,
        %parallel_loop3A_847 = vector.shape_cast %parallel_loop3A_846 : vector<1x16xf32> to vector<16xf32>
        %parallel_loop3A_848 = vector.shape_cast %parallel_loop3A_820 : vector<16xf32> to vector<1x16xf32>
        tpu.vector_store %arg7[%parallel_loop3A_844, %parallel_loop3A_845], %parallel_loop3A_848 {add = true, strides = array<i32>} : memref<32x768xf32, #tpu.memory_space<vmem>>, vector<1x16xf32>,
        %parallel_loop3A_849 = arith.addi %mul3A_72, %parallel_loop3A_221 : i32
        %parallel_loop3A_850 = arith.index_cast %parallel_loop3A_849 : i32 to index
        %parallel_loop3A_851 = arith.constant 304 : index
        %parallel_loop3A_852 = tpu.vector_load %arg9[%parallel_loop3A_850, %parallel_loop3A_851] {strides = array<i32>} : memref<64x768xf32, #tpu.memory_space<vmem>>, vector<1x16xf32>,
        %parallel_loop3A_853 = vector.shape_cast %parallel_loop3A_852 : vector<1x16xf32> to vector<16xf32>
        %parallel_loop3A_854 = arith.constant 0 : i32
        %parallel_loop3A_855 = arith.addi %parallel_loop3A_854, %parallel_loop3A_221 : i32
        %parallel_loop3A_856 = arith.index_cast %parallel_loop3A_855 : i32 to index
        %parallel_loop3A_857 = arith.constant 304 : index
        %parallel_loop3A_858 = tpu.vector_load %arg7[%parallel_loop3A_856, %parallel_loop3A_857] {strides = array<i32>} : memref<32x768xf32, #tpu.memory_space<vmem>>, vector<1x16xf32>,
        %parallel_loop3A_859 = vector.shape_cast %parallel_loop3A_858 : vector<1x16xf32> to vector<16xf32>
        %parallel_loop3A_860 = vector.shape_cast %parallel_loop3A_853 : vector<16xf32> to vector<1x16xf32>
        tpu.vector_store %arg7[%parallel_loop3A_856, %parallel_loop3A_857], %parallel_loop3A_860 {add = true, strides = array<i32>} : memref<32x768xf32, #tpu.memory_space<vmem>>, vector<1x16xf32>,
        %parallel_loop3A_861 = arith.constant 8 : i32
        %parallel_loop3A_862 = arith.addi %parallel_loop3A_861, %parallel_loop3A_221 : i32
        %parallel_loop3A_863 = arith.index_cast %parallel_loop3A_862 : i32 to index
        %parallel_loop3A_864 = arith.constant 304 : index
        %parallel_loop3A_865 = tpu.vector_load %arg7[%parallel_loop3A_863, %parallel_loop3A_864] {strides = array<i32>} : memref<32x768xf32, #tpu.memory_space<vmem>>, vector<1x16xf32>,
        %parallel_loop3A_866 = vector.shape_cast %parallel_loop3A_865 : vector<1x16xf32> to vector<16xf32>
        %parallel_loop3A_867 = vector.shape_cast %parallel_loop3A_853 : vector<16xf32> to vector<1x16xf32>
        tpu.vector_store %arg7[%parallel_loop3A_863, %parallel_loop3A_864], %parallel_loop3A_867 {add = true, strides = array<i32>} : memref<32x768xf32, #tpu.memory_space<vmem>>, vector<1x16xf32>,
        %parallel_loop3A_868 = arith.constant 16 : i32
        %parallel_loop3A_869 = arith.addi %parallel_loop3A_868, %parallel_loop3A_221 : i32
        %parallel_loop3A_870 = arith.index_cast %parallel_loop3A_869 : i32 to index
        %parallel_loop3A_871 = arith.constant 304 : index
        %parallel_loop3A_872 = tpu.vector_load %arg7[%parallel_loop3A_870, %parallel_loop3A_871] {strides = array<i32>} : memref<32x768xf32, #tpu.memory_space<vmem>>, vector<1x16xf32>,
        %parallel_loop3A_873 = vector.shape_cast %parallel_loop3A_872 : vector<1x16xf32> to vector<16xf32>
        %parallel_loop3A_874 = vector.shape_cast %parallel_loop3A_853 : vector<16xf32> to vector<1x16xf32>
        tpu.vector_store %arg7[%parallel_loop3A_870, %parallel_loop3A_871], %parallel_loop3A_874 {add = true, strides = array<i32>} : memref<32x768xf32, #tpu.memory_space<vmem>>, vector<1x16xf32>,
        %parallel_loop3A_875 = arith.constant 24 : i32
        %parallel_loop3A_876 = arith.addi %parallel_loop3A_875, %parallel_loop3A_221 : i32
        %parallel_loop3A_877 = arith.index_cast %parallel_loop3A_876 : i32 to index
        %parallel_loop3A_878 = arith.constant 304 : index
        %parallel_loop3A_879 = tpu.vector_load %arg7[%parallel_loop3A_877, %parallel_loop3A_878] {strides = array<i32>} : memref<32x768xf32, #tpu.memory_space<vmem>>, vector<1x16xf32>,
        %parallel_loop3A_880 = vector.shape_cast %parallel_loop3A_879 : vector<1x16xf32> to vector<16xf32>
        %parallel_loop3A_881 = vector.shape_cast %parallel_loop3A_853 : vector<16xf32> to vector<1x16xf32>
        tpu.vector_store %arg7[%parallel_loop3A_877, %parallel_loop3A_878], %parallel_loop3A_881 {add = true, strides = array<i32>} : memref<32x768xf32, #tpu.memory_space<vmem>>, vector<1x16xf32>,
        %parallel_loop3A_882 = arith.addi %mul3A_72, %parallel_loop3A_221 : i32
        %parallel_loop3A_883 = arith.index_cast %parallel_loop3A_882 : i32 to index
        %parallel_loop3A_884 = arith.constant 320 : index
        %parallel_loop3A_885 = tpu.vector_load %arg9[%parallel_loop3A_883, %parallel_loop3A_884] {strides = array<i32>} : memref<64x768xf32, #tpu.memory_space<vmem>>, vector<1x16xf32>,
        %parallel_loop3A_886 = vector.shape_cast %parallel_loop3A_885 : vector<1x16xf32> to vector<16xf32>
        %parallel_loop3A_887 = arith.constant 0 : i32
        %parallel_loop3A_888 = arith.addi %parallel_loop3A_887, %parallel_loop3A_221 : i32
        %parallel_loop3A_889 = arith.index_cast %parallel_loop3A_888 : i32 to index
        %parallel_loop3A_890 = arith.constant 320 : index
        %parallel_loop3A_891 = tpu.vector_load %arg7[%parallel_loop3A_889, %parallel_loop3A_890] {strides = array<i32>} : memref<32x768xf32, #tpu.memory_space<vmem>>, vector<1x16xf32>,
        %parallel_loop3A_892 = vector.shape_cast %parallel_loop3A_891 : vector<1x16xf32> to vector<16xf32>
        %parallel_loop3A_893 = vector.shape_cast %parallel_loop3A_886 : vector<16xf32> to vector<1x16xf32>
        tpu.vector_store %arg7[%parallel_loop3A_889, %parallel_loop3A_890], %parallel_loop3A_893 {add = true, strides = array<i32>} : memref<32x768xf32, #tpu.memory_space<vmem>>, vector<1x16xf32>,
        %parallel_loop3A_894 = arith.constant 8 : i32
        %parallel_loop3A_895 = arith.addi %parallel_loop3A_894, %parallel_loop3A_221 : i32
        %parallel_loop3A_896 = arith.index_cast %parallel_loop3A_895 : i32 to index
        %parallel_loop3A_897 = arith.constant 320 : index
        %parallel_loop3A_898 = tpu.vector_load %arg7[%parallel_loop3A_896, %parallel_loop3A_897] {strides = array<i32>} : memref<32x768xf32, #tpu.memory_space<vmem>>, vector<1x16xf32>,
        %parallel_loop3A_899 = vector.shape_cast %parallel_loop3A_898 : vector<1x16xf32> to vector<16xf32>
        %parallel_loop3A_900 = vector.shape_cast %parallel_loop3A_886 : vector<16xf32> to vector<1x16xf32>
        tpu.vector_store %arg7[%parallel_loop3A_896, %parallel_loop3A_897], %parallel_loop3A_900 {add = true, strides = array<i32>} : memref<32x768xf32, #tpu.memory_space<vmem>>, vector<1x16xf32>,
        %parallel_loop3A_901 = arith.constant 16 : i32
        %parallel_loop3A_902 = arith.addi %parallel_loop3A_901, %parallel_loop3A_221 : i32
        %parallel_loop3A_903 = arith.index_cast %parallel_loop3A_902 : i32 to index
        %parallel_loop3A_904 = arith.constant 320 : index
        %parallel_loop3A_905 = tpu.vector_load %arg7[%parallel_loop3A_903, %parallel_loop3A_904] {strides = array<i32>} : memref<32x768xf32, #tpu.memory_space<vmem>>, vector<1x16xf32>,
        %parallel_loop3A_906 = vector.shape_cast %parallel_loop3A_905 : vector<1x16xf32> to vector<16xf32>
        %parallel_loop3A_907 = vector.shape_cast %parallel_loop3A_886 : vector<16xf32> to vector<1x16xf32>
        tpu.vector_store %arg7[%parallel_loop3A_903, %parallel_loop3A_904], %parallel_loop3A_907 {add = true, strides = array<i32>} : memref<32x768xf32, #tpu.memory_space<vmem>>, vector<1x16xf32>,
        %parallel_loop3A_908 = arith.constant 24 : i32
        %parallel_loop3A_909 = arith.addi %parallel_loop3A_908, %parallel_loop3A_221 : i32
        %parallel_loop3A_910 = arith.index_cast %parallel_loop3A_909 : i32 to index
        %parallel_loop3A_911 = arith.constant 320 : index
        %parallel_loop3A_912 = tpu.vector_load %arg7[%parallel_loop3A_910, %parallel_loop3A_911] {strides = array<i32>} : memref<32x768xf32, #tpu.memory_space<vmem>>, vector<1x16xf32>,
        %parallel_loop3A_913 = vector.shape_cast %parallel_loop3A_912 : vector<1x16xf32> to vector<16xf32>
        %parallel_loop3A_914 = vector.shape_cast %parallel_loop3A_886 : vector<16xf32> to vector<1x16xf32>
        tpu.vector_store %arg7[%parallel_loop3A_910, %parallel_loop3A_911], %parallel_loop3A_914 {add = true, strides = array<i32>} : memref<32x768xf32, #tpu.memory_space<vmem>>, vector<1x16xf32>,
        %parallel_loop3A_915 = arith.addi %mul3A_72, %parallel_loop3A_221 : i32
        %parallel_loop3A_916 = arith.index_cast %parallel_loop3A_915 : i32 to index
        %parallel_loop3A_917 = arith.constant 336 : index
        %parallel_loop3A_918 = tpu.vector_load %arg9[%parallel_loop3A_916, %parallel_loop3A_917] {strides = array<i32>} : memref<64x768xf32, #tpu.memory_space<vmem>>, vector<1x16xf32>,
        %parallel_loop3A_919 = vector.shape_cast %parallel_loop3A_918 : vector<1x16xf32> to vector<16xf32>
        %parallel_loop3A_920 = arith.constant 0 : i32
        %parallel_loop3A_921 = arith.addi %parallel_loop3A_920, %parallel_loop3A_221 : i32
        %parallel_loop3A_922 = arith.index_cast %parallel_loop3A_921 : i32 to index
        %parallel_loop3A_923 = arith.constant 336 : index
        %parallel_loop3A_924 = tpu.vector_load %arg7[%parallel_loop3A_922, %parallel_loop3A_923] {strides = array<i32>} : memref<32x768xf32, #tpu.memory_space<vmem>>, vector<1x16xf32>,
        %parallel_loop3A_925 = vector.shape_cast %parallel_loop3A_924 : vector<1x16xf32> to vector<16xf32>
        %parallel_loop3A_926 = vector.shape_cast %parallel_loop3A_919 : vector<16xf32> to vector<1x16xf32>
        tpu.vector_store %arg7[%parallel_loop3A_922, %parallel_loop3A_923], %parallel_loop3A_926 {add = true, strides = array<i32>} : memref<32x768xf32, #tpu.memory_space<vmem>>, vector<1x16xf32>,
        %parallel_loop3A_927 = arith.constant 8 : i32
        %parallel_loop3A_928 = arith.addi %parallel_loop3A_927, %parallel_loop3A_221 : i32
        %parallel_loop3A_929 = arith.index_cast %parallel_loop3A_928 : i32 to index
        %parallel_loop3A_930 = arith.constant 336 : index
        %parallel_loop3A_931 = tpu.vector_load %arg7[%parallel_loop3A_929, %parallel_loop3A_930] {strides = array<i32>} : memref<32x768xf32, #tpu.memory_space<vmem>>, vector<1x16xf32>,
        %parallel_loop3A_932 = vector.shape_cast %parallel_loop3A_931 : vector<1x16xf32> to vector<16xf32>
        %parallel_loop3A_933 = vector.shape_cast %parallel_loop3A_919 : vector<16xf32> to vector<1x16xf32>
        tpu.vector_store %arg7[%parallel_loop3A_929, %parallel_loop3A_930], %parallel_loop3A_933 {add = true, strides = array<i32>} : memref<32x768xf32, #tpu.memory_space<vmem>>, vector<1x16xf32>,
        %parallel_loop3A_934 = arith.constant 16 : i32
        %parallel_loop3A_935 = arith.addi %parallel_loop3A_934, %parallel_loop3A_221 : i32
        %parallel_loop3A_936 = arith.index_cast %parallel_loop3A_935 : i32 to index
        %parallel_loop3A_937 = arith.constant 336 : index
        %parallel_loop3A_938 = tpu.vector_load %arg7[%parallel_loop3A_936, %parallel_loop3A_937] {strides = array<i32>} : memref<32x768xf32, #tpu.memory_space<vmem>>, vector<1x16xf32>,
        %parallel_loop3A_939 = vector.shape_cast %parallel_loop3A_938 : vector<1x16xf32> to vector<16xf32>
        %parallel_loop3A_940 = vector.shape_cast %parallel_loop3A_919 : vector<16xf32> to vector<1x16xf32>
        tpu.vector_store %arg7[%parallel_loop3A_936, %parallel_loop3A_937], %parallel_loop3A_940 {add = true, strides = array<i32>} : memref<32x768xf32, #tpu.memory_space<vmem>>, vector<1x16xf32>,
        %parallel_loop3A_941 = arith.constant 24 : i32
        %parallel_loop3A_942 = arith.addi %parallel_loop3A_941, %parallel_loop3A_221 : i32
        %parallel_loop3A_943 = arith.index_cast %parallel_loop3A_942 : i32 to index
        %parallel_loop3A_944 = arith.constant 336 : index
        %parallel_loop3A_945 = tpu.vector_load %arg7[%parallel_loop3A_943, %parallel_loop3A_944] {strides = array<i32>} : memref<32x768xf32, #tpu.memory_space<vmem>>, vector<1x16xf32>,
        %parallel_loop3A_946 = vector.shape_cast %parallel_loop3A_945 : vector<1x16xf32> to vector<16xf32>
        %parallel_loop3A_947 = vector.shape_cast %parallel_loop3A_919 : vector<16xf32> to vector<1x16xf32>
        tpu.vector_store %arg7[%parallel_loop3A_943, %parallel_loop3A_944], %parallel_loop3A_947 {add = true, strides = array<i32>} : memref<32x768xf32, #tpu.memory_space<vmem>>, vector<1x16xf32>,
        %parallel_loop3A_948 = arith.addi %mul3A_72, %parallel_loop3A_221 : i32
        %parallel_loop3A_949 = arith.index_cast %parallel_loop3A_948 : i32 to index
        %parallel_loop3A_950 = arith.constant 352 : index
        %parallel_loop3A_951 = tpu.vector_load %arg9[%parallel_loop3A_949, %parallel_loop3A_950] {strides = array<i32>} : memref<64x768xf32, #tpu.memory_space<vmem>>, vector<1x16xf32>,
        %parallel_loop3A_952 = vector.shape_cast %parallel_loop3A_951 : vector<1x16xf32> to vector<16xf32>
        %parallel_loop3A_953 = arith.constant 0 : i32
        %parallel_loop3A_954 = arith.addi %parallel_loop3A_953, %parallel_loop3A_221 : i32
        %parallel_loop3A_955 = arith.index_cast %parallel_loop3A_954 : i32 to index
        %parallel_loop3A_956 = arith.constant 352 : index
        %parallel_loop3A_957 = tpu.vector_load %arg7[%parallel_loop3A_955, %parallel_loop3A_956] {strides = array<i32>} : memref<32x768xf32, #tpu.memory_space<vmem>>, vector<1x16xf32>,
        %parallel_loop3A_958 = vector.shape_cast %parallel_loop3A_957 : vector<1x16xf32> to vector<16xf32>
        %parallel_loop3A_959 = vector.shape_cast %parallel_loop3A_952 : vector<16xf32> to vector<1x16xf32>
        tpu.vector_store %arg7[%parallel_loop3A_955, %parallel_loop3A_956], %parallel_loop3A_959 {add = true, strides = array<i32>} : memref<32x768xf32, #tpu.memory_space<vmem>>, vector<1x16xf32>,
        %parallel_loop3A_960 = arith.constant 8 : i32
        %parallel_loop3A_961 = arith.addi %parallel_loop3A_960, %parallel_loop3A_221 : i32
        %parallel_loop3A_962 = arith.index_cast %parallel_loop3A_961 : i32 to index
        %parallel_loop3A_963 = arith.constant 352 : index
        %parallel_loop3A_964 = tpu.vector_load %arg7[%parallel_loop3A_962, %parallel_loop3A_963] {strides = array<i32>} : memref<32x768xf32, #tpu.memory_space<vmem>>, vector<1x16xf32>,
        %parallel_loop3A_965 = vector.shape_cast %parallel_loop3A_964 : vector<1x16xf32> to vector<16xf32>
        %parallel_loop3A_966 = vector.shape_cast %parallel_loop3A_952 : vector<16xf32> to vector<1x16xf32>
        tpu.vector_store %arg7[%parallel_loop3A_962, %parallel_loop3A_963], %parallel_loop3A_966 {add = true, strides = array<i32>} : memref<32x768xf32, #tpu.memory_space<vmem>>, vector<1x16xf32>,
        %parallel_loop3A_967 = arith.constant 16 : i32
        %parallel_loop3A_968 = arith.addi %parallel_loop3A_967, %parallel_loop3A_221 : i32
        %parallel_loop3A_969 = arith.index_cast %parallel_loop3A_968 : i32 to index
        %parallel_loop3A_970 = arith.constant 352 : index
        %parallel_loop3A_971 = tpu.vector_load %arg7[%parallel_loop3A_969, %parallel_loop3A_970] {strides = array<i32>} : memref<32x768xf32, #tpu.memory_space<vmem>>, vector<1x16xf32>,
        %parallel_loop3A_972 = vector.shape_cast %parallel_loop3A_971 : vector<1x16xf32> to vector<16xf32>
        %parallel_loop3A_973 = vector.shape_cast %parallel_loop3A_952 : vector<16xf32> to vector<1x16xf32>
        tpu.vector_store %arg7[%parallel_loop3A_969, %parallel_loop3A_970], %parallel_loop3A_973 {add = true, strides = array<i32>} : memref<32x768xf32, #tpu.memory_space<vmem>>, vector<1x16xf32>,
        %parallel_loop3A_974 = arith.constant 24 : i32
        %parallel_loop3A_975 = arith.addi %parallel_loop3A_974, %parallel_loop3A_221 : i32
        %parallel_loop3A_976 = arith.index_cast %parallel_loop3A_975 : i32 to index
        %parallel_loop3A_977 = arith.constant 352 : index
        %parallel_loop3A_978 = tpu.vector_load %arg7[%parallel_loop3A_976, %parallel_loop3A_977] {strides = array<i32>} : memref<32x768xf32, #tpu.memory_space<vmem>>, vector<1x16xf32>,
        %parallel_loop3A_979 = vector.shape_cast %parallel_loop3A_978 : vector<1x16xf32> to vector<16xf32>
        %parallel_loop3A_980 = vector.shape_cast %parallel_loop3A_952 : vector<16xf32> to vector<1x16xf32>
        tpu.vector_store %arg7[%parallel_loop3A_976, %parallel_loop3A_977], %parallel_loop3A_980 {add = true, strides = array<i32>} : memref<32x768xf32, #tpu.memory_space<vmem>>, vector<1x16xf32>,
        %parallel_loop3A_981 = arith.addi %mul3A_72, %parallel_loop3A_221 : i32
        %parallel_loop3A_982 = arith.index_cast %parallel_loop3A_981 : i32 to index
        %parallel_loop3A_983 = arith.constant 368 : index
        %parallel_loop3A_984 = tpu.vector_load %arg9[%parallel_loop3A_982, %parallel_loop3A_983] {strides = array<i32>} : memref<64x768xf32, #tpu.memory_space<vmem>>, vector<1x16xf32>,
        %parallel_loop3A_985 = vector.shape_cast %parallel_loop3A_984 : vector<1x16xf32> to vector<16xf32>
        %parallel_loop3A_986 = arith.constant 0 : i32
        %parallel_loop3A_987 = arith.addi %parallel_loop3A_986, %parallel_loop3A_221 : i32
        %parallel_loop3A_988 = arith.index_cast %parallel_loop3A_987 : i32 to index
        %parallel_loop3A_989 = arith.constant 368 : index
        %parallel_loop3A_990 = tpu.vector_load %arg7[%parallel_loop3A_988, %parallel_loop3A_989] {strides = array<i32>} : memref<32x768xf32, #tpu.memory_space<vmem>>, vector<1x16xf32>,
        %parallel_loop3A_991 = vector.shape_cast %parallel_loop3A_990 : vector<1x16xf32> to vector<16xf32>
        %parallel_loop3A_992 = vector.shape_cast %parallel_loop3A_985 : vector<16xf32> to vector<1x16xf32>
        tpu.vector_store %arg7[%parallel_loop3A_988, %parallel_loop3A_989], %parallel_loop3A_992 {add = true, strides = array<i32>} : memref<32x768xf32, #tpu.memory_space<vmem>>, vector<1x16xf32>,
        %parallel_loop3A_993 = arith.constant 8 : i32
        %parallel_loop3A_994 = arith.addi %parallel_loop3A_993, %parallel_loop3A_221 : i32
        %parallel_loop3A_995 = arith.index_cast %parallel_loop3A_994 : i32 to index
        %parallel_loop3A_996 = arith.constant 368 : index
        %parallel_loop3A_997 = tpu.vector_load %arg7[%parallel_loop3A_995, %parallel_loop3A_996] {strides = array<i32>} : memref<32x768xf32, #tpu.memory_space<vmem>>, vector<1x16xf32>,
        %parallel_loop3A_998 = vector.shape_cast %parallel_loop3A_997 : vector<1x16xf32> to vector<16xf32>
        %parallel_loop3A_999 = vector.shape_cast %parallel_loop3A_985 : vector<16xf32> to vector<1x16xf32>
        tpu.vector_store %arg7[%parallel_loop3A_995, %parallel_loop3A_996], %parallel_loop3A_999 {add = true, strides = array<i32>} : memref<32x768xf32, #tpu.memory_space<vmem>>, vector<1x16xf32>,
        %parallel_loop3A_1000 = arith.constant 16 : i32
        %parallel_loop3A_1001 = arith.addi %parallel_loop3A_1000, %parallel_loop3A_221 : i32
        %parallel_loop3A_1002 = arith.index_cast %parallel_loop3A_1001 : i32 to index
        %parallel_loop3A_1003 = arith.constant 368 : index
        %parallel_loop3A_1004 = tpu.vector_load %arg7[%parallel_loop3A_1002, %parallel_loop3A_1003] {strides = array<i32>} : memref<32x768xf32, #tpu.memory_space<vmem>>, vector<1x16xf32>,
        %parallel_loop3A_1005 = vector.shape_cast %parallel_loop3A_1004 : vector<1x16xf32> to vector<16xf32>
        %parallel_loop3A_1006 = vector.shape_cast %parallel_loop3A_985 : vector<16xf32> to vector<1x16xf32>
        tpu.vector_store %arg7[%parallel_loop3A_1002, %parallel_loop3A_1003], %parallel_loop3A_1006 {add = true, strides = array<i32>} : memref<32x768xf32, #tpu.memory_space<vmem>>, vector<1x16xf32>,
        %parallel_loop3A_1007 = arith.constant 24 : i32
        %parallel_loop3A_1008 = arith.addi %parallel_loop3A_1007, %parallel_loop3A_221 : i32
        %parallel_loop3A_1009 = arith.index_cast %parallel_loop3A_1008 : i32 to index
        %parallel_loop3A_1010 = arith.constant 368 : index
        %parallel_loop3A_1011 = tpu.vector_load %arg7[%parallel_loop3A_1009, %parallel_loop3A_1010] {strides = array<i32>} : memref<32x768xf32, #tpu.memory_space<vmem>>, vector<1x16xf32>,
        %parallel_loop3A_1012 = vector.shape_cast %parallel_loop3A_1011 : vector<1x16xf32> to vector<16xf32>
        %parallel_loop3A_1013 = vector.shape_cast %parallel_loop3A_985 : vector<16xf32> to vector<1x16xf32>
        tpu.vector_store %arg7[%parallel_loop3A_1009, %parallel_loop3A_1010], %parallel_loop3A_1013 {add = true, strides = array<i32>} : memref<32x768xf32, #tpu.memory_space<vmem>>, vector<1x16xf32>,
        %parallel_loop3A_1014 = arith.addi %mul3A_72, %parallel_loop3A_221 : i32
        %parallel_loop3A_1015 = arith.index_cast %parallel_loop3A_1014 : i32 to index
        %parallel_loop3A_1016 = arith.constant 384 : index
        %parallel_loop3A_1017 = tpu.vector_load %arg9[%parallel_loop3A_1015, %parallel_loop3A_1016] {strides = array<i32>} : memref<64x768xf32, #tpu.memory_space<vmem>>, vector<1x16xf32>,
        %parallel_loop3A_1018 = vector.shape_cast %parallel_loop3A_1017 : vector<1x16xf32> to vector<16xf32>
        %parallel_loop3A_1019 = arith.constant 0 : i32
        %parallel_loop3A_1020 = arith.addi %parallel_loop3A_1019, %parallel_loop3A_221 : i32
        %parallel_loop3A_1021 = arith.index_cast %parallel_loop3A_1020 : i32 to index
        %parallel_loop3A_1022 = arith.constant 384 : index
        %parallel_loop3A_1023 = tpu.vector_load %arg7[%parallel_loop3A_1021, %parallel_loop3A_1022] {strides = array<i32>} : memref<32x768xf32, #tpu.memory_space<vmem>>, vector<1x16xf32>,
        %parallel_loop3A_1024 = vector.shape_cast %parallel_loop3A_1023 : vector<1x16xf32> to vector<16xf32>
        %parallel_loop3A_1025 = vector.shape_cast %parallel_loop3A_1018 : vector<16xf32> to vector<1x16xf32>
        tpu.vector_store %arg7[%parallel_loop3A_1021, %parallel_loop3A_1022], %parallel_loop3A_1025 {add = true, strides = array<i32>} : memref<32x768xf32, #tpu.memory_space<vmem>>, vector<1x16xf32>,
        %parallel_loop3A_1026 = arith.constant 8 : i32
        %parallel_loop3A_1027 = arith.addi %parallel_loop3A_1026, %parallel_loop3A_221 : i32
        %parallel_loop3A_1028 = arith.index_cast %parallel_loop3A_1027 : i32 to index
        %parallel_loop3A_1029 = arith.constant 384 : index
        %parallel_loop3A_1030 = tpu.vector_load %arg7[%parallel_loop3A_1028, %parallel_loop3A_1029] {strides = array<i32>} : memref<32x768xf32, #tpu.memory_space<vmem>>, vector<1x16xf32>,
        %parallel_loop3A_1031 = vector.shape_cast %parallel_loop3A_1030 : vector<1x16xf32> to vector<16xf32>
        %parallel_loop3A_1032 = vector.shape_cast %parallel_loop3A_1018 : vector<16xf32> to vector<1x16xf32>
        tpu.vector_store %arg7[%parallel_loop3A_1028, %parallel_loop3A_1029], %parallel_loop3A_1032 {add = true, strides = array<i32>} : memref<32x768xf32, #tpu.memory_space<vmem>>, vector<1x16xf32>,
        %parallel_loop3A_1033 = arith.constant 16 : i32
        %parallel_loop3A_1034 = arith.addi %parallel_loop3A_1033, %parallel_loop3A_221 : i32
        %parallel_loop3A_1035 = arith.index_cast %parallel_loop3A_1034 : i32 to index
        %parallel_loop3A_1036 = arith.constant 384 : index
        %parallel_loop3A_1037 = tpu.vector_load %arg7[%parallel_loop3A_1035, %parallel_loop3A_1036] {strides = array<i32>} : memref<32x768xf32, #tpu.memory_space<vmem>>, vector<1x16xf32>,
        %parallel_loop3A_1038 = vector.shape_cast %parallel_loop3A_1037 : vector<1x16xf32> to vector<16xf32>
        %parallel_loop3A_1039 = vector.shape_cast %parallel_loop3A_1018 : vector<16xf32> to vector<1x16xf32>
        tpu.vector_store %arg7[%parallel_loop3A_1035, %parallel_loop3A_1036], %parallel_loop3A_1039 {add = true, strides = array<i32>} : memref<32x768xf32, #tpu.memory_space<vmem>>, vector<1x16xf32>,
        %parallel_loop3A_1040 = arith.constant 24 : i32
        %parallel_loop3A_1041 = arith.addi %parallel_loop3A_1040, %parallel_loop3A_221 : i32
        %parallel_loop3A_1042 = arith.index_cast %parallel_loop3A_1041 : i32 to index
        %parallel_loop3A_1043 = arith.constant 384 : index
        %parallel_loop3A_1044 = tpu.vector_load %arg7[%parallel_loop3A_1042, %parallel_loop3A_1043] {strides = array<i32>} : memref<32x768xf32, #tpu.memory_space<vmem>>, vector<1x16xf32>,
        %parallel_loop3A_1045 = vector.shape_cast %parallel_loop3A_1044 : vector<1x16xf32> to vector<16xf32>
        %parallel_loop3A_1046 = vector.shape_cast %parallel_loop3A_1018 : vector<16xf32> to vector<1x16xf32>
        tpu.vector_store %arg7[%parallel_loop3A_1042, %parallel_loop3A_1043], %parallel_loop3A_1046 {add = true, strides = array<i32>} : memref<32x768xf32, #tpu.memory_space<vmem>>, vector<1x16xf32>,
        %parallel_loop3A_1047 = arith.addi %mul3A_72, %parallel_loop3A_221 : i32
        %parallel_loop3A_1048 = arith.index_cast %parallel_loop3A_1047 : i32 to index
        %parallel_loop3A_1049 = arith.constant 400 : index
        %parallel_loop3A_1050 = tpu.vector_load %arg9[%parallel_loop3A_1048, %parallel_loop3A_1049] {strides = array<i32>} : memref<64x768xf32, #tpu.memory_space<vmem>>, vector<1x16xf32>,
        %parallel_loop3A_1051 = vector.shape_cast %parallel_loop3A_1050 : vector<1x16xf32> to vector<16xf32>
        %parallel_loop3A_1052 = arith.constant 0 : i32
        %parallel_loop3A_1053 = arith.addi %parallel_loop3A_1052, %parallel_loop3A_221 : i32
        %parallel_loop3A_1054 = arith.index_cast %parallel_loop3A_1053 : i32 to index
        %parallel_loop3A_1055 = arith.constant 400 : index
        %parallel_loop3A_1056 = tpu.vector_load %arg7[%parallel_loop3A_1054, %parallel_loop3A_1055] {strides = array<i32>} : memref<32x768xf32, #tpu.memory_space<vmem>>, vector<1x16xf32>,
        %parallel_loop3A_1057 = vector.shape_cast %parallel_loop3A_1056 : vector<1x16xf32> to vector<16xf32>
        %parallel_loop3A_1058 = vector.shape_cast %parallel_loop3A_1051 : vector<16xf32> to vector<1x16xf32>
        tpu.vector_store %arg7[%parallel_loop3A_1054, %parallel_loop3A_1055], %parallel_loop3A_1058 {add = true, strides = array<i32>} : memref<32x768xf32, #tpu.memory_space<vmem>>, vector<1x16xf32>,
        %parallel_loop3A_1059 = arith.constant 8 : i32
        %parallel_loop3A_1060 = arith.addi %parallel_loop3A_1059, %parallel_loop3A_221 : i32
        %parallel_loop3A_1061 = arith.index_cast %parallel_loop3A_1060 : i32 to index
        %parallel_loop3A_1062 = arith.constant 400 : index
        %parallel_loop3A_1063 = tpu.vector_load %arg7[%parallel_loop3A_1061, %parallel_loop3A_1062] {strides = array<i32>} : memref<32x768xf32, #tpu.memory_space<vmem>>, vector<1x16xf32>,
        %parallel_loop3A_1064 = vector.shape_cast %parallel_loop3A_1063 : vector<1x16xf32> to vector<16xf32>
        %parallel_loop3A_1065 = vector.shape_cast %parallel_loop3A_1051 : vector<16xf32> to vector<1x16xf32>
        tpu.vector_store %arg7[%parallel_loop3A_1061, %parallel_loop3A_1062], %parallel_loop3A_1065 {add = true, strides = array<i32>} : memref<32x768xf32, #tpu.memory_space<vmem>>, vector<1x16xf32>,
        %parallel_loop3A_1066 = arith.constant 16 : i32
        %parallel_loop3A_1067 = arith.addi %parallel_loop3A_1066, %parallel_loop3A_221 : i32
        %parallel_loop3A_1068 = arith.index_cast %parallel_loop3A_1067 : i32 to index
        %parallel_loop3A_1069 = arith.constant 400 : index
        %parallel_loop3A_1070 = tpu.vector_load %arg7[%parallel_loop3A_1068, %parallel_loop3A_1069] {strides = array<i32>} : memref<32x768xf32, #tpu.memory_space<vmem>>, vector<1x16xf32>,
        %parallel_loop3A_1071 = vector.shape_cast %parallel_loop3A_1070 : vector<1x16xf32> to vector<16xf32>
        %parallel_loop3A_1072 = vector.shape_cast %parallel_loop3A_1051 : vector<16xf32> to vector<1x16xf32>
        tpu.vector_store %arg7[%parallel_loop3A_1068, %parallel_loop3A_1069], %parallel_loop3A_1072 {add = true, strides = array<i32>} : memref<32x768xf32, #tpu.memory_space<vmem>>, vector<1x16xf32>,
        %parallel_loop3A_1073 = arith.constant 24 : i32
        %parallel_loop3A_1074 = arith.addi %parallel_loop3A_1073, %parallel_loop3A_221 : i32
        %parallel_loop3A_1075 = arith.index_cast %parallel_loop3A_1074 : i32 to index
        %parallel_loop3A_1076 = arith.constant 400 : index
        %parallel_loop3A_1077 = tpu.vector_load %arg7[%parallel_loop3A_1075, %parallel_loop3A_1076] {strides = array<i32>} : memref<32x768xf32, #tpu.memory_space<vmem>>, vector<1x16xf32>,
        %parallel_loop3A_1078 = vector.shape_cast %parallel_loop3A_1077 : vector<1x16xf32> to vector<16xf32>
        %parallel_loop3A_1079 = vector.shape_cast %parallel_loop3A_1051 : vector<16xf32> to vector<1x16xf32>
        tpu.vector_store %arg7[%parallel_loop3A_1075, %parallel_loop3A_1076], %parallel_loop3A_1079 {add = true, strides = array<i32>} : memref<32x768xf32, #tpu.memory_space<vmem>>, vector<1x16xf32>,
        %parallel_loop3A_1080 = arith.addi %mul3A_72, %parallel_loop3A_221 : i32
        %parallel_loop3A_1081 = arith.index_cast %parallel_loop3A_1080 : i32 to index
        %parallel_loop3A_1082 = arith.constant 416 : index
        %parallel_loop3A_1083 = tpu.vector_load %arg9[%parallel_loop3A_1081, %parallel_loop3A_1082] {strides = array<i32>} : memref<64x768xf32, #tpu.memory_space<vmem>>, vector<1x16xf32>,
        %parallel_loop3A_1084 = vector.shape_cast %parallel_loop3A_1083 : vector<1x16xf32> to vector<16xf32>
        %parallel_loop3A_1085 = arith.constant 0 : i32
        %parallel_loop3A_1086 = arith.addi %parallel_loop3A_1085, %parallel_loop3A_221 : i32
        %parallel_loop3A_1087 = arith.index_cast %parallel_loop3A_1086 : i32 to index
        %parallel_loop3A_1088 = arith.constant 416 : index
        %parallel_loop3A_1089 = tpu.vector_load %arg7[%parallel_loop3A_1087, %parallel_loop3A_1088] {strides = array<i32>} : memref<32x768xf32, #tpu.memory_space<vmem>>, vector<1x16xf32>,
        %parallel_loop3A_1090 = vector.shape_cast %parallel_loop3A_1089 : vector<1x16xf32> to vector<16xf32>
        %parallel_loop3A_1091 = vector.shape_cast %parallel_loop3A_1084 : vector<16xf32> to vector<1x16xf32>
        tpu.vector_store %arg7[%parallel_loop3A_1087, %parallel_loop3A_1088], %parallel_loop3A_1091 {add = true, strides = array<i32>} : memref<32x768xf32, #tpu.memory_space<vmem>>, vector<1x16xf32>,
        %parallel_loop3A_1092 = arith.constant 8 : i32
        %parallel_loop3A_1093 = arith.addi %parallel_loop3A_1092, %parallel_loop3A_221 : i32
        %parallel_loop3A_1094 = arith.index_cast %parallel_loop3A_1093 : i32 to index
        %parallel_loop3A_1095 = arith.constant 416 : index
        %parallel_loop3A_1096 = tpu.vector_load %arg7[%parallel_loop3A_1094, %parallel_loop3A_1095] {strides = array<i32>} : memref<32x768xf32, #tpu.memory_space<vmem>>, vector<1x16xf32>,
        %parallel_loop3A_1097 = vector.shape_cast %parallel_loop3A_1096 : vector<1x16xf32> to vector<16xf32>
        %parallel_loop3A_1098 = vector.shape_cast %parallel_loop3A_1084 : vector<16xf32> to vector<1x16xf32>
        tpu.vector_store %arg7[%parallel_loop3A_1094, %parallel_loop3A_1095], %parallel_loop3A_1098 {add = true, strides = array<i32>} : memref<32x768xf32, #tpu.memory_space<vmem>>, vector<1x16xf32>,
        %parallel_loop3A_1099 = arith.constant 16 : i32
        %parallel_loop3A_1100 = arith.addi %parallel_loop3A_1099, %parallel_loop3A_221 : i32
        %parallel_loop3A_1101 = arith.index_cast %parallel_loop3A_1100 : i32 to index
        %parallel_loop3A_1102 = arith.constant 416 : index
        %parallel_loop3A_1103 = tpu.vector_load %arg7[%parallel_loop3A_1101, %parallel_loop3A_1102] {strides = array<i32>} : memref<32x768xf32, #tpu.memory_space<vmem>>, vector<1x16xf32>,
        %parallel_loop3A_1104 = vector.shape_cast %parallel_loop3A_1103 : vector<1x16xf32> to vector<16xf32>
        %parallel_loop3A_1105 = vector.shape_cast %parallel_loop3A_1084 : vector<16xf32> to vector<1x16xf32>
        tpu.vector_store %arg7[%parallel_loop3A_1101, %parallel_loop3A_1102], %parallel_loop3A_1105 {add = true, strides = array<i32>} : memref<32x768xf32, #tpu.memory_space<vmem>>, vector<1x16xf32>,
        %parallel_loop3A_1106 = arith.constant 24 : i32
        %parallel_loop3A_1107 = arith.addi %parallel_loop3A_1106, %parallel_loop3A_221 : i32
        %parallel_loop3A_1108 = arith.index_cast %parallel_loop3A_1107 : i32 to index
        %parallel_loop3A_1109 = arith.constant 416 : index
        %parallel_loop3A_1110 = tpu.vector_load %arg7[%parallel_loop3A_1108, %parallel_loop3A_1109] {strides = array<i32>} : memref<32x768xf32, #tpu.memory_space<vmem>>, vector<1x16xf32>,
        %parallel_loop3A_1111 = vector.shape_cast %parallel_loop3A_1110 : vector<1x16xf32> to vector<16xf32>
        %parallel_loop3A_1112 = vector.shape_cast %parallel_loop3A_1084 : vector<16xf32> to vector<1x16xf32>
        tpu.vector_store %arg7[%parallel_loop3A_1108, %parallel_loop3A_1109], %parallel_loop3A_1112 {add = true, strides = array<i32>} : memref<32x768xf32, #tpu.memory_space<vmem>>, vector<1x16xf32>,
        %parallel_loop3A_1113 = arith.addi %mul3A_72, %parallel_loop3A_221 : i32
        %parallel_loop3A_1114 = arith.index_cast %parallel_loop3A_1113 : i32 to index
        %parallel_loop3A_1115 = arith.constant 432 : index
        %parallel_loop3A_1116 = tpu.vector_load %arg9[%parallel_loop3A_1114, %parallel_loop3A_1115] {strides = array<i32>} : memref<64x768xf32, #tpu.memory_space<vmem>>, vector<1x16xf32>,
        %parallel_loop3A_1117 = vector.shape_cast %parallel_loop3A_1116 : vector<1x16xf32> to vector<16xf32>
        %parallel_loop3A_1118 = arith.constant 0 : i32
        %parallel_loop3A_1119 = arith.addi %parallel_loop3A_1118, %parallel_loop3A_221 : i32
        %parallel_loop3A_1120 = arith.index_cast %parallel_loop3A_1119 : i32 to index
        %parallel_loop3A_1121 = arith.constant 432 : index
        %parallel_loop3A_1122 = tpu.vector_load %arg7[%parallel_loop3A_1120, %parallel_loop3A_1121] {strides = array<i32>} : memref<32x768xf32, #tpu.memory_space<vmem>>, vector<1x16xf32>,
        %parallel_loop3A_1123 = vector.shape_cast %parallel_loop3A_1122 : vector<1x16xf32> to vector<16xf32>
        %parallel_loop3A_1124 = vector.shape_cast %parallel_loop3A_1117 : vector<16xf32> to vector<1x16xf32>
        tpu.vector_store %arg7[%parallel_loop3A_1120, %parallel_loop3A_1121], %parallel_loop3A_1124 {add = true, strides = array<i32>} : memref<32x768xf32, #tpu.memory_space<vmem>>, vector<1x16xf32>,
        %parallel_loop3A_1125 = arith.constant 8 : i32
        %parallel_loop3A_1126 = arith.addi %parallel_loop3A_1125, %parallel_loop3A_221 : i32
        %parallel_loop3A_1127 = arith.index_cast %parallel_loop3A_1126 : i32 to index
        %parallel_loop3A_1128 = arith.constant 432 : index
        %parallel_loop3A_1129 = tpu.vector_load %arg7[%parallel_loop3A_1127, %parallel_loop3A_1128] {strides = array<i32>} : memref<32x768xf32, #tpu.memory_space<vmem>>, vector<1x16xf32>,
        %parallel_loop3A_1130 = vector.shape_cast %parallel_loop3A_1129 : vector<1x16xf32> to vector<16xf32>
        %parallel_loop3A_1131 = vector.shape_cast %parallel_loop3A_1117 : vector<16xf32> to vector<1x16xf32>
        tpu.vector_store %arg7[%parallel_loop3A_1127, %parallel_loop3A_1128], %parallel_loop3A_1131 {add = true, strides = array<i32>} : memref<32x768xf32, #tpu.memory_space<vmem>>, vector<1x16xf32>,
        %parallel_loop3A_1132 = arith.constant 16 : i32
        %parallel_loop3A_1133 = arith.addi %parallel_loop3A_1132, %parallel_loop3A_221 : i32
        %parallel_loop3A_1134 = arith.index_cast %parallel_loop3A_1133 : i32 to index
        %parallel_loop3A_1135 = arith.constant 432 : index
        %parallel_loop3A_1136 = tpu.vector_load %arg7[%parallel_loop3A_1134, %parallel_loop3A_1135] {strides = array<i32>} : memref<32x768xf32, #tpu.memory_space<vmem>>, vector<1x16xf32>,
        %parallel_loop3A_1137 = vector.shape_cast %parallel_loop3A_1136 : vector<1x16xf32> to vector<16xf32>
        %parallel_loop3A_1138 = vector.shape_cast %parallel_loop3A_1117 : vector<16xf32> to vector<1x16xf32>
        tpu.vector_store %arg7[%parallel_loop3A_1134, %parallel_loop3A_1135], %parallel_loop3A_1138 {add = true, strides = array<i32>} : memref<32x768xf32, #tpu.memory_space<vmem>>, vector<1x16xf32>,
        %parallel_loop3A_1139 = arith.constant 24 : i32
        %parallel_loop3A_1140 = arith.addi %parallel_loop3A_1139, %parallel_loop3A_221 : i32
        %parallel_loop3A_1141 = arith.index_cast %parallel_loop3A_1140 : i32 to index
        %parallel_loop3A_1142 = arith.constant 432 : index
        %parallel_loop3A_1143 = tpu.vector_load %arg7[%parallel_loop3A_1141, %parallel_loop3A_1142] {strides = array<i32>} : memref<32x768xf32, #tpu.memory_space<vmem>>, vector<1x16xf32>,
        %parallel_loop3A_1144 = vector.shape_cast %parallel_loop3A_1143 : vector<1x16xf32> to vector<16xf32>
        %parallel_loop3A_1145 = vector.shape_cast %parallel_loop3A_1117 : vector<16xf32> to vector<1x16xf32>
        tpu.vector_store %arg7[%parallel_loop3A_1141, %parallel_loop3A_1142], %parallel_loop3A_1145 {add = true, strides = array<i32>} : memref<32x768xf32, #tpu.memory_space<vmem>>, vector<1x16xf32>,
        %parallel_loop3A_1146 = arith.addi %mul3A_72, %parallel_loop3A_221 : i32
        %parallel_loop3A_1147 = arith.index_cast %parallel_loop3A_1146 : i32 to index
        %parallel_loop3A_1148 = arith.constant 448 : index
        %parallel_loop3A_1149 = tpu.vector_load %arg9[%parallel_loop3A_1147, %parallel_loop3A_1148] {strides = array<i32>} : memref<64x768xf32, #tpu.memory_space<vmem>>, vector<1x16xf32>,
        %parallel_loop3A_1150 = vector.shape_cast %parallel_loop3A_1149 : vector<1x16xf32> to vector<16xf32>
        %parallel_loop3A_1151 = arith.constant 0 : i32
        %parallel_loop3A_1152 = arith.addi %parallel_loop3A_1151, %parallel_loop3A_221 : i32
        %parallel_loop3A_1153 = arith.index_cast %parallel_loop3A_1152 : i32 to index
        %parallel_loop3A_1154 = arith.constant 448 : index
        %parallel_loop3A_1155 = tpu.vector_load %arg7[%parallel_loop3A_1153, %parallel_loop3A_1154] {strides = array<i32>} : memref<32x768xf32, #tpu.memory_space<vmem>>, vector<1x16xf32>,
        %parallel_loop3A_1156 = vector.shape_cast %parallel_loop3A_1155 : vector<1x16xf32> to vector<16xf32>
        %parallel_loop3A_1157 = vector.shape_cast %parallel_loop3A_1150 : vector<16xf32> to vector<1x16xf32>
        tpu.vector_store %arg7[%parallel_loop3A_1153, %parallel_loop3A_1154], %parallel_loop3A_1157 {add = true, strides = array<i32>} : memref<32x768xf32, #tpu.memory_space<vmem>>, vector<1x16xf32>,
        %parallel_loop3A_1158 = arith.constant 8 : i32
        %parallel_loop3A_1159 = arith.addi %parallel_loop3A_1158, %parallel_loop3A_221 : i32
        %parallel_loop3A_1160 = arith.index_cast %parallel_loop3A_1159 : i32 to index
        %parallel_loop3A_1161 = arith.constant 448 : index
        %parallel_loop3A_1162 = tpu.vector_load %arg7[%parallel_loop3A_1160, %parallel_loop3A_1161] {strides = array<i32>} : memref<32x768xf32, #tpu.memory_space<vmem>>, vector<1x16xf32>,
        %parallel_loop3A_1163 = vector.shape_cast %parallel_loop3A_1162 : vector<1x16xf32> to vector<16xf32>
        %parallel_loop3A_1164 = vector.shape_cast %parallel_loop3A_1150 : vector<16xf32> to vector<1x16xf32>
        tpu.vector_store %arg7[%parallel_loop3A_1160, %parallel_loop3A_1161], %parallel_loop3A_1164 {add = true, strides = array<i32>} : memref<32x768xf32, #tpu.memory_space<vmem>>, vector<1x16xf32>,
        %parallel_loop3A_1165 = arith.constant 16 : i32
        %parallel_loop3A_1166 = arith.addi %parallel_loop3A_1165, %parallel_loop3A_221 : i32
        %parallel_loop3A_1167 = arith.index_cast %parallel_loop3A_1166 : i32 to index
        %parallel_loop3A_1168 = arith.constant 448 : index
        %parallel_loop3A_1169 = tpu.vector_load %arg7[%parallel_loop3A_1167, %parallel_loop3A_1168] {strides = array<i32>} : memref<32x768xf32, #tpu.memory_space<vmem>>, vector<1x16xf32>,
        %parallel_loop3A_1170 = vector.shape_cast %parallel_loop3A_1169 : vector<1x16xf32> to vector<16xf32>
        %parallel_loop3A_1171 = vector.shape_cast %parallel_loop3A_1150 : vector<16xf32> to vector<1x16xf32>
        tpu.vector_store %arg7[%parallel_loop3A_1167, %parallel_loop3A_1168], %parallel_loop3A_1171 {add = true, strides = array<i32>} : memref<32x768xf32, #tpu.memory_space<vmem>>, vector<1x16xf32>,
        %parallel_loop3A_1172 = arith.constant 24 : i32
        %parallel_loop3A_1173 = arith.addi %parallel_loop3A_1172, %parallel_loop3A_221 : i32
        %parallel_loop3A_1174 = arith.index_cast %parallel_loop3A_1173 : i32 to index
        %parallel_loop3A_1175 = arith.constant 448 : index
        %parallel_loop3A_1176 = tpu.vector_load %arg7[%parallel_loop3A_1174, %parallel_loop3A_1175] {strides = array<i32>} : memref<32x768xf32, #tpu.memory_space<vmem>>, vector<1x16xf32>,
        %parallel_loop3A_1177 = vector.shape_cast %parallel_loop3A_1176 : vector<1x16xf32> to vector<16xf32>
        %parallel_loop3A_1178 = vector.shape_cast %parallel_loop3A_1150 : vector<16xf32> to vector<1x16xf32>
        tpu.vector_store %arg7[%parallel_loop3A_1174, %parallel_loop3A_1175], %parallel_loop3A_1178 {add = true, strides = array<i32>} : memref<32x768xf32, #tpu.memory_space<vmem>>, vector<1x16xf32>,
        %parallel_loop3A_1179 = arith.addi %mul3A_72, %parallel_loop3A_221 : i32
        %parallel_loop3A_1180 = arith.index_cast %parallel_loop3A_1179 : i32 to index
        %parallel_loop3A_1181 = arith.constant 464 : index
        %parallel_loop3A_1182 = tpu.vector_load %arg9[%parallel_loop3A_1180, %parallel_loop3A_1181] {strides = array<i32>} : memref<64x768xf32, #tpu.memory_space<vmem>>, vector<1x16xf32>,
        %parallel_loop3A_1183 = vector.shape_cast %parallel_loop3A_1182 : vector<1x16xf32> to vector<16xf32>
        %parallel_loop3A_1184 = arith.constant 0 : i32
        %parallel_loop3A_1185 = arith.addi %parallel_loop3A_1184, %parallel_loop3A_221 : i32
        %parallel_loop3A_1186 = arith.index_cast %parallel_loop3A_1185 : i32 to index
        %parallel_loop3A_1187 = arith.constant 464 : index
        %parallel_loop3A_1188 = tpu.vector_load %arg7[%parallel_loop3A_1186, %parallel_loop3A_1187] {strides = array<i32>} : memref<32x768xf32, #tpu.memory_space<vmem>>, vector<1x16xf32>,
        %parallel_loop3A_1189 = vector.shape_cast %parallel_loop3A_1188 : vector<1x16xf32> to vector<16xf32>
        %parallel_loop3A_1190 = vector.shape_cast %parallel_loop3A_1183 : vector<16xf32> to vector<1x16xf32>
        tpu.vector_store %arg7[%parallel_loop3A_1186, %parallel_loop3A_1187], %parallel_loop3A_1190 {add = true, strides = array<i32>} : memref<32x768xf32, #tpu.memory_space<vmem>>, vector<1x16xf32>,
        %parallel_loop3A_1191 = arith.constant 8 : i32
        %parallel_loop3A_1192 = arith.addi %parallel_loop3A_1191, %parallel_loop3A_221 : i32
        %parallel_loop3A_1193 = arith.index_cast %parallel_loop3A_1192 : i32 to index
        %parallel_loop3A_1194 = arith.constant 464 : index
        %parallel_loop3A_1195 = tpu.vector_load %arg7[%parallel_loop3A_1193, %parallel_loop3A_1194] {strides = array<i32>} : memref<32x768xf32, #tpu.memory_space<vmem>>, vector<1x16xf32>,
        %parallel_loop3A_1196 = vector.shape_cast %parallel_loop3A_1195 : vector<1x16xf32> to vector<16xf32>
        %parallel_loop3A_1197 = vector.shape_cast %parallel_loop3A_1183 : vector<16xf32> to vector<1x16xf32>
        tpu.vector_store %arg7[%parallel_loop3A_1193, %parallel_loop3A_1194], %parallel_loop3A_1197 {add = true, strides = array<i32>} : memref<32x768xf32, #tpu.memory_space<vmem>>, vector<1x16xf32>,
        %parallel_loop3A_1198 = arith.constant 16 : i32
        %parallel_loop3A_1199 = arith.addi %parallel_loop3A_1198, %parallel_loop3A_221 : i32
        %parallel_loop3A_1200 = arith.index_cast %parallel_loop3A_1199 : i32 to index
        %parallel_loop3A_1201 = arith.constant 464 : index
        %parallel_loop3A_1202 = tpu.vector_load %arg7[%parallel_loop3A_1200, %parallel_loop3A_1201] {strides = array<i32>} : memref<32x768xf32, #tpu.memory_space<vmem>>, vector<1x16xf32>,
        %parallel_loop3A_1203 = vector.shape_cast %parallel_loop3A_1202 : vector<1x16xf32> to vector<16xf32>
        %parallel_loop3A_1204 = vector.shape_cast %parallel_loop3A_1183 : vector<16xf32> to vector<1x16xf32>
        tpu.vector_store %arg7[%parallel_loop3A_1200, %parallel_loop3A_1201], %parallel_loop3A_1204 {add = true, strides = array<i32>} : memref<32x768xf32, #tpu.memory_space<vmem>>, vector<1x16xf32>,
        %parallel_loop3A_1205 = arith.constant 24 : i32
        %parallel_loop3A_1206 = arith.addi %parallel_loop3A_1205, %parallel_loop3A_221 : i32
        %parallel_loop3A_1207 = arith.index_cast %parallel_loop3A_1206 : i32 to index
        %parallel_loop3A_1208 = arith.constant 464 : index
        %parallel_loop3A_1209 = tpu.vector_load %arg7[%parallel_loop3A_1207, %parallel_loop3A_1208] {strides = array<i32>} : memref<32x768xf32, #tpu.memory_space<vmem>>, vector<1x16xf32>,
        %parallel_loop3A_1210 = vector.shape_cast %parallel_loop3A_1209 : vector<1x16xf32> to vector<16xf32>
        %parallel_loop3A_1211 = vector.shape_cast %parallel_loop3A_1183 : vector<16xf32> to vector<1x16xf32>
        tpu.vector_store %arg7[%parallel_loop3A_1207, %parallel_loop3A_1208], %parallel_loop3A_1211 {add = true, strides = array<i32>} : memref<32x768xf32, #tpu.memory_space<vmem>>, vector<1x16xf32>,
        %parallel_loop3A_1212 = arith.addi %mul3A_72, %parallel_loop3A_221 : i32
        %parallel_loop3A_1213 = arith.index_cast %parallel_loop3A_1212 : i32 to index
        %parallel_loop3A_1214 = arith.constant 480 : index
        %parallel_loop3A_1215 = tpu.vector_load %arg9[%parallel_loop3A_1213, %parallel_loop3A_1214] {strides = array<i32>} : memref<64x768xf32, #tpu.memory_space<vmem>>, vector<1x16xf32>,
        %parallel_loop3A_1216 = vector.shape_cast %parallel_loop3A_1215 : vector<1x16xf32> to vector<16xf32>
        %parallel_loop3A_1217 = arith.constant 0 : i32
        %parallel_loop3A_1218 = arith.addi %parallel_loop3A_1217, %parallel_loop3A_221 : i32
        %parallel_loop3A_1219 = arith.index_cast %parallel_loop3A_1218 : i32 to index
        %parallel_loop3A_1220 = arith.constant 480 : index
        %parallel_loop3A_1221 = tpu.vector_load %arg7[%parallel_loop3A_1219, %parallel_loop3A_1220] {strides = array<i32>} : memref<32x768xf32, #tpu.memory_space<vmem>>, vector<1x16xf32>,
        %parallel_loop3A_1222 = vector.shape_cast %parallel_loop3A_1221 : vector<1x16xf32> to vector<16xf32>
        %parallel_loop3A_1223 = vector.shape_cast %parallel_loop3A_1216 : vector<16xf32> to vector<1x16xf32>
        tpu.vector_store %arg7[%parallel_loop3A_1219, %parallel_loop3A_1220], %parallel_loop3A_1223 {add = true, strides = array<i32>} : memref<32x768xf32, #tpu.memory_space<vmem>>, vector<1x16xf32>,
        %parallel_loop3A_1224 = arith.constant 8 : i32
        %parallel_loop3A_1225 = arith.addi %parallel_loop3A_1224, %parallel_loop3A_221 : i32
        %parallel_loop3A_1226 = arith.index_cast %parallel_loop3A_1225 : i32 to index
        %parallel_loop3A_1227 = arith.constant 480 : index
        %parallel_loop3A_1228 = tpu.vector_load %arg7[%parallel_loop3A_1226, %parallel_loop3A_1227] {strides = array<i32>} : memref<32x768xf32, #tpu.memory_space<vmem>>, vector<1x16xf32>,
        %parallel_loop3A_1229 = vector.shape_cast %parallel_loop3A_1228 : vector<1x16xf32> to vector<16xf32>
        %parallel_loop3A_1230 = vector.shape_cast %parallel_loop3A_1216 : vector<16xf32> to vector<1x16xf32>
        tpu.vector_store %arg7[%parallel_loop3A_1226, %parallel_loop3A_1227], %parallel_loop3A_1230 {add = true, strides = array<i32>} : memref<32x768xf32, #tpu.memory_space<vmem>>, vector<1x16xf32>,
        %parallel_loop3A_1231 = arith.constant 16 : i32
        %parallel_loop3A_1232 = arith.addi %parallel_loop3A_1231, %parallel_loop3A_221 : i32
        %parallel_loop3A_1233 = arith.index_cast %parallel_loop3A_1232 : i32 to index
        %parallel_loop3A_1234 = arith.constant 480 : index
        %parallel_loop3A_1235 = tpu.vector_load %arg7[%parallel_loop3A_1233, %parallel_loop3A_1234] {strides = array<i32>} : memref<32x768xf32, #tpu.memory_space<vmem>>, vector<1x16xf32>,
        %parallel_loop3A_1236 = vector.shape_cast %parallel_loop3A_1235 : vector<1x16xf32> to vector<16xf32>
        %parallel_loop3A_1237 = vector.shape_cast %parallel_loop3A_1216 : vector<16xf32> to vector<1x16xf32>
        tpu.vector_store %arg7[%parallel_loop3A_1233, %parallel_loop3A_1234], %parallel_loop3A_1237 {add = true, strides = array<i32>} : memref<32x768xf32, #tpu.memory_space<vmem>>, vector<1x16xf32>,
        %parallel_loop3A_1238 = arith.constant 24 : i32
        %parallel_loop3A_1239 = arith.addi %parallel_loop3A_1238, %parallel_loop3A_221 : i32
        %parallel_loop3A_1240 = arith.index_cast %parallel_loop3A_1239 : i32 to index
        %parallel_loop3A_1241 = arith.constant 480 : index
        %parallel_loop3A_1242 = tpu.vector_load %arg7[%parallel_loop3A_1240, %parallel_loop3A_1241] {strides = array<i32>} : memref<32x768xf32, #tpu.memory_space<vmem>>, vector<1x16xf32>,
        %parallel_loop3A_1243 = vector.shape_cast %parallel_loop3A_1242 : vector<1x16xf32> to vector<16xf32>
        %parallel_loop3A_1244 = vector.shape_cast %parallel_loop3A_1216 : vector<16xf32> to vector<1x16xf32>
        tpu.vector_store %arg7[%parallel_loop3A_1240, %parallel_loop3A_1241], %parallel_loop3A_1244 {add = true, strides = array<i32>} : memref<32x768xf32, #tpu.memory_space<vmem>>, vector<1x16xf32>,
        %parallel_loop3A_1245 = arith.addi %mul3A_72, %parallel_loop3A_221 : i32
        %parallel_loop3A_1246 = arith.index_cast %parallel_loop3A_1245 : i32 to index
        %parallel_loop3A_1247 = arith.constant 496 : index
        %parallel_loop3A_1248 = tpu.vector_load %arg9[%parallel_loop3A_1246, %parallel_loop3A_1247] {strides = array<i32>} : memref<64x768xf32, #tpu.memory_space<vmem>>, vector<1x16xf32>,
        %parallel_loop3A_1249 = vector.shape_cast %parallel_loop3A_1248 : vector<1x16xf32> to vector<16xf32>
        %parallel_loop3A_1250 = arith.constant 0 : i32
        %parallel_loop3A_1251 = arith.addi %parallel_loop3A_1250, %parallel_loop3A_221 : i32
        %parallel_loop3A_1252 = arith.index_cast %parallel_loop3A_1251 : i32 to index
        %parallel_loop3A_1253 = arith.constant 496 : index
        %parallel_loop3A_1254 = tpu.vector_load %arg7[%parallel_loop3A_1252, %parallel_loop3A_1253] {strides = array<i32>} : memref<32x768xf32, #tpu.memory_space<vmem>>, vector<1x16xf32>,
        %parallel_loop3A_1255 = vector.shape_cast %parallel_loop3A_1254 : vector<1x16xf32> to vector<16xf32>
        %parallel_loop3A_1256 = vector.shape_cast %parallel_loop3A_1249 : vector<16xf32> to vector<1x16xf32>
        tpu.vector_store %arg7[%parallel_loop3A_1252, %parallel_loop3A_1253], %parallel_loop3A_1256 {add = true, strides = array<i32>} : memref<32x768xf32, #tpu.memory_space<vmem>>, vector<1x16xf32>,
        %parallel_loop3A_1257 = arith.constant 8 : i32
        %parallel_loop3A_1258 = arith.addi %parallel_loop3A_1257, %parallel_loop3A_221 : i32
        %parallel_loop3A_1259 = arith.index_cast %parallel_loop3A_1258 : i32 to index
        %parallel_loop3A_1260 = arith.constant 496 : index
        %parallel_loop3A_1261 = tpu.vector_load %arg7[%parallel_loop3A_1259, %parallel_loop3A_1260] {strides = array<i32>} : memref<32x768xf32, #tpu.memory_space<vmem>>, vector<1x16xf32>,
        %parallel_loop3A_1262 = vector.shape_cast %parallel_loop3A_1261 : vector<1x16xf32> to vector<16xf32>
        %parallel_loop3A_1263 = vector.shape_cast %parallel_loop3A_1249 : vector<16xf32> to vector<1x16xf32>
        tpu.vector_store %arg7[%parallel_loop3A_1259, %parallel_loop3A_1260], %parallel_loop3A_1263 {add = true, strides = array<i32>} : memref<32x768xf32, #tpu.memory_space<vmem>>, vector<1x16xf32>,
        %parallel_loop3A_1264 = arith.constant 16 : i32
        %parallel_loop3A_1265 = arith.addi %parallel_loop3A_1264, %parallel_loop3A_221 : i32
        %parallel_loop3A_1266 = arith.index_cast %parallel_loop3A_1265 : i32 to index
        %parallel_loop3A_1267 = arith.constant 496 : index
        %parallel_loop3A_1268 = tpu.vector_load %arg7[%parallel_loop3A_1266, %parallel_loop3A_1267] {strides = array<i32>} : memref<32x768xf32, #tpu.memory_space<vmem>>, vector<1x16xf32>,
        %parallel_loop3A_1269 = vector.shape_cast %parallel_loop3A_1268 : vector<1x16xf32> to vector<16xf32>
        %parallel_loop3A_1270 = vector.shape_cast %parallel_loop3A_1249 : vector<16xf32> to vector<1x16xf32>
        tpu.vector_store %arg7[%parallel_loop3A_1266, %parallel_loop3A_1267], %parallel_loop3A_1270 {add = true, strides = array<i32>} : memref<32x768xf32, #tpu.memory_space<vmem>>, vector<1x16xf32>,
        %parallel_loop3A_1271 = arith.constant 24 : i32
        %parallel_loop3A_1272 = arith.addi %parallel_loop3A_1271, %parallel_loop3A_221 : i32
        %parallel_loop3A_1273 = arith.index_cast %parallel_loop3A_1272 : i32 to index
        %parallel_loop3A_1274 = arith.constant 496 : index
        %parallel_loop3A_1275 = tpu.vector_load %arg7[%parallel_loop3A_1273, %parallel_loop3A_1274] {strides = array<i32>} : memref<32x768xf32, #tpu.memory_space<vmem>>, vector<1x16xf32>,
        %parallel_loop3A_1276 = vector.shape_cast %parallel_loop3A_1275 : vector<1x16xf32> to vector<16xf32>
        %parallel_loop3A_1277 = vector.shape_cast %parallel_loop3A_1249 : vector<16xf32> to vector<1x16xf32>
        tpu.vector_store %arg7[%parallel_loop3A_1273, %parallel_loop3A_1274], %parallel_loop3A_1277 {add = true, strides = array<i32>} : memref<32x768xf32, #tpu.memory_space<vmem>>, vector<1x16xf32>,
        %parallel_loop3A_1278 = arith.addi %mul3A_72, %parallel_loop3A_221 : i32
        %parallel_loop3A_1279 = arith.index_cast %parallel_loop3A_1278 : i32 to index
        %parallel_loop3A_1280 = arith.constant 512 : index
        %parallel_loop3A_1281 = tpu.vector_load %arg9[%parallel_loop3A_1279, %parallel_loop3A_1280] {strides = array<i32>} : memref<64x768xf32, #tpu.memory_space<vmem>>, vector<1x16xf32>,
        %parallel_loop3A_1282 = vector.shape_cast %parallel_loop3A_1281 : vector<1x16xf32> to vector<16xf32>
        %parallel_loop3A_1283 = arith.constant 0 : i32
        %parallel_loop3A_1284 = arith.addi %parallel_loop3A_1283, %parallel_loop3A_221 : i32
        %parallel_loop3A_1285 = arith.index_cast %parallel_loop3A_1284 : i32 to index
        %parallel_loop3A_1286 = arith.constant 512 : index
        %parallel_loop3A_1287 = tpu.vector_load %arg7[%parallel_loop3A_1285, %parallel_loop3A_1286] {strides = array<i32>} : memref<32x768xf32, #tpu.memory_space<vmem>>, vector<1x16xf32>,
        %parallel_loop3A_1288 = vector.shape_cast %parallel_loop3A_1287 : vector<1x16xf32> to vector<16xf32>
        %parallel_loop3A_1289 = vector.shape_cast %parallel_loop3A_1282 : vector<16xf32> to vector<1x16xf32>
        tpu.vector_store %arg7[%parallel_loop3A_1285, %parallel_loop3A_1286], %parallel_loop3A_1289 {add = true, strides = array<i32>} : memref<32x768xf32, #tpu.memory_space<vmem>>, vector<1x16xf32>,
        %parallel_loop3A_1290 = arith.constant 8 : i32
        %parallel_loop3A_1291 = arith.addi %parallel_loop3A_1290, %parallel_loop3A_221 : i32
        %parallel_loop3A_1292 = arith.index_cast %parallel_loop3A_1291 : i32 to index
        %parallel_loop3A_1293 = arith.constant 512 : index
        %parallel_loop3A_1294 = tpu.vector_load %arg7[%parallel_loop3A_1292, %parallel_loop3A_1293] {strides = array<i32>} : memref<32x768xf32, #tpu.memory_space<vmem>>, vector<1x16xf32>,
        %parallel_loop3A_1295 = vector.shape_cast %parallel_loop3A_1294 : vector<1x16xf32> to vector<16xf32>
        %parallel_loop3A_1296 = vector.shape_cast %parallel_loop3A_1282 : vector<16xf32> to vector<1x16xf32>
        tpu.vector_store %arg7[%parallel_loop3A_1292, %parallel_loop3A_1293], %parallel_loop3A_1296 {add = true, strides = array<i32>} : memref<32x768xf32, #tpu.memory_space<vmem>>, vector<1x16xf32>,
        %parallel_loop3A_1297 = arith.constant 16 : i32
        %parallel_loop3A_1298 = arith.addi %parallel_loop3A_1297, %parallel_loop3A_221 : i32
        %parallel_loop3A_1299 = arith.index_cast %parallel_loop3A_1298 : i32 to index
        %parallel_loop3A_1300 = arith.constant 512 : index
        %parallel_loop3A_1301 = tpu.vector_load %arg7[%parallel_loop3A_1299, %parallel_loop3A_1300] {strides = array<i32>} : memref<32x768xf32, #tpu.memory_space<vmem>>, vector<1x16xf32>,
        %parallel_loop3A_1302 = vector.shape_cast %parallel_loop3A_1301 : vector<1x16xf32> to vector<16xf32>
        %parallel_loop3A_1303 = vector.shape_cast %parallel_loop3A_1282 : vector<16xf32> to vector<1x16xf32>
        tpu.vector_store %arg7[%parallel_loop3A_1299, %parallel_loop3A_1300], %parallel_loop3A_1303 {add = true, strides = array<i32>} : memref<32x768xf32, #tpu.memory_space<vmem>>, vector<1x16xf32>,
        %parallel_loop3A_1304 = arith.constant 24 : i32
        %parallel_loop3A_1305 = arith.addi %parallel_loop3A_1304, %parallel_loop3A_221 : i32
        %parallel_loop3A_1306 = arith.index_cast %parallel_loop3A_1305 : i32 to index
        %parallel_loop3A_1307 = arith.constant 512 : index
        %parallel_loop3A_1308 = tpu.vector_load %arg7[%parallel_loop3A_1306, %parallel_loop3A_1307] {strides = array<i32>} : memref<32x768xf32, #tpu.memory_space<vmem>>, vector<1x16xf32>,
        %parallel_loop3A_1309 = vector.shape_cast %parallel_loop3A_1308 : vector<1x16xf32> to vector<16xf32>
        %parallel_loop3A_1310 = vector.shape_cast %parallel_loop3A_1282 : vector<16xf32> to vector<1x16xf32>
        tpu.vector_store %arg7[%parallel_loop3A_1306, %parallel_loop3A_1307], %parallel_loop3A_1310 {add = true, strides = array<i32>} : memref<32x768xf32, #tpu.memory_space<vmem>>, vector<1x16xf32>,
        %parallel_loop3A_1311 = arith.addi %mul3A_72, %parallel_loop3A_221 : i32
        %parallel_loop3A_1312 = arith.index_cast %parallel_loop3A_1311 : i32 to index
        %parallel_loop3A_1313 = arith.constant 528 : index
        %parallel_loop3A_1314 = tpu.vector_load %arg9[%parallel_loop3A_1312, %parallel_loop3A_1313] {strides = array<i32>} : memref<64x768xf32, #tpu.memory_space<vmem>>, vector<1x16xf32>,
        %parallel_loop3A_1315 = vector.shape_cast %parallel_loop3A_1314 : vector<1x16xf32> to vector<16xf32>
        %parallel_loop3A_1316 = arith.constant 0 : i32
        %parallel_loop3A_1317 = arith.addi %parallel_loop3A_1316, %parallel_loop3A_221 : i32
        %parallel_loop3A_1318 = arith.index_cast %parallel_loop3A_1317 : i32 to index
        %parallel_loop3A_1319 = arith.constant 528 : index
        %parallel_loop3A_1320 = tpu.vector_load %arg7[%parallel_loop3A_1318, %parallel_loop3A_1319] {strides = array<i32>} : memref<32x768xf32, #tpu.memory_space<vmem>>, vector<1x16xf32>,
        %parallel_loop3A_1321 = vector.shape_cast %parallel_loop3A_1320 : vector<1x16xf32> to vector<16xf32>
        %parallel_loop3A_1322 = vector.shape_cast %parallel_loop3A_1315 : vector<16xf32> to vector<1x16xf32>
        tpu.vector_store %arg7[%parallel_loop3A_1318, %parallel_loop3A_1319], %parallel_loop3A_1322 {add = true, strides = array<i32>} : memref<32x768xf32, #tpu.memory_space<vmem>>, vector<1x16xf32>,
        %parallel_loop3A_1323 = arith.constant 8 : i32
        %parallel_loop3A_1324 = arith.addi %parallel_loop3A_1323, %parallel_loop3A_221 : i32
        %parallel_loop3A_1325 = arith.index_cast %parallel_loop3A_1324 : i32 to index
        %parallel_loop3A_1326 = arith.constant 528 : index
        %parallel_loop3A_1327 = tpu.vector_load %arg7[%parallel_loop3A_1325, %parallel_loop3A_1326] {strides = array<i32>} : memref<32x768xf32, #tpu.memory_space<vmem>>, vector<1x16xf32>,
        %parallel_loop3A_1328 = vector.shape_cast %parallel_loop3A_1327 : vector<1x16xf32> to vector<16xf32>
        %parallel_loop3A_1329 = vector.shape_cast %parallel_loop3A_1315 : vector<16xf32> to vector<1x16xf32>
        tpu.vector_store %arg7[%parallel_loop3A_1325, %parallel_loop3A_1326], %parallel_loop3A_1329 {add = true, strides = array<i32>} : memref<32x768xf32, #tpu.memory_space<vmem>>, vector<1x16xf32>,
        %parallel_loop3A_1330 = arith.constant 16 : i32
        %parallel_loop3A_1331 = arith.addi %parallel_loop3A_1330, %parallel_loop3A_221 : i32
        %parallel_loop3A_1332 = arith.index_cast %parallel_loop3A_1331 : i32 to index
        %parallel_loop3A_1333 = arith.constant 528 : index
        %parallel_loop3A_1334 = tpu.vector_load %arg7[%parallel_loop3A_1332, %parallel_loop3A_1333] {strides = array<i32>} : memref<32x768xf32, #tpu.memory_space<vmem>>, vector<1x16xf32>,
        %parallel_loop3A_1335 = vector.shape_cast %parallel_loop3A_1334 : vector<1x16xf32> to vector<16xf32>
        %parallel_loop3A_1336 = vector.shape_cast %parallel_loop3A_1315 : vector<16xf32> to vector<1x16xf32>
        tpu.vector_store %arg7[%parallel_loop3A_1332, %parallel_loop3A_1333], %parallel_loop3A_1336 {add = true, strides = array<i32>} : memref<32x768xf32, #tpu.memory_space<vmem>>, vector<1x16xf32>,
        %parallel_loop3A_1337 = arith.constant 24 : i32
        %parallel_loop3A_1338 = arith.addi %parallel_loop3A_1337, %parallel_loop3A_221 : i32
        %parallel_loop3A_1339 = arith.index_cast %parallel_loop3A_1338 : i32 to index
        %parallel_loop3A_1340 = arith.constant 528 : index
        %parallel_loop3A_1341 = tpu.vector_load %arg7[%parallel_loop3A_1339, %parallel_loop3A_1340] {strides = array<i32>} : memref<32x768xf32, #tpu.memory_space<vmem>>, vector<1x16xf32>,
        %parallel_loop3A_1342 = vector.shape_cast %parallel_loop3A_1341 : vector<1x16xf32> to vector<16xf32>
        %parallel_loop3A_1343 = vector.shape_cast %parallel_loop3A_1315 : vector<16xf32> to vector<1x16xf32>
        tpu.vector_store %arg7[%parallel_loop3A_1339, %parallel_loop3A_1340], %parallel_loop3A_1343 {add = true, strides = array<i32>} : memref<32x768xf32, #tpu.memory_space<vmem>>, vector<1x16xf32>,
        %parallel_loop3A_1344 = arith.addi %mul3A_72, %parallel_loop3A_221 : i32
        %parallel_loop3A_1345 = arith.index_cast %parallel_loop3A_1344 : i32 to index
        %parallel_loop3A_1346 = arith.constant 544 : index
        %parallel_loop3A_1347 = tpu.vector_load %arg9[%parallel_loop3A_1345, %parallel_loop3A_1346] {strides = array<i32>} : memref<64x768xf32, #tpu.memory_space<vmem>>, vector<1x16xf32>,
        %parallel_loop3A_1348 = vector.shape_cast %parallel_loop3A_1347 : vector<1x16xf32> to vector<16xf32>
        %parallel_loop3A_1349 = arith.constant 0 : i32
        %parallel_loop3A_1350 = arith.addi %parallel_loop3A_1349, %parallel_loop3A_221 : i32
        %parallel_loop3A_1351 = arith.index_cast %parallel_loop3A_1350 : i32 to index
        %parallel_loop3A_1352 = arith.constant 544 : index
        %parallel_loop3A_1353 = tpu.vector_load %arg7[%parallel_loop3A_1351, %parallel_loop3A_1352] {strides = array<i32>} : memref<32x768xf32, #tpu.memory_space<vmem>>, vector<1x16xf32>,
        %parallel_loop3A_1354 = vector.shape_cast %parallel_loop3A_1353 : vector<1x16xf32> to vector<16xf32>
        %parallel_loop3A_1355 = vector.shape_cast %parallel_loop3A_1348 : vector<16xf32> to vector<1x16xf32>
        tpu.vector_store %arg7[%parallel_loop3A_1351, %parallel_loop3A_1352], %parallel_loop3A_1355 {add = true, strides = array<i32>} : memref<32x768xf32, #tpu.memory_space<vmem>>, vector<1x16xf32>,
        %parallel_loop3A_1356 = arith.constant 8 : i32
        %parallel_loop3A_1357 = arith.addi %parallel_loop3A_1356, %parallel_loop3A_221 : i32
        %parallel_loop3A_1358 = arith.index_cast %parallel_loop3A_1357 : i32 to index
        %parallel_loop3A_1359 = arith.constant 544 : index
        %parallel_loop3A_1360 = tpu.vector_load %arg7[%parallel_loop3A_1358, %parallel_loop3A_1359] {strides = array<i32>} : memref<32x768xf32, #tpu.memory_space<vmem>>, vector<1x16xf32>,
        %parallel_loop3A_1361 = vector.shape_cast %parallel_loop3A_1360 : vector<1x16xf32> to vector<16xf32>
        %parallel_loop3A_1362 = vector.shape_cast %parallel_loop3A_1348 : vector<16xf32> to vector<1x16xf32>
        tpu.vector_store %arg7[%parallel_loop3A_1358, %parallel_loop3A_1359], %parallel_loop3A_1362 {add = true, strides = array<i32>} : memref<32x768xf32, #tpu.memory_space<vmem>>, vector<1x16xf32>,
        %parallel_loop3A_1363 = arith.constant 16 : i32
        %parallel_loop3A_1364 = arith.addi %parallel_loop3A_1363, %parallel_loop3A_221 : i32
        %parallel_loop3A_1365 = arith.index_cast %parallel_loop3A_1364 : i32 to index
        %parallel_loop3A_1366 = arith.constant 544 : index
        %parallel_loop3A_1367 = tpu.vector_load %arg7[%parallel_loop3A_1365, %parallel_loop3A_1366] {strides = array<i32>} : memref<32x768xf32, #tpu.memory_space<vmem>>, vector<1x16xf32>,
        %parallel_loop3A_1368 = vector.shape_cast %parallel_loop3A_1367 : vector<1x16xf32> to vector<16xf32>
        %parallel_loop3A_1369 = vector.shape_cast %parallel_loop3A_1348 : vector<16xf32> to vector<1x16xf32>
        tpu.vector_store %arg7[%parallel_loop3A_1365, %parallel_loop3A_1366], %parallel_loop3A_1369 {add = true, strides = array<i32>} : memref<32x768xf32, #tpu.memory_space<vmem>>, vector<1x16xf32>,
        %parallel_loop3A_1370 = arith.constant 24 : i32
        %parallel_loop3A_1371 = arith.addi %parallel_loop3A_1370, %parallel_loop3A_221 : i32
        %parallel_loop3A_1372 = arith.index_cast %parallel_loop3A_1371 : i32 to index
        %parallel_loop3A_1373 = arith.constant 544 : index
        %parallel_loop3A_1374 = tpu.vector_load %arg7[%parallel_loop3A_1372, %parallel_loop3A_1373] {strides = array<i32>} : memref<32x768xf32, #tpu.memory_space<vmem>>, vector<1x16xf32>,
        %parallel_loop3A_1375 = vector.shape_cast %parallel_loop3A_1374 : vector<1x16xf32> to vector<16xf32>
        %parallel_loop3A_1376 = vector.shape_cast %parallel_loop3A_1348 : vector<16xf32> to vector<1x16xf32>
        tpu.vector_store %arg7[%parallel_loop3A_1372, %parallel_loop3A_1373], %parallel_loop3A_1376 {add = true, strides = array<i32>} : memref<32x768xf32, #tpu.memory_space<vmem>>, vector<1x16xf32>,
        %parallel_loop3A_1377 = arith.addi %mul3A_72, %parallel_loop3A_221 : i32
        %parallel_loop3A_1378 = arith.index_cast %parallel_loop3A_1377 : i32 to index
        %parallel_loop3A_1379 = arith.constant 560 : index
        %parallel_loop3A_1380 = tpu.vector_load %arg9[%parallel_loop3A_1378, %parallel_loop3A_1379] {strides = array<i32>} : memref<64x768xf32, #tpu.memory_space<vmem>>, vector<1x16xf32>,
        %parallel_loop3A_1381 = vector.shape_cast %parallel_loop3A_1380 : vector<1x16xf32> to vector<16xf32>
        %parallel_loop3A_1382 = arith.constant 0 : i32
        %parallel_loop3A_1383 = arith.addi %parallel_loop3A_1382, %parallel_loop3A_221 : i32
        %parallel_loop3A_1384 = arith.index_cast %parallel_loop3A_1383 : i32 to index
        %parallel_loop3A_1385 = arith.constant 560 : index
        %parallel_loop3A_1386 = tpu.vector_load %arg7[%parallel_loop3A_1384, %parallel_loop3A_1385] {strides = array<i32>} : memref<32x768xf32, #tpu.memory_space<vmem>>, vector<1x16xf32>,
        %parallel_loop3A_1387 = vector.shape_cast %parallel_loop3A_1386 : vector<1x16xf32> to vector<16xf32>
        %parallel_loop3A_1388 = vector.shape_cast %parallel_loop3A_1381 : vector<16xf32> to vector<1x16xf32>
        tpu.vector_store %arg7[%parallel_loop3A_1384, %parallel_loop3A_1385], %parallel_loop3A_1388 {add = true, strides = array<i32>} : memref<32x768xf32, #tpu.memory_space<vmem>>, vector<1x16xf32>,
        %parallel_loop3A_1389 = arith.constant 8 : i32
        %parallel_loop3A_1390 = arith.addi %parallel_loop3A_1389, %parallel_loop3A_221 : i32
        %parallel_loop3A_1391 = arith.index_cast %parallel_loop3A_1390 : i32 to index
        %parallel_loop3A_1392 = arith.constant 560 : index
        %parallel_loop3A_1393 = tpu.vector_load %arg7[%parallel_loop3A_1391, %parallel_loop3A_1392] {strides = array<i32>} : memref<32x768xf32, #tpu.memory_space<vmem>>, vector<1x16xf32>,
        %parallel_loop3A_1394 = vector.shape_cast %parallel_loop3A_1393 : vector<1x16xf32> to vector<16xf32>
        %parallel_loop3A_1395 = vector.shape_cast %parallel_loop3A_1381 : vector<16xf32> to vector<1x16xf32>
        tpu.vector_store %arg7[%parallel_loop3A_1391, %parallel_loop3A_1392], %parallel_loop3A_1395 {add = true, strides = array<i32>} : memref<32x768xf32, #tpu.memory_space<vmem>>, vector<1x16xf32>,
        %parallel_loop3A_1396 = arith.constant 16 : i32
        %parallel_loop3A_1397 = arith.addi %parallel_loop3A_1396, %parallel_loop3A_221 : i32
        %parallel_loop3A_1398 = arith.index_cast %parallel_loop3A_1397 : i32 to index
        %parallel_loop3A_1399 = arith.constant 560 : index
        %parallel_loop3A_1400 = tpu.vector_load %arg7[%parallel_loop3A_1398, %parallel_loop3A_1399] {strides = array<i32>} : memref<32x768xf32, #tpu.memory_space<vmem>>, vector<1x16xf32>,
        %parallel_loop3A_1401 = vector.shape_cast %parallel_loop3A_1400 : vector<1x16xf32> to vector<16xf32>
        %parallel_loop3A_1402 = vector.shape_cast %parallel_loop3A_1381 : vector<16xf32> to vector<1x16xf32>
        tpu.vector_store %arg7[%parallel_loop3A_1398, %parallel_loop3A_1399], %parallel_loop3A_1402 {add = true, strides = array<i32>} : memref<32x768xf32, #tpu.memory_space<vmem>>, vector<1x16xf32>,
        %parallel_loop3A_1403 = arith.constant 24 : i32
        %parallel_loop3A_1404 = arith.addi %parallel_loop3A_1403, %parallel_loop3A_221 : i32
        %parallel_loop3A_1405 = arith.index_cast %parallel_loop3A_1404 : i32 to index
        %parallel_loop3A_1406 = arith.constant 560 : index
        %parallel_loop3A_1407 = tpu.vector_load %arg7[%parallel_loop3A_1405, %parallel_loop3A_1406] {strides = array<i32>} : memref<32x768xf32, #tpu.memory_space<vmem>>, vector<1x16xf32>,
        %parallel_loop3A_1408 = vector.shape_cast %parallel_loop3A_1407 : vector<1x16xf32> to vector<16xf32>
        %parallel_loop3A_1409 = vector.shape_cast %parallel_loop3A_1381 : vector<16xf32> to vector<1x16xf32>
        tpu.vector_store %arg7[%parallel_loop3A_1405, %parallel_loop3A_1406], %parallel_loop3A_1409 {add = true, strides = array<i32>} : memref<32x768xf32, #tpu.memory_space<vmem>>, vector<1x16xf32>,
        %parallel_loop3A_1410 = arith.addi %mul3A_72, %parallel_loop3A_221 : i32
        %parallel_loop3A_1411 = arith.index_cast %parallel_loop3A_1410 : i32 to index
        %parallel_loop3A_1412 = arith.constant 576 : index
        %parallel_loop3A_1413 = tpu.vector_load %arg9[%parallel_loop3A_1411, %parallel_loop3A_1412] {strides = array<i32>} : memref<64x768xf32, #tpu.memory_space<vmem>>, vector<1x16xf32>,
        %parallel_loop3A_1414 = vector.shape_cast %parallel_loop3A_1413 : vector<1x16xf32> to vector<16xf32>
        %parallel_loop3A_1415 = arith.constant 0 : i32
        %parallel_loop3A_1416 = arith.addi %parallel_loop3A_1415, %parallel_loop3A_221 : i32
        %parallel_loop3A_1417 = arith.index_cast %parallel_loop3A_1416 : i32 to index
        %parallel_loop3A_1418 = arith.constant 576 : index
        %parallel_loop3A_1419 = tpu.vector_load %arg7[%parallel_loop3A_1417, %parallel_loop3A_1418] {strides = array<i32>} : memref<32x768xf32, #tpu.memory_space<vmem>>, vector<1x16xf32>,
        %parallel_loop3A_1420 = vector.shape_cast %parallel_loop3A_1419 : vector<1x16xf32> to vector<16xf32>
        %parallel_loop3A_1421 = vector.shape_cast %parallel_loop3A_1414 : vector<16xf32> to vector<1x16xf32>
        tpu.vector_store %arg7[%parallel_loop3A_1417, %parallel_loop3A_1418], %parallel_loop3A_1421 {add = true, strides = array<i32>} : memref<32x768xf32, #tpu.memory_space<vmem>>, vector<1x16xf32>,
        %parallel_loop3A_1422 = arith.constant 8 : i32
        %parallel_loop3A_1423 = arith.addi %parallel_loop3A_1422, %parallel_loop3A_221 : i32
        %parallel_loop3A_1424 = arith.index_cast %parallel_loop3A_1423 : i32 to index
        %parallel_loop3A_1425 = arith.constant 576 : index
        %parallel_loop3A_1426 = tpu.vector_load %arg7[%parallel_loop3A_1424, %parallel_loop3A_1425] {strides = array<i32>} : memref<32x768xf32, #tpu.memory_space<vmem>>, vector<1x16xf32>,
        %parallel_loop3A_1427 = vector.shape_cast %parallel_loop3A_1426 : vector<1x16xf32> to vector<16xf32>
        %parallel_loop3A_1428 = vector.shape_cast %parallel_loop3A_1414 : vector<16xf32> to vector<1x16xf32>
        tpu.vector_store %arg7[%parallel_loop3A_1424, %parallel_loop3A_1425], %parallel_loop3A_1428 {add = true, strides = array<i32>} : memref<32x768xf32, #tpu.memory_space<vmem>>, vector<1x16xf32>,
        %parallel_loop3A_1429 = arith.constant 16 : i32
        %parallel_loop3A_1430 = arith.addi %parallel_loop3A_1429, %parallel_loop3A_221 : i32
        %parallel_loop3A_1431 = arith.index_cast %parallel_loop3A_1430 : i32 to index
        %parallel_loop3A_1432 = arith.constant 576 : index
        %parallel_loop3A_1433 = tpu.vector_load %arg7[%parallel_loop3A_1431, %parallel_loop3A_1432] {strides = array<i32>} : memref<32x768xf32, #tpu.memory_space<vmem>>, vector<1x16xf32>,
        %parallel_loop3A_1434 = vector.shape_cast %parallel_loop3A_1433 : vector<1x16xf32> to vector<16xf32>
        %parallel_loop3A_1435 = vector.shape_cast %parallel_loop3A_1414 : vector<16xf32> to vector<1x16xf32>
        tpu.vector_store %arg7[%parallel_loop3A_1431, %parallel_loop3A_1432], %parallel_loop3A_1435 {add = true, strides = array<i32>} : memref<32x768xf32, #tpu.memory_space<vmem>>, vector<1x16xf32>,
        %parallel_loop3A_1436 = arith.constant 24 : i32
        %parallel_loop3A_1437 = arith.addi %parallel_loop3A_1436, %parallel_loop3A_221 : i32
        %parallel_loop3A_1438 = arith.index_cast %parallel_loop3A_1437 : i32 to index
        %parallel_loop3A_1439 = arith.constant 576 : index
        %parallel_loop3A_1440 = tpu.vector_load %arg7[%parallel_loop3A_1438, %parallel_loop3A_1439] {strides = array<i32>} : memref<32x768xf32, #tpu.memory_space<vmem>>, vector<1x16xf32>,
        %parallel_loop3A_1441 = vector.shape_cast %parallel_loop3A_1440 : vector<1x16xf32> to vector<16xf32>
        %parallel_loop3A_1442 = vector.shape_cast %parallel_loop3A_1414 : vector<16xf32> to vector<1x16xf32>
        tpu.vector_store %arg7[%parallel_loop3A_1438, %parallel_loop3A_1439], %parallel_loop3A_1442 {add = true, strides = array<i32>} : memref<32x768xf32, #tpu.memory_space<vmem>>, vector<1x16xf32>,
        %parallel_loop3A_1443 = arith.addi %mul3A_72, %parallel_loop3A_221 : i32
        %parallel_loop3A_1444 = arith.index_cast %parallel_loop3A_1443 : i32 to index
        %parallel_loop3A_1445 = arith.constant 592 : index
        %parallel_loop3A_1446 = tpu.vector_load %arg9[%parallel_loop3A_1444, %parallel_loop3A_1445] {strides = array<i32>} : memref<64x768xf32, #tpu.memory_space<vmem>>, vector<1x16xf32>,
        %parallel_loop3A_1447 = vector.shape_cast %parallel_loop3A_1446 : vector<1x16xf32> to vector<16xf32>
        %parallel_loop3A_1448 = arith.constant 0 : i32
        %parallel_loop3A_1449 = arith.addi %parallel_loop3A_1448, %parallel_loop3A_221 : i32
        %parallel_loop3A_1450 = arith.index_cast %parallel_loop3A_1449 : i32 to index
        %parallel_loop3A_1451 = arith.constant 592 : index
        %parallel_loop3A_1452 = tpu.vector_load %arg7[%parallel_loop3A_1450, %parallel_loop3A_1451] {strides = array<i32>} : memref<32x768xf32, #tpu.memory_space<vmem>>, vector<1x16xf32>,
        %parallel_loop3A_1453 = vector.shape_cast %parallel_loop3A_1452 : vector<1x16xf32> to vector<16xf32>
        %parallel_loop3A_1454 = vector.shape_cast %parallel_loop3A_1447 : vector<16xf32> to vector<1x16xf32>
        tpu.vector_store %arg7[%parallel_loop3A_1450, %parallel_loop3A_1451], %parallel_loop3A_1454 {add = true, strides = array<i32>} : memref<32x768xf32, #tpu.memory_space<vmem>>, vector<1x16xf32>,
        %parallel_loop3A_1455 = arith.constant 8 : i32
        %parallel_loop3A_1456 = arith.addi %parallel_loop3A_1455, %parallel_loop3A_221 : i32
        %parallel_loop3A_1457 = arith.index_cast %parallel_loop3A_1456 : i32 to index
        %parallel_loop3A_1458 = arith.constant 592 : index
        %parallel_loop3A_1459 = tpu.vector_load %arg7[%parallel_loop3A_1457, %parallel_loop3A_1458] {strides = array<i32>} : memref<32x768xf32, #tpu.memory_space<vmem>>, vector<1x16xf32>,
        %parallel_loop3A_1460 = vector.shape_cast %parallel_loop3A_1459 : vector<1x16xf32> to vector<16xf32>
        %parallel_loop3A_1461 = vector.shape_cast %parallel_loop3A_1447 : vector<16xf32> to vector<1x16xf32>
        tpu.vector_store %arg7[%parallel_loop3A_1457, %parallel_loop3A_1458], %parallel_loop3A_1461 {add = true, strides = array<i32>} : memref<32x768xf32, #tpu.memory_space<vmem>>, vector<1x16xf32>,
        %parallel_loop3A_1462 = arith.constant 16 : i32
        %parallel_loop3A_1463 = arith.addi %parallel_loop3A_1462, %parallel_loop3A_221 : i32
        %parallel_loop3A_1464 = arith.index_cast %parallel_loop3A_1463 : i32 to index
        %parallel_loop3A_1465 = arith.constant 592 : index
        %parallel_loop3A_1466 = tpu.vector_load %arg7[%parallel_loop3A_1464, %parallel_loop3A_1465] {strides = array<i32>} : memref<32x768xf32, #tpu.memory_space<vmem>>, vector<1x16xf32>,
        %parallel_loop3A_1467 = vector.shape_cast %parallel_loop3A_1466 : vector<1x16xf32> to vector<16xf32>
        %parallel_loop3A_1468 = vector.shape_cast %parallel_loop3A_1447 : vector<16xf32> to vector<1x16xf32>
        tpu.vector_store %arg7[%parallel_loop3A_1464, %parallel_loop3A_1465], %parallel_loop3A_1468 {add = true, strides = array<i32>} : memref<32x768xf32, #tpu.memory_space<vmem>>, vector<1x16xf32>,
        %parallel_loop3A_1469 = arith.constant 24 : i32
        %parallel_loop3A_1470 = arith.addi %parallel_loop3A_1469, %parallel_loop3A_221 : i32
        %parallel_loop3A_1471 = arith.index_cast %parallel_loop3A_1470 : i32 to index
        %parallel_loop3A_1472 = arith.constant 592 : index
        %parallel_loop3A_1473 = tpu.vector_load %arg7[%parallel_loop3A_1471, %parallel_loop3A_1472] {strides = array<i32>} : memref<32x768xf32, #tpu.memory_space<vmem>>, vector<1x16xf32>,
        %parallel_loop3A_1474 = vector.shape_cast %parallel_loop3A_1473 : vector<1x16xf32> to vector<16xf32>
        %parallel_loop3A_1475 = vector.shape_cast %parallel_loop3A_1447 : vector<16xf32> to vector<1x16xf32>
        tpu.vector_store %arg7[%parallel_loop3A_1471, %parallel_loop3A_1472], %parallel_loop3A_1475 {add = true, strides = array<i32>} : memref<32x768xf32, #tpu.memory_space<vmem>>, vector<1x16xf32>,
        %parallel_loop3A_1476 = arith.addi %mul3A_72, %parallel_loop3A_221 : i32
        %parallel_loop3A_1477 = arith.index_cast %parallel_loop3A_1476 : i32 to index
        %parallel_loop3A_1478 = arith.constant 608 : index
        %parallel_loop3A_1479 = tpu.vector_load %arg9[%parallel_loop3A_1477, %parallel_loop3A_1478] {strides = array<i32>} : memref<64x768xf32, #tpu.memory_space<vmem>>, vector<1x16xf32>,
        %parallel_loop3A_1480 = vector.shape_cast %parallel_loop3A_1479 : vector<1x16xf32> to vector<16xf32>
        %parallel_loop3A_1481 = arith.constant 0 : i32
        %parallel_loop3A_1482 = arith.addi %parallel_loop3A_1481, %parallel_loop3A_221 : i32
        %parallel_loop3A_1483 = arith.index_cast %parallel_loop3A_1482 : i32 to index
        %parallel_loop3A_1484 = arith.constant 608 : index
        %parallel_loop3A_1485 = tpu.vector_load %arg7[%parallel_loop3A_1483, %parallel_loop3A_1484] {strides = array<i32>} : memref<32x768xf32, #tpu.memory_space<vmem>>, vector<1x16xf32>,
        %parallel_loop3A_1486 = vector.shape_cast %parallel_loop3A_1485 : vector<1x16xf32> to vector<16xf32>
        %parallel_loop3A_1487 = vector.shape_cast %parallel_loop3A_1480 : vector<16xf32> to vector<1x16xf32>
        tpu.vector_store %arg7[%parallel_loop3A_1483, %parallel_loop3A_1484], %parallel_loop3A_1487 {add = true, strides = array<i32>} : memref<32x768xf32, #tpu.memory_space<vmem>>, vector<1x16xf32>,
        %parallel_loop3A_1488 = arith.constant 8 : i32
        %parallel_loop3A_1489 = arith.addi %parallel_loop3A_1488, %parallel_loop3A_221 : i32
        %parallel_loop3A_1490 = arith.index_cast %parallel_loop3A_1489 : i32 to index
        %parallel_loop3A_1491 = arith.constant 608 : index
        %parallel_loop3A_1492 = tpu.vector_load %arg7[%parallel_loop3A_1490, %parallel_loop3A_1491] {strides = array<i32>} : memref<32x768xf32, #tpu.memory_space<vmem>>, vector<1x16xf32>,
        %parallel_loop3A_1493 = vector.shape_cast %parallel_loop3A_1492 : vector<1x16xf32> to vector<16xf32>
        %parallel_loop3A_1494 = vector.shape_cast %parallel_loop3A_1480 : vector<16xf32> to vector<1x16xf32>
        tpu.vector_store %arg7[%parallel_loop3A_1490, %parallel_loop3A_1491], %parallel_loop3A_1494 {add = true, strides = array<i32>} : memref<32x768xf32, #tpu.memory_space<vmem>>, vector<1x16xf32>,
        %parallel_loop3A_1495 = arith.constant 16 : i32
        %parallel_loop3A_1496 = arith.addi %parallel_loop3A_1495, %parallel_loop3A_221 : i32
        %parallel_loop3A_1497 = arith.index_cast %parallel_loop3A_1496 : i32 to index
        %parallel_loop3A_1498 = arith.constant 608 : index
        %parallel_loop3A_1499 = tpu.vector_load %arg7[%parallel_loop3A_1497, %parallel_loop3A_1498] {strides = array<i32>} : memref<32x768xf32, #tpu.memory_space<vmem>>, vector<1x16xf32>,
        %parallel_loop3A_1500 = vector.shape_cast %parallel_loop3A_1499 : vector<1x16xf32> to vector<16xf32>
        %parallel_loop3A_1501 = vector.shape_cast %parallel_loop3A_1480 : vector<16xf32> to vector<1x16xf32>
        tpu.vector_store %arg7[%parallel_loop3A_1497, %parallel_loop3A_1498], %parallel_loop3A_1501 {add = true, strides = array<i32>} : memref<32x768xf32, #tpu.memory_space<vmem>>, vector<1x16xf32>,
        %parallel_loop3A_1502 = arith.constant 24 : i32
        %parallel_loop3A_1503 = arith.addi %parallel_loop3A_1502, %parallel_loop3A_221 : i32
        %parallel_loop3A_1504 = arith.index_cast %parallel_loop3A_1503 : i32 to index
        %parallel_loop3A_1505 = arith.constant 608 : index
        %parallel_loop3A_1506 = tpu.vector_load %arg7[%parallel_loop3A_1504, %parallel_loop3A_1505] {strides = array<i32>} : memref<32x768xf32, #tpu.memory_space<vmem>>, vector<1x16xf32>,
        %parallel_loop3A_1507 = vector.shape_cast %parallel_loop3A_1506 : vector<1x16xf32> to vector<16xf32>
        %parallel_loop3A_1508 = vector.shape_cast %parallel_loop3A_1480 : vector<16xf32> to vector<1x16xf32>
        tpu.vector_store %arg7[%parallel_loop3A_1504, %parallel_loop3A_1505], %parallel_loop3A_1508 {add = true, strides = array<i32>} : memref<32x768xf32, #tpu.memory_space<vmem>>, vector<1x16xf32>,
        %parallel_loop3A_1509 = arith.addi %mul3A_72, %parallel_loop3A_221 : i32
        %parallel_loop3A_1510 = arith.index_cast %parallel_loop3A_1509 : i32 to index
        %parallel_loop3A_1511 = arith.constant 624 : index
        %parallel_loop3A_1512 = tpu.vector_load %arg9[%parallel_loop3A_1510, %parallel_loop3A_1511] {strides = array<i32>} : memref<64x768xf32, #tpu.memory_space<vmem>>, vector<1x16xf32>,
        %parallel_loop3A_1513 = vector.shape_cast %parallel_loop3A_1512 : vector<1x16xf32> to vector<16xf32>
        %parallel_loop3A_1514 = arith.constant 0 : i32
        %parallel_loop3A_1515 = arith.addi %parallel_loop3A_1514, %parallel_loop3A_221 : i32
        %parallel_loop3A_1516 = arith.index_cast %parallel_loop3A_1515 : i32 to index
        %parallel_loop3A_1517 = arith.constant 624 : index
        %parallel_loop3A_1518 = tpu.vector_load %arg7[%parallel_loop3A_1516, %parallel_loop3A_1517] {strides = array<i32>} : memref<32x768xf32, #tpu.memory_space<vmem>>, vector<1x16xf32>,
        %parallel_loop3A_1519 = vector.shape_cast %parallel_loop3A_1518 : vector<1x16xf32> to vector<16xf32>
        %parallel_loop3A_1520 = vector.shape_cast %parallel_loop3A_1513 : vector<16xf32> to vector<1x16xf32>
        tpu.vector_store %arg7[%parallel_loop3A_1516, %parallel_loop3A_1517], %parallel_loop3A_1520 {add = true, strides = array<i32>} : memref<32x768xf32, #tpu.memory_space<vmem>>, vector<1x16xf32>,
        %parallel_loop3A_1521 = arith.constant 8 : i32
        %parallel_loop3A_1522 = arith.addi %parallel_loop3A_1521, %parallel_loop3A_221 : i32
        %parallel_loop3A_1523 = arith.index_cast %parallel_loop3A_1522 : i32 to index
        %parallel_loop3A_1524 = arith.constant 624 : index
        %parallel_loop3A_1525 = tpu.vector_load %arg7[%parallel_loop3A_1523, %parallel_loop3A_1524] {strides = array<i32>} : memref<32x768xf32, #tpu.memory_space<vmem>>, vector<1x16xf32>,
        %parallel_loop3A_1526 = vector.shape_cast %parallel_loop3A_1525 : vector<1x16xf32> to vector<16xf32>
        %parallel_loop3A_1527 = vector.shape_cast %parallel_loop3A_1513 : vector<16xf32> to vector<1x16xf32>
        tpu.vector_store %arg7[%parallel_loop3A_1523, %parallel_loop3A_1524], %parallel_loop3A_1527 {add = true, strides = array<i32>} : memref<32x768xf32, #tpu.memory_space<vmem>>, vector<1x16xf32>,
        %parallel_loop3A_1528 = arith.constant 16 : i32
        %parallel_loop3A_1529 = arith.addi %parallel_loop3A_1528, %parallel_loop3A_221 : i32
        %parallel_loop3A_1530 = arith.index_cast %parallel_loop3A_1529 : i32 to index
        %parallel_loop3A_1531 = arith.constant 624 : index
        %parallel_loop3A_1532 = tpu.vector_load %arg7[%parallel_loop3A_1530, %parallel_loop3A_1531] {strides = array<i32>} : memref<32x768xf32, #tpu.memory_space<vmem>>, vector<1x16xf32>,
        %parallel_loop3A_1533 = vector.shape_cast %parallel_loop3A_1532 : vector<1x16xf32> to vector<16xf32>
        %parallel_loop3A_1534 = vector.shape_cast %parallel_loop3A_1513 : vector<16xf32> to vector<1x16xf32>
        tpu.vector_store %arg7[%parallel_loop3A_1530, %parallel_loop3A_1531], %parallel_loop3A_1534 {add = true, strides = array<i32>} : memref<32x768xf32, #tpu.memory_space<vmem>>, vector<1x16xf32>,
        %parallel_loop3A_1535 = arith.constant 24 : i32
        %parallel_loop3A_1536 = arith.addi %parallel_loop3A_1535, %parallel_loop3A_221 : i32
        %parallel_loop3A_1537 = arith.index_cast %parallel_loop3A_1536 : i32 to index
        %parallel_loop3A_1538 = arith.constant 624 : index
        %parallel_loop3A_1539 = tpu.vector_load %arg7[%parallel_loop3A_1537, %parallel_loop3A_1538] {strides = array<i32>} : memref<32x768xf32, #tpu.memory_space<vmem>>, vector<1x16xf32>,
        %parallel_loop3A_1540 = vector.shape_cast %parallel_loop3A_1539 : vector<1x16xf32> to vector<16xf32>
        %parallel_loop3A_1541 = vector.shape_cast %parallel_loop3A_1513 : vector<16xf32> to vector<1x16xf32>
        tpu.vector_store %arg7[%parallel_loop3A_1537, %parallel_loop3A_1538], %parallel_loop3A_1541 {add = true, strides = array<i32>} : memref<32x768xf32, #tpu.memory_space<vmem>>, vector<1x16xf32>,
        %parallel_loop3A_1542 = arith.addi %mul3A_72, %parallel_loop3A_221 : i32
        %parallel_loop3A_1543 = arith.index_cast %parallel_loop3A_1542 : i32 to index
        %parallel_loop3A_1544 = arith.constant 640 : index
        %parallel_loop3A_1545 = tpu.vector_load %arg9[%parallel_loop3A_1543, %parallel_loop3A_1544] {strides = array<i32>} : memref<64x768xf32, #tpu.memory_space<vmem>>, vector<1x16xf32>,
        %parallel_loop3A_1546 = vector.shape_cast %parallel_loop3A_1545 : vector<1x16xf32> to vector<16xf32>
        %parallel_loop3A_1547 = arith.constant 0 : i32
        %parallel_loop3A_1548 = arith.addi %parallel_loop3A_1547, %parallel_loop3A_221 : i32
        %parallel_loop3A_1549 = arith.index_cast %parallel_loop3A_1548 : i32 to index
        %parallel_loop3A_1550 = arith.constant 640 : index
        %parallel_loop3A_1551 = tpu.vector_load %arg7[%parallel_loop3A_1549, %parallel_loop3A_1550] {strides = array<i32>} : memref<32x768xf32, #tpu.memory_space<vmem>>, vector<1x16xf32>,
        %parallel_loop3A_1552 = vector.shape_cast %parallel_loop3A_1551 : vector<1x16xf32> to vector<16xf32>
        %parallel_loop3A_1553 = vector.shape_cast %parallel_loop3A_1546 : vector<16xf32> to vector<1x16xf32>
        tpu.vector_store %arg7[%parallel_loop3A_1549, %parallel_loop3A_1550], %parallel_loop3A_1553 {add = true, strides = array<i32>} : memref<32x768xf32, #tpu.memory_space<vmem>>, vector<1x16xf32>,
        %parallel_loop3A_1554 = arith.constant 8 : i32
        %parallel_loop3A_1555 = arith.addi %parallel_loop3A_1554, %parallel_loop3A_221 : i32
        %parallel_loop3A_1556 = arith.index_cast %parallel_loop3A_1555 : i32 to index
        %parallel_loop3A_1557 = arith.constant 640 : index
        %parallel_loop3A_1558 = tpu.vector_load %arg7[%parallel_loop3A_1556, %parallel_loop3A_1557] {strides = array<i32>} : memref<32x768xf32, #tpu.memory_space<vmem>>, vector<1x16xf32>,
        %parallel_loop3A_1559 = vector.shape_cast %parallel_loop3A_1558 : vector<1x16xf32> to vector<16xf32>
        %parallel_loop3A_1560 = vector.shape_cast %parallel_loop3A_1546 : vector<16xf32> to vector<1x16xf32>
        tpu.vector_store %arg7[%parallel_loop3A_1556, %parallel_loop3A_1557], %parallel_loop3A_1560 {add = true, strides = array<i32>} : memref<32x768xf32, #tpu.memory_space<vmem>>, vector<1x16xf32>,
        %parallel_loop3A_1561 = arith.constant 16 : i32
        %parallel_loop3A_1562 = arith.addi %parallel_loop3A_1561, %parallel_loop3A_221 : i32
        %parallel_loop3A_1563 = arith.index_cast %parallel_loop3A_1562 : i32 to index
        %parallel_loop3A_1564 = arith.constant 640 : index
        %parallel_loop3A_1565 = tpu.vector_load %arg7[%parallel_loop3A_1563, %parallel_loop3A_1564] {strides = array<i32>} : memref<32x768xf32, #tpu.memory_space<vmem>>, vector<1x16xf32>,
        %parallel_loop3A_1566 = vector.shape_cast %parallel_loop3A_1565 : vector<1x16xf32> to vector<16xf32>
        %parallel_loop3A_1567 = vector.shape_cast %parallel_loop3A_1546 : vector<16xf32> to vector<1x16xf32>
        tpu.vector_store %arg7[%parallel_loop3A_1563, %parallel_loop3A_1564], %parallel_loop3A_1567 {add = true, strides = array<i32>} : memref<32x768xf32, #tpu.memory_space<vmem>>, vector<1x16xf32>,
        %parallel_loop3A_1568 = arith.constant 24 : i32
        %parallel_loop3A_1569 = arith.addi %parallel_loop3A_1568, %parallel_loop3A_221 : i32
        %parallel_loop3A_1570 = arith.index_cast %parallel_loop3A_1569 : i32 to index
        %parallel_loop3A_1571 = arith.constant 640 : index
        %parallel_loop3A_1572 = tpu.vector_load %arg7[%parallel_loop3A_1570, %parallel_loop3A_1571] {strides = array<i32>} : memref<32x768xf32, #tpu.memory_space<vmem>>, vector<1x16xf32>,
        %parallel_loop3A_1573 = vector.shape_cast %parallel_loop3A_1572 : vector<1x16xf32> to vector<16xf32>
        %parallel_loop3A_1574 = vector.shape_cast %parallel_loop3A_1546 : vector<16xf32> to vector<1x16xf32>
        tpu.vector_store %arg7[%parallel_loop3A_1570, %parallel_loop3A_1571], %parallel_loop3A_1574 {add = true, strides = array<i32>} : memref<32x768xf32, #tpu.memory_space<vmem>>, vector<1x16xf32>,
        %parallel_loop3A_1575 = arith.addi %mul3A_72, %parallel_loop3A_221 : i32
        %parallel_loop3A_1576 = arith.index_cast %parallel_loop3A_1575 : i32 to index
        %parallel_loop3A_1577 = arith.constant 656 : index
        %parallel_loop3A_1578 = tpu.vector_load %arg9[%parallel_loop3A_1576, %parallel_loop3A_1577] {strides = array<i32>} : memref<64x768xf32, #tpu.memory_space<vmem>>, vector<1x16xf32>,
        %parallel_loop3A_1579 = vector.shape_cast %parallel_loop3A_1578 : vector<1x16xf32> to vector<16xf32>
        %parallel_loop3A_1580 = arith.constant 0 : i32
        %parallel_loop3A_1581 = arith.addi %parallel_loop3A_1580, %parallel_loop3A_221 : i32
        %parallel_loop3A_1582 = arith.index_cast %parallel_loop3A_1581 : i32 to index
        %parallel_loop3A_1583 = arith.constant 656 : index
        %parallel_loop3A_1584 = tpu.vector_load %arg7[%parallel_loop3A_1582, %parallel_loop3A_1583] {strides = array<i32>} : memref<32x768xf32, #tpu.memory_space<vmem>>, vector<1x16xf32>,
        %parallel_loop3A_1585 = vector.shape_cast %parallel_loop3A_1584 : vector<1x16xf32> to vector<16xf32>
        %parallel_loop3A_1586 = vector.shape_cast %parallel_loop3A_1579 : vector<16xf32> to vector<1x16xf32>
        tpu.vector_store %arg7[%parallel_loop3A_1582, %parallel_loop3A_1583], %parallel_loop3A_1586 {add = true, strides = array<i32>} : memref<32x768xf32, #tpu.memory_space<vmem>>, vector<1x16xf32>,
        %parallel_loop3A_1587 = arith.constant 8 : i32
        %parallel_loop3A_1588 = arith.addi %parallel_loop3A_1587, %parallel_loop3A_221 : i32
        %parallel_loop3A_1589 = arith.index_cast %parallel_loop3A_1588 : i32 to index
        %parallel_loop3A_1590 = arith.constant 656 : index
        %parallel_loop3A_1591 = tpu.vector_load %arg7[%parallel_loop3A_1589, %parallel_loop3A_1590] {strides = array<i32>} : memref<32x768xf32, #tpu.memory_space<vmem>>, vector<1x16xf32>,
        %parallel_loop3A_1592 = vector.shape_cast %parallel_loop3A_1591 : vector<1x16xf32> to vector<16xf32>
        %parallel_loop3A_1593 = vector.shape_cast %parallel_loop3A_1579 : vector<16xf32> to vector<1x16xf32>
        tpu.vector_store %arg7[%parallel_loop3A_1589, %parallel_loop3A_1590], %parallel_loop3A_1593 {add = true, strides = array<i32>} : memref<32x768xf32, #tpu.memory_space<vmem>>, vector<1x16xf32>,
        %parallel_loop3A_1594 = arith.constant 16 : i32
        %parallel_loop3A_1595 = arith.addi %parallel_loop3A_1594, %parallel_loop3A_221 : i32
        %parallel_loop3A_1596 = arith.index_cast %parallel_loop3A_1595 : i32 to index
        %parallel_loop3A_1597 = arith.constant 656 : index
        %parallel_loop3A_1598 = tpu.vector_load %arg7[%parallel_loop3A_1596, %parallel_loop3A_1597] {strides = array<i32>} : memref<32x768xf32, #tpu.memory_space<vmem>>, vector<1x16xf32>,
        %parallel_loop3A_1599 = vector.shape_cast %parallel_loop3A_1598 : vector<1x16xf32> to vector<16xf32>
        %parallel_loop3A_1600 = vector.shape_cast %parallel_loop3A_1579 : vector<16xf32> to vector<1x16xf32>
        tpu.vector_store %arg7[%parallel_loop3A_1596, %parallel_loop3A_1597], %parallel_loop3A_1600 {add = true, strides = array<i32>} : memref<32x768xf32, #tpu.memory_space<vmem>>, vector<1x16xf32>,
        %parallel_loop3A_1601 = arith.constant 24 : i32
        %parallel_loop3A_1602 = arith.addi %parallel_loop3A_1601, %parallel_loop3A_221 : i32
        %parallel_loop3A_1603 = arith.index_cast %parallel_loop3A_1602 : i32 to index
        %parallel_loop3A_1604 = arith.constant 656 : index
        %parallel_loop3A_1605 = tpu.vector_load %arg7[%parallel_loop3A_1603, %parallel_loop3A_1604] {strides = array<i32>} : memref<32x768xf32, #tpu.memory_space<vmem>>, vector<1x16xf32>,
        %parallel_loop3A_1606 = vector.shape_cast %parallel_loop3A_1605 : vector<1x16xf32> to vector<16xf32>
        %parallel_loop3A_1607 = vector.shape_cast %parallel_loop3A_1579 : vector<16xf32> to vector<1x16xf32>
        tpu.vector_store %arg7[%parallel_loop3A_1603, %parallel_loop3A_1604], %parallel_loop3A_1607 {add = true, strides = array<i32>} : memref<32x768xf32, #tpu.memory_space<vmem>>, vector<1x16xf32>,
        %parallel_loop3A_1608 = arith.addi %mul3A_72, %parallel_loop3A_221 : i32
        %parallel_loop3A_1609 = arith.index_cast %parallel_loop3A_1608 : i32 to index
        %parallel_loop3A_1610 = arith.constant 672 : index
        %parallel_loop3A_1611 = tpu.vector_load %arg9[%parallel_loop3A_1609, %parallel_loop3A_1610] {strides = array<i32>} : memref<64x768xf32, #tpu.memory_space<vmem>>, vector<1x16xf32>,
        %parallel_loop3A_1612 = vector.shape_cast %parallel_loop3A_1611 : vector<1x16xf32> to vector<16xf32>
        %parallel_loop3A_1613 = arith.constant 0 : i32
        %parallel_loop3A_1614 = arith.addi %parallel_loop3A_1613, %parallel_loop3A_221 : i32
        %parallel_loop3A_1615 = arith.index_cast %parallel_loop3A_1614 : i32 to index
        %parallel_loop3A_1616 = arith.constant 672 : index
        %parallel_loop3A_1617 = tpu.vector_load %arg7[%parallel_loop3A_1615, %parallel_loop3A_1616] {strides = array<i32>} : memref<32x768xf32, #tpu.memory_space<vmem>>, vector<1x16xf32>,
        %parallel_loop3A_1618 = vector.shape_cast %parallel_loop3A_1617 : vector<1x16xf32> to vector<16xf32>
        %parallel_loop3A_1619 = vector.shape_cast %parallel_loop3A_1612 : vector<16xf32> to vector<1x16xf32>
        tpu.vector_store %arg7[%parallel_loop3A_1615, %parallel_loop3A_1616], %parallel_loop3A_1619 {add = true, strides = array<i32>} : memref<32x768xf32, #tpu.memory_space<vmem>>, vector<1x16xf32>,
        %parallel_loop3A_1620 = arith.constant 8 : i32
        %parallel_loop3A_1621 = arith.addi %parallel_loop3A_1620, %parallel_loop3A_221 : i32
        %parallel_loop3A_1622 = arith.index_cast %parallel_loop3A_1621 : i32 to index
        %parallel_loop3A_1623 = arith.constant 672 : index
        %parallel_loop3A_1624 = tpu.vector_load %arg7[%parallel_loop3A_1622, %parallel_loop3A_1623] {strides = array<i32>} : memref<32x768xf32, #tpu.memory_space<vmem>>, vector<1x16xf32>,
        %parallel_loop3A_1625 = vector.shape_cast %parallel_loop3A_1624 : vector<1x16xf32> to vector<16xf32>
        %parallel_loop3A_1626 = vector.shape_cast %parallel_loop3A_1612 : vector<16xf32> to vector<1x16xf32>
        tpu.vector_store %arg7[%parallel_loop3A_1622, %parallel_loop3A_1623], %parallel_loop3A_1626 {add = true, strides = array<i32>} : memref<32x768xf32, #tpu.memory_space<vmem>>, vector<1x16xf32>,
        %parallel_loop3A_1627 = arith.constant 16 : i32
        %parallel_loop3A_1628 = arith.addi %parallel_loop3A_1627, %parallel_loop3A_221 : i32
        %parallel_loop3A_1629 = arith.index_cast %parallel_loop3A_1628 : i32 to index
        %parallel_loop3A_1630 = arith.constant 672 : index
        %parallel_loop3A_1631 = tpu.vector_load %arg7[%parallel_loop3A_1629, %parallel_loop3A_1630] {strides = array<i32>} : memref<32x768xf32, #tpu.memory_space<vmem>>, vector<1x16xf32>,
        %parallel_loop3A_1632 = vector.shape_cast %parallel_loop3A_1631 : vector<1x16xf32> to vector<16xf32>
        %parallel_loop3A_1633 = vector.shape_cast %parallel_loop3A_1612 : vector<16xf32> to vector<1x16xf32>
        tpu.vector_store %arg7[%parallel_loop3A_1629, %parallel_loop3A_1630], %parallel_loop3A_1633 {add = true, strides = array<i32>} : memref<32x768xf32, #tpu.memory_space<vmem>>, vector<1x16xf32>,
        %parallel_loop3A_1634 = arith.constant 24 : i32
        %parallel_loop3A_1635 = arith.addi %parallel_loop3A_1634, %parallel_loop3A_221 : i32
        %parallel_loop3A_1636 = arith.index_cast %parallel_loop3A_1635 : i32 to index
        %parallel_loop3A_1637 = arith.constant 672 : index
        %parallel_loop3A_1638 = tpu.vector_load %arg7[%parallel_loop3A_1636, %parallel_loop3A_1637] {strides = array<i32>} : memref<32x768xf32, #tpu.memory_space<vmem>>, vector<1x16xf32>,
        %parallel_loop3A_1639 = vector.shape_cast %parallel_loop3A_1638 : vector<1x16xf32> to vector<16xf32>
        %parallel_loop3A_1640 = vector.shape_cast %parallel_loop3A_1612 : vector<16xf32> to vector<1x16xf32>
        tpu.vector_store %arg7[%parallel_loop3A_1636, %parallel_loop3A_1637], %parallel_loop3A_1640 {add = true, strides = array<i32>} : memref<32x768xf32, #tpu.memory_space<vmem>>, vector<1x16xf32>,
        %parallel_loop3A_1641 = arith.addi %mul3A_72, %parallel_loop3A_221 : i32
        %parallel_loop3A_1642 = arith.index_cast %parallel_loop3A_1641 : i32 to index
        %parallel_loop3A_1643 = arith.constant 688 : index
        %parallel_loop3A_1644 = tpu.vector_load %arg9[%parallel_loop3A_1642, %parallel_loop3A_1643] {strides = array<i32>} : memref<64x768xf32, #tpu.memory_space<vmem>>, vector<1x16xf32>,
        %parallel_loop3A_1645 = vector.shape_cast %parallel_loop3A_1644 : vector<1x16xf32> to vector<16xf32>
        %parallel_loop3A_1646 = arith.constant 0 : i32
        %parallel_loop3A_1647 = arith.addi %parallel_loop3A_1646, %parallel_loop3A_221 : i32
        %parallel_loop3A_1648 = arith.index_cast %parallel_loop3A_1647 : i32 to index
        %parallel_loop3A_1649 = arith.constant 688 : index
        %parallel_loop3A_1650 = tpu.vector_load %arg7[%parallel_loop3A_1648, %parallel_loop3A_1649] {strides = array<i32>} : memref<32x768xf32, #tpu.memory_space<vmem>>, vector<1x16xf32>,
        %parallel_loop3A_1651 = vector.shape_cast %parallel_loop3A_1650 : vector<1x16xf32> to vector<16xf32>
        %parallel_loop3A_1652 = vector.shape_cast %parallel_loop3A_1645 : vector<16xf32> to vector<1x16xf32>
        tpu.vector_store %arg7[%parallel_loop3A_1648, %parallel_loop3A_1649], %parallel_loop3A_1652 {add = true, strides = array<i32>} : memref<32x768xf32, #tpu.memory_space<vmem>>, vector<1x16xf32>,
        %parallel_loop3A_1653 = arith.constant 8 : i32
        %parallel_loop3A_1654 = arith.addi %parallel_loop3A_1653, %parallel_loop3A_221 : i32
        %parallel_loop3A_1655 = arith.index_cast %parallel_loop3A_1654 : i32 to index
        %parallel_loop3A_1656 = arith.constant 688 : index
        %parallel_loop3A_1657 = tpu.vector_load %arg7[%parallel_loop3A_1655, %parallel_loop3A_1656] {strides = array<i32>} : memref<32x768xf32, #tpu.memory_space<vmem>>, vector<1x16xf32>,
        %parallel_loop3A_1658 = vector.shape_cast %parallel_loop3A_1657 : vector<1x16xf32> to vector<16xf32>
        %parallel_loop3A_1659 = vector.shape_cast %parallel_loop3A_1645 : vector<16xf32> to vector<1x16xf32>
        tpu.vector_store %arg7[%parallel_loop3A_1655, %parallel_loop3A_1656], %parallel_loop3A_1659 {add = true, strides = array<i32>} : memref<32x768xf32, #tpu.memory_space<vmem>>, vector<1x16xf32>,
        %parallel_loop3A_1660 = arith.constant 16 : i32
        %parallel_loop3A_1661 = arith.addi %parallel_loop3A_1660, %parallel_loop3A_221 : i32
        %parallel_loop3A_1662 = arith.index_cast %parallel_loop3A_1661 : i32 to index
        %parallel_loop3A_1663 = arith.constant 688 : index
        %parallel_loop3A_1664 = tpu.vector_load %arg7[%parallel_loop3A_1662, %parallel_loop3A_1663] {strides = array<i32>} : memref<32x768xf32, #tpu.memory_space<vmem>>, vector<1x16xf32>,
        %parallel_loop3A_1665 = vector.shape_cast %parallel_loop3A_1664 : vector<1x16xf32> to vector<16xf32>
        %parallel_loop3A_1666 = vector.shape_cast %parallel_loop3A_1645 : vector<16xf32> to vector<1x16xf32>
        tpu.vector_store %arg7[%parallel_loop3A_1662, %parallel_loop3A_1663], %parallel_loop3A_1666 {add = true, strides = array<i32>} : memref<32x768xf32, #tpu.memory_space<vmem>>, vector<1x16xf32>,
        %parallel_loop3A_1667 = arith.constant 24 : i32
        %parallel_loop3A_1668 = arith.addi %parallel_loop3A_1667, %parallel_loop3A_221 : i32
        %parallel_loop3A_1669 = arith.index_cast %parallel_loop3A_1668 : i32 to index
        %parallel_loop3A_1670 = arith.constant 688 : index
        %parallel_loop3A_1671 = tpu.vector_load %arg7[%parallel_loop3A_1669, %parallel_loop3A_1670] {strides = array<i32>} : memref<32x768xf32, #tpu.memory_space<vmem>>, vector<1x16xf32>,
        %parallel_loop3A_1672 = vector.shape_cast %parallel_loop3A_1671 : vector<1x16xf32> to vector<16xf32>
        %parallel_loop3A_1673 = vector.shape_cast %parallel_loop3A_1645 : vector<16xf32> to vector<1x16xf32>
        tpu.vector_store %arg7[%parallel_loop3A_1669, %parallel_loop3A_1670], %parallel_loop3A_1673 {add = true, strides = array<i32>} : memref<32x768xf32, #tpu.memory_space<vmem>>, vector<1x16xf32>,
        %parallel_loop3A_1674 = arith.addi %mul3A_72, %parallel_loop3A_221 : i32
        %parallel_loop3A_1675 = arith.index_cast %parallel_loop3A_1674 : i32 to index
        %parallel_loop3A_1676 = arith.constant 704 : index
        %parallel_loop3A_1677 = tpu.vector_load %arg9[%parallel_loop3A_1675, %parallel_loop3A_1676] {strides = array<i32>} : memref<64x768xf32, #tpu.memory_space<vmem>>, vector<1x16xf32>,
        %parallel_loop3A_1678 = vector.shape_cast %parallel_loop3A_1677 : vector<1x16xf32> to vector<16xf32>
        %parallel_loop3A_1679 = arith.constant 0 : i32
        %parallel_loop3A_1680 = arith.addi %parallel_loop3A_1679, %parallel_loop3A_221 : i32
        %parallel_loop3A_1681 = arith.index_cast %parallel_loop3A_1680 : i32 to index
        %parallel_loop3A_1682 = arith.constant 704 : index
        %parallel_loop3A_1683 = tpu.vector_load %arg7[%parallel_loop3A_1681, %parallel_loop3A_1682] {strides = array<i32>} : memref<32x768xf32, #tpu.memory_space<vmem>>, vector<1x16xf32>,
        %parallel_loop3A_1684 = vector.shape_cast %parallel_loop3A_1683 : vector<1x16xf32> to vector<16xf32>
        %parallel_loop3A_1685 = vector.shape_cast %parallel_loop3A_1678 : vector<16xf32> to vector<1x16xf32>
        tpu.vector_store %arg7[%parallel_loop3A_1681, %parallel_loop3A_1682], %parallel_loop3A_1685 {add = true, strides = array<i32>} : memref<32x768xf32, #tpu.memory_space<vmem>>, vector<1x16xf32>,
        %parallel_loop3A_1686 = arith.constant 8 : i32
        %parallel_loop3A_1687 = arith.addi %parallel_loop3A_1686, %parallel_loop3A_221 : i32
        %parallel_loop3A_1688 = arith.index_cast %parallel_loop3A_1687 : i32 to index
        %parallel_loop3A_1689 = arith.constant 704 : index
        %parallel_loop3A_1690 = tpu.vector_load %arg7[%parallel_loop3A_1688, %parallel_loop3A_1689] {strides = array<i32>} : memref<32x768xf32, #tpu.memory_space<vmem>>, vector<1x16xf32>,
        %parallel_loop3A_1691 = vector.shape_cast %parallel_loop3A_1690 : vector<1x16xf32> to vector<16xf32>
        %parallel_loop3A_1692 = vector.shape_cast %parallel_loop3A_1678 : vector<16xf32> to vector<1x16xf32>
        tpu.vector_store %arg7[%parallel_loop3A_1688, %parallel_loop3A_1689], %parallel_loop3A_1692 {add = true, strides = array<i32>} : memref<32x768xf32, #tpu.memory_space<vmem>>, vector<1x16xf32>,
        %parallel_loop3A_1693 = arith.constant 16 : i32
        %parallel_loop3A_1694 = arith.addi %parallel_loop3A_1693, %parallel_loop3A_221 : i32
        %parallel_loop3A_1695 = arith.index_cast %parallel_loop3A_1694 : i32 to index
        %parallel_loop3A_1696 = arith.constant 704 : index
        %parallel_loop3A_1697 = tpu.vector_load %arg7[%parallel_loop3A_1695, %parallel_loop3A_1696] {strides = array<i32>} : memref<32x768xf32, #tpu.memory_space<vmem>>, vector<1x16xf32>,
        %parallel_loop3A_1698 = vector.shape_cast %parallel_loop3A_1697 : vector<1x16xf32> to vector<16xf32>
        %parallel_loop3A_1699 = vector.shape_cast %parallel_loop3A_1678 : vector<16xf32> to vector<1x16xf32>
        tpu.vector_store %arg7[%parallel_loop3A_1695, %parallel_loop3A_1696], %parallel_loop3A_1699 {add = true, strides = array<i32>} : memref<32x768xf32, #tpu.memory_space<vmem>>, vector<1x16xf32>,
        %parallel_loop3A_1700 = arith.constant 24 : i32
        %parallel_loop3A_1701 = arith.addi %parallel_loop3A_1700, %parallel_loop3A_221 : i32
        %parallel_loop3A_1702 = arith.index_cast %parallel_loop3A_1701 : i32 to index
        %parallel_loop3A_1703 = arith.constant 704 : index
        %parallel_loop3A_1704 = tpu.vector_load %arg7[%parallel_loop3A_1702, %parallel_loop3A_1703] {strides = array<i32>} : memref<32x768xf32, #tpu.memory_space<vmem>>, vector<1x16xf32>,
        %parallel_loop3A_1705 = vector.shape_cast %parallel_loop3A_1704 : vector<1x16xf32> to vector<16xf32>
        %parallel_loop3A_1706 = vector.shape_cast %parallel_loop3A_1678 : vector<16xf32> to vector<1x16xf32>
        tpu.vector_store %arg7[%parallel_loop3A_1702, %parallel_loop3A_1703], %parallel_loop3A_1706 {add = true, strides = array<i32>} : memref<32x768xf32, #tpu.memory_space<vmem>>, vector<1x16xf32>,
        %parallel_loop3A_1707 = arith.addi %mul3A_72, %parallel_loop3A_221 : i32
        %parallel_loop3A_1708 = arith.index_cast %parallel_loop3A_1707 : i32 to index
        %parallel_loop3A_1709 = arith.constant 720 : index
        %parallel_loop3A_1710 = tpu.vector_load %arg9[%parallel_loop3A_1708, %parallel_loop3A_1709] {strides = array<i32>} : memref<64x768xf32, #tpu.memory_space<vmem>>, vector<1x16xf32>,
        %parallel_loop3A_1711 = vector.shape_cast %parallel_loop3A_1710 : vector<1x16xf32> to vector<16xf32>
        %parallel_loop3A_1712 = arith.constant 0 : i32
        %parallel_loop3A_1713 = arith.addi %parallel_loop3A_1712, %parallel_loop3A_221 : i32
        %parallel_loop3A_1714 = arith.index_cast %parallel_loop3A_1713 : i32 to index
        %parallel_loop3A_1715 = arith.constant 720 : index
        %parallel_loop3A_1716 = tpu.vector_load %arg7[%parallel_loop3A_1714, %parallel_loop3A_1715] {strides = array<i32>} : memref<32x768xf32, #tpu.memory_space<vmem>>, vector<1x16xf32>,
        %parallel_loop3A_1717 = vector.shape_cast %parallel_loop3A_1716 : vector<1x16xf32> to vector<16xf32>
        %parallel_loop3A_1718 = vector.shape_cast %parallel_loop3A_1711 : vector<16xf32> to vector<1x16xf32>
        tpu.vector_store %arg7[%parallel_loop3A_1714, %parallel_loop3A_1715], %parallel_loop3A_1718 {add = true, strides = array<i32>} : memref<32x768xf32, #tpu.memory_space<vmem>>, vector<1x16xf32>,
        %parallel_loop3A_1719 = arith.constant 8 : i32
        %parallel_loop3A_1720 = arith.addi %parallel_loop3A_1719, %parallel_loop3A_221 : i32
        %parallel_loop3A_1721 = arith.index_cast %parallel_loop3A_1720 : i32 to index
        %parallel_loop3A_1722 = arith.constant 720 : index
        %parallel_loop3A_1723 = tpu.vector_load %arg7[%parallel_loop3A_1721, %parallel_loop3A_1722] {strides = array<i32>} : memref<32x768xf32, #tpu.memory_space<vmem>>, vector<1x16xf32>,
        %parallel_loop3A_1724 = vector.shape_cast %parallel_loop3A_1723 : vector<1x16xf32> to vector<16xf32>
        %parallel_loop3A_1725 = vector.shape_cast %parallel_loop3A_1711 : vector<16xf32> to vector<1x16xf32>
        tpu.vector_store %arg7[%parallel_loop3A_1721, %parallel_loop3A_1722], %parallel_loop3A_1725 {add = true, strides = array<i32>} : memref<32x768xf32, #tpu.memory_space<vmem>>, vector<1x16xf32>,
        %parallel_loop3A_1726 = arith.constant 16 : i32
        %parallel_loop3A_1727 = arith.addi %parallel_loop3A_1726, %parallel_loop3A_221 : i32
        %parallel_loop3A_1728 = arith.index_cast %parallel_loop3A_1727 : i32 to index
        %parallel_loop3A_1729 = arith.constant 720 : index
        %parallel_loop3A_1730 = tpu.vector_load %arg7[%parallel_loop3A_1728, %parallel_loop3A_1729] {strides = array<i32>} : memref<32x768xf32, #tpu.memory_space<vmem>>, vector<1x16xf32>,
        %parallel_loop3A_1731 = vector.shape_cast %parallel_loop3A_1730 : vector<1x16xf32> to vector<16xf32>
        %parallel_loop3A_1732 = vector.shape_cast %parallel_loop3A_1711 : vector<16xf32> to vector<1x16xf32>
        tpu.vector_store %arg7[%parallel_loop3A_1728, %parallel_loop3A_1729], %parallel_loop3A_1732 {add = true, strides = array<i32>} : memref<32x768xf32, #tpu.memory_space<vmem>>, vector<1x16xf32>,
        %parallel_loop3A_1733 = arith.constant 24 : i32
        %parallel_loop3A_1734 = arith.addi %parallel_loop3A_1733, %parallel_loop3A_221 : i32
        %parallel_loop3A_1735 = arith.index_cast %parallel_loop3A_1734 : i32 to index
        %parallel_loop3A_1736 = arith.constant 720 : index
        %parallel_loop3A_1737 = tpu.vector_load %arg7[%parallel_loop3A_1735, %parallel_loop3A_1736] {strides = array<i32>} : memref<32x768xf32, #tpu.memory_space<vmem>>, vector<1x16xf32>,
        %parallel_loop3A_1738 = vector.shape_cast %parallel_loop3A_1737 : vector<1x16xf32> to vector<16xf32>
        %parallel_loop3A_1739 = vector.shape_cast %parallel_loop3A_1711 : vector<16xf32> to vector<1x16xf32>
        tpu.vector_store %arg7[%parallel_loop3A_1735, %parallel_loop3A_1736], %parallel_loop3A_1739 {add = true, strides = array<i32>} : memref<32x768xf32, #tpu.memory_space<vmem>>, vector<1x16xf32>,
        %parallel_loop3A_1740 = arith.addi %mul3A_72, %parallel_loop3A_221 : i32
        %parallel_loop3A_1741 = arith.index_cast %parallel_loop3A_1740 : i32 to index
        %parallel_loop3A_1742 = arith.constant 736 : index
        %parallel_loop3A_1743 = tpu.vector_load %arg9[%parallel_loop3A_1741, %parallel_loop3A_1742] {strides = array<i32>} : memref<64x768xf32, #tpu.memory_space<vmem>>, vector<1x16xf32>,
        %parallel_loop3A_1744 = vector.shape_cast %parallel_loop3A_1743 : vector<1x16xf32> to vector<16xf32>
        %parallel_loop3A_1745 = arith.constant 0 : i32
        %parallel_loop3A_1746 = arith.addi %parallel_loop3A_1745, %parallel_loop3A_221 : i32
        %parallel_loop3A_1747 = arith.index_cast %parallel_loop3A_1746 : i32 to index
        %parallel_loop3A_1748 = arith.constant 736 : index
        %parallel_loop3A_1749 = tpu.vector_load %arg7[%parallel_loop3A_1747, %parallel_loop3A_1748] {strides = array<i32>} : memref<32x768xf32, #tpu.memory_space<vmem>>, vector<1x16xf32>,
        %parallel_loop3A_1750 = vector.shape_cast %parallel_loop3A_1749 : vector<1x16xf32> to vector<16xf32>
        %parallel_loop3A_1751 = vector.shape_cast %parallel_loop3A_1744 : vector<16xf32> to vector<1x16xf32>
        tpu.vector_store %arg7[%parallel_loop3A_1747, %parallel_loop3A_1748], %parallel_loop3A_1751 {add = true, strides = array<i32>} : memref<32x768xf32, #tpu.memory_space<vmem>>, vector<1x16xf32>,
        %parallel_loop3A_1752 = arith.constant 8 : i32
        %parallel_loop3A_1753 = arith.addi %parallel_loop3A_1752, %parallel_loop3A_221 : i32
        %parallel_loop3A_1754 = arith.index_cast %parallel_loop3A_1753 : i32 to index
        %parallel_loop3A_1755 = arith.constant 736 : index
        %parallel_loop3A_1756 = tpu.vector_load %arg7[%parallel_loop3A_1754, %parallel_loop3A_1755] {strides = array<i32>} : memref<32x768xf32, #tpu.memory_space<vmem>>, vector<1x16xf32>,
        %parallel_loop3A_1757 = vector.shape_cast %parallel_loop3A_1756 : vector<1x16xf32> to vector<16xf32>
        %parallel_loop3A_1758 = vector.shape_cast %parallel_loop3A_1744 : vector<16xf32> to vector<1x16xf32>
        tpu.vector_store %arg7[%parallel_loop3A_1754, %parallel_loop3A_1755], %parallel_loop3A_1758 {add = true, strides = array<i32>} : memref<32x768xf32, #tpu.memory_space<vmem>>, vector<1x16xf32>,
        %parallel_loop3A_1759 = arith.constant 16 : i32
        %parallel_loop3A_1760 = arith.addi %parallel_loop3A_1759, %parallel_loop3A_221 : i32
        %parallel_loop3A_1761 = arith.index_cast %parallel_loop3A_1760 : i32 to index
        %parallel_loop3A_1762 = arith.constant 736 : index
        %parallel_loop3A_1763 = tpu.vector_load %arg7[%parallel_loop3A_1761, %parallel_loop3A_1762] {strides = array<i32>} : memref<32x768xf32, #tpu.memory_space<vmem>>, vector<1x16xf32>,
        %parallel_loop3A_1764 = vector.shape_cast %parallel_loop3A_1763 : vector<1x16xf32> to vector<16xf32>
        %parallel_loop3A_1765 = vector.shape_cast %parallel_loop3A_1744 : vector<16xf32> to vector<1x16xf32>
        tpu.vector_store %arg7[%parallel_loop3A_1761, %parallel_loop3A_1762], %parallel_loop3A_1765 {add = true, strides = array<i32>} : memref<32x768xf32, #tpu.memory_space<vmem>>, vector<1x16xf32>,
        %parallel_loop3A_1766 = arith.constant 24 : i32
        %parallel_loop3A_1767 = arith.addi %parallel_loop3A_1766, %parallel_loop3A_221 : i32
        %parallel_loop3A_1768 = arith.index_cast %parallel_loop3A_1767 : i32 to index
        %parallel_loop3A_1769 = arith.constant 736 : index
        %parallel_loop3A_1770 = tpu.vector_load %arg7[%parallel_loop3A_1768, %parallel_loop3A_1769] {strides = array<i32>} : memref<32x768xf32, #tpu.memory_space<vmem>>, vector<1x16xf32>,
        %parallel_loop3A_1771 = vector.shape_cast %parallel_loop3A_1770 : vector<1x16xf32> to vector<16xf32>
        %parallel_loop3A_1772 = vector.shape_cast %parallel_loop3A_1744 : vector<16xf32> to vector<1x16xf32>
        tpu.vector_store %arg7[%parallel_loop3A_1768, %parallel_loop3A_1769], %parallel_loop3A_1772 {add = true, strides = array<i32>} : memref<32x768xf32, #tpu.memory_space<vmem>>, vector<1x16xf32>,
        %parallel_loop3A_1773 = arith.addi %mul3A_72, %parallel_loop3A_221 : i32
        %parallel_loop3A_1774 = arith.index_cast %parallel_loop3A_1773 : i32 to index
        %parallel_loop3A_1775 = arith.constant 752 : index
        %parallel_loop3A_1776 = tpu.vector_load %arg9[%parallel_loop3A_1774, %parallel_loop3A_1775] {strides = array<i32>} : memref<64x768xf32, #tpu.memory_space<vmem>>, vector<1x16xf32>,
        %parallel_loop3A_1777 = vector.shape_cast %parallel_loop3A_1776 : vector<1x16xf32> to vector<16xf32>
        %parallel_loop3A_1778 = arith.constant 0 : i32
        %parallel_loop3A_1779 = arith.addi %parallel_loop3A_1778, %parallel_loop3A_221 : i32
        %parallel_loop3A_1780 = arith.index_cast %parallel_loop3A_1779 : i32 to index
        %parallel_loop3A_1781 = arith.constant 752 : index
        %parallel_loop3A_1782 = tpu.vector_load %arg7[%parallel_loop3A_1780, %parallel_loop3A_1781] {strides = array<i32>} : memref<32x768xf32, #tpu.memory_space<vmem>>, vector<1x16xf32>,
        %parallel_loop3A_1783 = vector.shape_cast %parallel_loop3A_1782 : vector<1x16xf32> to vector<16xf32>
        %parallel_loop3A_1784 = vector.shape_cast %parallel_loop3A_1777 : vector<16xf32> to vector<1x16xf32>
        tpu.vector_store %arg7[%parallel_loop3A_1780, %parallel_loop3A_1781], %parallel_loop3A_1784 {add = true, strides = array<i32>} : memref<32x768xf32, #tpu.memory_space<vmem>>, vector<1x16xf32>,
        %parallel_loop3A_1785 = arith.constant 8 : i32
        %parallel_loop3A_1786 = arith.addi %parallel_loop3A_1785, %parallel_loop3A_221 : i32
        %parallel_loop3A_1787 = arith.index_cast %parallel_loop3A_1786 : i32 to index
        %parallel_loop3A_1788 = arith.constant 752 : index
        %parallel_loop3A_1789 = tpu.vector_load %arg7[%parallel_loop3A_1787, %parallel_loop3A_1788] {strides = array<i32>} : memref<32x768xf32, #tpu.memory_space<vmem>>, vector<1x16xf32>,
        %parallel_loop3A_1790 = vector.shape_cast %parallel_loop3A_1789 : vector<1x16xf32> to vector<16xf32>
        %parallel_loop3A_1791 = vector.shape_cast %parallel_loop3A_1777 : vector<16xf32> to vector<1x16xf32>
        tpu.vector_store %arg7[%parallel_loop3A_1787, %parallel_loop3A_1788], %parallel_loop3A_1791 {add = true, strides = array<i32>} : memref<32x768xf32, #tpu.memory_space<vmem>>, vector<1x16xf32>,
        %parallel_loop3A_1792 = arith.constant 16 : i32
        %parallel_loop3A_1793 = arith.addi %parallel_loop3A_1792, %parallel_loop3A_221 : i32
        %parallel_loop3A_1794 = arith.index_cast %parallel_loop3A_1793 : i32 to index
        %parallel_loop3A_1795 = arith.constant 752 : index
        %parallel_loop3A_1796 = tpu.vector_load %arg7[%parallel_loop3A_1794, %parallel_loop3A_1795] {strides = array<i32>} : memref<32x768xf32, #tpu.memory_space<vmem>>, vector<1x16xf32>,
        %parallel_loop3A_1797 = vector.shape_cast %parallel_loop3A_1796 : vector<1x16xf32> to vector<16xf32>
        %parallel_loop3A_1798 = vector.shape_cast %parallel_loop3A_1777 : vector<16xf32> to vector<1x16xf32>
        tpu.vector_store %arg7[%parallel_loop3A_1794, %parallel_loop3A_1795], %parallel_loop3A_1798 {add = true, strides = array<i32>} : memref<32x768xf32, #tpu.memory_space<vmem>>, vector<1x16xf32>,
        %parallel_loop3A_1799 = arith.constant 24 : i32
        %parallel_loop3A_1800 = arith.addi %parallel_loop3A_1799, %parallel_loop3A_221 : i32
        %parallel_loop3A_1801 = arith.index_cast %parallel_loop3A_1800 : i32 to index
        %parallel_loop3A_1802 = arith.constant 752 : index
        %parallel_loop3A_1803 = tpu.vector_load %arg7[%parallel_loop3A_1801, %parallel_loop3A_1802] {strides = array<i32>} : memref<32x768xf32, #tpu.memory_space<vmem>>, vector<1x16xf32>,
        %parallel_loop3A_1804 = vector.shape_cast %parallel_loop3A_1803 : vector<1x16xf32> to vector<16xf32>
        %parallel_loop3A_1805 = vector.shape_cast %parallel_loop3A_1777 : vector<16xf32> to vector<1x16xf32>
        tpu.vector_store %arg7[%parallel_loop3A_1801, %parallel_loop3A_1802], %parallel_loop3A_1805 {add = true, strides = array<i32>} : memref<32x768xf32, #tpu.memory_space<vmem>>, vector<1x16xf32>,
      } {sc.loop_unroll_factor = 2 : i64, sc.parallel_access}
      %mul3A_75 = arith.constant 8 : i32
      %mul3A_76 = arith.muli %mul3A_53, %mul3A_75 : i32
      %add3A_77 = arith.addi %mul3A_2, %mul3A_76 : i32
      %dma_start3A_78 = arith.constant 0 : i32
      %dma_start3A_79 = arith.constant 0 : i32
      %dma_start3A_80 = arith.constant 0 : i32
      %dma_start3A_81 = tpu.memref_slice %arg7[%dma_start3A_79, %dma_start3A_80] : memref<32x768xf32, #tpu.memory_space<vmem>> -> memref<8x768xf32, #tpu.memory_space<vmem>>
      %dma_start3A_82 = arith.constant 0 : i32
      %dma_start3A_83 = tpu.memref_slice %arg5[%dma_start3A_78, %add3A_77, %dma_start3A_82] : memref<4x2048x768xf32, #tpu.memory_space<hbm>> -> memref<1x8x768xf32, #tpu.memory_space<hbm>>
      %dma_start3A_84 = tpu.memref_squeeze %dma_start3A_83 : memref<1x8x768xf32, #tpu.memory_space<hbm>> -> memref<8x768xf32, #tpu.memory_space<hbm>>
      %dma_start3A_85 = arith.constant 0 : i32
      %dma_start3A_86 = tpu.memref_slice %arg5[%dma_start3A_78, %add3A_77, %dma_start3A_85] : memref<4x2048x768xf32, #tpu.memory_space<hbm>> -> memref<1x8x768xf32, #tpu.memory_space<hbm>>
      %dma_start3A_87 = tpu.memref_squeeze %dma_start3A_86 : memref<1x8x768xf32, #tpu.memory_space<hbm>> -> memref<8x768xf32, #tpu.memory_space<hbm>>
      %dma_start3A_88 = arith.constant 0 : i32
      %dma_start3A_89 = arith.constant 0 : i32
      %dma_start3A_90 = tpu.memref_slice %arg7[%dma_start3A_88, %dma_start3A_89] : memref<32x768xf32, #tpu.memory_space<vmem>> -> memref<8x768xf32, #tpu.memory_space<vmem>>
      tpu.enqueue_dma source(%dma_start3A_90 : memref<8x768xf32, #tpu.memory_space<vmem>>) target(%dma_start3A_87 : memref<8x768xf32, #tpu.memory_space<hbm>>) target_semaphore(%arg12 : memref<!tpu.dma_semaphore, #tpu.memory_space<semaphore_mem>>)
      %mul3A_91 = arith.constant 8 : i32
      %mul3A_92 = arith.muli %mul3A_53, %mul3A_91 : i32
      %add3A_93 = arith.addi %mul3A_2, %mul3A_92 : i32
      %dma_start3A_94 = arith.constant 1 : i32
      %dma_start3A_95 = arith.constant 8 : i32
      %dma_start3A_96 = arith.constant 0 : i32
      %dma_start3A_97 = tpu.memref_slice %arg7[%dma_start3A_95, %dma_start3A_96] : memref<32x768xf32, #tpu.memory_space<vmem>> -> memref<8x768xf32, #tpu.memory_space<vmem>>
      %dma_start3A_98 = arith.constant 0 : i32
      %dma_start3A_99 = tpu.memref_slice %arg5[%dma_start3A_94, %add3A_93, %dma_start3A_98] : memref<4x2048x768xf32, #tpu.memory_space<hbm>> -> memref<1x8x768xf32, #tpu.memory_space<hbm>>
      %dma_start3A_100 = tpu.memref_squeeze %dma_start3A_99 : memref<1x8x768xf32, #tpu.memory_space<hbm>> -> memref<8x768xf32, #tpu.memory_space<hbm>>
      %dma_start3A_101 = arith.constant 0 : i32
      %dma_start3A_102 = tpu.memref_slice %arg5[%dma_start3A_94, %add3A_93, %dma_start3A_101] : memref<4x2048x768xf32, #tpu.memory_space<hbm>> -> memref<1x8x768xf32, #tpu.memory_space<hbm>>
      %dma_start3A_103 = tpu.memref_squeeze %dma_start3A_102 : memref<1x8x768xf32, #tpu.memory_space<hbm>> -> memref<8x768xf32, #tpu.memory_space<hbm>>
      %dma_start3A_104 = arith.constant 8 : i32
      %dma_start3A_105 = arith.constant 0 : i32
      %dma_start3A_106 = tpu.memref_slice %arg7[%dma_start3A_104, %dma_start3A_105] : memref<32x768xf32, #tpu.memory_space<vmem>> -> memref<8x768xf32, #tpu.memory_space<vmem>>
      tpu.enqueue_dma source(%dma_start3A_106 : memref<8x768xf32, #tpu.memory_space<vmem>>) target(%dma_start3A_103 : memref<8x768xf32, #tpu.memory_space<hbm>>) target_semaphore(%arg12 : memref<!tpu.dma_semaphore, #tpu.memory_space<semaphore_mem>>)
      %mul3A_107 = arith.constant 8 : i32
      %mul3A_108 = arith.muli %mul3A_53, %mul3A_107 : i32
      %add3A_109 = arith.addi %mul3A_2, %mul3A_108 : i32
      %dma_start3A_110 = arith.constant 2 : i32
      %dma_start3A_111 = arith.constant 16 : i32
      %dma_start3A_112 = arith.constant 0 : i32
      %dma_start3A_113 = tpu.memref_slice %arg7[%dma_start3A_111, %dma_start3A_112] : memref<32x768xf32, #tpu.memory_space<vmem>> -> memref<8x768xf32, #tpu.memory_space<vmem>>
      %dma_start3A_114 = arith.constant 0 : i32
      %dma_start3A_115 = tpu.memref_slice %arg5[%dma_start3A_110, %add3A_109, %dma_start3A_114] : memref<4x2048x768xf32, #tpu.memory_space<hbm>> -> memref<1x8x768xf32, #tpu.memory_space<hbm>>
      %dma_start3A_116 = tpu.memref_squeeze %dma_start3A_115 : memref<1x8x768xf32, #tpu.memory_space<hbm>> -> memref<8x768xf32, #tpu.memory_space<hbm>>
      %dma_start3A_117 = arith.constant 0 : i32
      %dma_start3A_118 = tpu.memref_slice %arg5[%dma_start3A_110, %add3A_109, %dma_start3A_117] : memref<4x2048x768xf32, #tpu.memory_space<hbm>> -> memref<1x8x768xf32, #tpu.memory_space<hbm>>
      %dma_start3A_119 = tpu.memref_squeeze %dma_start3A_118 : memref<1x8x768xf32, #tpu.memory_space<hbm>> -> memref<8x768xf32, #tpu.memory_space<hbm>>
      %dma_start3A_120 = arith.constant 16 : i32
      %dma_start3A_121 = arith.constant 0 : i32
      %dma_start3A_122 = tpu.memref_slice %arg7[%dma_start3A_120, %dma_start3A_121] : memref<32x768xf32, #tpu.memory_space<vmem>> -> memref<8x768xf32, #tpu.memory_space<vmem>>
      tpu.enqueue_dma source(%dma_start3A_122 : memref<8x768xf32, #tpu.memory_space<vmem>>) target(%dma_start3A_119 : memref<8x768xf32, #tpu.memory_space<hbm>>) target_semaphore(%arg12 : memref<!tpu.dma_semaphore, #tpu.memory_space<semaphore_mem>>)
      %mul3A_123 = arith.constant 8 : i32
      %mul3A_124 = arith.muli %mul3A_53, %mul3A_123 : i32
      %add3A_125 = arith.addi %mul3A_2, %mul3A_124 : i32
      %dma_start3A_126 = arith.constant 3 : i32
      %dma_start3A_127 = arith.constant 24 : i32
      %dma_start3A_128 = arith.constant 0 : i32
      %dma_start3A_129 = tpu.memref_slice %arg7[%dma_start3A_127, %dma_start3A_128] : memref<32x768xf32, #tpu.memory_space<vmem>> -> memref<8x768xf32, #tpu.memory_space<vmem>>
      %dma_start3A_130 = arith.constant 0 : i32
      %dma_start3A_131 = tpu.memref_slice %arg5[%dma_start3A_126, %add3A_125, %dma_start3A_130] : memref<4x2048x768xf32, #tpu.memory_space<hbm>> -> memref<1x8x768xf32, #tpu.memory_space<hbm>>
      %dma_start3A_132 = tpu.memref_squeeze %dma_start3A_131 : memref<1x8x768xf32, #tpu.memory_space<hbm>> -> memref<8x768xf32, #tpu.memory_space<hbm>>
      %dma_start3A_133 = arith.constant 0 : i32
      %dma_start3A_134 = tpu.memref_slice %arg5[%dma_start3A_126, %add3A_125, %dma_start3A_133] : memref<4x2048x768xf32, #tpu.memory_space<hbm>> -> memref<1x8x768xf32, #tpu.memory_space<hbm>>
      %dma_start3A_135 = tpu.memref_squeeze %dma_start3A_134 : memref<1x8x768xf32, #tpu.memory_space<hbm>> -> memref<8x768xf32, #tpu.memory_space<hbm>>
      %dma_start3A_136 = arith.constant 24 : i32
      %dma_start3A_137 = arith.constant 0 : i32
      %dma_start3A_138 = tpu.memref_slice %arg7[%dma_start3A_136, %dma_start3A_137] : memref<32x768xf32, #tpu.memory_space<vmem>> -> memref<8x768xf32, #tpu.memory_space<vmem>>
      tpu.enqueue_dma source(%dma_start3A_138 : memref<8x768xf32, #tpu.memory_space<vmem>>) target(%dma_start3A_135 : memref<8x768xf32, #tpu.memory_space<hbm>>) target_semaphore(%arg12 : memref<!tpu.dma_semaphore, #tpu.memory_space<semaphore_mem>>)
      %dma_wait3A_139 = arith.constant 0 : i32
      %dma_wait3A_140 = arith.constant 0 : i32
      %dma_wait3A_141 = tpu.memref_slice %arg6[%dma_wait3A_139, %dma_wait3A_140] : memref<8x32xi32, #tpu.memory_space<vmem>> -> memref<1x32xi32, #tpu.memory_space<vmem>>
      %dma_wait3A_142 = tpu.memref_squeeze %dma_wait3A_141 : memref<1x32xi32, #tpu.memory_space<vmem>> -> memref<32xi32, #tpu.memory_space<vmem>>
      %dma_wait3A_143 = arith.constant 0 : i32
      %dma_wait3A_144 = arith.constant 0 : i32
      %dma_wait3A_145 = tpu.memref_slice %arg3[%dma_wait3A_143, %dma_wait3A_144] : memref<100000x768xf32, #tpu.memory_space<hbm>> -> memref<100000x768xf32, #tpu.memory_space<hbm>>
      tpu.wait_indirect_dma semaphore(%arg11 : memref<!tpu.dma_semaphore, #tpu.memory_space<semaphore_mem>>) src(%dma_wait3A_145 : memref<100000x768xf32, #tpu.memory_space<hbm>>) dst(%arg8 : memref<32x768xf32, #tpu.memory_space<vmem>>)
      %lt3A = arith.constant 3 : i32
      %lt3A_146 = arith.cmpi slt, %scan3A_51, %lt3A : i32
      %convert_element_type3A_147 = arith.extui %lt3A_146 : i1 to i32
      %cond3A_148 = arith.constant 0 : i32
      %cond3A_149 = arith.cmpi ne, %convert_element_type3A_147, %cond3A_148 : i32
      scf.if %cond3A_149 {
        %dma_wait3A_221 = arith.constant 0 : i32
        %dma_wait3A_222 = arith.constant 0 : i32
        %dma_wait3A_223 = tpu.memref_slice %arg5[%dma_wait3A_221, %mul3A_2, %dma_wait3A_222] : memref<4x2048x768xf32, #tpu.memory_space<hbm>> -> memref<1x32x768xf32, #tpu.memory_space<hbm>>
        %dma_wait3A_224 = tpu.memref_squeeze %dma_wait3A_223 : memref<1x32x768xf32, #tpu.memory_space<hbm>> -> memref<32x768xf32, #tpu.memory_space<hbm>>
        %dma_wait3A_225 = arith.constant 0 : i32
        %dma_wait3A_226 = tpu.memref_slice %arg5[%dma_wait3A_221, %mul3A_2, %dma_wait3A_225] : memref<4x2048x768xf32, #tpu.memory_space<hbm>> -> memref<1x32x768xf32, #tpu.memory_space<hbm>>
        %dma_wait3A_227 = tpu.memref_squeeze %dma_wait3A_226 : memref<1x32x768xf32, #tpu.memory_space<hbm>> -> memref<32x768xf32, #tpu.memory_space<hbm>>
        tpu.wait_dma2 semaphore(%arg12 : memref<!tpu.dma_semaphore, #tpu.memory_space<semaphore_mem>>) src(%arg7 : memref<32x768xf32, #tpu.memory_space<vmem>>) dst(%dma_wait3A_227 : memref<32x768xf32, #tpu.memory_space<hbm>>)
        %add3A_228 = arith.constant 2 : i32
        %add3A_229 = arith.addi %mul3A_53, %add3A_228 : i32
        %dma_start3A_230 = arith.constant 0 : i32
        %dma_start3A_231 = tpu.memref_slice %arg6[%add3A_229, %dma_start3A_230] : memref<8x32xi32, #tpu.memory_space<vmem>> -> memref<1x32xi32, #tpu.memory_space<vmem>>
        %dma_start3A_232 = tpu.memref_squeeze %dma_start3A_231 : memref<1x32xi32, #tpu.memory_space<vmem>> -> memref<32xi32, #tpu.memory_space<vmem>>
        %dma_start3A_233 = arith.constant 0 : i32
        %dma_start3A_234 = arith.constant 0 : i32
        %dma_start3A_235 = tpu.memref_slice %arg3[%dma_start3A_233, %dma_start3A_234] : memref<100000x768xf32, #tpu.memory_space<hbm>> -> memref<100000x768xf32, #tpu.memory_space<hbm>>
        tpu.enqueue_indirect_dma source(%dma_start3A_235 : memref<100000x768xf32, #tpu.memory_space<hbm>>) target(%arg7 : memref<32x768xf32, #tpu.memory_space<vmem>>) offsets(%dma_start3A_232 : memref<32xi32, #tpu.memory_space<vmem>>) semaphore(%arg10 : memref<!tpu.dma_semaphore, #tpu.memory_space<semaphore_mem>>)
      } else {
      }
      %add3A_150 = arith.constant 1 : i32
      %add3A_151 = arith.addi %mul3A_53, %add3A_150 : i32
      %mul3A_152 = arith.constant 8 : i32
      %mul3A_153 = arith.muli %add3A_151, %mul3A_152 : i32
      %parallel_loop3A_154 = arith.constant 0 : i32
      %parallel_loop3A_155 = arith.constant 8 : i32
      %parallel_loop3A_156 = arith.constant 1 : i32
      scf.for %parallel_loop3A_221 = %parallel_loop3A_154 to %parallel_loop3A_155 step %parallel_loop3A_156  : i32 {
        %parallel_loop3A_222 = arith.addi %mul3A_153, %parallel_loop3A_221 : i32
        %parallel_loop3A_223 = arith.index_cast %parallel_loop3A_222 : i32 to index
        %parallel_loop3A_224 = arith.constant 0 : index
        %parallel_loop3A_225 = tpu.vector_load %arg9[%parallel_loop3A_223, %parallel_loop3A_224] {strides = array<i32>} : memref<64x768xf32, #tpu.memory_space<vmem>>, vector<1x16xf32>,
        %parallel_loop3A_226 = vector.shape_cast %parallel_loop3A_225 : vector<1x16xf32> to vector<16xf32>
        %parallel_loop3A_227 = arith.constant 0 : i32
        %parallel_loop3A_228 = arith.addi %parallel_loop3A_227, %parallel_loop3A_221 : i32
        %parallel_loop3A_229 = arith.index_cast %parallel_loop3A_228 : i32 to index
        %parallel_loop3A_230 = arith.constant 0 : index
        %parallel_loop3A_231 = tpu.vector_load %arg8[%parallel_loop3A_229, %parallel_loop3A_230] {strides = array<i32>} : memref<32x768xf32, #tpu.memory_space<vmem>>, vector<1x16xf32>,
        %parallel_loop3A_232 = vector.shape_cast %parallel_loop3A_231 : vector<1x16xf32> to vector<16xf32>
        %parallel_loop3A_233 = vector.shape_cast %parallel_loop3A_226 : vector<16xf32> to vector<1x16xf32>
        tpu.vector_store %arg8[%parallel_loop3A_229, %parallel_loop3A_230], %parallel_loop3A_233 {add = true, strides = array<i32>} : memref<32x768xf32, #tpu.memory_space<vmem>>, vector<1x16xf32>,
        %parallel_loop3A_234 = arith.constant 8 : i32
        %parallel_loop3A_235 = arith.addi %parallel_loop3A_234, %parallel_loop3A_221 : i32
        %parallel_loop3A_236 = arith.index_cast %parallel_loop3A_235 : i32 to index
        %parallel_loop3A_237 = arith.constant 0 : index
        %parallel_loop3A_238 = tpu.vector_load %arg8[%parallel_loop3A_236, %parallel_loop3A_237] {strides = array<i32>} : memref<32x768xf32, #tpu.memory_space<vmem>>, vector<1x16xf32>,
        %parallel_loop3A_239 = vector.shape_cast %parallel_loop3A_238 : vector<1x16xf32> to vector<16xf32>
        %parallel_loop3A_240 = vector.shape_cast %parallel_loop3A_226 : vector<16xf32> to vector<1x16xf32>
        tpu.vector_store %arg8[%parallel_loop3A_236, %parallel_loop3A_237], %parallel_loop3A_240 {add = true, strides = array<i32>} : memref<32x768xf32, #tpu.memory_space<vmem>>, vector<1x16xf32>,
        %parallel_loop3A_241 = arith.constant 16 : i32
        %parallel_loop3A_242 = arith.addi %parallel_loop3A_241, %parallel_loop3A_221 : i32
        %parallel_loop3A_243 = arith.index_cast %parallel_loop3A_242 : i32 to index
        %parallel_loop3A_244 = arith.constant 0 : index
        %parallel_loop3A_245 = tpu.vector_load %arg8[%parallel_loop3A_243, %parallel_loop3A_244] {strides = array<i32>} : memref<32x768xf32, #tpu.memory_space<vmem>>, vector<1x16xf32>,
        %parallel_loop3A_246 = vector.shape_cast %parallel_loop3A_245 : vector<1x16xf32> to vector<16xf32>
        %parallel_loop3A_247 = vector.shape_cast %parallel_loop3A_226 : vector<16xf32> to vector<1x16xf32>
        tpu.vector_store %arg8[%parallel_loop3A_243, %parallel_loop3A_244], %parallel_loop3A_247 {add = true, strides = array<i32>} : memref<32x768xf32, #tpu.memory_space<vmem>>, vector<1x16xf32>,
        %parallel_loop3A_248 = arith.constant 24 : i32
        %parallel_loop3A_249 = arith.addi %parallel_loop3A_248, %parallel_loop3A_221 : i32
        %parallel_loop3A_250 = arith.index_cast %parallel_loop3A_249 : i32 to index
        %parallel_loop3A_251 = arith.constant 0 : index
        %parallel_loop3A_252 = tpu.vector_load %arg8[%parallel_loop3A_250, %parallel_loop3A_251] {strides = array<i32>} : memref<32x768xf32, #tpu.memory_space<vmem>>, vector<1x16xf32>,
        %parallel_loop3A_253 = vector.shape_cast %parallel_loop3A_252 : vector<1x16xf32> to vector<16xf32>
        %parallel_loop3A_254 = vector.shape_cast %parallel_loop3A_226 : vector<16xf32> to vector<1x16xf32>
        tpu.vector_store %arg8[%parallel_loop3A_250, %parallel_loop3A_251], %parallel_loop3A_254 {add = true, strides = array<i32>} : memref<32x768xf32, #tpu.memory_space<vmem>>, vector<1x16xf32>,
        %parallel_loop3A_255 = arith.addi %mul3A_153, %parallel_loop3A_221 : i32
        %parallel_loop3A_256 = arith.index_cast %parallel_loop3A_255 : i32 to index
        %parallel_loop3A_257 = arith.constant 16 : index
        %parallel_loop3A_258 = tpu.vector_load %arg9[%parallel_loop3A_256, %parallel_loop3A_257] {strides = array<i32>} : memref<64x768xf32, #tpu.memory_space<vmem>>, vector<1x16xf32>,
        %parallel_loop3A_259 = vector.shape_cast %parallel_loop3A_258 : vector<1x16xf32> to vector<16xf32>
        %parallel_loop3A_260 = arith.constant 0 : i32
        %parallel_loop3A_261 = arith.addi %parallel_loop3A_260, %parallel_loop3A_221 : i32
        %parallel_loop3A_262 = arith.index_cast %parallel_loop3A_261 : i32 to index
        %parallel_loop3A_263 = arith.constant 16 : index
        %parallel_loop3A_264 = tpu.vector_load %arg8[%parallel_loop3A_262, %parallel_loop3A_263] {strides = array<i32>} : memref<32x768xf32, #tpu.memory_space<vmem>>, vector<1x16xf32>,
        %parallel_loop3A_265 = vector.shape_cast %parallel_loop3A_264 : vector<1x16xf32> to vector<16xf32>
        %parallel_loop3A_266 = vector.shape_cast %parallel_loop3A_259 : vector<16xf32> to vector<1x16xf32>
        tpu.vector_store %arg8[%parallel_loop3A_262, %parallel_loop3A_263], %parallel_loop3A_266 {add = true, strides = array<i32>} : memref<32x768xf32, #tpu.memory_space<vmem>>, vector<1x16xf32>,
        %parallel_loop3A_267 = arith.constant 8 : i32
        %parallel_loop3A_268 = arith.addi %parallel_loop3A_267, %parallel_loop3A_221 : i32
        %parallel_loop3A_269 = arith.index_cast %parallel_loop3A_268 : i32 to index
        %parallel_loop3A_270 = arith.constant 16 : index
        %parallel_loop3A_271 = tpu.vector_load %arg8[%parallel_loop3A_269, %parallel_loop3A_270] {strides = array<i32>} : memref<32x768xf32, #tpu.memory_space<vmem>>, vector<1x16xf32>,
        %parallel_loop3A_272 = vector.shape_cast %parallel_loop3A_271 : vector<1x16xf32> to vector<16xf32>
        %parallel_loop3A_273 = vector.shape_cast %parallel_loop3A_259 : vector<16xf32> to vector<1x16xf32>
        tpu.vector_store %arg8[%parallel_loop3A_269, %parallel_loop3A_270], %parallel_loop3A_273 {add = true, strides = array<i32>} : memref<32x768xf32, #tpu.memory_space<vmem>>, vector<1x16xf32>,
        %parallel_loop3A_274 = arith.constant 16 : i32
        %parallel_loop3A_275 = arith.addi %parallel_loop3A_274, %parallel_loop3A_221 : i32
        %parallel_loop3A_276 = arith.index_cast %parallel_loop3A_275 : i32 to index
        %parallel_loop3A_277 = arith.constant 16 : index
        %parallel_loop3A_278 = tpu.vector_load %arg8[%parallel_loop3A_276, %parallel_loop3A_277] {strides = array<i32>} : memref<32x768xf32, #tpu.memory_space<vmem>>, vector<1x16xf32>,
        %parallel_loop3A_279 = vector.shape_cast %parallel_loop3A_278 : vector<1x16xf32> to vector<16xf32>
        %parallel_loop3A_280 = vector.shape_cast %parallel_loop3A_259 : vector<16xf32> to vector<1x16xf32>
        tpu.vector_store %arg8[%parallel_loop3A_276, %parallel_loop3A_277], %parallel_loop3A_280 {add = true, strides = array<i32>} : memref<32x768xf32, #tpu.memory_space<vmem>>, vector<1x16xf32>,
        %parallel_loop3A_281 = arith.constant 24 : i32
        %parallel_loop3A_282 = arith.addi %parallel_loop3A_281, %parallel_loop3A_221 : i32
        %parallel_loop3A_283 = arith.index_cast %parallel_loop3A_282 : i32 to index
        %parallel_loop3A_284 = arith.constant 16 : index
        %parallel_loop3A_285 = tpu.vector_load %arg8[%parallel_loop3A_283, %parallel_loop3A_284] {strides = array<i32>} : memref<32x768xf32, #tpu.memory_space<vmem>>, vector<1x16xf32>,
        %parallel_loop3A_286 = vector.shape_cast %parallel_loop3A_285 : vector<1x16xf32> to vector<16xf32>
        %parallel_loop3A_287 = vector.shape_cast %parallel_loop3A_259 : vector<16xf32> to vector<1x16xf32>
        tpu.vector_store %arg8[%parallel_loop3A_283, %parallel_loop3A_284], %parallel_loop3A_287 {add = true, strides = array<i32>} : memref<32x768xf32, #tpu.memory_space<vmem>>, vector<1x16xf32>,
        %parallel_loop3A_288 = arith.addi %mul3A_153, %parallel_loop3A_221 : i32
        %parallel_loop3A_289 = arith.index_cast %parallel_loop3A_288 : i32 to index
        %parallel_loop3A_290 = arith.constant 32 : index
        %parallel_loop3A_291 = tpu.vector_load %arg9[%parallel_loop3A_289, %parallel_loop3A_290] {strides = array<i32>} : memref<64x768xf32, #tpu.memory_space<vmem>>, vector<1x16xf32>,
        %parallel_loop3A_292 = vector.shape_cast %parallel_loop3A_291 : vector<1x16xf32> to vector<16xf32>
        %parallel_loop3A_293 = arith.constant 0 : i32
        %parallel_loop3A_294 = arith.addi %parallel_loop3A_293, %parallel_loop3A_221 : i32
        %parallel_loop3A_295 = arith.index_cast %parallel_loop3A_294 : i32 to index
        %parallel_loop3A_296 = arith.constant 32 : index
        %parallel_loop3A_297 = tpu.vector_load %arg8[%parallel_loop3A_295, %parallel_loop3A_296] {strides = array<i32>} : memref<32x768xf32, #tpu.memory_space<vmem>>, vector<1x16xf32>,
        %parallel_loop3A_298 = vector.shape_cast %parallel_loop3A_297 : vector<1x16xf32> to vector<16xf32>
        %parallel_loop3A_299 = vector.shape_cast %parallel_loop3A_292 : vector<16xf32> to vector<1x16xf32>
        tpu.vector_store %arg8[%parallel_loop3A_295, %parallel_loop3A_296], %parallel_loop3A_299 {add = true, strides = array<i32>} : memref<32x768xf32, #tpu.memory_space<vmem>>, vector<1x16xf32>,
        %parallel_loop3A_300 = arith.constant 8 : i32
        %parallel_loop3A_301 = arith.addi %parallel_loop3A_300, %parallel_loop3A_221 : i32
        %parallel_loop3A_302 = arith.index_cast %parallel_loop3A_301 : i32 to index
        %parallel_loop3A_303 = arith.constant 32 : index
        %parallel_loop3A_304 = tpu.vector_load %arg8[%parallel_loop3A_302, %parallel_loop3A_303] {strides = array<i32>} : memref<32x768xf32, #tpu.memory_space<vmem>>, vector<1x16xf32>,
        %parallel_loop3A_305 = vector.shape_cast %parallel_loop3A_304 : vector<1x16xf32> to vector<16xf32>
        %parallel_loop3A_306 = vector.shape_cast %parallel_loop3A_292 : vector<16xf32> to vector<1x16xf32>
        tpu.vector_store %arg8[%parallel_loop3A_302, %parallel_loop3A_303], %parallel_loop3A_306 {add = true, strides = array<i32>} : memref<32x768xf32, #tpu.memory_space<vmem>>, vector<1x16xf32>,
        %parallel_loop3A_307 = arith.constant 16 : i32
        %parallel_loop3A_308 = arith.addi %parallel_loop3A_307, %parallel_loop3A_221 : i32
        %parallel_loop3A_309 = arith.index_cast %parallel_loop3A_308 : i32 to index
        %parallel_loop3A_310 = arith.constant 32 : index
        %parallel_loop3A_311 = tpu.vector_load %arg8[%parallel_loop3A_309, %parallel_loop3A_310] {strides = array<i32>} : memref<32x768xf32, #tpu.memory_space<vmem>>, vector<1x16xf32>,
        %parallel_loop3A_312 = vector.shape_cast %parallel_loop3A_311 : vector<1x16xf32> to vector<16xf32>
        %parallel_loop3A_313 = vector.shape_cast %parallel_loop3A_292 : vector<16xf32> to vector<1x16xf32>
        tpu.vector_store %arg8[%parallel_loop3A_309, %parallel_loop3A_310], %parallel_loop3A_313 {add = true, strides = array<i32>} : memref<32x768xf32, #tpu.memory_space<vmem>>, vector<1x16xf32>,
        %parallel_loop3A_314 = arith.constant 24 : i32
        %parallel_loop3A_315 = arith.addi %parallel_loop3A_314, %parallel_loop3A_221 : i32
        %parallel_loop3A_316 = arith.index_cast %parallel_loop3A_315 : i32 to index
        %parallel_loop3A_317 = arith.constant 32 : index
        %parallel_loop3A_318 = tpu.vector_load %arg8[%parallel_loop3A_316, %parallel_loop3A_317] {strides = array<i32>} : memref<32x768xf32, #tpu.memory_space<vmem>>, vector<1x16xf32>,
        %parallel_loop3A_319 = vector.shape_cast %parallel_loop3A_318 : vector<1x16xf32> to vector<16xf32>
        %parallel_loop3A_320 = vector.shape_cast %parallel_loop3A_292 : vector<16xf32> to vector<1x16xf32>
        tpu.vector_store %arg8[%parallel_loop3A_316, %parallel_loop3A_317], %parallel_loop3A_320 {add = true, strides = array<i32>} : memref<32x768xf32, #tpu.memory_space<vmem>>, vector<1x16xf32>,
        %parallel_loop3A_321 = arith.addi %mul3A_153, %parallel_loop3A_221 : i32
        %parallel_loop3A_322 = arith.index_cast %parallel_loop3A_321 : i32 to index
        %parallel_loop3A_323 = arith.constant 48 : index
        %parallel_loop3A_324 = tpu.vector_load %arg9[%parallel_loop3A_322, %parallel_loop3A_323] {strides = array<i32>} : memref<64x768xf32, #tpu.memory_space<vmem>>, vector<1x16xf32>,
        %parallel_loop3A_325 = vector.shape_cast %parallel_loop3A_324 : vector<1x16xf32> to vector<16xf32>
        %parallel_loop3A_326 = arith.constant 0 : i32
        %parallel_loop3A_327 = arith.addi %parallel_loop3A_326, %parallel_loop3A_221 : i32
        %parallel_loop3A_328 = arith.index_cast %parallel_loop3A_327 : i32 to index
        %parallel_loop3A_329 = arith.constant 48 : index
        %parallel_loop3A_330 = tpu.vector_load %arg8[%parallel_loop3A_328, %parallel_loop3A_329] {strides = array<i32>} : memref<32x768xf32, #tpu.memory_space<vmem>>, vector<1x16xf32>,
        %parallel_loop3A_331 = vector.shape_cast %parallel_loop3A_330 : vector<1x16xf32> to vector<16xf32>
        %parallel_loop3A_332 = vector.shape_cast %parallel_loop3A_325 : vector<16xf32> to vector<1x16xf32>
        tpu.vector_store %arg8[%parallel_loop3A_328, %parallel_loop3A_329], %parallel_loop3A_332 {add = true, strides = array<i32>} : memref<32x768xf32, #tpu.memory_space<vmem>>, vector<1x16xf32>,
        %parallel_loop3A_333 = arith.constant 8 : i32
        %parallel_loop3A_334 = arith.addi %parallel_loop3A_333, %parallel_loop3A_221 : i32
        %parallel_loop3A_335 = arith.index_cast %parallel_loop3A_334 : i32 to index
        %parallel_loop3A_336 = arith.constant 48 : index
        %parallel_loop3A_337 = tpu.vector_load %arg8[%parallel_loop3A_335, %parallel_loop3A_336] {strides = array<i32>} : memref<32x768xf32, #tpu.memory_space<vmem>>, vector<1x16xf32>,
        %parallel_loop3A_338 = vector.shape_cast %parallel_loop3A_337 : vector<1x16xf32> to vector<16xf32>
        %parallel_loop3A_339 = vector.shape_cast %parallel_loop3A_325 : vector<16xf32> to vector<1x16xf32>
        tpu.vector_store %arg8[%parallel_loop3A_335, %parallel_loop3A_336], %parallel_loop3A_339 {add = true, strides = array<i32>} : memref<32x768xf32, #tpu.memory_space<vmem>>, vector<1x16xf32>,
        %parallel_loop3A_340 = arith.constant 16 : i32
        %parallel_loop3A_341 = arith.addi %parallel_loop3A_340, %parallel_loop3A_221 : i32
        %parallel_loop3A_342 = arith.index_cast %parallel_loop3A_341 : i32 to index
        %parallel_loop3A_343 = arith.constant 48 : index
        %parallel_loop3A_344 = tpu.vector_load %arg8[%parallel_loop3A_342, %parallel_loop3A_343] {strides = array<i32>} : memref<32x768xf32, #tpu.memory_space<vmem>>, vector<1x16xf32>,
        %parallel_loop3A_345 = vector.shape_cast %parallel_loop3A_344 : vector<1x16xf32> to vector<16xf32>
        %parallel_loop3A_346 = vector.shape_cast %parallel_loop3A_325 : vector<16xf32> to vector<1x16xf32>
        tpu.vector_store %arg8[%parallel_loop3A_342, %parallel_loop3A_343], %parallel_loop3A_346 {add = true, strides = array<i32>} : memref<32x768xf32, #tpu.memory_space<vmem>>, vector<1x16xf32>,
        %parallel_loop3A_347 = arith.constant 24 : i32
        %parallel_loop3A_348 = arith.addi %parallel_loop3A_347, %parallel_loop3A_221 : i32
        %parallel_loop3A_349 = arith.index_cast %parallel_loop3A_348 : i32 to index
        %parallel_loop3A_350 = arith.constant 48 : index
        %parallel_loop3A_351 = tpu.vector_load %arg8[%parallel_loop3A_349, %parallel_loop3A_350] {strides = array<i32>} : memref<32x768xf32, #tpu.memory_space<vmem>>, vector<1x16xf32>,
        %parallel_loop3A_352 = vector.shape_cast %parallel_loop3A_351 : vector<1x16xf32> to vector<16xf32>
        %parallel_loop3A_353 = vector.shape_cast %parallel_loop3A_325 : vector<16xf32> to vector<1x16xf32>
        tpu.vector_store %arg8[%parallel_loop3A_349, %parallel_loop3A_350], %parallel_loop3A_353 {add = true, strides = array<i32>} : memref<32x768xf32, #tpu.memory_space<vmem>>, vector<1x16xf32>,
        %parallel_loop3A_354 = arith.addi %mul3A_153, %parallel_loop3A_221 : i32
        %parallel_loop3A_355 = arith.index_cast %parallel_loop3A_354 : i32 to index
        %parallel_loop3A_356 = arith.constant 64 : index
        %parallel_loop3A_357 = tpu.vector_load %arg9[%parallel_loop3A_355, %parallel_loop3A_356] {strides = array<i32>} : memref<64x768xf32, #tpu.memory_space<vmem>>, vector<1x16xf32>,
        %parallel_loop3A_358 = vector.shape_cast %parallel_loop3A_357 : vector<1x16xf32> to vector<16xf32>
        %parallel_loop3A_359 = arith.constant 0 : i32
        %parallel_loop3A_360 = arith.addi %parallel_loop3A_359, %parallel_loop3A_221 : i32
        %parallel_loop3A_361 = arith.index_cast %parallel_loop3A_360 : i32 to index
        %parallel_loop3A_362 = arith.constant 64 : index
        %parallel_loop3A_363 = tpu.vector_load %arg8[%parallel_loop3A_361, %parallel_loop3A_362] {strides = array<i32>} : memref<32x768xf32, #tpu.memory_space<vmem>>, vector<1x16xf32>,
        %parallel_loop3A_364 = vector.shape_cast %parallel_loop3A_363 : vector<1x16xf32> to vector<16xf32>
        %parallel_loop3A_365 = vector.shape_cast %parallel_loop3A_358 : vector<16xf32> to vector<1x16xf32>
        tpu.vector_store %arg8[%parallel_loop3A_361, %parallel_loop3A_362], %parallel_loop3A_365 {add = true, strides = array<i32>} : memref<32x768xf32, #tpu.memory_space<vmem>>, vector<1x16xf32>,
        %parallel_loop3A_366 = arith.constant 8 : i32
        %parallel_loop3A_367 = arith.addi %parallel_loop3A_366, %parallel_loop3A_221 : i32
        %parallel_loop3A_368 = arith.index_cast %parallel_loop3A_367 : i32 to index
        %parallel_loop3A_369 = arith.constant 64 : index
        %parallel_loop3A_370 = tpu.vector_load %arg8[%parallel_loop3A_368, %parallel_loop3A_369] {strides = array<i32>} : memref<32x768xf32, #tpu.memory_space<vmem>>, vector<1x16xf32>,
        %parallel_loop3A_371 = vector.shape_cast %parallel_loop3A_370 : vector<1x16xf32> to vector<16xf32>
        %parallel_loop3A_372 = vector.shape_cast %parallel_loop3A_358 : vector<16xf32> to vector<1x16xf32>
        tpu.vector_store %arg8[%parallel_loop3A_368, %parallel_loop3A_369], %parallel_loop3A_372 {add = true, strides = array<i32>} : memref<32x768xf32, #tpu.memory_space<vmem>>, vector<1x16xf32>,
        %parallel_loop3A_373 = arith.constant 16 : i32
        %parallel_loop3A_374 = arith.addi %parallel_loop3A_373, %parallel_loop3A_221 : i32
        %parallel_loop3A_375 = arith.index_cast %parallel_loop3A_374 : i32 to index
        %parallel_loop3A_376 = arith.constant 64 : index
        %parallel_loop3A_377 = tpu.vector_load %arg8[%parallel_loop3A_375, %parallel_loop3A_376] {strides = array<i32>} : memref<32x768xf32, #tpu.memory_space<vmem>>, vector<1x16xf32>,
        %parallel_loop3A_378 = vector.shape_cast %parallel_loop3A_377 : vector<1x16xf32> to vector<16xf32>
        %parallel_loop3A_379 = vector.shape_cast %parallel_loop3A_358 : vector<16xf32> to vector<1x16xf32>
        tpu.vector_store %arg8[%parallel_loop3A_375, %parallel_loop3A_376], %parallel_loop3A_379 {add = true, strides = array<i32>} : memref<32x768xf32, #tpu.memory_space<vmem>>, vector<1x16xf32>,
        %parallel_loop3A_380 = arith.constant 24 : i32
        %parallel_loop3A_381 = arith.addi %parallel_loop3A_380, %parallel_loop3A_221 : i32
        %parallel_loop3A_382 = arith.index_cast %parallel_loop3A_381 : i32 to index
        %parallel_loop3A_383 = arith.constant 64 : index
        %parallel_loop3A_384 = tpu.vector_load %arg8[%parallel_loop3A_382, %parallel_loop3A_383] {strides = array<i32>} : memref<32x768xf32, #tpu.memory_space<vmem>>, vector<1x16xf32>,
        %parallel_loop3A_385 = vector.shape_cast %parallel_loop3A_384 : vector<1x16xf32> to vector<16xf32>
        %parallel_loop3A_386 = vector.shape_cast %parallel_loop3A_358 : vector<16xf32> to vector<1x16xf32>
        tpu.vector_store %arg8[%parallel_loop3A_382, %parallel_loop3A_383], %parallel_loop3A_386 {add = true, strides = array<i32>} : memref<32x768xf32, #tpu.memory_space<vmem>>, vector<1x16xf32>,
        %parallel_loop3A_387 = arith.addi %mul3A_153, %parallel_loop3A_221 : i32
        %parallel_loop3A_388 = arith.index_cast %parallel_loop3A_387 : i32 to index
        %parallel_loop3A_389 = arith.constant 80 : index
        %parallel_loop3A_390 = tpu.vector_load %arg9[%parallel_loop3A_388, %parallel_loop3A_389] {strides = array<i32>} : memref<64x768xf32, #tpu.memory_space<vmem>>, vector<1x16xf32>,
        %parallel_loop3A_391 = vector.shape_cast %parallel_loop3A_390 : vector<1x16xf32> to vector<16xf32>
        %parallel_loop3A_392 = arith.constant 0 : i32
        %parallel_loop3A_393 = arith.addi %parallel_loop3A_392, %parallel_loop3A_221 : i32
        %parallel_loop3A_394 = arith.index_cast %parallel_loop3A_393 : i32 to index
        %parallel_loop3A_395 = arith.constant 80 : index
        %parallel_loop3A_396 = tpu.vector_load %arg8[%parallel_loop3A_394, %parallel_loop3A_395] {strides = array<i32>} : memref<32x768xf32, #tpu.memory_space<vmem>>, vector<1x16xf32>,
        %parallel_loop3A_397 = vector.shape_cast %parallel_loop3A_396 : vector<1x16xf32> to vector<16xf32>
        %parallel_loop3A_398 = vector.shape_cast %parallel_loop3A_391 : vector<16xf32> to vector<1x16xf32>
        tpu.vector_store %arg8[%parallel_loop3A_394, %parallel_loop3A_395], %parallel_loop3A_398 {add = true, strides = array<i32>} : memref<32x768xf32, #tpu.memory_space<vmem>>, vector<1x16xf32>,
        %parallel_loop3A_399 = arith.constant 8 : i32
        %parallel_loop3A_400 = arith.addi %parallel_loop3A_399, %parallel_loop3A_221 : i32
        %parallel_loop3A_401 = arith.index_cast %parallel_loop3A_400 : i32 to index
        %parallel_loop3A_402 = arith.constant 80 : index
        %parallel_loop3A_403 = tpu.vector_load %arg8[%parallel_loop3A_401, %parallel_loop3A_402] {strides = array<i32>} : memref<32x768xf32, #tpu.memory_space<vmem>>, vector<1x16xf32>,
        %parallel_loop3A_404 = vector.shape_cast %parallel_loop3A_403 : vector<1x16xf32> to vector<16xf32>
        %parallel_loop3A_405 = vector.shape_cast %parallel_loop3A_391 : vector<16xf32> to vector<1x16xf32>
        tpu.vector_store %arg8[%parallel_loop3A_401, %parallel_loop3A_402], %parallel_loop3A_405 {add = true, strides = array<i32>} : memref<32x768xf32, #tpu.memory_space<vmem>>, vector<1x16xf32>,
        %parallel_loop3A_406 = arith.constant 16 : i32
        %parallel_loop3A_407 = arith.addi %parallel_loop3A_406, %parallel_loop3A_221 : i32
        %parallel_loop3A_408 = arith.index_cast %parallel_loop3A_407 : i32 to index
        %parallel_loop3A_409 = arith.constant 80 : index
        %parallel_loop3A_410 = tpu.vector_load %arg8[%parallel_loop3A_408, %parallel_loop3A_409] {strides = array<i32>} : memref<32x768xf32, #tpu.memory_space<vmem>>, vector<1x16xf32>,
        %parallel_loop3A_411 = vector.shape_cast %parallel_loop3A_410 : vector<1x16xf32> to vector<16xf32>
        %parallel_loop3A_412 = vector.shape_cast %parallel_loop3A_391 : vector<16xf32> to vector<1x16xf32>
        tpu.vector_store %arg8[%parallel_loop3A_408, %parallel_loop3A_409], %parallel_loop3A_412 {add = true, strides = array<i32>} : memref<32x768xf32, #tpu.memory_space<vmem>>, vector<1x16xf32>,
        %parallel_loop3A_413 = arith.constant 24 : i32
        %parallel_loop3A_414 = arith.addi %parallel_loop3A_413, %parallel_loop3A_221 : i32
        %parallel_loop3A_415 = arith.index_cast %parallel_loop3A_414 : i32 to index
        %parallel_loop3A_416 = arith.constant 80 : index
        %parallel_loop3A_417 = tpu.vector_load %arg8[%parallel_loop3A_415, %parallel_loop3A_416] {strides = array<i32>} : memref<32x768xf32, #tpu.memory_space<vmem>>, vector<1x16xf32>,
        %parallel_loop3A_418 = vector.shape_cast %parallel_loop3A_417 : vector<1x16xf32> to vector<16xf32>
        %parallel_loop3A_419 = vector.shape_cast %parallel_loop3A_391 : vector<16xf32> to vector<1x16xf32>
        tpu.vector_store %arg8[%parallel_loop3A_415, %parallel_loop3A_416], %parallel_loop3A_419 {add = true, strides = array<i32>} : memref<32x768xf32, #tpu.memory_space<vmem>>, vector<1x16xf32>,
        %parallel_loop3A_420 = arith.addi %mul3A_153, %parallel_loop3A_221 : i32
        %parallel_loop3A_421 = arith.index_cast %parallel_loop3A_420 : i32 to index
        %parallel_loop3A_422 = arith.constant 96 : index
        %parallel_loop3A_423 = tpu.vector_load %arg9[%parallel_loop3A_421, %parallel_loop3A_422] {strides = array<i32>} : memref<64x768xf32, #tpu.memory_space<vmem>>, vector<1x16xf32>,
        %parallel_loop3A_424 = vector.shape_cast %parallel_loop3A_423 : vector<1x16xf32> to vector<16xf32>
        %parallel_loop3A_425 = arith.constant 0 : i32
        %parallel_loop3A_426 = arith.addi %parallel_loop3A_425, %parallel_loop3A_221 : i32
        %parallel_loop3A_427 = arith.index_cast %parallel_loop3A_426 : i32 to index
        %parallel_loop3A_428 = arith.constant 96 : index
        %parallel_loop3A_429 = tpu.vector_load %arg8[%parallel_loop3A_427, %parallel_loop3A_428] {strides = array<i32>} : memref<32x768xf32, #tpu.memory_space<vmem>>, vector<1x16xf32>,
        %parallel_loop3A_430 = vector.shape_cast %parallel_loop3A_429 : vector<1x16xf32> to vector<16xf32>
        %parallel_loop3A_431 = vector.shape_cast %parallel_loop3A_424 : vector<16xf32> to vector<1x16xf32>
        tpu.vector_store %arg8[%parallel_loop3A_427, %parallel_loop3A_428], %parallel_loop3A_431 {add = true, strides = array<i32>} : memref<32x768xf32, #tpu.memory_space<vmem>>, vector<1x16xf32>,
        %parallel_loop3A_432 = arith.constant 8 : i32
        %parallel_loop3A_433 = arith.addi %parallel_loop3A_432, %parallel_loop3A_221 : i32
        %parallel_loop3A_434 = arith.index_cast %parallel_loop3A_433 : i32 to index
        %parallel_loop3A_435 = arith.constant 96 : index
        %parallel_loop3A_436 = tpu.vector_load %arg8[%parallel_loop3A_434, %parallel_loop3A_435] {strides = array<i32>} : memref<32x768xf32, #tpu.memory_space<vmem>>, vector<1x16xf32>,
        %parallel_loop3A_437 = vector.shape_cast %parallel_loop3A_436 : vector<1x16xf32> to vector<16xf32>
        %parallel_loop3A_438 = vector.shape_cast %parallel_loop3A_424 : vector<16xf32> to vector<1x16xf32>
        tpu.vector_store %arg8[%parallel_loop3A_434, %parallel_loop3A_435], %parallel_loop3A_438 {add = true, strides = array<i32>} : memref<32x768xf32, #tpu.memory_space<vmem>>, vector<1x16xf32>,
        %parallel_loop3A_439 = arith.constant 16 : i32
        %parallel_loop3A_440 = arith.addi %parallel_loop3A_439, %parallel_loop3A_221 : i32
        %parallel_loop3A_441 = arith.index_cast %parallel_loop3A_440 : i32 to index
        %parallel_loop3A_442 = arith.constant 96 : index
        %parallel_loop3A_443 = tpu.vector_load %arg8[%parallel_loop3A_441, %parallel_loop3A_442] {strides = array<i32>} : memref<32x768xf32, #tpu.memory_space<vmem>>, vector<1x16xf32>,
        %parallel_loop3A_444 = vector.shape_cast %parallel_loop3A_443 : vector<1x16xf32> to vector<16xf32>
        %parallel_loop3A_445 = vector.shape_cast %parallel_loop3A_424 : vector<16xf32> to vector<1x16xf32>
        tpu.vector_store %arg8[%parallel_loop3A_441, %parallel_loop3A_442], %parallel_loop3A_445 {add = true, strides = array<i32>} : memref<32x768xf32, #tpu.memory_space<vmem>>, vector<1x16xf32>,
        %parallel_loop3A_446 = arith.constant 24 : i32
        %parallel_loop3A_447 = arith.addi %parallel_loop3A_446, %parallel_loop3A_221 : i32
        %parallel_loop3A_448 = arith.index_cast %parallel_loop3A_447 : i32 to index
        %parallel_loop3A_449 = arith.constant 96 : index
        %parallel_loop3A_450 = tpu.vector_load %arg8[%parallel_loop3A_448, %parallel_loop3A_449] {strides = array<i32>} : memref<32x768xf32, #tpu.memory_space<vmem>>, vector<1x16xf32>,
        %parallel_loop3A_451 = vector.shape_cast %parallel_loop3A_450 : vector<1x16xf32> to vector<16xf32>
        %parallel_loop3A_452 = vector.shape_cast %parallel_loop3A_424 : vector<16xf32> to vector<1x16xf32>
        tpu.vector_store %arg8[%parallel_loop3A_448, %parallel_loop3A_449], %parallel_loop3A_452 {add = true, strides = array<i32>} : memref<32x768xf32, #tpu.memory_space<vmem>>, vector<1x16xf32>,
        %parallel_loop3A_453 = arith.addi %mul3A_153, %parallel_loop3A_221 : i32
        %parallel_loop3A_454 = arith.index_cast %parallel_loop3A_453 : i32 to index
        %parallel_loop3A_455 = arith.constant 112 : index
        %parallel_loop3A_456 = tpu.vector_load %arg9[%parallel_loop3A_454, %parallel_loop3A_455] {strides = array<i32>} : memref<64x768xf32, #tpu.memory_space<vmem>>, vector<1x16xf32>,
        %parallel_loop3A_457 = vector.shape_cast %parallel_loop3A_456 : vector<1x16xf32> to vector<16xf32>
        %parallel_loop3A_458 = arith.constant 0 : i32
        %parallel_loop3A_459 = arith.addi %parallel_loop3A_458, %parallel_loop3A_221 : i32
        %parallel_loop3A_460 = arith.index_cast %parallel_loop3A_459 : i32 to index
        %parallel_loop3A_461 = arith.constant 112 : index
        %parallel_loop3A_462 = tpu.vector_load %arg8[%parallel_loop3A_460, %parallel_loop3A_461] {strides = array<i32>} : memref<32x768xf32, #tpu.memory_space<vmem>>, vector<1x16xf32>,
        %parallel_loop3A_463 = vector.shape_cast %parallel_loop3A_462 : vector<1x16xf32> to vector<16xf32>
        %parallel_loop3A_464 = vector.shape_cast %parallel_loop3A_457 : vector<16xf32> to vector<1x16xf32>
        tpu.vector_store %arg8[%parallel_loop3A_460, %parallel_loop3A_461], %parallel_loop3A_464 {add = true, strides = array<i32>} : memref<32x768xf32, #tpu.memory_space<vmem>>, vector<1x16xf32>,
        %parallel_loop3A_465 = arith.constant 8 : i32
        %parallel_loop3A_466 = arith.addi %parallel_loop3A_465, %parallel_loop3A_221 : i32
        %parallel_loop3A_467 = arith.index_cast %parallel_loop3A_466 : i32 to index
        %parallel_loop3A_468 = arith.constant 112 : index
        %parallel_loop3A_469 = tpu.vector_load %arg8[%parallel_loop3A_467, %parallel_loop3A_468] {strides = array<i32>} : memref<32x768xf32, #tpu.memory_space<vmem>>, vector<1x16xf32>,
        %parallel_loop3A_470 = vector.shape_cast %parallel_loop3A_469 : vector<1x16xf32> to vector<16xf32>
        %parallel_loop3A_471 = vector.shape_cast %parallel_loop3A_457 : vector<16xf32> to vector<1x16xf32>
        tpu.vector_store %arg8[%parallel_loop3A_467, %parallel_loop3A_468], %parallel_loop3A_471 {add = true, strides = array<i32>} : memref<32x768xf32, #tpu.memory_space<vmem>>, vector<1x16xf32>,
        %parallel_loop3A_472 = arith.constant 16 : i32
        %parallel_loop3A_473 = arith.addi %parallel_loop3A_472, %parallel_loop3A_221 : i32
        %parallel_loop3A_474 = arith.index_cast %parallel_loop3A_473 : i32 to index
        %parallel_loop3A_475 = arith.constant 112 : index
        %parallel_loop3A_476 = tpu.vector_load %arg8[%parallel_loop3A_474, %parallel_loop3A_475] {strides = array<i32>} : memref<32x768xf32, #tpu.memory_space<vmem>>, vector<1x16xf32>,
        %parallel_loop3A_477 = vector.shape_cast %parallel_loop3A_476 : vector<1x16xf32> to vector<16xf32>
        %parallel_loop3A_478 = vector.shape_cast %parallel_loop3A_457 : vector<16xf32> to vector<1x16xf32>
        tpu.vector_store %arg8[%parallel_loop3A_474, %parallel_loop3A_475], %parallel_loop3A_478 {add = true, strides = array<i32>} : memref<32x768xf32, #tpu.memory_space<vmem>>, vector<1x16xf32>,
        %parallel_loop3A_479 = arith.constant 24 : i32
        %parallel_loop3A_480 = arith.addi %parallel_loop3A_479, %parallel_loop3A_221 : i32
        %parallel_loop3A_481 = arith.index_cast %parallel_loop3A_480 : i32 to index
        %parallel_loop3A_482 = arith.constant 112 : index
        %parallel_loop3A_483 = tpu.vector_load %arg8[%parallel_loop3A_481, %parallel_loop3A_482] {strides = array<i32>} : memref<32x768xf32, #tpu.memory_space<vmem>>, vector<1x16xf32>,
        %parallel_loop3A_484 = vector.shape_cast %parallel_loop3A_483 : vector<1x16xf32> to vector<16xf32>
        %parallel_loop3A_485 = vector.shape_cast %parallel_loop3A_457 : vector<16xf32> to vector<1x16xf32>
        tpu.vector_store %arg8[%parallel_loop3A_481, %parallel_loop3A_482], %parallel_loop3A_485 {add = true, strides = array<i32>} : memref<32x768xf32, #tpu.memory_space<vmem>>, vector<1x16xf32>,
        %parallel_loop3A_486 = arith.addi %mul3A_153, %parallel_loop3A_221 : i32
        %parallel_loop3A_487 = arith.index_cast %parallel_loop3A_486 : i32 to index
        %parallel_loop3A_488 = arith.constant 128 : index
        %parallel_loop3A_489 = tpu.vector_load %arg9[%parallel_loop3A_487, %parallel_loop3A_488] {strides = array<i32>} : memref<64x768xf32, #tpu.memory_space<vmem>>, vector<1x16xf32>,
        %parallel_loop3A_490 = vector.shape_cast %parallel_loop3A_489 : vector<1x16xf32> to vector<16xf32>
        %parallel_loop3A_491 = arith.constant 0 : i32
        %parallel_loop3A_492 = arith.addi %parallel_loop3A_491, %parallel_loop3A_221 : i32
        %parallel_loop3A_493 = arith.index_cast %parallel_loop3A_492 : i32 to index
        %parallel_loop3A_494 = arith.constant 128 : index
        %parallel_loop3A_495 = tpu.vector_load %arg8[%parallel_loop3A_493, %parallel_loop3A_494] {strides = array<i32>} : memref<32x768xf32, #tpu.memory_space<vmem>>, vector<1x16xf32>,
        %parallel_loop3A_496 = vector.shape_cast %parallel_loop3A_495 : vector<1x16xf32> to vector<16xf32>
        %parallel_loop3A_497 = vector.shape_cast %parallel_loop3A_490 : vector<16xf32> to vector<1x16xf32>
        tpu.vector_store %arg8[%parallel_loop3A_493, %parallel_loop3A_494], %parallel_loop3A_497 {add = true, strides = array<i32>} : memref<32x768xf32, #tpu.memory_space<vmem>>, vector<1x16xf32>,
        %parallel_loop3A_498 = arith.constant 8 : i32
        %parallel_loop3A_499 = arith.addi %parallel_loop3A_498, %parallel_loop3A_221 : i32
        %parallel_loop3A_500 = arith.index_cast %parallel_loop3A_499 : i32 to index
        %parallel_loop3A_501 = arith.constant 128 : index
        %parallel_loop3A_502 = tpu.vector_load %arg8[%parallel_loop3A_500, %parallel_loop3A_501] {strides = array<i32>} : memref<32x768xf32, #tpu.memory_space<vmem>>, vector<1x16xf32>,
        %parallel_loop3A_503 = vector.shape_cast %parallel_loop3A_502 : vector<1x16xf32> to vector<16xf32>
        %parallel_loop3A_504 = vector.shape_cast %parallel_loop3A_490 : vector<16xf32> to vector<1x16xf32>
        tpu.vector_store %arg8[%parallel_loop3A_500, %parallel_loop3A_501], %parallel_loop3A_504 {add = true, strides = array<i32>} : memref<32x768xf32, #tpu.memory_space<vmem>>, vector<1x16xf32>,
        %parallel_loop3A_505 = arith.constant 16 : i32
        %parallel_loop3A_506 = arith.addi %parallel_loop3A_505, %parallel_loop3A_221 : i32
        %parallel_loop3A_507 = arith.index_cast %parallel_loop3A_506 : i32 to index
        %parallel_loop3A_508 = arith.constant 128 : index
        %parallel_loop3A_509 = tpu.vector_load %arg8[%parallel_loop3A_507, %parallel_loop3A_508] {strides = array<i32>} : memref<32x768xf32, #tpu.memory_space<vmem>>, vector<1x16xf32>,
        %parallel_loop3A_510 = vector.shape_cast %parallel_loop3A_509 : vector<1x16xf32> to vector<16xf32>
        %parallel_loop3A_511 = vector.shape_cast %parallel_loop3A_490 : vector<16xf32> to vector<1x16xf32>
        tpu.vector_store %arg8[%parallel_loop3A_507, %parallel_loop3A_508], %parallel_loop3A_511 {add = true, strides = array<i32>} : memref<32x768xf32, #tpu.memory_space<vmem>>, vector<1x16xf32>,
        %parallel_loop3A_512 = arith.constant 24 : i32
        %parallel_loop3A_513 = arith.addi %parallel_loop3A_512, %parallel_loop3A_221 : i32
        %parallel_loop3A_514 = arith.index_cast %parallel_loop3A_513 : i32 to index
        %parallel_loop3A_515 = arith.constant 128 : index
        %parallel_loop3A_516 = tpu.vector_load %arg8[%parallel_loop3A_514, %parallel_loop3A_515] {strides = array<i32>} : memref<32x768xf32, #tpu.memory_space<vmem>>, vector<1x16xf32>,
        %parallel_loop3A_517 = vector.shape_cast %parallel_loop3A_516 : vector<1x16xf32> to vector<16xf32>
        %parallel_loop3A_518 = vector.shape_cast %parallel_loop3A_490 : vector<16xf32> to vector<1x16xf32>
        tpu.vector_store %arg8[%parallel_loop3A_514, %parallel_loop3A_515], %parallel_loop3A_518 {add = true, strides = array<i32>} : memref<32x768xf32, #tpu.memory_space<vmem>>, vector<1x16xf32>,
        %parallel_loop3A_519 = arith.addi %mul3A_153, %parallel_loop3A_221 : i32
        %parallel_loop3A_520 = arith.index_cast %parallel_loop3A_519 : i32 to index
        %parallel_loop3A_521 = arith.constant 144 : index
        %parallel_loop3A_522 = tpu.vector_load %arg9[%parallel_loop3A_520, %parallel_loop3A_521] {strides = array<i32>} : memref<64x768xf32, #tpu.memory_space<vmem>>, vector<1x16xf32>,
        %parallel_loop3A_523 = vector.shape_cast %parallel_loop3A_522 : vector<1x16xf32> to vector<16xf32>
        %parallel_loop3A_524 = arith.constant 0 : i32
        %parallel_loop3A_525 = arith.addi %parallel_loop3A_524, %parallel_loop3A_221 : i32
        %parallel_loop3A_526 = arith.index_cast %parallel_loop3A_525 : i32 to index
        %parallel_loop3A_527 = arith.constant 144 : index
        %parallel_loop3A_528 = tpu.vector_load %arg8[%parallel_loop3A_526, %parallel_loop3A_527] {strides = array<i32>} : memref<32x768xf32, #tpu.memory_space<vmem>>, vector<1x16xf32>,
        %parallel_loop3A_529 = vector.shape_cast %parallel_loop3A_528 : vector<1x16xf32> to vector<16xf32>
        %parallel_loop3A_530 = vector.shape_cast %parallel_loop3A_523 : vector<16xf32> to vector<1x16xf32>
        tpu.vector_store %arg8[%parallel_loop3A_526, %parallel_loop3A_527], %parallel_loop3A_530 {add = true, strides = array<i32>} : memref<32x768xf32, #tpu.memory_space<vmem>>, vector<1x16xf32>,
        %parallel_loop3A_531 = arith.constant 8 : i32
        %parallel_loop3A_532 = arith.addi %parallel_loop3A_531, %parallel_loop3A_221 : i32
        %parallel_loop3A_533 = arith.index_cast %parallel_loop3A_532 : i32 to index
        %parallel_loop3A_534 = arith.constant 144 : index
        %parallel_loop3A_535 = tpu.vector_load %arg8[%parallel_loop3A_533, %parallel_loop3A_534] {strides = array<i32>} : memref<32x768xf32, #tpu.memory_space<vmem>>, vector<1x16xf32>,
        %parallel_loop3A_536 = vector.shape_cast %parallel_loop3A_535 : vector<1x16xf32> to vector<16xf32>
        %parallel_loop3A_537 = vector.shape_cast %parallel_loop3A_523 : vector<16xf32> to vector<1x16xf32>
        tpu.vector_store %arg8[%parallel_loop3A_533, %parallel_loop3A_534], %parallel_loop3A_537 {add = true, strides = array<i32>} : memref<32x768xf32, #tpu.memory_space<vmem>>, vector<1x16xf32>,
        %parallel_loop3A_538 = arith.constant 16 : i32
        %parallel_loop3A_539 = arith.addi %parallel_loop3A_538, %parallel_loop3A_221 : i32
        %parallel_loop3A_540 = arith.index_cast %parallel_loop3A_539 : i32 to index
        %parallel_loop3A_541 = arith.constant 144 : index
        %parallel_loop3A_542 = tpu.vector_load %arg8[%parallel_loop3A_540, %parallel_loop3A_541] {strides = array<i32>} : memref<32x768xf32, #tpu.memory_space<vmem>>, vector<1x16xf32>,
        %parallel_loop3A_543 = vector.shape_cast %parallel_loop3A_542 : vector<1x16xf32> to vector<16xf32>
        %parallel_loop3A_544 = vector.shape_cast %parallel_loop3A_523 : vector<16xf32> to vector<1x16xf32>
        tpu.vector_store %arg8[%parallel_loop3A_540, %parallel_loop3A_541], %parallel_loop3A_544 {add = true, strides = array<i32>} : memref<32x768xf32, #tpu.memory_space<vmem>>, vector<1x16xf32>,
        %parallel_loop3A_545 = arith.constant 24 : i32
        %parallel_loop3A_546 = arith.addi %parallel_loop3A_545, %parallel_loop3A_221 : i32
        %parallel_loop3A_547 = arith.index_cast %parallel_loop3A_546 : i32 to index
        %parallel_loop3A_548 = arith.constant 144 : index
        %parallel_loop3A_549 = tpu.vector_load %arg8[%parallel_loop3A_547, %parallel_loop3A_548] {strides = array<i32>} : memref<32x768xf32, #tpu.memory_space<vmem>>, vector<1x16xf32>,
        %parallel_loop3A_550 = vector.shape_cast %parallel_loop3A_549 : vector<1x16xf32> to vector<16xf32>
        %parallel_loop3A_551 = vector.shape_cast %parallel_loop3A_523 : vector<16xf32> to vector<1x16xf32>
        tpu.vector_store %arg8[%parallel_loop3A_547, %parallel_loop3A_548], %parallel_loop3A_551 {add = true, strides = array<i32>} : memref<32x768xf32, #tpu.memory_space<vmem>>, vector<1x16xf32>,
        %parallel_loop3A_552 = arith.addi %mul3A_153, %parallel_loop3A_221 : i32
        %parallel_loop3A_553 = arith.index_cast %parallel_loop3A_552 : i32 to index
        %parallel_loop3A_554 = arith.constant 160 : index
        %parallel_loop3A_555 = tpu.vector_load %arg9[%parallel_loop3A_553, %parallel_loop3A_554] {strides = array<i32>} : memref<64x768xf32, #tpu.memory_space<vmem>>, vector<1x16xf32>,
        %parallel_loop3A_556 = vector.shape_cast %parallel_loop3A_555 : vector<1x16xf32> to vector<16xf32>
        %parallel_loop3A_557 = arith.constant 0 : i32
        %parallel_loop3A_558 = arith.addi %parallel_loop3A_557, %parallel_loop3A_221 : i32
        %parallel_loop3A_559 = arith.index_cast %parallel_loop3A_558 : i32 to index
        %parallel_loop3A_560 = arith.constant 160 : index
        %parallel_loop3A_561 = tpu.vector_load %arg8[%parallel_loop3A_559, %parallel_loop3A_560] {strides = array<i32>} : memref<32x768xf32, #tpu.memory_space<vmem>>, vector<1x16xf32>,
        %parallel_loop3A_562 = vector.shape_cast %parallel_loop3A_561 : vector<1x16xf32> to vector<16xf32>
        %parallel_loop3A_563 = vector.shape_cast %parallel_loop3A_556 : vector<16xf32> to vector<1x16xf32>
        tpu.vector_store %arg8[%parallel_loop3A_559, %parallel_loop3A_560], %parallel_loop3A_563 {add = true, strides = array<i32>} : memref<32x768xf32, #tpu.memory_space<vmem>>, vector<1x16xf32>,
        %parallel_loop3A_564 = arith.constant 8 : i32
        %parallel_loop3A_565 = arith.addi %parallel_loop3A_564, %parallel_loop3A_221 : i32
        %parallel_loop3A_566 = arith.index_cast %parallel_loop3A_565 : i32 to index
        %parallel_loop3A_567 = arith.constant 160 : index
        %parallel_loop3A_568 = tpu.vector_load %arg8[%parallel_loop3A_566, %parallel_loop3A_567] {strides = array<i32>} : memref<32x768xf32, #tpu.memory_space<vmem>>, vector<1x16xf32>,
        %parallel_loop3A_569 = vector.shape_cast %parallel_loop3A_568 : vector<1x16xf32> to vector<16xf32>
        %parallel_loop3A_570 = vector.shape_cast %parallel_loop3A_556 : vector<16xf32> to vector<1x16xf32>
        tpu.vector_store %arg8[%parallel_loop3A_566, %parallel_loop3A_567], %parallel_loop3A_570 {add = true, strides = array<i32>} : memref<32x768xf32, #tpu.memory_space<vmem>>, vector<1x16xf32>,
        %parallel_loop3A_571 = arith.constant 16 : i32
        %parallel_loop3A_572 = arith.addi %parallel_loop3A_571, %parallel_loop3A_221 : i32
        %parallel_loop3A_573 = arith.index_cast %parallel_loop3A_572 : i32 to index
        %parallel_loop3A_574 = arith.constant 160 : index
        %parallel_loop3A_575 = tpu.vector_load %arg8[%parallel_loop3A_573, %parallel_loop3A_574] {strides = array<i32>} : memref<32x768xf32, #tpu.memory_space<vmem>>, vector<1x16xf32>,
        %parallel_loop3A_576 = vector.shape_cast %parallel_loop3A_575 : vector<1x16xf32> to vector<16xf32>
        %parallel_loop3A_577 = vector.shape_cast %parallel_loop3A_556 : vector<16xf32> to vector<1x16xf32>
        tpu.vector_store %arg8[%parallel_loop3A_573, %parallel_loop3A_574], %parallel_loop3A_577 {add = true, strides = array<i32>} : memref<32x768xf32, #tpu.memory_space<vmem>>, vector<1x16xf32>,
        %parallel_loop3A_578 = arith.constant 24 : i32
        %parallel_loop3A_579 = arith.addi %parallel_loop3A_578, %parallel_loop3A_221 : i32
        %parallel_loop3A_580 = arith.index_cast %parallel_loop3A_579 : i32 to index
        %parallel_loop3A_581 = arith.constant 160 : index
        %parallel_loop3A_582 = tpu.vector_load %arg8[%parallel_loop3A_580, %parallel_loop3A_581] {strides = array<i32>} : memref<32x768xf32, #tpu.memory_space<vmem>>, vector<1x16xf32>,
        %parallel_loop3A_583 = vector.shape_cast %parallel_loop3A_582 : vector<1x16xf32> to vector<16xf32>
        %parallel_loop3A_584 = vector.shape_cast %parallel_loop3A_556 : vector<16xf32> to vector<1x16xf32>
        tpu.vector_store %arg8[%parallel_loop3A_580, %parallel_loop3A_581], %parallel_loop3A_584 {add = true, strides = array<i32>} : memref<32x768xf32, #tpu.memory_space<vmem>>, vector<1x16xf32>,
        %parallel_loop3A_585 = arith.addi %mul3A_153, %parallel_loop3A_221 : i32
        %parallel_loop3A_586 = arith.index_cast %parallel_loop3A_585 : i32 to index
        %parallel_loop3A_587 = arith.constant 176 : index
        %parallel_loop3A_588 = tpu.vector_load %arg9[%parallel_loop3A_586, %parallel_loop3A_587] {strides = array<i32>} : memref<64x768xf32, #tpu.memory_space<vmem>>, vector<1x16xf32>,
        %parallel_loop3A_589 = vector.shape_cast %parallel_loop3A_588 : vector<1x16xf32> to vector<16xf32>
        %parallel_loop3A_590 = arith.constant 0 : i32
        %parallel_loop3A_591 = arith.addi %parallel_loop3A_590, %parallel_loop3A_221 : i32
        %parallel_loop3A_592 = arith.index_cast %parallel_loop3A_591 : i32 to index
        %parallel_loop3A_593 = arith.constant 176 : index
        %parallel_loop3A_594 = tpu.vector_load %arg8[%parallel_loop3A_592, %parallel_loop3A_593] {strides = array<i32>} : memref<32x768xf32, #tpu.memory_space<vmem>>, vector<1x16xf32>,
        %parallel_loop3A_595 = vector.shape_cast %parallel_loop3A_594 : vector<1x16xf32> to vector<16xf32>
        %parallel_loop3A_596 = vector.shape_cast %parallel_loop3A_589 : vector<16xf32> to vector<1x16xf32>
        tpu.vector_store %arg8[%parallel_loop3A_592, %parallel_loop3A_593], %parallel_loop3A_596 {add = true, strides = array<i32>} : memref<32x768xf32, #tpu.memory_space<vmem>>, vector<1x16xf32>,
        %parallel_loop3A_597 = arith.constant 8 : i32
        %parallel_loop3A_598 = arith.addi %parallel_loop3A_597, %parallel_loop3A_221 : i32
        %parallel_loop3A_599 = arith.index_cast %parallel_loop3A_598 : i32 to index
        %parallel_loop3A_600 = arith.constant 176 : index
        %parallel_loop3A_601 = tpu.vector_load %arg8[%parallel_loop3A_599, %parallel_loop3A_600] {strides = array<i32>} : memref<32x768xf32, #tpu.memory_space<vmem>>, vector<1x16xf32>,
        %parallel_loop3A_602 = vector.shape_cast %parallel_loop3A_601 : vector<1x16xf32> to vector<16xf32>
        %parallel_loop3A_603 = vector.shape_cast %parallel_loop3A_589 : vector<16xf32> to vector<1x16xf32>
        tpu.vector_store %arg8[%parallel_loop3A_599, %parallel_loop3A_600], %parallel_loop3A_603 {add = true, strides = array<i32>} : memref<32x768xf32, #tpu.memory_space<vmem>>, vector<1x16xf32>,
        %parallel_loop3A_604 = arith.constant 16 : i32
        %parallel_loop3A_605 = arith.addi %parallel_loop3A_604, %parallel_loop3A_221 : i32
        %parallel_loop3A_606 = arith.index_cast %parallel_loop3A_605 : i32 to index
        %parallel_loop3A_607 = arith.constant 176 : index
        %parallel_loop3A_608 = tpu.vector_load %arg8[%parallel_loop3A_606, %parallel_loop3A_607] {strides = array<i32>} : memref<32x768xf32, #tpu.memory_space<vmem>>, vector<1x16xf32>,
        %parallel_loop3A_609 = vector.shape_cast %parallel_loop3A_608 : vector<1x16xf32> to vector<16xf32>
        %parallel_loop3A_610 = vector.shape_cast %parallel_loop3A_589 : vector<16xf32> to vector<1x16xf32>
        tpu.vector_store %arg8[%parallel_loop3A_606, %parallel_loop3A_607], %parallel_loop3A_610 {add = true, strides = array<i32>} : memref<32x768xf32, #tpu.memory_space<vmem>>, vector<1x16xf32>,
        %parallel_loop3A_611 = arith.constant 24 : i32
        %parallel_loop3A_612 = arith.addi %parallel_loop3A_611, %parallel_loop3A_221 : i32
        %parallel_loop3A_613 = arith.index_cast %parallel_loop3A_612 : i32 to index
        %parallel_loop3A_614 = arith.constant 176 : index
        %parallel_loop3A_615 = tpu.vector_load %arg8[%parallel_loop3A_613, %parallel_loop3A_614] {strides = array<i32>} : memref<32x768xf32, #tpu.memory_space<vmem>>, vector<1x16xf32>,
        %parallel_loop3A_616 = vector.shape_cast %parallel_loop3A_615 : vector<1x16xf32> to vector<16xf32>
        %parallel_loop3A_617 = vector.shape_cast %parallel_loop3A_589 : vector<16xf32> to vector<1x16xf32>
        tpu.vector_store %arg8[%parallel_loop3A_613, %parallel_loop3A_614], %parallel_loop3A_617 {add = true, strides = array<i32>} : memref<32x768xf32, #tpu.memory_space<vmem>>, vector<1x16xf32>,
        %parallel_loop3A_618 = arith.addi %mul3A_153, %parallel_loop3A_221 : i32
        %parallel_loop3A_619 = arith.index_cast %parallel_loop3A_618 : i32 to index
        %parallel_loop3A_620 = arith.constant 192 : index
        %parallel_loop3A_621 = tpu.vector_load %arg9[%parallel_loop3A_619, %parallel_loop3A_620] {strides = array<i32>} : memref<64x768xf32, #tpu.memory_space<vmem>>, vector<1x16xf32>,
        %parallel_loop3A_622 = vector.shape_cast %parallel_loop3A_621 : vector<1x16xf32> to vector<16xf32>
        %parallel_loop3A_623 = arith.constant 0 : i32
        %parallel_loop3A_624 = arith.addi %parallel_loop3A_623, %parallel_loop3A_221 : i32
        %parallel_loop3A_625 = arith.index_cast %parallel_loop3A_624 : i32 to index
        %parallel_loop3A_626 = arith.constant 192 : index
        %parallel_loop3A_627 = tpu.vector_load %arg8[%parallel_loop3A_625, %parallel_loop3A_626] {strides = array<i32>} : memref<32x768xf32, #tpu.memory_space<vmem>>, vector<1x16xf32>,
        %parallel_loop3A_628 = vector.shape_cast %parallel_loop3A_627 : vector<1x16xf32> to vector<16xf32>
        %parallel_loop3A_629 = vector.shape_cast %parallel_loop3A_622 : vector<16xf32> to vector<1x16xf32>
        tpu.vector_store %arg8[%parallel_loop3A_625, %parallel_loop3A_626], %parallel_loop3A_629 {add = true, strides = array<i32>} : memref<32x768xf32, #tpu.memory_space<vmem>>, vector<1x16xf32>,
        %parallel_loop3A_630 = arith.constant 8 : i32
        %parallel_loop3A_631 = arith.addi %parallel_loop3A_630, %parallel_loop3A_221 : i32
        %parallel_loop3A_632 = arith.index_cast %parallel_loop3A_631 : i32 to index
        %parallel_loop3A_633 = arith.constant 192 : index
        %parallel_loop3A_634 = tpu.vector_load %arg8[%parallel_loop3A_632, %parallel_loop3A_633] {strides = array<i32>} : memref<32x768xf32, #tpu.memory_space<vmem>>, vector<1x16xf32>,
        %parallel_loop3A_635 = vector.shape_cast %parallel_loop3A_634 : vector<1x16xf32> to vector<16xf32>
        %parallel_loop3A_636 = vector.shape_cast %parallel_loop3A_622 : vector<16xf32> to vector<1x16xf32>
        tpu.vector_store %arg8[%parallel_loop3A_632, %parallel_loop3A_633], %parallel_loop3A_636 {add = true, strides = array<i32>} : memref<32x768xf32, #tpu.memory_space<vmem>>, vector<1x16xf32>,
        %parallel_loop3A_637 = arith.constant 16 : i32
        %parallel_loop3A_638 = arith.addi %parallel_loop3A_637, %parallel_loop3A_221 : i32
        %parallel_loop3A_639 = arith.index_cast %parallel_loop3A_638 : i32 to index
        %parallel_loop3A_640 = arith.constant 192 : index
        %parallel_loop3A_641 = tpu.vector_load %arg8[%parallel_loop3A_639, %parallel_loop3A_640] {strides = array<i32>} : memref<32x768xf32, #tpu.memory_space<vmem>>, vector<1x16xf32>,
        %parallel_loop3A_642 = vector.shape_cast %parallel_loop3A_641 : vector<1x16xf32> to vector<16xf32>
        %parallel_loop3A_643 = vector.shape_cast %parallel_loop3A_622 : vector<16xf32> to vector<1x16xf32>
        tpu.vector_store %arg8[%parallel_loop3A_639, %parallel_loop3A_640], %parallel_loop3A_643 {add = true, strides = array<i32>} : memref<32x768xf32, #tpu.memory_space<vmem>>, vector<1x16xf32>,
        %parallel_loop3A_644 = arith.constant 24 : i32
        %parallel_loop3A_645 = arith.addi %parallel_loop3A_644, %parallel_loop3A_221 : i32
        %parallel_loop3A_646 = arith.index_cast %parallel_loop3A_645 : i32 to index
        %parallel_loop3A_647 = arith.constant 192 : index
        %parallel_loop3A_648 = tpu.vector_load %arg8[%parallel_loop3A_646, %parallel_loop3A_647] {strides = array<i32>} : memref<32x768xf32, #tpu.memory_space<vmem>>, vector<1x16xf32>,
        %parallel_loop3A_649 = vector.shape_cast %parallel_loop3A_648 : vector<1x16xf32> to vector<16xf32>
        %parallel_loop3A_650 = vector.shape_cast %parallel_loop3A_622 : vector<16xf32> to vector<1x16xf32>
        tpu.vector_store %arg8[%parallel_loop3A_646, %parallel_loop3A_647], %parallel_loop3A_650 {add = true, strides = array<i32>} : memref<32x768xf32, #tpu.memory_space<vmem>>, vector<1x16xf32>,
        %parallel_loop3A_651 = arith.addi %mul3A_153, %parallel_loop3A_221 : i32
        %parallel_loop3A_652 = arith.index_cast %parallel_loop3A_651 : i32 to index
        %parallel_loop3A_653 = arith.constant 208 : index
        %parallel_loop3A_654 = tpu.vector_load %arg9[%parallel_loop3A_652, %parallel_loop3A_653] {strides = array<i32>} : memref<64x768xf32, #tpu.memory_space<vmem>>, vector<1x16xf32>,
        %parallel_loop3A_655 = vector.shape_cast %parallel_loop3A_654 : vector<1x16xf32> to vector<16xf32>
        %parallel_loop3A_656 = arith.constant 0 : i32
        %parallel_loop3A_657 = arith.addi %parallel_loop3A_656, %parallel_loop3A_221 : i32
        %parallel_loop3A_658 = arith.index_cast %parallel_loop3A_657 : i32 to index
        %parallel_loop3A_659 = arith.constant 208 : index
        %parallel_loop3A_660 = tpu.vector_load %arg8[%parallel_loop3A_658, %parallel_loop3A_659] {strides = array<i32>} : memref<32x768xf32, #tpu.memory_space<vmem>>, vector<1x16xf32>,
        %parallel_loop3A_661 = vector.shape_cast %parallel_loop3A_660 : vector<1x16xf32> to vector<16xf32>
        %parallel_loop3A_662 = vector.shape_cast %parallel_loop3A_655 : vector<16xf32> to vector<1x16xf32>
        tpu.vector_store %arg8[%parallel_loop3A_658, %parallel_loop3A_659], %parallel_loop3A_662 {add = true, strides = array<i32>} : memref<32x768xf32, #tpu.memory_space<vmem>>, vector<1x16xf32>,
        %parallel_loop3A_663 = arith.constant 8 : i32
        %parallel_loop3A_664 = arith.addi %parallel_loop3A_663, %parallel_loop3A_221 : i32
        %parallel_loop3A_665 = arith.index_cast %parallel_loop3A_664 : i32 to index
        %parallel_loop3A_666 = arith.constant 208 : index
        %parallel_loop3A_667 = tpu.vector_load %arg8[%parallel_loop3A_665, %parallel_loop3A_666] {strides = array<i32>} : memref<32x768xf32, #tpu.memory_space<vmem>>, vector<1x16xf32>,
        %parallel_loop3A_668 = vector.shape_cast %parallel_loop3A_667 : vector<1x16xf32> to vector<16xf32>
        %parallel_loop3A_669 = vector.shape_cast %parallel_loop3A_655 : vector<16xf32> to vector<1x16xf32>
        tpu.vector_store %arg8[%parallel_loop3A_665, %parallel_loop3A_666], %parallel_loop3A_669 {add = true, strides = array<i32>} : memref<32x768xf32, #tpu.memory_space<vmem>>, vector<1x16xf32>,
        %parallel_loop3A_670 = arith.constant 16 : i32
        %parallel_loop3A_671 = arith.addi %parallel_loop3A_670, %parallel_loop3A_221 : i32
        %parallel_loop3A_672 = arith.index_cast %parallel_loop3A_671 : i32 to index
        %parallel_loop3A_673 = arith.constant 208 : index
        %parallel_loop3A_674 = tpu.vector_load %arg8[%parallel_loop3A_672, %parallel_loop3A_673] {strides = array<i32>} : memref<32x768xf32, #tpu.memory_space<vmem>>, vector<1x16xf32>,
        %parallel_loop3A_675 = vector.shape_cast %parallel_loop3A_674 : vector<1x16xf32> to vector<16xf32>
        %parallel_loop3A_676 = vector.shape_cast %parallel_loop3A_655 : vector<16xf32> to vector<1x16xf32>
        tpu.vector_store %arg8[%parallel_loop3A_672, %parallel_loop3A_673], %parallel_loop3A_676 {add = true, strides = array<i32>} : memref<32x768xf32, #tpu.memory_space<vmem>>, vector<1x16xf32>,
        %parallel_loop3A_677 = arith.constant 24 : i32
        %parallel_loop3A_678 = arith.addi %parallel_loop3A_677, %parallel_loop3A_221 : i32
        %parallel_loop3A_679 = arith.index_cast %parallel_loop3A_678 : i32 to index
        %parallel_loop3A_680 = arith.constant 208 : index
        %parallel_loop3A_681 = tpu.vector_load %arg8[%parallel_loop3A_679, %parallel_loop3A_680] {strides = array<i32>} : memref<32x768xf32, #tpu.memory_space<vmem>>, vector<1x16xf32>,
        %parallel_loop3A_682 = vector.shape_cast %parallel_loop3A_681 : vector<1x16xf32> to vector<16xf32>
        %parallel_loop3A_683 = vector.shape_cast %parallel_loop3A_655 : vector<16xf32> to vector<1x16xf32>
        tpu.vector_store %arg8[%parallel_loop3A_679, %parallel_loop3A_680], %parallel_loop3A_683 {add = true, strides = array<i32>} : memref<32x768xf32, #tpu.memory_space<vmem>>, vector<1x16xf32>,
        %parallel_loop3A_684 = arith.addi %mul3A_153, %parallel_loop3A_221 : i32
        %parallel_loop3A_685 = arith.index_cast %parallel_loop3A_684 : i32 to index
        %parallel_loop3A_686 = arith.constant 224 : index
        %parallel_loop3A_687 = tpu.vector_load %arg9[%parallel_loop3A_685, %parallel_loop3A_686] {strides = array<i32>} : memref<64x768xf32, #tpu.memory_space<vmem>>, vector<1x16xf32>,
        %parallel_loop3A_688 = vector.shape_cast %parallel_loop3A_687 : vector<1x16xf32> to vector<16xf32>
        %parallel_loop3A_689 = arith.constant 0 : i32
        %parallel_loop3A_690 = arith.addi %parallel_loop3A_689, %parallel_loop3A_221 : i32
        %parallel_loop3A_691 = arith.index_cast %parallel_loop3A_690 : i32 to index
        %parallel_loop3A_692 = arith.constant 224 : index
        %parallel_loop3A_693 = tpu.vector_load %arg8[%parallel_loop3A_691, %parallel_loop3A_692] {strides = array<i32>} : memref<32x768xf32, #tpu.memory_space<vmem>>, vector<1x16xf32>,
        %parallel_loop3A_694 = vector.shape_cast %parallel_loop3A_693 : vector<1x16xf32> to vector<16xf32>
        %parallel_loop3A_695 = vector.shape_cast %parallel_loop3A_688 : vector<16xf32> to vector<1x16xf32>
        tpu.vector_store %arg8[%parallel_loop3A_691, %parallel_loop3A_692], %parallel_loop3A_695 {add = true, strides = array<i32>} : memref<32x768xf32, #tpu.memory_space<vmem>>, vector<1x16xf32>,
        %parallel_loop3A_696 = arith.constant 8 : i32
        %parallel_loop3A_697 = arith.addi %parallel_loop3A_696, %parallel_loop3A_221 : i32
        %parallel_loop3A_698 = arith.index_cast %parallel_loop3A_697 : i32 to index
        %parallel_loop3A_699 = arith.constant 224 : index
        %parallel_loop3A_700 = tpu.vector_load %arg8[%parallel_loop3A_698, %parallel_loop3A_699] {strides = array<i32>} : memref<32x768xf32, #tpu.memory_space<vmem>>, vector<1x16xf32>,
        %parallel_loop3A_701 = vector.shape_cast %parallel_loop3A_700 : vector<1x16xf32> to vector<16xf32>
        %parallel_loop3A_702 = vector.shape_cast %parallel_loop3A_688 : vector<16xf32> to vector<1x16xf32>
        tpu.vector_store %arg8[%parallel_loop3A_698, %parallel_loop3A_699], %parallel_loop3A_702 {add = true, strides = array<i32>} : memref<32x768xf32, #tpu.memory_space<vmem>>, vector<1x16xf32>,
        %parallel_loop3A_703 = arith.constant 16 : i32
        %parallel_loop3A_704 = arith.addi %parallel_loop3A_703, %parallel_loop3A_221 : i32
        %parallel_loop3A_705 = arith.index_cast %parallel_loop3A_704 : i32 to index
        %parallel_loop3A_706 = arith.constant 224 : index
        %parallel_loop3A_707 = tpu.vector_load %arg8[%parallel_loop3A_705, %parallel_loop3A_706] {strides = array<i32>} : memref<32x768xf32, #tpu.memory_space<vmem>>, vector<1x16xf32>,
        %parallel_loop3A_708 = vector.shape_cast %parallel_loop3A_707 : vector<1x16xf32> to vector<16xf32>
        %parallel_loop3A_709 = vector.shape_cast %parallel_loop3A_688 : vector<16xf32> to vector<1x16xf32>
        tpu.vector_store %arg8[%parallel_loop3A_705, %parallel_loop3A_706], %parallel_loop3A_709 {add = true, strides = array<i32>} : memref<32x768xf32, #tpu.memory_space<vmem>>, vector<1x16xf32>,
        %parallel_loop3A_710 = arith.constant 24 : i32
        %parallel_loop3A_711 = arith.addi %parallel_loop3A_710, %parallel_loop3A_221 : i32
        %parallel_loop3A_712 = arith.index_cast %parallel_loop3A_711 : i32 to index
        %parallel_loop3A_713 = arith.constant 224 : index
        %parallel_loop3A_714 = tpu.vector_load %arg8[%parallel_loop3A_712, %parallel_loop3A_713] {strides = array<i32>} : memref<32x768xf32, #tpu.memory_space<vmem>>, vector<1x16xf32>,
        %parallel_loop3A_715 = vector.shape_cast %parallel_loop3A_714 : vector<1x16xf32> to vector<16xf32>
        %parallel_loop3A_716 = vector.shape_cast %parallel_loop3A_688 : vector<16xf32> to vector<1x16xf32>
        tpu.vector_store %arg8[%parallel_loop3A_712, %parallel_loop3A_713], %parallel_loop3A_716 {add = true, strides = array<i32>} : memref<32x768xf32, #tpu.memory_space<vmem>>, vector<1x16xf32>,
        %parallel_loop3A_717 = arith.addi %mul3A_153, %parallel_loop3A_221 : i32
        %parallel_loop3A_718 = arith.index_cast %parallel_loop3A_717 : i32 to index
        %parallel_loop3A_719 = arith.constant 240 : index
        %parallel_loop3A_720 = tpu.vector_load %arg9[%parallel_loop3A_718, %parallel_loop3A_719] {strides = array<i32>} : memref<64x768xf32, #tpu.memory_space<vmem>>, vector<1x16xf32>,
        %parallel_loop3A_721 = vector.shape_cast %parallel_loop3A_720 : vector<1x16xf32> to vector<16xf32>
        %parallel_loop3A_722 = arith.constant 0 : i32
        %parallel_loop3A_723 = arith.addi %parallel_loop3A_722, %parallel_loop3A_221 : i32
        %parallel_loop3A_724 = arith.index_cast %parallel_loop3A_723 : i32 to index
        %parallel_loop3A_725 = arith.constant 240 : index
        %parallel_loop3A_726 = tpu.vector_load %arg8[%parallel_loop3A_724, %parallel_loop3A_725] {strides = array<i32>} : memref<32x768xf32, #tpu.memory_space<vmem>>, vector<1x16xf32>,
        %parallel_loop3A_727 = vector.shape_cast %parallel_loop3A_726 : vector<1x16xf32> to vector<16xf32>
        %parallel_loop3A_728 = vector.shape_cast %parallel_loop3A_721 : vector<16xf32> to vector<1x16xf32>
        tpu.vector_store %arg8[%parallel_loop3A_724, %parallel_loop3A_725], %parallel_loop3A_728 {add = true, strides = array<i32>} : memref<32x768xf32, #tpu.memory_space<vmem>>, vector<1x16xf32>,
        %parallel_loop3A_729 = arith.constant 8 : i32
        %parallel_loop3A_730 = arith.addi %parallel_loop3A_729, %parallel_loop3A_221 : i32
        %parallel_loop3A_731 = arith.index_cast %parallel_loop3A_730 : i32 to index
        %parallel_loop3A_732 = arith.constant 240 : index
        %parallel_loop3A_733 = tpu.vector_load %arg8[%parallel_loop3A_731, %parallel_loop3A_732] {strides = array<i32>} : memref<32x768xf32, #tpu.memory_space<vmem>>, vector<1x16xf32>,
        %parallel_loop3A_734 = vector.shape_cast %parallel_loop3A_733 : vector<1x16xf32> to vector<16xf32>
        %parallel_loop3A_735 = vector.shape_cast %parallel_loop3A_721 : vector<16xf32> to vector<1x16xf32>
        tpu.vector_store %arg8[%parallel_loop3A_731, %parallel_loop3A_732], %parallel_loop3A_735 {add = true, strides = array<i32>} : memref<32x768xf32, #tpu.memory_space<vmem>>, vector<1x16xf32>,
        %parallel_loop3A_736 = arith.constant 16 : i32
        %parallel_loop3A_737 = arith.addi %parallel_loop3A_736, %parallel_loop3A_221 : i32
        %parallel_loop3A_738 = arith.index_cast %parallel_loop3A_737 : i32 to index
        %parallel_loop3A_739 = arith.constant 240 : index
        %parallel_loop3A_740 = tpu.vector_load %arg8[%parallel_loop3A_738, %parallel_loop3A_739] {strides = array<i32>} : memref<32x768xf32, #tpu.memory_space<vmem>>, vector<1x16xf32>,
        %parallel_loop3A_741 = vector.shape_cast %parallel_loop3A_740 : vector<1x16xf32> to vector<16xf32>
        %parallel_loop3A_742 = vector.shape_cast %parallel_loop3A_721 : vector<16xf32> to vector<1x16xf32>
        tpu.vector_store %arg8[%parallel_loop3A_738, %parallel_loop3A_739], %parallel_loop3A_742 {add = true, strides = array<i32>} : memref<32x768xf32, #tpu.memory_space<vmem>>, vector<1x16xf32>,
        %parallel_loop3A_743 = arith.constant 24 : i32
        %parallel_loop3A_744 = arith.addi %parallel_loop3A_743, %parallel_loop3A_221 : i32
        %parallel_loop3A_745 = arith.index_cast %parallel_loop3A_744 : i32 to index
        %parallel_loop3A_746 = arith.constant 240 : index
        %parallel_loop3A_747 = tpu.vector_load %arg8[%parallel_loop3A_745, %parallel_loop3A_746] {strides = array<i32>} : memref<32x768xf32, #tpu.memory_space<vmem>>, vector<1x16xf32>,
        %parallel_loop3A_748 = vector.shape_cast %parallel_loop3A_747 : vector<1x16xf32> to vector<16xf32>
        %parallel_loop3A_749 = vector.shape_cast %parallel_loop3A_721 : vector<16xf32> to vector<1x16xf32>
        tpu.vector_store %arg8[%parallel_loop3A_745, %parallel_loop3A_746], %parallel_loop3A_749 {add = true, strides = array<i32>} : memref<32x768xf32, #tpu.memory_space<vmem>>, vector<1x16xf32>,
        %parallel_loop3A_750 = arith.addi %mul3A_153, %parallel_loop3A_221 : i32
        %parallel_loop3A_751 = arith.index_cast %parallel_loop3A_750 : i32 to index
        %parallel_loop3A_752 = arith.constant 256 : index
        %parallel_loop3A_753 = tpu.vector_load %arg9[%parallel_loop3A_751, %parallel_loop3A_752] {strides = array<i32>} : memref<64x768xf32, #tpu.memory_space<vmem>>, vector<1x16xf32>,
        %parallel_loop3A_754 = vector.shape_cast %parallel_loop3A_753 : vector<1x16xf32> to vector<16xf32>
        %parallel_loop3A_755 = arith.constant 0 : i32
        %parallel_loop3A_756 = arith.addi %parallel_loop3A_755, %parallel_loop3A_221 : i32
        %parallel_loop3A_757 = arith.index_cast %parallel_loop3A_756 : i32 to index
        %parallel_loop3A_758 = arith.constant 256 : index
        %parallel_loop3A_759 = tpu.vector_load %arg8[%parallel_loop3A_757, %parallel_loop3A_758] {strides = array<i32>} : memref<32x768xf32, #tpu.memory_space<vmem>>, vector<1x16xf32>,
        %parallel_loop3A_760 = vector.shape_cast %parallel_loop3A_759 : vector<1x16xf32> to vector<16xf32>
        %parallel_loop3A_761 = vector.shape_cast %parallel_loop3A_754 : vector<16xf32> to vector<1x16xf32>
        tpu.vector_store %arg8[%parallel_loop3A_757, %parallel_loop3A_758], %parallel_loop3A_761 {add = true, strides = array<i32>} : memref<32x768xf32, #tpu.memory_space<vmem>>, vector<1x16xf32>,
        %parallel_loop3A_762 = arith.constant 8 : i32
        %parallel_loop3A_763 = arith.addi %parallel_loop3A_762, %parallel_loop3A_221 : i32
        %parallel_loop3A_764 = arith.index_cast %parallel_loop3A_763 : i32 to index
        %parallel_loop3A_765 = arith.constant 256 : index
        %parallel_loop3A_766 = tpu.vector_load %arg8[%parallel_loop3A_764, %parallel_loop3A_765] {strides = array<i32>} : memref<32x768xf32, #tpu.memory_space<vmem>>, vector<1x16xf32>,
        %parallel_loop3A_767 = vector.shape_cast %parallel_loop3A_766 : vector<1x16xf32> to vector<16xf32>
        %parallel_loop3A_768 = vector.shape_cast %parallel_loop3A_754 : vector<16xf32> to vector<1x16xf32>
        tpu.vector_store %arg8[%parallel_loop3A_764, %parallel_loop3A_765], %parallel_loop3A_768 {add = true, strides = array<i32>} : memref<32x768xf32, #tpu.memory_space<vmem>>, vector<1x16xf32>,
        %parallel_loop3A_769 = arith.constant 16 : i32
        %parallel_loop3A_770 = arith.addi %parallel_loop3A_769, %parallel_loop3A_221 : i32
        %parallel_loop3A_771 = arith.index_cast %parallel_loop3A_770 : i32 to index
        %parallel_loop3A_772 = arith.constant 256 : index
        %parallel_loop3A_773 = tpu.vector_load %arg8[%parallel_loop3A_771, %parallel_loop3A_772] {strides = array<i32>} : memref<32x768xf32, #tpu.memory_space<vmem>>, vector<1x16xf32>,
        %parallel_loop3A_774 = vector.shape_cast %parallel_loop3A_773 : vector<1x16xf32> to vector<16xf32>
        %parallel_loop3A_775 = vector.shape_cast %parallel_loop3A_754 : vector<16xf32> to vector<1x16xf32>
        tpu.vector_store %arg8[%parallel_loop3A_771, %parallel_loop3A_772], %parallel_loop3A_775 {add = true, strides = array<i32>} : memref<32x768xf32, #tpu.memory_space<vmem>>, vector<1x16xf32>,
        %parallel_loop3A_776 = arith.constant 24 : i32
        %parallel_loop3A_777 = arith.addi %parallel_loop3A_776, %parallel_loop3A_221 : i32
        %parallel_loop3A_778 = arith.index_cast %parallel_loop3A_777 : i32 to index
        %parallel_loop3A_779 = arith.constant 256 : index
        %parallel_loop3A_780 = tpu.vector_load %arg8[%parallel_loop3A_778, %parallel_loop3A_779] {strides = array<i32>} : memref<32x768xf32, #tpu.memory_space<vmem>>, vector<1x16xf32>,
        %parallel_loop3A_781 = vector.shape_cast %parallel_loop3A_780 : vector<1x16xf32> to vector<16xf32>
        %parallel_loop3A_782 = vector.shape_cast %parallel_loop3A_754 : vector<16xf32> to vector<1x16xf32>
        tpu.vector_store %arg8[%parallel_loop3A_778, %parallel_loop3A_779], %parallel_loop3A_782 {add = true, strides = array<i32>} : memref<32x768xf32, #tpu.memory_space<vmem>>, vector<1x16xf32>,
        %parallel_loop3A_783 = arith.addi %mul3A_153, %parallel_loop3A_221 : i32
        %parallel_loop3A_784 = arith.index_cast %parallel_loop3A_783 : i32 to index
        %parallel_loop3A_785 = arith.constant 272 : index
        %parallel_loop3A_786 = tpu.vector_load %arg9[%parallel_loop3A_784, %parallel_loop3A_785] {strides = array<i32>} : memref<64x768xf32, #tpu.memory_space<vmem>>, vector<1x16xf32>,
        %parallel_loop3A_787 = vector.shape_cast %parallel_loop3A_786 : vector<1x16xf32> to vector<16xf32>
        %parallel_loop3A_788 = arith.constant 0 : i32
        %parallel_loop3A_789 = arith.addi %parallel_loop3A_788, %parallel_loop3A_221 : i32
        %parallel_loop3A_790 = arith.index_cast %parallel_loop3A_789 : i32 to index
        %parallel_loop3A_791 = arith.constant 272 : index
        %parallel_loop3A_792 = tpu.vector_load %arg8[%parallel_loop3A_790, %parallel_loop3A_791] {strides = array<i32>} : memref<32x768xf32, #tpu.memory_space<vmem>>, vector<1x16xf32>,
        %parallel_loop3A_793 = vector.shape_cast %parallel_loop3A_792 : vector<1x16xf32> to vector<16xf32>
        %parallel_loop3A_794 = vector.shape_cast %parallel_loop3A_787 : vector<16xf32> to vector<1x16xf32>
        tpu.vector_store %arg8[%parallel_loop3A_790, %parallel_loop3A_791], %parallel_loop3A_794 {add = true, strides = array<i32>} : memref<32x768xf32, #tpu.memory_space<vmem>>, vector<1x16xf32>,
        %parallel_loop3A_795 = arith.constant 8 : i32
        %parallel_loop3A_796 = arith.addi %parallel_loop3A_795, %parallel_loop3A_221 : i32
        %parallel_loop3A_797 = arith.index_cast %parallel_loop3A_796 : i32 to index
        %parallel_loop3A_798 = arith.constant 272 : index
        %parallel_loop3A_799 = tpu.vector_load %arg8[%parallel_loop3A_797, %parallel_loop3A_798] {strides = array<i32>} : memref<32x768xf32, #tpu.memory_space<vmem>>, vector<1x16xf32>,
        %parallel_loop3A_800 = vector.shape_cast %parallel_loop3A_799 : vector<1x16xf32> to vector<16xf32>
        %parallel_loop3A_801 = vector.shape_cast %parallel_loop3A_787 : vector<16xf32> to vector<1x16xf32>
        tpu.vector_store %arg8[%parallel_loop3A_797, %parallel_loop3A_798], %parallel_loop3A_801 {add = true, strides = array<i32>} : memref<32x768xf32, #tpu.memory_space<vmem>>, vector<1x16xf32>,
        %parallel_loop3A_802 = arith.constant 16 : i32
        %parallel_loop3A_803 = arith.addi %parallel_loop3A_802, %parallel_loop3A_221 : i32
        %parallel_loop3A_804 = arith.index_cast %parallel_loop3A_803 : i32 to index
        %parallel_loop3A_805 = arith.constant 272 : index
        %parallel_loop3A_806 = tpu.vector_load %arg8[%parallel_loop3A_804, %parallel_loop3A_805] {strides = array<i32>} : memref<32x768xf32, #tpu.memory_space<vmem>>, vector<1x16xf32>,
        %parallel_loop3A_807 = vector.shape_cast %parallel_loop3A_806 : vector<1x16xf32> to vector<16xf32>
        %parallel_loop3A_808 = vector.shape_cast %parallel_loop3A_787 : vector<16xf32> to vector<1x16xf32>
        tpu.vector_store %arg8[%parallel_loop3A_804, %parallel_loop3A_805], %parallel_loop3A_808 {add = true, strides = array<i32>} : memref<32x768xf32, #tpu.memory_space<vmem>>, vector<1x16xf32>,
        %parallel_loop3A_809 = arith.constant 24 : i32
        %parallel_loop3A_810 = arith.addi %parallel_loop3A_809, %parallel_loop3A_221 : i32
        %parallel_loop3A_811 = arith.index_cast %parallel_loop3A_810 : i32 to index
        %parallel_loop3A_812 = arith.constant 272 : index
        %parallel_loop3A_813 = tpu.vector_load %arg8[%parallel_loop3A_811, %parallel_loop3A_812] {strides = array<i32>} : memref<32x768xf32, #tpu.memory_space<vmem>>, vector<1x16xf32>,
        %parallel_loop3A_814 = vector.shape_cast %parallel_loop3A_813 : vector<1x16xf32> to vector<16xf32>
        %parallel_loop3A_815 = vector.shape_cast %parallel_loop3A_787 : vector<16xf32> to vector<1x16xf32>
        tpu.vector_store %arg8[%parallel_loop3A_811, %parallel_loop3A_812], %parallel_loop3A_815 {add = true, strides = array<i32>} : memref<32x768xf32, #tpu.memory_space<vmem>>, vector<1x16xf32>,
        %parallel_loop3A_816 = arith.addi %mul3A_153, %parallel_loop3A_221 : i32
        %parallel_loop3A_817 = arith.index_cast %parallel_loop3A_816 : i32 to index
        %parallel_loop3A_818 = arith.constant 288 : index
        %parallel_loop3A_819 = tpu.vector_load %arg9[%parallel_loop3A_817, %parallel_loop3A_818] {strides = array<i32>} : memref<64x768xf32, #tpu.memory_space<vmem>>, vector<1x16xf32>,
        %parallel_loop3A_820 = vector.shape_cast %parallel_loop3A_819 : vector<1x16xf32> to vector<16xf32>
        %parallel_loop3A_821 = arith.constant 0 : i32
        %parallel_loop3A_822 = arith.addi %parallel_loop3A_821, %parallel_loop3A_221 : i32
        %parallel_loop3A_823 = arith.index_cast %parallel_loop3A_822 : i32 to index
        %parallel_loop3A_824 = arith.constant 288 : index
        %parallel_loop3A_825 = tpu.vector_load %arg8[%parallel_loop3A_823, %parallel_loop3A_824] {strides = array<i32>} : memref<32x768xf32, #tpu.memory_space<vmem>>, vector<1x16xf32>,
        %parallel_loop3A_826 = vector.shape_cast %parallel_loop3A_825 : vector<1x16xf32> to vector<16xf32>
        %parallel_loop3A_827 = vector.shape_cast %parallel_loop3A_820 : vector<16xf32> to vector<1x16xf32>
        tpu.vector_store %arg8[%parallel_loop3A_823, %parallel_loop3A_824], %parallel_loop3A_827 {add = true, strides = array<i32>} : memref<32x768xf32, #tpu.memory_space<vmem>>, vector<1x16xf32>,
        %parallel_loop3A_828 = arith.constant 8 : i32
        %parallel_loop3A_829 = arith.addi %parallel_loop3A_828, %parallel_loop3A_221 : i32
        %parallel_loop3A_830 = arith.index_cast %parallel_loop3A_829 : i32 to index
        %parallel_loop3A_831 = arith.constant 288 : index
        %parallel_loop3A_832 = tpu.vector_load %arg8[%parallel_loop3A_830, %parallel_loop3A_831] {strides = array<i32>} : memref<32x768xf32, #tpu.memory_space<vmem>>, vector<1x16xf32>,
        %parallel_loop3A_833 = vector.shape_cast %parallel_loop3A_832 : vector<1x16xf32> to vector<16xf32>
        %parallel_loop3A_834 = vector.shape_cast %parallel_loop3A_820 : vector<16xf32> to vector<1x16xf32>
        tpu.vector_store %arg8[%parallel_loop3A_830, %parallel_loop3A_831], %parallel_loop3A_834 {add = true, strides = array<i32>} : memref<32x768xf32, #tpu.memory_space<vmem>>, vector<1x16xf32>,
        %parallel_loop3A_835 = arith.constant 16 : i32
        %parallel_loop3A_836 = arith.addi %parallel_loop3A_835, %parallel_loop3A_221 : i32
        %parallel_loop3A_837 = arith.index_cast %parallel_loop3A_836 : i32 to index
        %parallel_loop3A_838 = arith.constant 288 : index
        %parallel_loop3A_839 = tpu.vector_load %arg8[%parallel_loop3A_837, %parallel_loop3A_838] {strides = array<i32>} : memref<32x768xf32, #tpu.memory_space<vmem>>, vector<1x16xf32>,
        %parallel_loop3A_840 = vector.shape_cast %parallel_loop3A_839 : vector<1x16xf32> to vector<16xf32>
        %parallel_loop3A_841 = vector.shape_cast %parallel_loop3A_820 : vector<16xf32> to vector<1x16xf32>
        tpu.vector_store %arg8[%parallel_loop3A_837, %parallel_loop3A_838], %parallel_loop3A_841 {add = true, strides = array<i32>} : memref<32x768xf32, #tpu.memory_space<vmem>>, vector<1x16xf32>,
        %parallel_loop3A_842 = arith.constant 24 : i32
        %parallel_loop3A_843 = arith.addi %parallel_loop3A_842, %parallel_loop3A_221 : i32
        %parallel_loop3A_844 = arith.index_cast %parallel_loop3A_843 : i32 to index
        %parallel_loop3A_845 = arith.constant 288 : index
        %parallel_loop3A_846 = tpu.vector_load %arg8[%parallel_loop3A_844, %parallel_loop3A_845] {strides = array<i32>} : memref<32x768xf32, #tpu.memory_space<vmem>>, vector<1x16xf32>,
        %parallel_loop3A_847 = vector.shape_cast %parallel_loop3A_846 : vector<1x16xf32> to vector<16xf32>
        %parallel_loop3A_848 = vector.shape_cast %parallel_loop3A_820 : vector<16xf32> to vector<1x16xf32>
        tpu.vector_store %arg8[%parallel_loop3A_844, %parallel_loop3A_845], %parallel_loop3A_848 {add = true, strides = array<i32>} : memref<32x768xf32, #tpu.memory_space<vmem>>, vector<1x16xf32>,
        %parallel_loop3A_849 = arith.addi %mul3A_153, %parallel_loop3A_221 : i32
        %parallel_loop3A_850 = arith.index_cast %parallel_loop3A_849 : i32 to index
        %parallel_loop3A_851 = arith.constant 304 : index
        %parallel_loop3A_852 = tpu.vector_load %arg9[%parallel_loop3A_850, %parallel_loop3A_851] {strides = array<i32>} : memref<64x768xf32, #tpu.memory_space<vmem>>, vector<1x16xf32>,
        %parallel_loop3A_853 = vector.shape_cast %parallel_loop3A_852 : vector<1x16xf32> to vector<16xf32>
        %parallel_loop3A_854 = arith.constant 0 : i32
        %parallel_loop3A_855 = arith.addi %parallel_loop3A_854, %parallel_loop3A_221 : i32
        %parallel_loop3A_856 = arith.index_cast %parallel_loop3A_855 : i32 to index
        %parallel_loop3A_857 = arith.constant 304 : index
        %parallel_loop3A_858 = tpu.vector_load %arg8[%parallel_loop3A_856, %parallel_loop3A_857] {strides = array<i32>} : memref<32x768xf32, #tpu.memory_space<vmem>>, vector<1x16xf32>,
        %parallel_loop3A_859 = vector.shape_cast %parallel_loop3A_858 : vector<1x16xf32> to vector<16xf32>
        %parallel_loop3A_860 = vector.shape_cast %parallel_loop3A_853 : vector<16xf32> to vector<1x16xf32>
        tpu.vector_store %arg8[%parallel_loop3A_856, %parallel_loop3A_857], %parallel_loop3A_860 {add = true, strides = array<i32>} : memref<32x768xf32, #tpu.memory_space<vmem>>, vector<1x16xf32>,
        %parallel_loop3A_861 = arith.constant 8 : i32
        %parallel_loop3A_862 = arith.addi %parallel_loop3A_861, %parallel_loop3A_221 : i32
        %parallel_loop3A_863 = arith.index_cast %parallel_loop3A_862 : i32 to index
        %parallel_loop3A_864 = arith.constant 304 : index
        %parallel_loop3A_865 = tpu.vector_load %arg8[%parallel_loop3A_863, %parallel_loop3A_864] {strides = array<i32>} : memref<32x768xf32, #tpu.memory_space<vmem>>, vector<1x16xf32>,
        %parallel_loop3A_866 = vector.shape_cast %parallel_loop3A_865 : vector<1x16xf32> to vector<16xf32>
        %parallel_loop3A_867 = vector.shape_cast %parallel_loop3A_853 : vector<16xf32> to vector<1x16xf32>
        tpu.vector_store %arg8[%parallel_loop3A_863, %parallel_loop3A_864], %parallel_loop3A_867 {add = true, strides = array<i32>} : memref<32x768xf32, #tpu.memory_space<vmem>>, vector<1x16xf32>,
        %parallel_loop3A_868 = arith.constant 16 : i32
        %parallel_loop3A_869 = arith.addi %parallel_loop3A_868, %parallel_loop3A_221 : i32
        %parallel_loop3A_870 = arith.index_cast %parallel_loop3A_869 : i32 to index
        %parallel_loop3A_871 = arith.constant 304 : index
        %parallel_loop3A_872 = tpu.vector_load %arg8[%parallel_loop3A_870, %parallel_loop3A_871] {strides = array<i32>} : memref<32x768xf32, #tpu.memory_space<vmem>>, vector<1x16xf32>,
        %parallel_loop3A_873 = vector.shape_cast %parallel_loop3A_872 : vector<1x16xf32> to vector<16xf32>
        %parallel_loop3A_874 = vector.shape_cast %parallel_loop3A_853 : vector<16xf32> to vector<1x16xf32>
        tpu.vector_store %arg8[%parallel_loop3A_870, %parallel_loop3A_871], %parallel_loop3A_874 {add = true, strides = array<i32>} : memref<32x768xf32, #tpu.memory_space<vmem>>, vector<1x16xf32>,
        %parallel_loop3A_875 = arith.constant 24 : i32
        %parallel_loop3A_876 = arith.addi %parallel_loop3A_875, %parallel_loop3A_221 : i32
        %parallel_loop3A_877 = arith.index_cast %parallel_loop3A_876 : i32 to index
        %parallel_loop3A_878 = arith.constant 304 : index
        %parallel_loop3A_879 = tpu.vector_load %arg8[%parallel_loop3A_877, %parallel_loop3A_878] {strides = array<i32>} : memref<32x768xf32, #tpu.memory_space<vmem>>, vector<1x16xf32>,
        %parallel_loop3A_880 = vector.shape_cast %parallel_loop3A_879 : vector<1x16xf32> to vector<16xf32>
        %parallel_loop3A_881 = vector.shape_cast %parallel_loop3A_853 : vector<16xf32> to vector<1x16xf32>
        tpu.vector_store %arg8[%parallel_loop3A_877, %parallel_loop3A_878], %parallel_loop3A_881 {add = true, strides = array<i32>} : memref<32x768xf32, #tpu.memory_space<vmem>>, vector<1x16xf32>,
        %parallel_loop3A_882 = arith.addi %mul3A_153, %parallel_loop3A_221 : i32
        %parallel_loop3A_883 = arith.index_cast %parallel_loop3A_882 : i32 to index
        %parallel_loop3A_884 = arith.constant 320 : index
        %parallel_loop3A_885 = tpu.vector_load %arg9[%parallel_loop3A_883, %parallel_loop3A_884] {strides = array<i32>} : memref<64x768xf32, #tpu.memory_space<vmem>>, vector<1x16xf32>,
        %parallel_loop3A_886 = vector.shape_cast %parallel_loop3A_885 : vector<1x16xf32> to vector<16xf32>
        %parallel_loop3A_887 = arith.constant 0 : i32
        %parallel_loop3A_888 = arith.addi %parallel_loop3A_887, %parallel_loop3A_221 : i32
        %parallel_loop3A_889 = arith.index_cast %parallel_loop3A_888 : i32 to index
        %parallel_loop3A_890 = arith.constant 320 : index
        %parallel_loop3A_891 = tpu.vector_load %arg8[%parallel_loop3A_889, %parallel_loop3A_890] {strides = array<i32>} : memref<32x768xf32, #tpu.memory_space<vmem>>, vector<1x16xf32>,
        %parallel_loop3A_892 = vector.shape_cast %parallel_loop3A_891 : vector<1x16xf32> to vector<16xf32>
        %parallel_loop3A_893 = vector.shape_cast %parallel_loop3A_886 : vector<16xf32> to vector<1x16xf32>
        tpu.vector_store %arg8[%parallel_loop3A_889, %parallel_loop3A_890], %parallel_loop3A_893 {add = true, strides = array<i32>} : memref<32x768xf32, #tpu.memory_space<vmem>>, vector<1x16xf32>,
        %parallel_loop3A_894 = arith.constant 8 : i32
        %parallel_loop3A_895 = arith.addi %parallel_loop3A_894, %parallel_loop3A_221 : i32
        %parallel_loop3A_896 = arith.index_cast %parallel_loop3A_895 : i32 to index
        %parallel_loop3A_897 = arith.constant 320 : index
        %parallel_loop3A_898 = tpu.vector_load %arg8[%parallel_loop3A_896, %parallel_loop3A_897] {strides = array<i32>} : memref<32x768xf32, #tpu.memory_space<vmem>>, vector<1x16xf32>,
        %parallel_loop3A_899 = vector.shape_cast %parallel_loop3A_898 : vector<1x16xf32> to vector<16xf32>
        %parallel_loop3A_900 = vector.shape_cast %parallel_loop3A_886 : vector<16xf32> to vector<1x16xf32>
        tpu.vector_store %arg8[%parallel_loop3A_896, %parallel_loop3A_897], %parallel_loop3A_900 {add = true, strides = array<i32>} : memref<32x768xf32, #tpu.memory_space<vmem>>, vector<1x16xf32>,
        %parallel_loop3A_901 = arith.constant 16 : i32
        %parallel_loop3A_902 = arith.addi %parallel_loop3A_901, %parallel_loop3A_221 : i32
        %parallel_loop3A_903 = arith.index_cast %parallel_loop3A_902 : i32 to index
        %parallel_loop3A_904 = arith.constant 320 : index
        %parallel_loop3A_905 = tpu.vector_load %arg8[%parallel_loop3A_903, %parallel_loop3A_904] {strides = array<i32>} : memref<32x768xf32, #tpu.memory_space<vmem>>, vector<1x16xf32>,
        %parallel_loop3A_906 = vector.shape_cast %parallel_loop3A_905 : vector<1x16xf32> to vector<16xf32>
        %parallel_loop3A_907 = vector.shape_cast %parallel_loop3A_886 : vector<16xf32> to vector<1x16xf32>
        tpu.vector_store %arg8[%parallel_loop3A_903, %parallel_loop3A_904], %parallel_loop3A_907 {add = true, strides = array<i32>} : memref<32x768xf32, #tpu.memory_space<vmem>>, vector<1x16xf32>,
        %parallel_loop3A_908 = arith.constant 24 : i32
        %parallel_loop3A_909 = arith.addi %parallel_loop3A_908, %parallel_loop3A_221 : i32
        %parallel_loop3A_910 = arith.index_cast %parallel_loop3A_909 : i32 to index
        %parallel_loop3A_911 = arith.constant 320 : index
        %parallel_loop3A_912 = tpu.vector_load %arg8[%parallel_loop3A_910, %parallel_loop3A_911] {strides = array<i32>} : memref<32x768xf32, #tpu.memory_space<vmem>>, vector<1x16xf32>,
        %parallel_loop3A_913 = vector.shape_cast %parallel_loop3A_912 : vector<1x16xf32> to vector<16xf32>
        %parallel_loop3A_914 = vector.shape_cast %parallel_loop3A_886 : vector<16xf32> to vector<1x16xf32>
        tpu.vector_store %arg8[%parallel_loop3A_910, %parallel_loop3A_911], %parallel_loop3A_914 {add = true, strides = array<i32>} : memref<32x768xf32, #tpu.memory_space<vmem>>, vector<1x16xf32>,
        %parallel_loop3A_915 = arith.addi %mul3A_153, %parallel_loop3A_221 : i32
        %parallel_loop3A_916 = arith.index_cast %parallel_loop3A_915 : i32 to index
        %parallel_loop3A_917 = arith.constant 336 : index
        %parallel_loop3A_918 = tpu.vector_load %arg9[%parallel_loop3A_916, %parallel_loop3A_917] {strides = array<i32>} : memref<64x768xf32, #tpu.memory_space<vmem>>, vector<1x16xf32>,
        %parallel_loop3A_919 = vector.shape_cast %parallel_loop3A_918 : vector<1x16xf32> to vector<16xf32>
        %parallel_loop3A_920 = arith.constant 0 : i32
        %parallel_loop3A_921 = arith.addi %parallel_loop3A_920, %parallel_loop3A_221 : i32
        %parallel_loop3A_922 = arith.index_cast %parallel_loop3A_921 : i32 to index
        %parallel_loop3A_923 = arith.constant 336 : index
        %parallel_loop3A_924 = tpu.vector_load %arg8[%parallel_loop3A_922, %parallel_loop3A_923] {strides = array<i32>} : memref<32x768xf32, #tpu.memory_space<vmem>>, vector<1x16xf32>,
        %parallel_loop3A_925 = vector.shape_cast %parallel_loop3A_924 : vector<1x16xf32> to vector<16xf32>
        %parallel_loop3A_926 = vector.shape_cast %parallel_loop3A_919 : vector<16xf32> to vector<1x16xf32>
        tpu.vector_store %arg8[%parallel_loop3A_922, %parallel_loop3A_923], %parallel_loop3A_926 {add = true, strides = array<i32>} : memref<32x768xf32, #tpu.memory_space<vmem>>, vector<1x16xf32>,
        %parallel_loop3A_927 = arith.constant 8 : i32
        %parallel_loop3A_928 = arith.addi %parallel_loop3A_927, %parallel_loop3A_221 : i32
        %parallel_loop3A_929 = arith.index_cast %parallel_loop3A_928 : i32 to index
        %parallel_loop3A_930 = arith.constant 336 : index
        %parallel_loop3A_931 = tpu.vector_load %arg8[%parallel_loop3A_929, %parallel_loop3A_930] {strides = array<i32>} : memref<32x768xf32, #tpu.memory_space<vmem>>, vector<1x16xf32>,
        %parallel_loop3A_932 = vector.shape_cast %parallel_loop3A_931 : vector<1x16xf32> to vector<16xf32>
        %parallel_loop3A_933 = vector.shape_cast %parallel_loop3A_919 : vector<16xf32> to vector<1x16xf32>
        tpu.vector_store %arg8[%parallel_loop3A_929, %parallel_loop3A_930], %parallel_loop3A_933 {add = true, strides = array<i32>} : memref<32x768xf32, #tpu.memory_space<vmem>>, vector<1x16xf32>,
        %parallel_loop3A_934 = arith.constant 16 : i32
        %parallel_loop3A_935 = arith.addi %parallel_loop3A_934, %parallel_loop3A_221 : i32
        %parallel_loop3A_936 = arith.index_cast %parallel_loop3A_935 : i32 to index
        %parallel_loop3A_937 = arith.constant 336 : index
        %parallel_loop3A_938 = tpu.vector_load %arg8[%parallel_loop3A_936, %parallel_loop3A_937] {strides = array<i32>} : memref<32x768xf32, #tpu.memory_space<vmem>>, vector<1x16xf32>,
        %parallel_loop3A_939 = vector.shape_cast %parallel_loop3A_938 : vector<1x16xf32> to vector<16xf32>
        %parallel_loop3A_940 = vector.shape_cast %parallel_loop3A_919 : vector<16xf32> to vector<1x16xf32>
        tpu.vector_store %arg8[%parallel_loop3A_936, %parallel_loop3A_937], %parallel_loop3A_940 {add = true, strides = array<i32>} : memref<32x768xf32, #tpu.memory_space<vmem>>, vector<1x16xf32>,
        %parallel_loop3A_941 = arith.constant 24 : i32
        %parallel_loop3A_942 = arith.addi %parallel_loop3A_941, %parallel_loop3A_221 : i32
        %parallel_loop3A_943 = arith.index_cast %parallel_loop3A_942 : i32 to index
        %parallel_loop3A_944 = arith.constant 336 : index
        %parallel_loop3A_945 = tpu.vector_load %arg8[%parallel_loop3A_943, %parallel_loop3A_944] {strides = array<i32>} : memref<32x768xf32, #tpu.memory_space<vmem>>, vector<1x16xf32>,
        %parallel_loop3A_946 = vector.shape_cast %parallel_loop3A_945 : vector<1x16xf32> to vector<16xf32>
        %parallel_loop3A_947 = vector.shape_cast %parallel_loop3A_919 : vector<16xf32> to vector<1x16xf32>
        tpu.vector_store %arg8[%parallel_loop3A_943, %parallel_loop3A_944], %parallel_loop3A_947 {add = true, strides = array<i32>} : memref<32x768xf32, #tpu.memory_space<vmem>>, vector<1x16xf32>,
        %parallel_loop3A_948 = arith.addi %mul3A_153, %parallel_loop3A_221 : i32
        %parallel_loop3A_949 = arith.index_cast %parallel_loop3A_948 : i32 to index
        %parallel_loop3A_950 = arith.constant 352 : index
        %parallel_loop3A_951 = tpu.vector_load %arg9[%parallel_loop3A_949, %parallel_loop3A_950] {strides = array<i32>} : memref<64x768xf32, #tpu.memory_space<vmem>>, vector<1x16xf32>,
        %parallel_loop3A_952 = vector.shape_cast %parallel_loop3A_951 : vector<1x16xf32> to vector<16xf32>
        %parallel_loop3A_953 = arith.constant 0 : i32
        %parallel_loop3A_954 = arith.addi %parallel_loop3A_953, %parallel_loop3A_221 : i32
        %parallel_loop3A_955 = arith.index_cast %parallel_loop3A_954 : i32 to index
        %parallel_loop3A_956 = arith.constant 352 : index
        %parallel_loop3A_957 = tpu.vector_load %arg8[%parallel_loop3A_955, %parallel_loop3A_956] {strides = array<i32>} : memref<32x768xf32, #tpu.memory_space<vmem>>, vector<1x16xf32>,
        %parallel_loop3A_958 = vector.shape_cast %parallel_loop3A_957 : vector<1x16xf32> to vector<16xf32>
        %parallel_loop3A_959 = vector.shape_cast %parallel_loop3A_952 : vector<16xf32> to vector<1x16xf32>
        tpu.vector_store %arg8[%parallel_loop3A_955, %parallel_loop3A_956], %parallel_loop3A_959 {add = true, strides = array<i32>} : memref<32x768xf32, #tpu.memory_space<vmem>>, vector<1x16xf32>,
        %parallel_loop3A_960 = arith.constant 8 : i32
        %parallel_loop3A_961 = arith.addi %parallel_loop3A_960, %parallel_loop3A_221 : i32
        %parallel_loop3A_962 = arith.index_cast %parallel_loop3A_961 : i32 to index
        %parallel_loop3A_963 = arith.constant 352 : index
        %parallel_loop3A_964 = tpu.vector_load %arg8[%parallel_loop3A_962, %parallel_loop3A_963] {strides = array<i32>} : memref<32x768xf32, #tpu.memory_space<vmem>>, vector<1x16xf32>,
        %parallel_loop3A_965 = vector.shape_cast %parallel_loop3A_964 : vector<1x16xf32> to vector<16xf32>
        %parallel_loop3A_966 = vector.shape_cast %parallel_loop3A_952 : vector<16xf32> to vector<1x16xf32>
        tpu.vector_store %arg8[%parallel_loop3A_962, %parallel_loop3A_963], %parallel_loop3A_966 {add = true, strides = array<i32>} : memref<32x768xf32, #tpu.memory_space<vmem>>, vector<1x16xf32>,
        %parallel_loop3A_967 = arith.constant 16 : i32
        %parallel_loop3A_968 = arith.addi %parallel_loop3A_967, %parallel_loop3A_221 : i32
        %parallel_loop3A_969 = arith.index_cast %parallel_loop3A_968 : i32 to index
        %parallel_loop3A_970 = arith.constant 352 : index
        %parallel_loop3A_971 = tpu.vector_load %arg8[%parallel_loop3A_969, %parallel_loop3A_970] {strides = array<i32>} : memref<32x768xf32, #tpu.memory_space<vmem>>, vector<1x16xf32>,
        %parallel_loop3A_972 = vector.shape_cast %parallel_loop3A_971 : vector<1x16xf32> to vector<16xf32>
        %parallel_loop3A_973 = vector.shape_cast %parallel_loop3A_952 : vector<16xf32> to vector<1x16xf32>
        tpu.vector_store %arg8[%parallel_loop3A_969, %parallel_loop3A_970], %parallel_loop3A_973 {add = true, strides = array<i32>} : memref<32x768xf32, #tpu.memory_space<vmem>>, vector<1x16xf32>,
        %parallel_loop3A_974 = arith.constant 24 : i32
        %parallel_loop3A_975 = arith.addi %parallel_loop3A_974, %parallel_loop3A_221 : i32
        %parallel_loop3A_976 = arith.index_cast %parallel_loop3A_975 : i32 to index
        %parallel_loop3A_977 = arith.constant 352 : index
        %parallel_loop3A_978 = tpu.vector_load %arg8[%parallel_loop3A_976, %parallel_loop3A_977] {strides = array<i32>} : memref<32x768xf32, #tpu.memory_space<vmem>>, vector<1x16xf32>,
        %parallel_loop3A_979 = vector.shape_cast %parallel_loop3A_978 : vector<1x16xf32> to vector<16xf32>
        %parallel_loop3A_980 = vector.shape_cast %parallel_loop3A_952 : vector<16xf32> to vector<1x16xf32>
        tpu.vector_store %arg8[%parallel_loop3A_976, %parallel_loop3A_977], %parallel_loop3A_980 {add = true, strides = array<i32>} : memref<32x768xf32, #tpu.memory_space<vmem>>, vector<1x16xf32>,
        %parallel_loop3A_981 = arith.addi %mul3A_153, %parallel_loop3A_221 : i32
        %parallel_loop3A_982 = arith.index_cast %parallel_loop3A_981 : i32 to index
        %parallel_loop3A_983 = arith.constant 368 : index
        %parallel_loop3A_984 = tpu.vector_load %arg9[%parallel_loop3A_982, %parallel_loop3A_983] {strides = array<i32>} : memref<64x768xf32, #tpu.memory_space<vmem>>, vector<1x16xf32>,
        %parallel_loop3A_985 = vector.shape_cast %parallel_loop3A_984 : vector<1x16xf32> to vector<16xf32>
        %parallel_loop3A_986 = arith.constant 0 : i32
        %parallel_loop3A_987 = arith.addi %parallel_loop3A_986, %parallel_loop3A_221 : i32
        %parallel_loop3A_988 = arith.index_cast %parallel_loop3A_987 : i32 to index
        %parallel_loop3A_989 = arith.constant 368 : index
        %parallel_loop3A_990 = tpu.vector_load %arg8[%parallel_loop3A_988, %parallel_loop3A_989] {strides = array<i32>} : memref<32x768xf32, #tpu.memory_space<vmem>>, vector<1x16xf32>,
        %parallel_loop3A_991 = vector.shape_cast %parallel_loop3A_990 : vector<1x16xf32> to vector<16xf32>
        %parallel_loop3A_992 = vector.shape_cast %parallel_loop3A_985 : vector<16xf32> to vector<1x16xf32>
        tpu.vector_store %arg8[%parallel_loop3A_988, %parallel_loop3A_989], %parallel_loop3A_992 {add = true, strides = array<i32>} : memref<32x768xf32, #tpu.memory_space<vmem>>, vector<1x16xf32>,
        %parallel_loop3A_993 = arith.constant 8 : i32
        %parallel_loop3A_994 = arith.addi %parallel_loop3A_993, %parallel_loop3A_221 : i32
        %parallel_loop3A_995 = arith.index_cast %parallel_loop3A_994 : i32 to index
        %parallel_loop3A_996 = arith.constant 368 : index
        %parallel_loop3A_997 = tpu.vector_load %arg8[%parallel_loop3A_995, %parallel_loop3A_996] {strides = array<i32>} : memref<32x768xf32, #tpu.memory_space<vmem>>, vector<1x16xf32>,
        %parallel_loop3A_998 = vector.shape_cast %parallel_loop3A_997 : vector<1x16xf32> to vector<16xf32>
        %parallel_loop3A_999 = vector.shape_cast %parallel_loop3A_985 : vector<16xf32> to vector<1x16xf32>
        tpu.vector_store %arg8[%parallel_loop3A_995, %parallel_loop3A_996], %parallel_loop3A_999 {add = true, strides = array<i32>} : memref<32x768xf32, #tpu.memory_space<vmem>>, vector<1x16xf32>,
        %parallel_loop3A_1000 = arith.constant 16 : i32
        %parallel_loop3A_1001 = arith.addi %parallel_loop3A_1000, %parallel_loop3A_221 : i32
        %parallel_loop3A_1002 = arith.index_cast %parallel_loop3A_1001 : i32 to index
        %parallel_loop3A_1003 = arith.constant 368 : index
        %parallel_loop3A_1004 = tpu.vector_load %arg8[%parallel_loop3A_1002, %parallel_loop3A_1003] {strides = array<i32>} : memref<32x768xf32, #tpu.memory_space<vmem>>, vector<1x16xf32>,
        %parallel_loop3A_1005 = vector.shape_cast %parallel_loop3A_1004 : vector<1x16xf32> to vector<16xf32>
        %parallel_loop3A_1006 = vector.shape_cast %parallel_loop3A_985 : vector<16xf32> to vector<1x16xf32>
        tpu.vector_store %arg8[%parallel_loop3A_1002, %parallel_loop3A_1003], %parallel_loop3A_1006 {add = true, strides = array<i32>} : memref<32x768xf32, #tpu.memory_space<vmem>>, vector<1x16xf32>,
        %parallel_loop3A_1007 = arith.constant 24 : i32
        %parallel_loop3A_1008 = arith.addi %parallel_loop3A_1007, %parallel_loop3A_221 : i32
        %parallel_loop3A_1009 = arith.index_cast %parallel_loop3A_1008 : i32 to index
        %parallel_loop3A_1010 = arith.constant 368 : index
        %parallel_loop3A_1011 = tpu.vector_load %arg8[%parallel_loop3A_1009, %parallel_loop3A_1010] {strides = array<i32>} : memref<32x768xf32, #tpu.memory_space<vmem>>, vector<1x16xf32>,
        %parallel_loop3A_1012 = vector.shape_cast %parallel_loop3A_1011 : vector<1x16xf32> to vector<16xf32>
        %parallel_loop3A_1013 = vector.shape_cast %parallel_loop3A_985 : vector<16xf32> to vector<1x16xf32>
        tpu.vector_store %arg8[%parallel_loop3A_1009, %parallel_loop3A_1010], %parallel_loop3A_1013 {add = true, strides = array<i32>} : memref<32x768xf32, #tpu.memory_space<vmem>>, vector<1x16xf32>,
        %parallel_loop3A_1014 = arith.addi %mul3A_153, %parallel_loop3A_221 : i32
        %parallel_loop3A_1015 = arith.index_cast %parallel_loop3A_1014 : i32 to index
        %parallel_loop3A_1016 = arith.constant 384 : index
        %parallel_loop3A_1017 = tpu.vector_load %arg9[%parallel_loop3A_1015, %parallel_loop3A_1016] {strides = array<i32>} : memref<64x768xf32, #tpu.memory_space<vmem>>, vector<1x16xf32>,
        %parallel_loop3A_1018 = vector.shape_cast %parallel_loop3A_1017 : vector<1x16xf32> to vector<16xf32>
        %parallel_loop3A_1019 = arith.constant 0 : i32
        %parallel_loop3A_1020 = arith.addi %parallel_loop3A_1019, %parallel_loop3A_221 : i32
        %parallel_loop3A_1021 = arith.index_cast %parallel_loop3A_1020 : i32 to index
        %parallel_loop3A_1022 = arith.constant 384 : index
        %parallel_loop3A_1023 = tpu.vector_load %arg8[%parallel_loop3A_1021, %parallel_loop3A_1022] {strides = array<i32>} : memref<32x768xf32, #tpu.memory_space<vmem>>, vector<1x16xf32>,
        %parallel_loop3A_1024 = vector.shape_cast %parallel_loop3A_1023 : vector<1x16xf32> to vector<16xf32>
        %parallel_loop3A_1025 = vector.shape_cast %parallel_loop3A_1018 : vector<16xf32> to vector<1x16xf32>
        tpu.vector_store %arg8[%parallel_loop3A_1021, %parallel_loop3A_1022], %parallel_loop3A_1025 {add = true, strides = array<i32>} : memref<32x768xf32, #tpu.memory_space<vmem>>, vector<1x16xf32>,
        %parallel_loop3A_1026 = arith.constant 8 : i32
        %parallel_loop3A_1027 = arith.addi %parallel_loop3A_1026, %parallel_loop3A_221 : i32
        %parallel_loop3A_1028 = arith.index_cast %parallel_loop3A_1027 : i32 to index
        %parallel_loop3A_1029 = arith.constant 384 : index
        %parallel_loop3A_1030 = tpu.vector_load %arg8[%parallel_loop3A_1028, %parallel_loop3A_1029] {strides = array<i32>} : memref<32x768xf32, #tpu.memory_space<vmem>>, vector<1x16xf32>,
        %parallel_loop3A_1031 = vector.shape_cast %parallel_loop3A_1030 : vector<1x16xf32> to vector<16xf32>
        %parallel_loop3A_1032 = vector.shape_cast %parallel_loop3A_1018 : vector<16xf32> to vector<1x16xf32>
        tpu.vector_store %arg8[%parallel_loop3A_1028, %parallel_loop3A_1029], %parallel_loop3A_1032 {add = true, strides = array<i32>} : memref<32x768xf32, #tpu.memory_space<vmem>>, vector<1x16xf32>,
        %parallel_loop3A_1033 = arith.constant 16 : i32
        %parallel_loop3A_1034 = arith.addi %parallel_loop3A_1033, %parallel_loop3A_221 : i32
        %parallel_loop3A_1035 = arith.index_cast %parallel_loop3A_1034 : i32 to index
        %parallel_loop3A_1036 = arith.constant 384 : index
        %parallel_loop3A_1037 = tpu.vector_load %arg8[%parallel_loop3A_1035, %parallel_loop3A_1036] {strides = array<i32>} : memref<32x768xf32, #tpu.memory_space<vmem>>, vector<1x16xf32>,
        %parallel_loop3A_1038 = vector.shape_cast %parallel_loop3A_1037 : vector<1x16xf32> to vector<16xf32>
        %parallel_loop3A_1039 = vector.shape_cast %parallel_loop3A_1018 : vector<16xf32> to vector<1x16xf32>
        tpu.vector_store %arg8[%parallel_loop3A_1035, %parallel_loop3A_1036], %parallel_loop3A_1039 {add = true, strides = array<i32>} : memref<32x768xf32, #tpu.memory_space<vmem>>, vector<1x16xf32>,
        %parallel_loop3A_1040 = arith.constant 24 : i32
        %parallel_loop3A_1041 = arith.addi %parallel_loop3A_1040, %parallel_loop3A_221 : i32
        %parallel_loop3A_1042 = arith.index_cast %parallel_loop3A_1041 : i32 to index
        %parallel_loop3A_1043 = arith.constant 384 : index
        %parallel_loop3A_1044 = tpu.vector_load %arg8[%parallel_loop3A_1042, %parallel_loop3A_1043] {strides = array<i32>} : memref<32x768xf32, #tpu.memory_space<vmem>>, vector<1x16xf32>,
        %parallel_loop3A_1045 = vector.shape_cast %parallel_loop3A_1044 : vector<1x16xf32> to vector<16xf32>
        %parallel_loop3A_1046 = vector.shape_cast %parallel_loop3A_1018 : vector<16xf32> to vector<1x16xf32>
        tpu.vector_store %arg8[%parallel_loop3A_1042, %parallel_loop3A_1043], %parallel_loop3A_1046 {add = true, strides = array<i32>} : memref<32x768xf32, #tpu.memory_space<vmem>>, vector<1x16xf32>,
        %parallel_loop3A_1047 = arith.addi %mul3A_153, %parallel_loop3A_221 : i32
        %parallel_loop3A_1048 = arith.index_cast %parallel_loop3A_1047 : i32 to index
        %parallel_loop3A_1049 = arith.constant 400 : index
        %parallel_loop3A_1050 = tpu.vector_load %arg9[%parallel_loop3A_1048, %parallel_loop3A_1049] {strides = array<i32>} : memref<64x768xf32, #tpu.memory_space<vmem>>, vector<1x16xf32>,
        %parallel_loop3A_1051 = vector.shape_cast %parallel_loop3A_1050 : vector<1x16xf32> to vector<16xf32>
        %parallel_loop3A_1052 = arith.constant 0 : i32
        %parallel_loop3A_1053 = arith.addi %parallel_loop3A_1052, %parallel_loop3A_221 : i32
        %parallel_loop3A_1054 = arith.index_cast %parallel_loop3A_1053 : i32 to index
        %parallel_loop3A_1055 = arith.constant 400 : index
        %parallel_loop3A_1056 = tpu.vector_load %arg8[%parallel_loop3A_1054, %parallel_loop3A_1055] {strides = array<i32>} : memref<32x768xf32, #tpu.memory_space<vmem>>, vector<1x16xf32>,
        %parallel_loop3A_1057 = vector.shape_cast %parallel_loop3A_1056 : vector<1x16xf32> to vector<16xf32>
        %parallel_loop3A_1058 = vector.shape_cast %parallel_loop3A_1051 : vector<16xf32> to vector<1x16xf32>
        tpu.vector_store %arg8[%parallel_loop3A_1054, %parallel_loop3A_1055], %parallel_loop3A_1058 {add = true, strides = array<i32>} : memref<32x768xf32, #tpu.memory_space<vmem>>, vector<1x16xf32>,
        %parallel_loop3A_1059 = arith.constant 8 : i32
        %parallel_loop3A_1060 = arith.addi %parallel_loop3A_1059, %parallel_loop3A_221 : i32
        %parallel_loop3A_1061 = arith.index_cast %parallel_loop3A_1060 : i32 to index
        %parallel_loop3A_1062 = arith.constant 400 : index
        %parallel_loop3A_1063 = tpu.vector_load %arg8[%parallel_loop3A_1061, %parallel_loop3A_1062] {strides = array<i32>} : memref<32x768xf32, #tpu.memory_space<vmem>>, vector<1x16xf32>,
        %parallel_loop3A_1064 = vector.shape_cast %parallel_loop3A_1063 : vector<1x16xf32> to vector<16xf32>
        %parallel_loop3A_1065 = vector.shape_cast %parallel_loop3A_1051 : vector<16xf32> to vector<1x16xf32>
        tpu.vector_store %arg8[%parallel_loop3A_1061, %parallel_loop3A_1062], %parallel_loop3A_1065 {add = true, strides = array<i32>} : memref<32x768xf32, #tpu.memory_space<vmem>>, vector<1x16xf32>,
        %parallel_loop3A_1066 = arith.constant 16 : i32
        %parallel_loop3A_1067 = arith.addi %parallel_loop3A_1066, %parallel_loop3A_221 : i32
        %parallel_loop3A_1068 = arith.index_cast %parallel_loop3A_1067 : i32 to index
        %parallel_loop3A_1069 = arith.constant 400 : index
        %parallel_loop3A_1070 = tpu.vector_load %arg8[%parallel_loop3A_1068, %parallel_loop3A_1069] {strides = array<i32>} : memref<32x768xf32, #tpu.memory_space<vmem>>, vector<1x16xf32>,
        %parallel_loop3A_1071 = vector.shape_cast %parallel_loop3A_1070 : vector<1x16xf32> to vector<16xf32>
        %parallel_loop3A_1072 = vector.shape_cast %parallel_loop3A_1051 : vector<16xf32> to vector<1x16xf32>
        tpu.vector_store %arg8[%parallel_loop3A_1068, %parallel_loop3A_1069], %parallel_loop3A_1072 {add = true, strides = array<i32>} : memref<32x768xf32, #tpu.memory_space<vmem>>, vector<1x16xf32>,
        %parallel_loop3A_1073 = arith.constant 24 : i32
        %parallel_loop3A_1074 = arith.addi %parallel_loop3A_1073, %parallel_loop3A_221 : i32
        %parallel_loop3A_1075 = arith.index_cast %parallel_loop3A_1074 : i32 to index
        %parallel_loop3A_1076 = arith.constant 400 : index
        %parallel_loop3A_1077 = tpu.vector_load %arg8[%parallel_loop3A_1075, %parallel_loop3A_1076] {strides = array<i32>} : memref<32x768xf32, #tpu.memory_space<vmem>>, vector<1x16xf32>,
        %parallel_loop3A_1078 = vector.shape_cast %parallel_loop3A_1077 : vector<1x16xf32> to vector<16xf32>
        %parallel_loop3A_1079 = vector.shape_cast %parallel_loop3A_1051 : vector<16xf32> to vector<1x16xf32>
        tpu.vector_store %arg8[%parallel_loop3A_1075, %parallel_loop3A_1076], %parallel_loop3A_1079 {add = true, strides = array<i32>} : memref<32x768xf32, #tpu.memory_space<vmem>>, vector<1x16xf32>,
        %parallel_loop3A_1080 = arith.addi %mul3A_153, %parallel_loop3A_221 : i32
        %parallel_loop3A_1081 = arith.index_cast %parallel_loop3A_1080 : i32 to index
        %parallel_loop3A_1082 = arith.constant 416 : index
        %parallel_loop3A_1083 = tpu.vector_load %arg9[%parallel_loop3A_1081, %parallel_loop3A_1082] {strides = array<i32>} : memref<64x768xf32, #tpu.memory_space<vmem>>, vector<1x16xf32>,
        %parallel_loop3A_1084 = vector.shape_cast %parallel_loop3A_1083 : vector<1x16xf32> to vector<16xf32>
        %parallel_loop3A_1085 = arith.constant 0 : i32
        %parallel_loop3A_1086 = arith.addi %parallel_loop3A_1085, %parallel_loop3A_221 : i32
        %parallel_loop3A_1087 = arith.index_cast %parallel_loop3A_1086 : i32 to index
        %parallel_loop3A_1088 = arith.constant 416 : index
        %parallel_loop3A_1089 = tpu.vector_load %arg8[%parallel_loop3A_1087, %parallel_loop3A_1088] {strides = array<i32>} : memref<32x768xf32, #tpu.memory_space<vmem>>, vector<1x16xf32>,
        %parallel_loop3A_1090 = vector.shape_cast %parallel_loop3A_1089 : vector<1x16xf32> to vector<16xf32>
        %parallel_loop3A_1091 = vector.shape_cast %parallel_loop3A_1084 : vector<16xf32> to vector<1x16xf32>
        tpu.vector_store %arg8[%parallel_loop3A_1087, %parallel_loop3A_1088], %parallel_loop3A_1091 {add = true, strides = array<i32>} : memref<32x768xf32, #tpu.memory_space<vmem>>, vector<1x16xf32>,
        %parallel_loop3A_1092 = arith.constant 8 : i32
        %parallel_loop3A_1093 = arith.addi %parallel_loop3A_1092, %parallel_loop3A_221 : i32
        %parallel_loop3A_1094 = arith.index_cast %parallel_loop3A_1093 : i32 to index
        %parallel_loop3A_1095 = arith.constant 416 : index
        %parallel_loop3A_1096 = tpu.vector_load %arg8[%parallel_loop3A_1094, %parallel_loop3A_1095] {strides = array<i32>} : memref<32x768xf32, #tpu.memory_space<vmem>>, vector<1x16xf32>,
        %parallel_loop3A_1097 = vector.shape_cast %parallel_loop3A_1096 : vector<1x16xf32> to vector<16xf32>
        %parallel_loop3A_1098 = vector.shape_cast %parallel_loop3A_1084 : vector<16xf32> to vector<1x16xf32>
        tpu.vector_store %arg8[%parallel_loop3A_1094, %parallel_loop3A_1095], %parallel_loop3A_1098 {add = true, strides = array<i32>} : memref<32x768xf32, #tpu.memory_space<vmem>>, vector<1x16xf32>,
        %parallel_loop3A_1099 = arith.constant 16 : i32
        %parallel_loop3A_1100 = arith.addi %parallel_loop3A_1099, %parallel_loop3A_221 : i32
        %parallel_loop3A_1101 = arith.index_cast %parallel_loop3A_1100 : i32 to index
        %parallel_loop3A_1102 = arith.constant 416 : index
        %parallel_loop3A_1103 = tpu.vector_load %arg8[%parallel_loop3A_1101, %parallel_loop3A_1102] {strides = array<i32>} : memref<32x768xf32, #tpu.memory_space<vmem>>, vector<1x16xf32>,
        %parallel_loop3A_1104 = vector.shape_cast %parallel_loop3A_1103 : vector<1x16xf32> to vector<16xf32>
        %parallel_loop3A_1105 = vector.shape_cast %parallel_loop3A_1084 : vector<16xf32> to vector<1x16xf32>
        tpu.vector_store %arg8[%parallel_loop3A_1101, %parallel_loop3A_1102], %parallel_loop3A_1105 {add = true, strides = array<i32>} : memref<32x768xf32, #tpu.memory_space<vmem>>, vector<1x16xf32>,
        %parallel_loop3A_1106 = arith.constant 24 : i32
        %parallel_loop3A_1107 = arith.addi %parallel_loop3A_1106, %parallel_loop3A_221 : i32
        %parallel_loop3A_1108 = arith.index_cast %parallel_loop3A_1107 : i32 to index
        %parallel_loop3A_1109 = arith.constant 416 : index
        %parallel_loop3A_1110 = tpu.vector_load %arg8[%parallel_loop3A_1108, %parallel_loop3A_1109] {strides = array<i32>} : memref<32x768xf32, #tpu.memory_space<vmem>>, vector<1x16xf32>,
        %parallel_loop3A_1111 = vector.shape_cast %parallel_loop3A_1110 : vector<1x16xf32> to vector<16xf32>
        %parallel_loop3A_1112 = vector.shape_cast %parallel_loop3A_1084 : vector<16xf32> to vector<1x16xf32>
        tpu.vector_store %arg8[%parallel_loop3A_1108, %parallel_loop3A_1109], %parallel_loop3A_1112 {add = true, strides = array<i32>} : memref<32x768xf32, #tpu.memory_space<vmem>>, vector<1x16xf32>,
        %parallel_loop3A_1113 = arith.addi %mul3A_153, %parallel_loop3A_221 : i32
        %parallel_loop3A_1114 = arith.index_cast %parallel_loop3A_1113 : i32 to index
        %parallel_loop3A_1115 = arith.constant 432 : index
        %parallel_loop3A_1116 = tpu.vector_load %arg9[%parallel_loop3A_1114, %parallel_loop3A_1115] {strides = array<i32>} : memref<64x768xf32, #tpu.memory_space<vmem>>, vector<1x16xf32>,
        %parallel_loop3A_1117 = vector.shape_cast %parallel_loop3A_1116 : vector<1x16xf32> to vector<16xf32>
        %parallel_loop3A_1118 = arith.constant 0 : i32
        %parallel_loop3A_1119 = arith.addi %parallel_loop3A_1118, %parallel_loop3A_221 : i32
        %parallel_loop3A_1120 = arith.index_cast %parallel_loop3A_1119 : i32 to index
        %parallel_loop3A_1121 = arith.constant 432 : index
        %parallel_loop3A_1122 = tpu.vector_load %arg8[%parallel_loop3A_1120, %parallel_loop3A_1121] {strides = array<i32>} : memref<32x768xf32, #tpu.memory_space<vmem>>, vector<1x16xf32>,
        %parallel_loop3A_1123 = vector.shape_cast %parallel_loop3A_1122 : vector<1x16xf32> to vector<16xf32>
        %parallel_loop3A_1124 = vector.shape_cast %parallel_loop3A_1117 : vector<16xf32> to vector<1x16xf32>
        tpu.vector_store %arg8[%parallel_loop3A_1120, %parallel_loop3A_1121], %parallel_loop3A_1124 {add = true, strides = array<i32>} : memref<32x768xf32, #tpu.memory_space<vmem>>, vector<1x16xf32>,
        %parallel_loop3A_1125 = arith.constant 8 : i32
        %parallel_loop3A_1126 = arith.addi %parallel_loop3A_1125, %parallel_loop3A_221 : i32
        %parallel_loop3A_1127 = arith.index_cast %parallel_loop3A_1126 : i32 to index
        %parallel_loop3A_1128 = arith.constant 432 : index
        %parallel_loop3A_1129 = tpu.vector_load %arg8[%parallel_loop3A_1127, %parallel_loop3A_1128] {strides = array<i32>} : memref<32x768xf32, #tpu.memory_space<vmem>>, vector<1x16xf32>,
        %parallel_loop3A_1130 = vector.shape_cast %parallel_loop3A_1129 : vector<1x16xf32> to vector<16xf32>
        %parallel_loop3A_1131 = vector.shape_cast %parallel_loop3A_1117 : vector<16xf32> to vector<1x16xf32>
        tpu.vector_store %arg8[%parallel_loop3A_1127, %parallel_loop3A_1128], %parallel_loop3A_1131 {add = true, strides = array<i32>} : memref<32x768xf32, #tpu.memory_space<vmem>>, vector<1x16xf32>,
        %parallel_loop3A_1132 = arith.constant 16 : i32
        %parallel_loop3A_1133 = arith.addi %parallel_loop3A_1132, %parallel_loop3A_221 : i32
        %parallel_loop3A_1134 = arith.index_cast %parallel_loop3A_1133 : i32 to index
        %parallel_loop3A_1135 = arith.constant 432 : index
        %parallel_loop3A_1136 = tpu.vector_load %arg8[%parallel_loop3A_1134, %parallel_loop3A_1135] {strides = array<i32>} : memref<32x768xf32, #tpu.memory_space<vmem>>, vector<1x16xf32>,
        %parallel_loop3A_1137 = vector.shape_cast %parallel_loop3A_1136 : vector<1x16xf32> to vector<16xf32>
        %parallel_loop3A_1138 = vector.shape_cast %parallel_loop3A_1117 : vector<16xf32> to vector<1x16xf32>
        tpu.vector_store %arg8[%parallel_loop3A_1134, %parallel_loop3A_1135], %parallel_loop3A_1138 {add = true, strides = array<i32>} : memref<32x768xf32, #tpu.memory_space<vmem>>, vector<1x16xf32>,
        %parallel_loop3A_1139 = arith.constant 24 : i32
        %parallel_loop3A_1140 = arith.addi %parallel_loop3A_1139, %parallel_loop3A_221 : i32
        %parallel_loop3A_1141 = arith.index_cast %parallel_loop3A_1140 : i32 to index
        %parallel_loop3A_1142 = arith.constant 432 : index
        %parallel_loop3A_1143 = tpu.vector_load %arg8[%parallel_loop3A_1141, %parallel_loop3A_1142] {strides = array<i32>} : memref<32x768xf32, #tpu.memory_space<vmem>>, vector<1x16xf32>,
        %parallel_loop3A_1144 = vector.shape_cast %parallel_loop3A_1143 : vector<1x16xf32> to vector<16xf32>
        %parallel_loop3A_1145 = vector.shape_cast %parallel_loop3A_1117 : vector<16xf32> to vector<1x16xf32>
        tpu.vector_store %arg8[%parallel_loop3A_1141, %parallel_loop3A_1142], %parallel_loop3A_1145 {add = true, strides = array<i32>} : memref<32x768xf32, #tpu.memory_space<vmem>>, vector<1x16xf32>,
        %parallel_loop3A_1146 = arith.addi %mul3A_153, %parallel_loop3A_221 : i32
        %parallel_loop3A_1147 = arith.index_cast %parallel_loop3A_1146 : i32 to index
        %parallel_loop3A_1148 = arith.constant 448 : index
        %parallel_loop3A_1149 = tpu.vector_load %arg9[%parallel_loop3A_1147, %parallel_loop3A_1148] {strides = array<i32>} : memref<64x768xf32, #tpu.memory_space<vmem>>, vector<1x16xf32>,
        %parallel_loop3A_1150 = vector.shape_cast %parallel_loop3A_1149 : vector<1x16xf32> to vector<16xf32>
        %parallel_loop3A_1151 = arith.constant 0 : i32
        %parallel_loop3A_1152 = arith.addi %parallel_loop3A_1151, %parallel_loop3A_221 : i32
        %parallel_loop3A_1153 = arith.index_cast %parallel_loop3A_1152 : i32 to index
        %parallel_loop3A_1154 = arith.constant 448 : index
        %parallel_loop3A_1155 = tpu.vector_load %arg8[%parallel_loop3A_1153, %parallel_loop3A_1154] {strides = array<i32>} : memref<32x768xf32, #tpu.memory_space<vmem>>, vector<1x16xf32>,
        %parallel_loop3A_1156 = vector.shape_cast %parallel_loop3A_1155 : vector<1x16xf32> to vector<16xf32>
        %parallel_loop3A_1157 = vector.shape_cast %parallel_loop3A_1150 : vector<16xf32> to vector<1x16xf32>
        tpu.vector_store %arg8[%parallel_loop3A_1153, %parallel_loop3A_1154], %parallel_loop3A_1157 {add = true, strides = array<i32>} : memref<32x768xf32, #tpu.memory_space<vmem>>, vector<1x16xf32>,
        %parallel_loop3A_1158 = arith.constant 8 : i32
        %parallel_loop3A_1159 = arith.addi %parallel_loop3A_1158, %parallel_loop3A_221 : i32
        %parallel_loop3A_1160 = arith.index_cast %parallel_loop3A_1159 : i32 to index
        %parallel_loop3A_1161 = arith.constant 448 : index
        %parallel_loop3A_1162 = tpu.vector_load %arg8[%parallel_loop3A_1160, %parallel_loop3A_1161] {strides = array<i32>} : memref<32x768xf32, #tpu.memory_space<vmem>>, vector<1x16xf32>,
        %parallel_loop3A_1163 = vector.shape_cast %parallel_loop3A_1162 : vector<1x16xf32> to vector<16xf32>
        %parallel_loop3A_1164 = vector.shape_cast %parallel_loop3A_1150 : vector<16xf32> to vector<1x16xf32>
        tpu.vector_store %arg8[%parallel_loop3A_1160, %parallel_loop3A_1161], %parallel_loop3A_1164 {add = true, strides = array<i32>} : memref<32x768xf32, #tpu.memory_space<vmem>>, vector<1x16xf32>,
        %parallel_loop3A_1165 = arith.constant 16 : i32
        %parallel_loop3A_1166 = arith.addi %parallel_loop3A_1165, %parallel_loop3A_221 : i32
        %parallel_loop3A_1167 = arith.index_cast %parallel_loop3A_1166 : i32 to index
        %parallel_loop3A_1168 = arith.constant 448 : index
        %parallel_loop3A_1169 = tpu.vector_load %arg8[%parallel_loop3A_1167, %parallel_loop3A_1168] {strides = array<i32>} : memref<32x768xf32, #tpu.memory_space<vmem>>, vector<1x16xf32>,
        %parallel_loop3A_1170 = vector.shape_cast %parallel_loop3A_1169 : vector<1x16xf32> to vector<16xf32>
        %parallel_loop3A_1171 = vector.shape_cast %parallel_loop3A_1150 : vector<16xf32> to vector<1x16xf32>
        tpu.vector_store %arg8[%parallel_loop3A_1167, %parallel_loop3A_1168], %parallel_loop3A_1171 {add = true, strides = array<i32>} : memref<32x768xf32, #tpu.memory_space<vmem>>, vector<1x16xf32>,
        %parallel_loop3A_1172 = arith.constant 24 : i32
        %parallel_loop3A_1173 = arith.addi %parallel_loop3A_1172, %parallel_loop3A_221 : i32
        %parallel_loop3A_1174 = arith.index_cast %parallel_loop3A_1173 : i32 to index
        %parallel_loop3A_1175 = arith.constant 448 : index
        %parallel_loop3A_1176 = tpu.vector_load %arg8[%parallel_loop3A_1174, %parallel_loop3A_1175] {strides = array<i32>} : memref<32x768xf32, #tpu.memory_space<vmem>>, vector<1x16xf32>,
        %parallel_loop3A_1177 = vector.shape_cast %parallel_loop3A_1176 : vector<1x16xf32> to vector<16xf32>
        %parallel_loop3A_1178 = vector.shape_cast %parallel_loop3A_1150 : vector<16xf32> to vector<1x16xf32>
        tpu.vector_store %arg8[%parallel_loop3A_1174, %parallel_loop3A_1175], %parallel_loop3A_1178 {add = true, strides = array<i32>} : memref<32x768xf32, #tpu.memory_space<vmem>>, vector<1x16xf32>,
        %parallel_loop3A_1179 = arith.addi %mul3A_153, %parallel_loop3A_221 : i32
        %parallel_loop3A_1180 = arith.index_cast %parallel_loop3A_1179 : i32 to index
        %parallel_loop3A_1181 = arith.constant 464 : index
        %parallel_loop3A_1182 = tpu.vector_load %arg9[%parallel_loop3A_1180, %parallel_loop3A_1181] {strides = array<i32>} : memref<64x768xf32, #tpu.memory_space<vmem>>, vector<1x16xf32>,
        %parallel_loop3A_1183 = vector.shape_cast %parallel_loop3A_1182 : vector<1x16xf32> to vector<16xf32>
        %parallel_loop3A_1184 = arith.constant 0 : i32
        %parallel_loop3A_1185 = arith.addi %parallel_loop3A_1184, %parallel_loop3A_221 : i32
        %parallel_loop3A_1186 = arith.index_cast %parallel_loop3A_1185 : i32 to index
        %parallel_loop3A_1187 = arith.constant 464 : index
        %parallel_loop3A_1188 = tpu.vector_load %arg8[%parallel_loop3A_1186, %parallel_loop3A_1187] {strides = array<i32>} : memref<32x768xf32, #tpu.memory_space<vmem>>, vector<1x16xf32>,
        %parallel_loop3A_1189 = vector.shape_cast %parallel_loop3A_1188 : vector<1x16xf32> to vector<16xf32>
        %parallel_loop3A_1190 = vector.shape_cast %parallel_loop3A_1183 : vector<16xf32> to vector<1x16xf32>
        tpu.vector_store %arg8[%parallel_loop3A_1186, %parallel_loop3A_1187], %parallel_loop3A_1190 {add = true, strides = array<i32>} : memref<32x768xf32, #tpu.memory_space<vmem>>, vector<1x16xf32>,
        %parallel_loop3A_1191 = arith.constant 8 : i32
        %parallel_loop3A_1192 = arith.addi %parallel_loop3A_1191, %parallel_loop3A_221 : i32
        %parallel_loop3A_1193 = arith.index_cast %parallel_loop3A_1192 : i32 to index
        %parallel_loop3A_1194 = arith.constant 464 : index
        %parallel_loop3A_1195 = tpu.vector_load %arg8[%parallel_loop3A_1193, %parallel_loop3A_1194] {strides = array<i32>} : memref<32x768xf32, #tpu.memory_space<vmem>>, vector<1x16xf32>,
        %parallel_loop3A_1196 = vector.shape_cast %parallel_loop3A_1195 : vector<1x16xf32> to vector<16xf32>
        %parallel_loop3A_1197 = vector.shape_cast %parallel_loop3A_1183 : vector<16xf32> to vector<1x16xf32>
        tpu.vector_store %arg8[%parallel_loop3A_1193, %parallel_loop3A_1194], %parallel_loop3A_1197 {add = true, strides = array<i32>} : memref<32x768xf32, #tpu.memory_space<vmem>>, vector<1x16xf32>,
        %parallel_loop3A_1198 = arith.constant 16 : i32
        %parallel_loop3A_1199 = arith.addi %parallel_loop3A_1198, %parallel_loop3A_221 : i32
        %parallel_loop3A_1200 = arith.index_cast %parallel_loop3A_1199 : i32 to index
        %parallel_loop3A_1201 = arith.constant 464 : index
        %parallel_loop3A_1202 = tpu.vector_load %arg8[%parallel_loop3A_1200, %parallel_loop3A_1201] {strides = array<i32>} : memref<32x768xf32, #tpu.memory_space<vmem>>, vector<1x16xf32>,
        %parallel_loop3A_1203 = vector.shape_cast %parallel_loop3A_1202 : vector<1x16xf32> to vector<16xf32>
        %parallel_loop3A_1204 = vector.shape_cast %parallel_loop3A_1183 : vector<16xf32> to vector<1x16xf32>
        tpu.vector_store %arg8[%parallel_loop3A_1200, %parallel_loop3A_1201], %parallel_loop3A_1204 {add = true, strides = array<i32>} : memref<32x768xf32, #tpu.memory_space<vmem>>, vector<1x16xf32>,
        %parallel_loop3A_1205 = arith.constant 24 : i32
        %parallel_loop3A_1206 = arith.addi %parallel_loop3A_1205, %parallel_loop3A_221 : i32
        %parallel_loop3A_1207 = arith.index_cast %parallel_loop3A_1206 : i32 to index
        %parallel_loop3A_1208 = arith.constant 464 : index
        %parallel_loop3A_1209 = tpu.vector_load %arg8[%parallel_loop3A_1207, %parallel_loop3A_1208] {strides = array<i32>} : memref<32x768xf32, #tpu.memory_space<vmem>>, vector<1x16xf32>,
        %parallel_loop3A_1210 = vector.shape_cast %parallel_loop3A_1209 : vector<1x16xf32> to vector<16xf32>
        %parallel_loop3A_1211 = vector.shape_cast %parallel_loop3A_1183 : vector<16xf32> to vector<1x16xf32>
        tpu.vector_store %arg8[%parallel_loop3A_1207, %parallel_loop3A_1208], %parallel_loop3A_1211 {add = true, strides = array<i32>} : memref<32x768xf32, #tpu.memory_space<vmem>>, vector<1x16xf32>,
        %parallel_loop3A_1212 = arith.addi %mul3A_153, %parallel_loop3A_221 : i32
        %parallel_loop3A_1213 = arith.index_cast %parallel_loop3A_1212 : i32 to index
        %parallel_loop3A_1214 = arith.constant 480 : index
        %parallel_loop3A_1215 = tpu.vector_load %arg9[%parallel_loop3A_1213, %parallel_loop3A_1214] {strides = array<i32>} : memref<64x768xf32, #tpu.memory_space<vmem>>, vector<1x16xf32>,
        %parallel_loop3A_1216 = vector.shape_cast %parallel_loop3A_1215 : vector<1x16xf32> to vector<16xf32>
        %parallel_loop3A_1217 = arith.constant 0 : i32
        %parallel_loop3A_1218 = arith.addi %parallel_loop3A_1217, %parallel_loop3A_221 : i32
        %parallel_loop3A_1219 = arith.index_cast %parallel_loop3A_1218 : i32 to index
        %parallel_loop3A_1220 = arith.constant 480 : index
        %parallel_loop3A_1221 = tpu.vector_load %arg8[%parallel_loop3A_1219, %parallel_loop3A_1220] {strides = array<i32>} : memref<32x768xf32, #tpu.memory_space<vmem>>, vector<1x16xf32>,
        %parallel_loop3A_1222 = vector.shape_cast %parallel_loop3A_1221 : vector<1x16xf32> to vector<16xf32>
        %parallel_loop3A_1223 = vector.shape_cast %parallel_loop3A_1216 : vector<16xf32> to vector<1x16xf32>
        tpu.vector_store %arg8[%parallel_loop3A_1219, %parallel_loop3A_1220], %parallel_loop3A_1223 {add = true, strides = array<i32>} : memref<32x768xf32, #tpu.memory_space<vmem>>, vector<1x16xf32>,
        %parallel_loop3A_1224 = arith.constant 8 : i32
        %parallel_loop3A_1225 = arith.addi %parallel_loop3A_1224, %parallel_loop3A_221 : i32
        %parallel_loop3A_1226 = arith.index_cast %parallel_loop3A_1225 : i32 to index
        %parallel_loop3A_1227 = arith.constant 480 : index
        %parallel_loop3A_1228 = tpu.vector_load %arg8[%parallel_loop3A_1226, %parallel_loop3A_1227] {strides = array<i32>} : memref<32x768xf32, #tpu.memory_space<vmem>>, vector<1x16xf32>,
        %parallel_loop3A_1229 = vector.shape_cast %parallel_loop3A_1228 : vector<1x16xf32> to vector<16xf32>
        %parallel_loop3A_1230 = vector.shape_cast %parallel_loop3A_1216 : vector<16xf32> to vector<1x16xf32>
        tpu.vector_store %arg8[%parallel_loop3A_1226, %parallel_loop3A_1227], %parallel_loop3A_1230 {add = true, strides = array<i32>} : memref<32x768xf32, #tpu.memory_space<vmem>>, vector<1x16xf32>,
        %parallel_loop3A_1231 = arith.constant 16 : i32
        %parallel_loop3A_1232 = arith.addi %parallel_loop3A_1231, %parallel_loop3A_221 : i32
        %parallel_loop3A_1233 = arith.index_cast %parallel_loop3A_1232 : i32 to index
        %parallel_loop3A_1234 = arith.constant 480 : index
        %parallel_loop3A_1235 = tpu.vector_load %arg8[%parallel_loop3A_1233, %parallel_loop3A_1234] {strides = array<i32>} : memref<32x768xf32, #tpu.memory_space<vmem>>, vector<1x16xf32>,
        %parallel_loop3A_1236 = vector.shape_cast %parallel_loop3A_1235 : vector<1x16xf32> to vector<16xf32>
        %parallel_loop3A_1237 = vector.shape_cast %parallel_loop3A_1216 : vector<16xf32> to vector<1x16xf32>
        tpu.vector_store %arg8[%parallel_loop3A_1233, %parallel_loop3A_1234], %parallel_loop3A_1237 {add = true, strides = array<i32>} : memref<32x768xf32, #tpu.memory_space<vmem>>, vector<1x16xf32>,
        %parallel_loop3A_1238 = arith.constant 24 : i32
        %parallel_loop3A_1239 = arith.addi %parallel_loop3A_1238, %parallel_loop3A_221 : i32
        %parallel_loop3A_1240 = arith.index_cast %parallel_loop3A_1239 : i32 to index
        %parallel_loop3A_1241 = arith.constant 480 : index
        %parallel_loop3A_1242 = tpu.vector_load %arg8[%parallel_loop3A_1240, %parallel_loop3A_1241] {strides = array<i32>} : memref<32x768xf32, #tpu.memory_space<vmem>>, vector<1x16xf32>,
        %parallel_loop3A_1243 = vector.shape_cast %parallel_loop3A_1242 : vector<1x16xf32> to vector<16xf32>
        %parallel_loop3A_1244 = vector.shape_cast %parallel_loop3A_1216 : vector<16xf32> to vector<1x16xf32>
        tpu.vector_store %arg8[%parallel_loop3A_1240, %parallel_loop3A_1241], %parallel_loop3A_1244 {add = true, strides = array<i32>} : memref<32x768xf32, #tpu.memory_space<vmem>>, vector<1x16xf32>,
        %parallel_loop3A_1245 = arith.addi %mul3A_153, %parallel_loop3A_221 : i32
        %parallel_loop3A_1246 = arith.index_cast %parallel_loop3A_1245 : i32 to index
        %parallel_loop3A_1247 = arith.constant 496 : index
        %parallel_loop3A_1248 = tpu.vector_load %arg9[%parallel_loop3A_1246, %parallel_loop3A_1247] {strides = array<i32>} : memref<64x768xf32, #tpu.memory_space<vmem>>, vector<1x16xf32>,
        %parallel_loop3A_1249 = vector.shape_cast %parallel_loop3A_1248 : vector<1x16xf32> to vector<16xf32>
        %parallel_loop3A_1250 = arith.constant 0 : i32
        %parallel_loop3A_1251 = arith.addi %parallel_loop3A_1250, %parallel_loop3A_221 : i32
        %parallel_loop3A_1252 = arith.index_cast %parallel_loop3A_1251 : i32 to index
        %parallel_loop3A_1253 = arith.constant 496 : index
        %parallel_loop3A_1254 = tpu.vector_load %arg8[%parallel_loop3A_1252, %parallel_loop3A_1253] {strides = array<i32>} : memref<32x768xf32, #tpu.memory_space<vmem>>, vector<1x16xf32>,
        %parallel_loop3A_1255 = vector.shape_cast %parallel_loop3A_1254 : vector<1x16xf32> to vector<16xf32>
        %parallel_loop3A_1256 = vector.shape_cast %parallel_loop3A_1249 : vector<16xf32> to vector<1x16xf32>
        tpu.vector_store %arg8[%parallel_loop3A_1252, %parallel_loop3A_1253], %parallel_loop3A_1256 {add = true, strides = array<i32>} : memref<32x768xf32, #tpu.memory_space<vmem>>, vector<1x16xf32>,
        %parallel_loop3A_1257 = arith.constant 8 : i32
        %parallel_loop3A_1258 = arith.addi %parallel_loop3A_1257, %parallel_loop3A_221 : i32
        %parallel_loop3A_1259 = arith.index_cast %parallel_loop3A_1258 : i32 to index
        %parallel_loop3A_1260 = arith.constant 496 : index
        %parallel_loop3A_1261 = tpu.vector_load %arg8[%parallel_loop3A_1259, %parallel_loop3A_1260] {strides = array<i32>} : memref<32x768xf32, #tpu.memory_space<vmem>>, vector<1x16xf32>,
        %parallel_loop3A_1262 = vector.shape_cast %parallel_loop3A_1261 : vector<1x16xf32> to vector<16xf32>
        %parallel_loop3A_1263 = vector.shape_cast %parallel_loop3A_1249 : vector<16xf32> to vector<1x16xf32>
        tpu.vector_store %arg8[%parallel_loop3A_1259, %parallel_loop3A_1260], %parallel_loop3A_1263 {add = true, strides = array<i32>} : memref<32x768xf32, #tpu.memory_space<vmem>>, vector<1x16xf32>,
        %parallel_loop3A_1264 = arith.constant 16 : i32
        %parallel_loop3A_1265 = arith.addi %parallel_loop3A_1264, %parallel_loop3A_221 : i32
        %parallel_loop3A_1266 = arith.index_cast %parallel_loop3A_1265 : i32 to index
        %parallel_loop3A_1267 = arith.constant 496 : index
        %parallel_loop3A_1268 = tpu.vector_load %arg8[%parallel_loop3A_1266, %parallel_loop3A_1267] {strides = array<i32>} : memref<32x768xf32, #tpu.memory_space<vmem>>, vector<1x16xf32>,
        %parallel_loop3A_1269 = vector.shape_cast %parallel_loop3A_1268 : vector<1x16xf32> to vector<16xf32>
        %parallel_loop3A_1270 = vector.shape_cast %parallel_loop3A_1249 : vector<16xf32> to vector<1x16xf32>
        tpu.vector_store %arg8[%parallel_loop3A_1266, %parallel_loop3A_1267], %parallel_loop3A_1270 {add = true, strides = array<i32>} : memref<32x768xf32, #tpu.memory_space<vmem>>, vector<1x16xf32>,
        %parallel_loop3A_1271 = arith.constant 24 : i32
        %parallel_loop3A_1272 = arith.addi %parallel_loop3A_1271, %parallel_loop3A_221 : i32
        %parallel_loop3A_1273 = arith.index_cast %parallel_loop3A_1272 : i32 to index
        %parallel_loop3A_1274 = arith.constant 496 : index
        %parallel_loop3A_1275 = tpu.vector_load %arg8[%parallel_loop3A_1273, %parallel_loop3A_1274] {strides = array<i32>} : memref<32x768xf32, #tpu.memory_space<vmem>>, vector<1x16xf32>,
        %parallel_loop3A_1276 = vector.shape_cast %parallel_loop3A_1275 : vector<1x16xf32> to vector<16xf32>
        %parallel_loop3A_1277 = vector.shape_cast %parallel_loop3A_1249 : vector<16xf32> to vector<1x16xf32>
        tpu.vector_store %arg8[%parallel_loop3A_1273, %parallel_loop3A_1274], %parallel_loop3A_1277 {add = true, strides = array<i32>} : memref<32x768xf32, #tpu.memory_space<vmem>>, vector<1x16xf32>,
        %parallel_loop3A_1278 = arith.addi %mul3A_153, %parallel_loop3A_221 : i32
        %parallel_loop3A_1279 = arith.index_cast %parallel_loop3A_1278 : i32 to index
        %parallel_loop3A_1280 = arith.constant 512 : index
        %parallel_loop3A_1281 = tpu.vector_load %arg9[%parallel_loop3A_1279, %parallel_loop3A_1280] {strides = array<i32>} : memref<64x768xf32, #tpu.memory_space<vmem>>, vector<1x16xf32>,
        %parallel_loop3A_1282 = vector.shape_cast %parallel_loop3A_1281 : vector<1x16xf32> to vector<16xf32>
        %parallel_loop3A_1283 = arith.constant 0 : i32
        %parallel_loop3A_1284 = arith.addi %parallel_loop3A_1283, %parallel_loop3A_221 : i32
        %parallel_loop3A_1285 = arith.index_cast %parallel_loop3A_1284 : i32 to index
        %parallel_loop3A_1286 = arith.constant 512 : index
        %parallel_loop3A_1287 = tpu.vector_load %arg8[%parallel_loop3A_1285, %parallel_loop3A_1286] {strides = array<i32>} : memref<32x768xf32, #tpu.memory_space<vmem>>, vector<1x16xf32>,
        %parallel_loop3A_1288 = vector.shape_cast %parallel_loop3A_1287 : vector<1x16xf32> to vector<16xf32>
        %parallel_loop3A_1289 = vector.shape_cast %parallel_loop3A_1282 : vector<16xf32> to vector<1x16xf32>
        tpu.vector_store %arg8[%parallel_loop3A_1285, %parallel_loop3A_1286], %parallel_loop3A_1289 {add = true, strides = array<i32>} : memref<32x768xf32, #tpu.memory_space<vmem>>, vector<1x16xf32>,
        %parallel_loop3A_1290 = arith.constant 8 : i32
        %parallel_loop3A_1291 = arith.addi %parallel_loop3A_1290, %parallel_loop3A_221 : i32
        %parallel_loop3A_1292 = arith.index_cast %parallel_loop3A_1291 : i32 to index
        %parallel_loop3A_1293 = arith.constant 512 : index
        %parallel_loop3A_1294 = tpu.vector_load %arg8[%parallel_loop3A_1292, %parallel_loop3A_1293] {strides = array<i32>} : memref<32x768xf32, #tpu.memory_space<vmem>>, vector<1x16xf32>,
        %parallel_loop3A_1295 = vector.shape_cast %parallel_loop3A_1294 : vector<1x16xf32> to vector<16xf32>
        %parallel_loop3A_1296 = vector.shape_cast %parallel_loop3A_1282 : vector<16xf32> to vector<1x16xf32>
        tpu.vector_store %arg8[%parallel_loop3A_1292, %parallel_loop3A_1293], %parallel_loop3A_1296 {add = true, strides = array<i32>} : memref<32x768xf32, #tpu.memory_space<vmem>>, vector<1x16xf32>,
        %parallel_loop3A_1297 = arith.constant 16 : i32
        %parallel_loop3A_1298 = arith.addi %parallel_loop3A_1297, %parallel_loop3A_221 : i32
        %parallel_loop3A_1299 = arith.index_cast %parallel_loop3A_1298 : i32 to index
        %parallel_loop3A_1300 = arith.constant 512 : index
        %parallel_loop3A_1301 = tpu.vector_load %arg8[%parallel_loop3A_1299, %parallel_loop3A_1300] {strides = array<i32>} : memref<32x768xf32, #tpu.memory_space<vmem>>, vector<1x16xf32>,
        %parallel_loop3A_1302 = vector.shape_cast %parallel_loop3A_1301 : vector<1x16xf32> to vector<16xf32>
        %parallel_loop3A_1303 = vector.shape_cast %parallel_loop3A_1282 : vector<16xf32> to vector<1x16xf32>
        tpu.vector_store %arg8[%parallel_loop3A_1299, %parallel_loop3A_1300], %parallel_loop3A_1303 {add = true, strides = array<i32>} : memref<32x768xf32, #tpu.memory_space<vmem>>, vector<1x16xf32>,
        %parallel_loop3A_1304 = arith.constant 24 : i32
        %parallel_loop3A_1305 = arith.addi %parallel_loop3A_1304, %parallel_loop3A_221 : i32
        %parallel_loop3A_1306 = arith.index_cast %parallel_loop3A_1305 : i32 to index
        %parallel_loop3A_1307 = arith.constant 512 : index
        %parallel_loop3A_1308 = tpu.vector_load %arg8[%parallel_loop3A_1306, %parallel_loop3A_1307] {strides = array<i32>} : memref<32x768xf32, #tpu.memory_space<vmem>>, vector<1x16xf32>,
        %parallel_loop3A_1309 = vector.shape_cast %parallel_loop3A_1308 : vector<1x16xf32> to vector<16xf32>
        %parallel_loop3A_1310 = vector.shape_cast %parallel_loop3A_1282 : vector<16xf32> to vector<1x16xf32>
        tpu.vector_store %arg8[%parallel_loop3A_1306, %parallel_loop3A_1307], %parallel_loop3A_1310 {add = true, strides = array<i32>} : memref<32x768xf32, #tpu.memory_space<vmem>>, vector<1x16xf32>,
        %parallel_loop3A_1311 = arith.addi %mul3A_153, %parallel_loop3A_221 : i32
        %parallel_loop3A_1312 = arith.index_cast %parallel_loop3A_1311 : i32 to index
        %parallel_loop3A_1313 = arith.constant 528 : index
        %parallel_loop3A_1314 = tpu.vector_load %arg9[%parallel_loop3A_1312, %parallel_loop3A_1313] {strides = array<i32>} : memref<64x768xf32, #tpu.memory_space<vmem>>, vector<1x16xf32>,
        %parallel_loop3A_1315 = vector.shape_cast %parallel_loop3A_1314 : vector<1x16xf32> to vector<16xf32>
        %parallel_loop3A_1316 = arith.constant 0 : i32
        %parallel_loop3A_1317 = arith.addi %parallel_loop3A_1316, %parallel_loop3A_221 : i32
        %parallel_loop3A_1318 = arith.index_cast %parallel_loop3A_1317 : i32 to index
        %parallel_loop3A_1319 = arith.constant 528 : index
        %parallel_loop3A_1320 = tpu.vector_load %arg8[%parallel_loop3A_1318, %parallel_loop3A_1319] {strides = array<i32>} : memref<32x768xf32, #tpu.memory_space<vmem>>, vector<1x16xf32>,
        %parallel_loop3A_1321 = vector.shape_cast %parallel_loop3A_1320 : vector<1x16xf32> to vector<16xf32>
        %parallel_loop3A_1322 = vector.shape_cast %parallel_loop3A_1315 : vector<16xf32> to vector<1x16xf32>
        tpu.vector_store %arg8[%parallel_loop3A_1318, %parallel_loop3A_1319], %parallel_loop3A_1322 {add = true, strides = array<i32>} : memref<32x768xf32, #tpu.memory_space<vmem>>, vector<1x16xf32>,
        %parallel_loop3A_1323 = arith.constant 8 : i32
        %parallel_loop3A_1324 = arith.addi %parallel_loop3A_1323, %parallel_loop3A_221 : i32
        %parallel_loop3A_1325 = arith.index_cast %parallel_loop3A_1324 : i32 to index
        %parallel_loop3A_1326 = arith.constant 528 : index
        %parallel_loop3A_1327 = tpu.vector_load %arg8[%parallel_loop3A_1325, %parallel_loop3A_1326] {strides = array<i32>} : memref<32x768xf32, #tpu.memory_space<vmem>>, vector<1x16xf32>,
        %parallel_loop3A_1328 = vector.shape_cast %parallel_loop3A_1327 : vector<1x16xf32> to vector<16xf32>
        %parallel_loop3A_1329 = vector.shape_cast %parallel_loop3A_1315 : vector<16xf32> to vector<1x16xf32>
        tpu.vector_store %arg8[%parallel_loop3A_1325, %parallel_loop3A_1326], %parallel_loop3A_1329 {add = true, strides = array<i32>} : memref<32x768xf32, #tpu.memory_space<vmem>>, vector<1x16xf32>,
        %parallel_loop3A_1330 = arith.constant 16 : i32
        %parallel_loop3A_1331 = arith.addi %parallel_loop3A_1330, %parallel_loop3A_221 : i32
        %parallel_loop3A_1332 = arith.index_cast %parallel_loop3A_1331 : i32 to index
        %parallel_loop3A_1333 = arith.constant 528 : index
        %parallel_loop3A_1334 = tpu.vector_load %arg8[%parallel_loop3A_1332, %parallel_loop3A_1333] {strides = array<i32>} : memref<32x768xf32, #tpu.memory_space<vmem>>, vector<1x16xf32>,
        %parallel_loop3A_1335 = vector.shape_cast %parallel_loop3A_1334 : vector<1x16xf32> to vector<16xf32>
        %parallel_loop3A_1336 = vector.shape_cast %parallel_loop3A_1315 : vector<16xf32> to vector<1x16xf32>
        tpu.vector_store %arg8[%parallel_loop3A_1332, %parallel_loop3A_1333], %parallel_loop3A_1336 {add = true, strides = array<i32>} : memref<32x768xf32, #tpu.memory_space<vmem>>, vector<1x16xf32>,
        %parallel_loop3A_1337 = arith.constant 24 : i32
        %parallel_loop3A_1338 = arith.addi %parallel_loop3A_1337, %parallel_loop3A_221 : i32
        %parallel_loop3A_1339 = arith.index_cast %parallel_loop3A_1338 : i32 to index
        %parallel_loop3A_1340 = arith.constant 528 : index
        %parallel_loop3A_1341 = tpu.vector_load %arg8[%parallel_loop3A_1339, %parallel_loop3A_1340] {strides = array<i32>} : memref<32x768xf32, #tpu.memory_space<vmem>>, vector<1x16xf32>,
        %parallel_loop3A_1342 = vector.shape_cast %parallel_loop3A_1341 : vector<1x16xf32> to vector<16xf32>
        %parallel_loop3A_1343 = vector.shape_cast %parallel_loop3A_1315 : vector<16xf32> to vector<1x16xf32>
        tpu.vector_store %arg8[%parallel_loop3A_1339, %parallel_loop3A_1340], %parallel_loop3A_1343 {add = true, strides = array<i32>} : memref<32x768xf32, #tpu.memory_space<vmem>>, vector<1x16xf32>,
        %parallel_loop3A_1344 = arith.addi %mul3A_153, %parallel_loop3A_221 : i32
        %parallel_loop3A_1345 = arith.index_cast %parallel_loop3A_1344 : i32 to index
        %parallel_loop3A_1346 = arith.constant 544 : index
        %parallel_loop3A_1347 = tpu.vector_load %arg9[%parallel_loop3A_1345, %parallel_loop3A_1346] {strides = array<i32>} : memref<64x768xf32, #tpu.memory_space<vmem>>, vector<1x16xf32>,
        %parallel_loop3A_1348 = vector.shape_cast %parallel_loop3A_1347 : vector<1x16xf32> to vector<16xf32>
        %parallel_loop3A_1349 = arith.constant 0 : i32
        %parallel_loop3A_1350 = arith.addi %parallel_loop3A_1349, %parallel_loop3A_221 : i32
        %parallel_loop3A_1351 = arith.index_cast %parallel_loop3A_1350 : i32 to index
        %parallel_loop3A_1352 = arith.constant 544 : index
        %parallel_loop3A_1353 = tpu.vector_load %arg8[%parallel_loop3A_1351, %parallel_loop3A_1352] {strides = array<i32>} : memref<32x768xf32, #tpu.memory_space<vmem>>, vector<1x16xf32>,
        %parallel_loop3A_1354 = vector.shape_cast %parallel_loop3A_1353 : vector<1x16xf32> to vector<16xf32>
        %parallel_loop3A_1355 = vector.shape_cast %parallel_loop3A_1348 : vector<16xf32> to vector<1x16xf32>
        tpu.vector_store %arg8[%parallel_loop3A_1351, %parallel_loop3A_1352], %parallel_loop3A_1355 {add = true, strides = array<i32>} : memref<32x768xf32, #tpu.memory_space<vmem>>, vector<1x16xf32>,
        %parallel_loop3A_1356 = arith.constant 8 : i32
        %parallel_loop3A_1357 = arith.addi %parallel_loop3A_1356, %parallel_loop3A_221 : i32
        %parallel_loop3A_1358 = arith.index_cast %parallel_loop3A_1357 : i32 to index
        %parallel_loop3A_1359 = arith.constant 544 : index
        %parallel_loop3A_1360 = tpu.vector_load %arg8[%parallel_loop3A_1358, %parallel_loop3A_1359] {strides = array<i32>} : memref<32x768xf32, #tpu.memory_space<vmem>>, vector<1x16xf32>,
        %parallel_loop3A_1361 = vector.shape_cast %parallel_loop3A_1360 : vector<1x16xf32> to vector<16xf32>
        %parallel_loop3A_1362 = vector.shape_cast %parallel_loop3A_1348 : vector<16xf32> to vector<1x16xf32>
        tpu.vector_store %arg8[%parallel_loop3A_1358, %parallel_loop3A_1359], %parallel_loop3A_1362 {add = true, strides = array<i32>} : memref<32x768xf32, #tpu.memory_space<vmem>>, vector<1x16xf32>,
        %parallel_loop3A_1363 = arith.constant 16 : i32
        %parallel_loop3A_1364 = arith.addi %parallel_loop3A_1363, %parallel_loop3A_221 : i32
        %parallel_loop3A_1365 = arith.index_cast %parallel_loop3A_1364 : i32 to index
        %parallel_loop3A_1366 = arith.constant 544 : index
        %parallel_loop3A_1367 = tpu.vector_load %arg8[%parallel_loop3A_1365, %parallel_loop3A_1366] {strides = array<i32>} : memref<32x768xf32, #tpu.memory_space<vmem>>, vector<1x16xf32>,
        %parallel_loop3A_1368 = vector.shape_cast %parallel_loop3A_1367 : vector<1x16xf32> to vector<16xf32>
        %parallel_loop3A_1369 = vector.shape_cast %parallel_loop3A_1348 : vector<16xf32> to vector<1x16xf32>
        tpu.vector_store %arg8[%parallel_loop3A_1365, %parallel_loop3A_1366], %parallel_loop3A_1369 {add = true, strides = array<i32>} : memref<32x768xf32, #tpu.memory_space<vmem>>, vector<1x16xf32>,
        %parallel_loop3A_1370 = arith.constant 24 : i32
        %parallel_loop3A_1371 = arith.addi %parallel_loop3A_1370, %parallel_loop3A_221 : i32
        %parallel_loop3A_1372 = arith.index_cast %parallel_loop3A_1371 : i32 to index
        %parallel_loop3A_1373 = arith.constant 544 : index
        %parallel_loop3A_1374 = tpu.vector_load %arg8[%parallel_loop3A_1372, %parallel_loop3A_1373] {strides = array<i32>} : memref<32x768xf32, #tpu.memory_space<vmem>>, vector<1x16xf32>,
        %parallel_loop3A_1375 = vector.shape_cast %parallel_loop3A_1374 : vector<1x16xf32> to vector<16xf32>
        %parallel_loop3A_1376 = vector.shape_cast %parallel_loop3A_1348 : vector<16xf32> to vector<1x16xf32>
        tpu.vector_store %arg8[%parallel_loop3A_1372, %parallel_loop3A_1373], %parallel_loop3A_1376 {add = true, strides = array<i32>} : memref<32x768xf32, #tpu.memory_space<vmem>>, vector<1x16xf32>,
        %parallel_loop3A_1377 = arith.addi %mul3A_153, %parallel_loop3A_221 : i32
        %parallel_loop3A_1378 = arith.index_cast %parallel_loop3A_1377 : i32 to index
        %parallel_loop3A_1379 = arith.constant 560 : index
        %parallel_loop3A_1380 = tpu.vector_load %arg9[%parallel_loop3A_1378, %parallel_loop3A_1379] {strides = array<i32>} : memref<64x768xf32, #tpu.memory_space<vmem>>, vector<1x16xf32>,
        %parallel_loop3A_1381 = vector.shape_cast %parallel_loop3A_1380 : vector<1x16xf32> to vector<16xf32>
        %parallel_loop3A_1382 = arith.constant 0 : i32
        %parallel_loop3A_1383 = arith.addi %parallel_loop3A_1382, %parallel_loop3A_221 : i32
        %parallel_loop3A_1384 = arith.index_cast %parallel_loop3A_1383 : i32 to index
        %parallel_loop3A_1385 = arith.constant 560 : index
        %parallel_loop3A_1386 = tpu.vector_load %arg8[%parallel_loop3A_1384, %parallel_loop3A_1385] {strides = array<i32>} : memref<32x768xf32, #tpu.memory_space<vmem>>, vector<1x16xf32>,
        %parallel_loop3A_1387 = vector.shape_cast %parallel_loop3A_1386 : vector<1x16xf32> to vector<16xf32>
        %parallel_loop3A_1388 = vector.shape_cast %parallel_loop3A_1381 : vector<16xf32> to vector<1x16xf32>
        tpu.vector_store %arg8[%parallel_loop3A_1384, %parallel_loop3A_1385], %parallel_loop3A_1388 {add = true, strides = array<i32>} : memref<32x768xf32, #tpu.memory_space<vmem>>, vector<1x16xf32>,
        %parallel_loop3A_1389 = arith.constant 8 : i32
        %parallel_loop3A_1390 = arith.addi %parallel_loop3A_1389, %parallel_loop3A_221 : i32
        %parallel_loop3A_1391 = arith.index_cast %parallel_loop3A_1390 : i32 to index
        %parallel_loop3A_1392 = arith.constant 560 : index
        %parallel_loop3A_1393 = tpu.vector_load %arg8[%parallel_loop3A_1391, %parallel_loop3A_1392] {strides = array<i32>} : memref<32x768xf32, #tpu.memory_space<vmem>>, vector<1x16xf32>,
        %parallel_loop3A_1394 = vector.shape_cast %parallel_loop3A_1393 : vector<1x16xf32> to vector<16xf32>
        %parallel_loop3A_1395 = vector.shape_cast %parallel_loop3A_1381 : vector<16xf32> to vector<1x16xf32>
        tpu.vector_store %arg8[%parallel_loop3A_1391, %parallel_loop3A_1392], %parallel_loop3A_1395 {add = true, strides = array<i32>} : memref<32x768xf32, #tpu.memory_space<vmem>>, vector<1x16xf32>,
        %parallel_loop3A_1396 = arith.constant 16 : i32
        %parallel_loop3A_1397 = arith.addi %parallel_loop3A_1396, %parallel_loop3A_221 : i32
        %parallel_loop3A_1398 = arith.index_cast %parallel_loop3A_1397 : i32 to index
        %parallel_loop3A_1399 = arith.constant 560 : index
        %parallel_loop3A_1400 = tpu.vector_load %arg8[%parallel_loop3A_1398, %parallel_loop3A_1399] {strides = array<i32>} : memref<32x768xf32, #tpu.memory_space<vmem>>, vector<1x16xf32>,
        %parallel_loop3A_1401 = vector.shape_cast %parallel_loop3A_1400 : vector<1x16xf32> to vector<16xf32>
        %parallel_loop3A_1402 = vector.shape_cast %parallel_loop3A_1381 : vector<16xf32> to vector<1x16xf32>
        tpu.vector_store %arg8[%parallel_loop3A_1398, %parallel_loop3A_1399], %parallel_loop3A_1402 {add = true, strides = array<i32>} : memref<32x768xf32, #tpu.memory_space<vmem>>, vector<1x16xf32>,
        %parallel_loop3A_1403 = arith.constant 24 : i32
        %parallel_loop3A_1404 = arith.addi %parallel_loop3A_1403, %parallel_loop3A_221 : i32
        %parallel_loop3A_1405 = arith.index_cast %parallel_loop3A_1404 : i32 to index
        %parallel_loop3A_1406 = arith.constant 560 : index
        %parallel_loop3A_1407 = tpu.vector_load %arg8[%parallel_loop3A_1405, %parallel_loop3A_1406] {strides = array<i32>} : memref<32x768xf32, #tpu.memory_space<vmem>>, vector<1x16xf32>,
        %parallel_loop3A_1408 = vector.shape_cast %parallel_loop3A_1407 : vector<1x16xf32> to vector<16xf32>
        %parallel_loop3A_1409 = vector.shape_cast %parallel_loop3A_1381 : vector<16xf32> to vector<1x16xf32>
        tpu.vector_store %arg8[%parallel_loop3A_1405, %parallel_loop3A_1406], %parallel_loop3A_1409 {add = true, strides = array<i32>} : memref<32x768xf32, #tpu.memory_space<vmem>>, vector<1x16xf32>,
        %parallel_loop3A_1410 = arith.addi %mul3A_153, %parallel_loop3A_221 : i32
        %parallel_loop3A_1411 = arith.index_cast %parallel_loop3A_1410 : i32 to index
        %parallel_loop3A_1412 = arith.constant 576 : index
        %parallel_loop3A_1413 = tpu.vector_load %arg9[%parallel_loop3A_1411, %parallel_loop3A_1412] {strides = array<i32>} : memref<64x768xf32, #tpu.memory_space<vmem>>, vector<1x16xf32>,
        %parallel_loop3A_1414 = vector.shape_cast %parallel_loop3A_1413 : vector<1x16xf32> to vector<16xf32>
        %parallel_loop3A_1415 = arith.constant 0 : i32
        %parallel_loop3A_1416 = arith.addi %parallel_loop3A_1415, %parallel_loop3A_221 : i32
        %parallel_loop3A_1417 = arith.index_cast %parallel_loop3A_1416 : i32 to index
        %parallel_loop3A_1418 = arith.constant 576 : index
        %parallel_loop3A_1419 = tpu.vector_load %arg8[%parallel_loop3A_1417, %parallel_loop3A_1418] {strides = array<i32>} : memref<32x768xf32, #tpu.memory_space<vmem>>, vector<1x16xf32>,
        %parallel_loop3A_1420 = vector.shape_cast %parallel_loop3A_1419 : vector<1x16xf32> to vector<16xf32>
        %parallel_loop3A_1421 = vector.shape_cast %parallel_loop3A_1414 : vector<16xf32> to vector<1x16xf32>
        tpu.vector_store %arg8[%parallel_loop3A_1417, %parallel_loop3A_1418], %parallel_loop3A_1421 {add = true, strides = array<i32>} : memref<32x768xf32, #tpu.memory_space<vmem>>, vector<1x16xf32>,
        %parallel_loop3A_1422 = arith.constant 8 : i32
        %parallel_loop3A_1423 = arith.addi %parallel_loop3A_1422, %parallel_loop3A_221 : i32
        %parallel_loop3A_1424 = arith.index_cast %parallel_loop3A_1423 : i32 to index
        %parallel_loop3A_1425 = arith.constant 576 : index
        %parallel_loop3A_1426 = tpu.vector_load %arg8[%parallel_loop3A_1424, %parallel_loop3A_1425] {strides = array<i32>} : memref<32x768xf32, #tpu.memory_space<vmem>>, vector<1x16xf32>,
        %parallel_loop3A_1427 = vector.shape_cast %parallel_loop3A_1426 : vector<1x16xf32> to vector<16xf32>
        %parallel_loop3A_1428 = vector.shape_cast %parallel_loop3A_1414 : vector<16xf32> to vector<1x16xf32>
        tpu.vector_store %arg8[%parallel_loop3A_1424, %parallel_loop3A_1425], %parallel_loop3A_1428 {add = true, strides = array<i32>} : memref<32x768xf32, #tpu.memory_space<vmem>>, vector<1x16xf32>,
        %parallel_loop3A_1429 = arith.constant 16 : i32
        %parallel_loop3A_1430 = arith.addi %parallel_loop3A_1429, %parallel_loop3A_221 : i32
        %parallel_loop3A_1431 = arith.index_cast %parallel_loop3A_1430 : i32 to index
        %parallel_loop3A_1432 = arith.constant 576 : index
        %parallel_loop3A_1433 = tpu.vector_load %arg8[%parallel_loop3A_1431, %parallel_loop3A_1432] {strides = array<i32>} : memref<32x768xf32, #tpu.memory_space<vmem>>, vector<1x16xf32>,
        %parallel_loop3A_1434 = vector.shape_cast %parallel_loop3A_1433 : vector<1x16xf32> to vector<16xf32>
        %parallel_loop3A_1435 = vector.shape_cast %parallel_loop3A_1414 : vector<16xf32> to vector<1x16xf32>
        tpu.vector_store %arg8[%parallel_loop3A_1431, %parallel_loop3A_1432], %parallel_loop3A_1435 {add = true, strides = array<i32>} : memref<32x768xf32, #tpu.memory_space<vmem>>, vector<1x16xf32>,
        %parallel_loop3A_1436 = arith.constant 24 : i32
        %parallel_loop3A_1437 = arith.addi %parallel_loop3A_1436, %parallel_loop3A_221 : i32
        %parallel_loop3A_1438 = arith.index_cast %parallel_loop3A_1437 : i32 to index
        %parallel_loop3A_1439 = arith.constant 576 : index
        %parallel_loop3A_1440 = tpu.vector_load %arg8[%parallel_loop3A_1438, %parallel_loop3A_1439] {strides = array<i32>} : memref<32x768xf32, #tpu.memory_space<vmem>>, vector<1x16xf32>,
        %parallel_loop3A_1441 = vector.shape_cast %parallel_loop3A_1440 : vector<1x16xf32> to vector<16xf32>
        %parallel_loop3A_1442 = vector.shape_cast %parallel_loop3A_1414 : vector<16xf32> to vector<1x16xf32>
        tpu.vector_store %arg8[%parallel_loop3A_1438, %parallel_loop3A_1439], %parallel_loop3A_1442 {add = true, strides = array<i32>} : memref<32x768xf32, #tpu.memory_space<vmem>>, vector<1x16xf32>,
        %parallel_loop3A_1443 = arith.addi %mul3A_153, %parallel_loop3A_221 : i32
        %parallel_loop3A_1444 = arith.index_cast %parallel_loop3A_1443 : i32 to index
        %parallel_loop3A_1445 = arith.constant 592 : index
        %parallel_loop3A_1446 = tpu.vector_load %arg9[%parallel_loop3A_1444, %parallel_loop3A_1445] {strides = array<i32>} : memref<64x768xf32, #tpu.memory_space<vmem>>, vector<1x16xf32>,
        %parallel_loop3A_1447 = vector.shape_cast %parallel_loop3A_1446 : vector<1x16xf32> to vector<16xf32>
        %parallel_loop3A_1448 = arith.constant 0 : i32
        %parallel_loop3A_1449 = arith.addi %parallel_loop3A_1448, %parallel_loop3A_221 : i32
        %parallel_loop3A_1450 = arith.index_cast %parallel_loop3A_1449 : i32 to index
        %parallel_loop3A_1451 = arith.constant 592 : index
        %parallel_loop3A_1452 = tpu.vector_load %arg8[%parallel_loop3A_1450, %parallel_loop3A_1451] {strides = array<i32>} : memref<32x768xf32, #tpu.memory_space<vmem>>, vector<1x16xf32>,
        %parallel_loop3A_1453 = vector.shape_cast %parallel_loop3A_1452 : vector<1x16xf32> to vector<16xf32>
        %parallel_loop3A_1454 = vector.shape_cast %parallel_loop3A_1447 : vector<16xf32> to vector<1x16xf32>
        tpu.vector_store %arg8[%parallel_loop3A_1450, %parallel_loop3A_1451], %parallel_loop3A_1454 {add = true, strides = array<i32>} : memref<32x768xf32, #tpu.memory_space<vmem>>, vector<1x16xf32>,
        %parallel_loop3A_1455 = arith.constant 8 : i32
        %parallel_loop3A_1456 = arith.addi %parallel_loop3A_1455, %parallel_loop3A_221 : i32
        %parallel_loop3A_1457 = arith.index_cast %parallel_loop3A_1456 : i32 to index
        %parallel_loop3A_1458 = arith.constant 592 : index
        %parallel_loop3A_1459 = tpu.vector_load %arg8[%parallel_loop3A_1457, %parallel_loop3A_1458] {strides = array<i32>} : memref<32x768xf32, #tpu.memory_space<vmem>>, vector<1x16xf32>,
        %parallel_loop3A_1460 = vector.shape_cast %parallel_loop3A_1459 : vector<1x16xf32> to vector<16xf32>
        %parallel_loop3A_1461 = vector.shape_cast %parallel_loop3A_1447 : vector<16xf32> to vector<1x16xf32>
        tpu.vector_store %arg8[%parallel_loop3A_1457, %parallel_loop3A_1458], %parallel_loop3A_1461 {add = true, strides = array<i32>} : memref<32x768xf32, #tpu.memory_space<vmem>>, vector<1x16xf32>,
        %parallel_loop3A_1462 = arith.constant 16 : i32
        %parallel_loop3A_1463 = arith.addi %parallel_loop3A_1462, %parallel_loop3A_221 : i32
        %parallel_loop3A_1464 = arith.index_cast %parallel_loop3A_1463 : i32 to index
        %parallel_loop3A_1465 = arith.constant 592 : index
        %parallel_loop3A_1466 = tpu.vector_load %arg8[%parallel_loop3A_1464, %parallel_loop3A_1465] {strides = array<i32>} : memref<32x768xf32, #tpu.memory_space<vmem>>, vector<1x16xf32>,
        %parallel_loop3A_1467 = vector.shape_cast %parallel_loop3A_1466 : vector<1x16xf32> to vector<16xf32>
        %parallel_loop3A_1468 = vector.shape_cast %parallel_loop3A_1447 : vector<16xf32> to vector<1x16xf32>
        tpu.vector_store %arg8[%parallel_loop3A_1464, %parallel_loop3A_1465], %parallel_loop3A_1468 {add = true, strides = array<i32>} : memref<32x768xf32, #tpu.memory_space<vmem>>, vector<1x16xf32>,
        %parallel_loop3A_1469 = arith.constant 24 : i32
        %parallel_loop3A_1470 = arith.addi %parallel_loop3A_1469, %parallel_loop3A_221 : i32
        %parallel_loop3A_1471 = arith.index_cast %parallel_loop3A_1470 : i32 to index
        %parallel_loop3A_1472 = arith.constant 592 : index
        %parallel_loop3A_1473 = tpu.vector_load %arg8[%parallel_loop3A_1471, %parallel_loop3A_1472] {strides = array<i32>} : memref<32x768xf32, #tpu.memory_space<vmem>>, vector<1x16xf32>,
        %parallel_loop3A_1474 = vector.shape_cast %parallel_loop3A_1473 : vector<1x16xf32> to vector<16xf32>
        %parallel_loop3A_1475 = vector.shape_cast %parallel_loop3A_1447 : vector<16xf32> to vector<1x16xf32>
        tpu.vector_store %arg8[%parallel_loop3A_1471, %parallel_loop3A_1472], %parallel_loop3A_1475 {add = true, strides = array<i32>} : memref<32x768xf32, #tpu.memory_space<vmem>>, vector<1x16xf32>,
        %parallel_loop3A_1476 = arith.addi %mul3A_153, %parallel_loop3A_221 : i32
        %parallel_loop3A_1477 = arith.index_cast %parallel_loop3A_1476 : i32 to index
        %parallel_loop3A_1478 = arith.constant 608 : index
        %parallel_loop3A_1479 = tpu.vector_load %arg9[%parallel_loop3A_1477, %parallel_loop3A_1478] {strides = array<i32>} : memref<64x768xf32, #tpu.memory_space<vmem>>, vector<1x16xf32>,
        %parallel_loop3A_1480 = vector.shape_cast %parallel_loop3A_1479 : vector<1x16xf32> to vector<16xf32>
        %parallel_loop3A_1481 = arith.constant 0 : i32
        %parallel_loop3A_1482 = arith.addi %parallel_loop3A_1481, %parallel_loop3A_221 : i32
        %parallel_loop3A_1483 = arith.index_cast %parallel_loop3A_1482 : i32 to index
        %parallel_loop3A_1484 = arith.constant 608 : index
        %parallel_loop3A_1485 = tpu.vector_load %arg8[%parallel_loop3A_1483, %parallel_loop3A_1484] {strides = array<i32>} : memref<32x768xf32, #tpu.memory_space<vmem>>, vector<1x16xf32>,
        %parallel_loop3A_1486 = vector.shape_cast %parallel_loop3A_1485 : vector<1x16xf32> to vector<16xf32>
        %parallel_loop3A_1487 = vector.shape_cast %parallel_loop3A_1480 : vector<16xf32> to vector<1x16xf32>
        tpu.vector_store %arg8[%parallel_loop3A_1483, %parallel_loop3A_1484], %parallel_loop3A_1487 {add = true, strides = array<i32>} : memref<32x768xf32, #tpu.memory_space<vmem>>, vector<1x16xf32>,
        %parallel_loop3A_1488 = arith.constant 8 : i32
        %parallel_loop3A_1489 = arith.addi %parallel_loop3A_1488, %parallel_loop3A_221 : i32
        %parallel_loop3A_1490 = arith.index_cast %parallel_loop3A_1489 : i32 to index
        %parallel_loop3A_1491 = arith.constant 608 : index
        %parallel_loop3A_1492 = tpu.vector_load %arg8[%parallel_loop3A_1490, %parallel_loop3A_1491] {strides = array<i32>} : memref<32x768xf32, #tpu.memory_space<vmem>>, vector<1x16xf32>,
        %parallel_loop3A_1493 = vector.shape_cast %parallel_loop3A_1492 : vector<1x16xf32> to vector<16xf32>
        %parallel_loop3A_1494 = vector.shape_cast %parallel_loop3A_1480 : vector<16xf32> to vector<1x16xf32>
        tpu.vector_store %arg8[%parallel_loop3A_1490, %parallel_loop3A_1491], %parallel_loop3A_1494 {add = true, strides = array<i32>} : memref<32x768xf32, #tpu.memory_space<vmem>>, vector<1x16xf32>,
        %parallel_loop3A_1495 = arith.constant 16 : i32
        %parallel_loop3A_1496 = arith.addi %parallel_loop3A_1495, %parallel_loop3A_221 : i32
        %parallel_loop3A_1497 = arith.index_cast %parallel_loop3A_1496 : i32 to index
        %parallel_loop3A_1498 = arith.constant 608 : index
        %parallel_loop3A_1499 = tpu.vector_load %arg8[%parallel_loop3A_1497, %parallel_loop3A_1498] {strides = array<i32>} : memref<32x768xf32, #tpu.memory_space<vmem>>, vector<1x16xf32>,
        %parallel_loop3A_1500 = vector.shape_cast %parallel_loop3A_1499 : vector<1x16xf32> to vector<16xf32>
        %parallel_loop3A_1501 = vector.shape_cast %parallel_loop3A_1480 : vector<16xf32> to vector<1x16xf32>
        tpu.vector_store %arg8[%parallel_loop3A_1497, %parallel_loop3A_1498], %parallel_loop3A_1501 {add = true, strides = array<i32>} : memref<32x768xf32, #tpu.memory_space<vmem>>, vector<1x16xf32>,
        %parallel_loop3A_1502 = arith.constant 24 : i32
        %parallel_loop3A_1503 = arith.addi %parallel_loop3A_1502, %parallel_loop3A_221 : i32
        %parallel_loop3A_1504 = arith.index_cast %parallel_loop3A_1503 : i32 to index
        %parallel_loop3A_1505 = arith.constant 608 : index
        %parallel_loop3A_1506 = tpu.vector_load %arg8[%parallel_loop3A_1504, %parallel_loop3A_1505] {strides = array<i32>} : memref<32x768xf32, #tpu.memory_space<vmem>>, vector<1x16xf32>,
        %parallel_loop3A_1507 = vector.shape_cast %parallel_loop3A_1506 : vector<1x16xf32> to vector<16xf32>
        %parallel_loop3A_1508 = vector.shape_cast %parallel_loop3A_1480 : vector<16xf32> to vector<1x16xf32>
        tpu.vector_store %arg8[%parallel_loop3A_1504, %parallel_loop3A_1505], %parallel_loop3A_1508 {add = true, strides = array<i32>} : memref<32x768xf32, #tpu.memory_space<vmem>>, vector<1x16xf32>,
        %parallel_loop3A_1509 = arith.addi %mul3A_153, %parallel_loop3A_221 : i32
        %parallel_loop3A_1510 = arith.index_cast %parallel_loop3A_1509 : i32 to index
        %parallel_loop3A_1511 = arith.constant 624 : index
        %parallel_loop3A_1512 = tpu.vector_load %arg9[%parallel_loop3A_1510, %parallel_loop3A_1511] {strides = array<i32>} : memref<64x768xf32, #tpu.memory_space<vmem>>, vector<1x16xf32>,
        %parallel_loop3A_1513 = vector.shape_cast %parallel_loop3A_1512 : vector<1x16xf32> to vector<16xf32>
        %parallel_loop3A_1514 = arith.constant 0 : i32
        %parallel_loop3A_1515 = arith.addi %parallel_loop3A_1514, %parallel_loop3A_221 : i32
        %parallel_loop3A_1516 = arith.index_cast %parallel_loop3A_1515 : i32 to index
        %parallel_loop3A_1517 = arith.constant 624 : index
        %parallel_loop3A_1518 = tpu.vector_load %arg8[%parallel_loop3A_1516, %parallel_loop3A_1517] {strides = array<i32>} : memref<32x768xf32, #tpu.memory_space<vmem>>, vector<1x16xf32>,
        %parallel_loop3A_1519 = vector.shape_cast %parallel_loop3A_1518 : vector<1x16xf32> to vector<16xf32>
        %parallel_loop3A_1520 = vector.shape_cast %parallel_loop3A_1513 : vector<16xf32> to vector<1x16xf32>
        tpu.vector_store %arg8[%parallel_loop3A_1516, %parallel_loop3A_1517], %parallel_loop3A_1520 {add = true, strides = array<i32>} : memref<32x768xf32, #tpu.memory_space<vmem>>, vector<1x16xf32>,
        %parallel_loop3A_1521 = arith.constant 8 : i32
        %parallel_loop3A_1522 = arith.addi %parallel_loop3A_1521, %parallel_loop3A_221 : i32
        %parallel_loop3A_1523 = arith.index_cast %parallel_loop3A_1522 : i32 to index
        %parallel_loop3A_1524 = arith.constant 624 : index
        %parallel_loop3A_1525 = tpu.vector_load %arg8[%parallel_loop3A_1523, %parallel_loop3A_1524] {strides = array<i32>} : memref<32x768xf32, #tpu.memory_space<vmem>>, vector<1x16xf32>,
        %parallel_loop3A_1526 = vector.shape_cast %parallel_loop3A_1525 : vector<1x16xf32> to vector<16xf32>
        %parallel_loop3A_1527 = vector.shape_cast %parallel_loop3A_1513 : vector<16xf32> to vector<1x16xf32>
        tpu.vector_store %arg8[%parallel_loop3A_1523, %parallel_loop3A_1524], %parallel_loop3A_1527 {add = true, strides = array<i32>} : memref<32x768xf32, #tpu.memory_space<vmem>>, vector<1x16xf32>,
        %parallel_loop3A_1528 = arith.constant 16 : i32
        %parallel_loop3A_1529 = arith.addi %parallel_loop3A_1528, %parallel_loop3A_221 : i32
        %parallel_loop3A_1530 = arith.index_cast %parallel_loop3A_1529 : i32 to index
        %parallel_loop3A_1531 = arith.constant 624 : index
        %parallel_loop3A_1532 = tpu.vector_load %arg8[%parallel_loop3A_1530, %parallel_loop3A_1531] {strides = array<i32>} : memref<32x768xf32, #tpu.memory_space<vmem>>, vector<1x16xf32>,
        %parallel_loop3A_1533 = vector.shape_cast %parallel_loop3A_1532 : vector<1x16xf32> to vector<16xf32>
        %parallel_loop3A_1534 = vector.shape_cast %parallel_loop3A_1513 : vector<16xf32> to vector<1x16xf32>
        tpu.vector_store %arg8[%parallel_loop3A_1530, %parallel_loop3A_1531], %parallel_loop3A_1534 {add = true, strides = array<i32>} : memref<32x768xf32, #tpu.memory_space<vmem>>, vector<1x16xf32>,
        %parallel_loop3A_1535 = arith.constant 24 : i32
        %parallel_loop3A_1536 = arith.addi %parallel_loop3A_1535, %parallel_loop3A_221 : i32
        %parallel_loop3A_1537 = arith.index_cast %parallel_loop3A_1536 : i32 to index
        %parallel_loop3A_1538 = arith.constant 624 : index
        %parallel_loop3A_1539 = tpu.vector_load %arg8[%parallel_loop3A_1537, %parallel_loop3A_1538] {strides = array<i32>} : memref<32x768xf32, #tpu.memory_space<vmem>>, vector<1x16xf32>,
        %parallel_loop3A_1540 = vector.shape_cast %parallel_loop3A_1539 : vector<1x16xf32> to vector<16xf32>
        %parallel_loop3A_1541 = vector.shape_cast %parallel_loop3A_1513 : vector<16xf32> to vector<1x16xf32>
        tpu.vector_store %arg8[%parallel_loop3A_1537, %parallel_loop3A_1538], %parallel_loop3A_1541 {add = true, strides = array<i32>} : memref<32x768xf32, #tpu.memory_space<vmem>>, vector<1x16xf32>,
        %parallel_loop3A_1542 = arith.addi %mul3A_153, %parallel_loop3A_221 : i32
        %parallel_loop3A_1543 = arith.index_cast %parallel_loop3A_1542 : i32 to index
        %parallel_loop3A_1544 = arith.constant 640 : index
        %parallel_loop3A_1545 = tpu.vector_load %arg9[%parallel_loop3A_1543, %parallel_loop3A_1544] {strides = array<i32>} : memref<64x768xf32, #tpu.memory_space<vmem>>, vector<1x16xf32>,
        %parallel_loop3A_1546 = vector.shape_cast %parallel_loop3A_1545 : vector<1x16xf32> to vector<16xf32>
        %parallel_loop3A_1547 = arith.constant 0 : i32
        %parallel_loop3A_1548 = arith.addi %parallel_loop3A_1547, %parallel_loop3A_221 : i32
        %parallel_loop3A_1549 = arith.index_cast %parallel_loop3A_1548 : i32 to index
        %parallel_loop3A_1550 = arith.constant 640 : index
        %parallel_loop3A_1551 = tpu.vector_load %arg8[%parallel_loop3A_1549, %parallel_loop3A_1550] {strides = array<i32>} : memref<32x768xf32, #tpu.memory_space<vmem>>, vector<1x16xf32>,
        %parallel_loop3A_1552 = vector.shape_cast %parallel_loop3A_1551 : vector<1x16xf32> to vector<16xf32>
        %parallel_loop3A_1553 = vector.shape_cast %parallel_loop3A_1546 : vector<16xf32> to vector<1x16xf32>
        tpu.vector_store %arg8[%parallel_loop3A_1549, %parallel_loop3A_1550], %parallel_loop3A_1553 {add = true, strides = array<i32>} : memref<32x768xf32, #tpu.memory_space<vmem>>, vector<1x16xf32>,
        %parallel_loop3A_1554 = arith.constant 8 : i32
        %parallel_loop3A_1555 = arith.addi %parallel_loop3A_1554, %parallel_loop3A_221 : i32
        %parallel_loop3A_1556 = arith.index_cast %parallel_loop3A_1555 : i32 to index
        %parallel_loop3A_1557 = arith.constant 640 : index
        %parallel_loop3A_1558 = tpu.vector_load %arg8[%parallel_loop3A_1556, %parallel_loop3A_1557] {strides = array<i32>} : memref<32x768xf32, #tpu.memory_space<vmem>>, vector<1x16xf32>,
        %parallel_loop3A_1559 = vector.shape_cast %parallel_loop3A_1558 : vector<1x16xf32> to vector<16xf32>
        %parallel_loop3A_1560 = vector.shape_cast %parallel_loop3A_1546 : vector<16xf32> to vector<1x16xf32>
        tpu.vector_store %arg8[%parallel_loop3A_1556, %parallel_loop3A_1557], %parallel_loop3A_1560 {add = true, strides = array<i32>} : memref<32x768xf32, #tpu.memory_space<vmem>>, vector<1x16xf32>,
        %parallel_loop3A_1561 = arith.constant 16 : i32
        %parallel_loop3A_1562 = arith.addi %parallel_loop3A_1561, %parallel_loop3A_221 : i32
        %parallel_loop3A_1563 = arith.index_cast %parallel_loop3A_1562 : i32 to index
        %parallel_loop3A_1564 = arith.constant 640 : index
        %parallel_loop3A_1565 = tpu.vector_load %arg8[%parallel_loop3A_1563, %parallel_loop3A_1564] {strides = array<i32>} : memref<32x768xf32, #tpu.memory_space<vmem>>, vector<1x16xf32>,
        %parallel_loop3A_1566 = vector.shape_cast %parallel_loop3A_1565 : vector<1x16xf32> to vector<16xf32>
        %parallel_loop3A_1567 = vector.shape_cast %parallel_loop3A_1546 : vector<16xf32> to vector<1x16xf32>
        tpu.vector_store %arg8[%parallel_loop3A_1563, %parallel_loop3A_1564], %parallel_loop3A_1567 {add = true, strides = array<i32>} : memref<32x768xf32, #tpu.memory_space<vmem>>, vector<1x16xf32>,
        %parallel_loop3A_1568 = arith.constant 24 : i32
        %parallel_loop3A_1569 = arith.addi %parallel_loop3A_1568, %parallel_loop3A_221 : i32
        %parallel_loop3A_1570 = arith.index_cast %parallel_loop3A_1569 : i32 to index
        %parallel_loop3A_1571 = arith.constant 640 : index
        %parallel_loop3A_1572 = tpu.vector_load %arg8[%parallel_loop3A_1570, %parallel_loop3A_1571] {strides = array<i32>} : memref<32x768xf32, #tpu.memory_space<vmem>>, vector<1x16xf32>,
        %parallel_loop3A_1573 = vector.shape_cast %parallel_loop3A_1572 : vector<1x16xf32> to vector<16xf32>
        %parallel_loop3A_1574 = vector.shape_cast %parallel_loop3A_1546 : vector<16xf32> to vector<1x16xf32>
        tpu.vector_store %arg8[%parallel_loop3A_1570, %parallel_loop3A_1571], %parallel_loop3A_1574 {add = true, strides = array<i32>} : memref<32x768xf32, #tpu.memory_space<vmem>>, vector<1x16xf32>,
        %parallel_loop3A_1575 = arith.addi %mul3A_153, %parallel_loop3A_221 : i32
        %parallel_loop3A_1576 = arith.index_cast %parallel_loop3A_1575 : i32 to index
        %parallel_loop3A_1577 = arith.constant 656 : index
        %parallel_loop3A_1578 = tpu.vector_load %arg9[%parallel_loop3A_1576, %parallel_loop3A_1577] {strides = array<i32>} : memref<64x768xf32, #tpu.memory_space<vmem>>, vector<1x16xf32>,
        %parallel_loop3A_1579 = vector.shape_cast %parallel_loop3A_1578 : vector<1x16xf32> to vector<16xf32>
        %parallel_loop3A_1580 = arith.constant 0 : i32
        %parallel_loop3A_1581 = arith.addi %parallel_loop3A_1580, %parallel_loop3A_221 : i32
        %parallel_loop3A_1582 = arith.index_cast %parallel_loop3A_1581 : i32 to index
        %parallel_loop3A_1583 = arith.constant 656 : index
        %parallel_loop3A_1584 = tpu.vector_load %arg8[%parallel_loop3A_1582, %parallel_loop3A_1583] {strides = array<i32>} : memref<32x768xf32, #tpu.memory_space<vmem>>, vector<1x16xf32>,
        %parallel_loop3A_1585 = vector.shape_cast %parallel_loop3A_1584 : vector<1x16xf32> to vector<16xf32>
        %parallel_loop3A_1586 = vector.shape_cast %parallel_loop3A_1579 : vector<16xf32> to vector<1x16xf32>
        tpu.vector_store %arg8[%parallel_loop3A_1582, %parallel_loop3A_1583], %parallel_loop3A_1586 {add = true, strides = array<i32>} : memref<32x768xf32, #tpu.memory_space<vmem>>, vector<1x16xf32>,
        %parallel_loop3A_1587 = arith.constant 8 : i32
        %parallel_loop3A_1588 = arith.addi %parallel_loop3A_1587, %parallel_loop3A_221 : i32
        %parallel_loop3A_1589 = arith.index_cast %parallel_loop3A_1588 : i32 to index
        %parallel_loop3A_1590 = arith.constant 656 : index
        %parallel_loop3A_1591 = tpu.vector_load %arg8[%parallel_loop3A_1589, %parallel_loop3A_1590] {strides = array<i32>} : memref<32x768xf32, #tpu.memory_space<vmem>>, vector<1x16xf32>,
        %parallel_loop3A_1592 = vector.shape_cast %parallel_loop3A_1591 : vector<1x16xf32> to vector<16xf32>
        %parallel_loop3A_1593 = vector.shape_cast %parallel_loop3A_1579 : vector<16xf32> to vector<1x16xf32>
        tpu.vector_store %arg8[%parallel_loop3A_1589, %parallel_loop3A_1590], %parallel_loop3A_1593 {add = true, strides = array<i32>} : memref<32x768xf32, #tpu.memory_space<vmem>>, vector<1x16xf32>,
        %parallel_loop3A_1594 = arith.constant 16 : i32
        %parallel_loop3A_1595 = arith.addi %parallel_loop3A_1594, %parallel_loop3A_221 : i32
        %parallel_loop3A_1596 = arith.index_cast %parallel_loop3A_1595 : i32 to index
        %parallel_loop3A_1597 = arith.constant 656 : index
        %parallel_loop3A_1598 = tpu.vector_load %arg8[%parallel_loop3A_1596, %parallel_loop3A_1597] {strides = array<i32>} : memref<32x768xf32, #tpu.memory_space<vmem>>, vector<1x16xf32>,
        %parallel_loop3A_1599 = vector.shape_cast %parallel_loop3A_1598 : vector<1x16xf32> to vector<16xf32>
        %parallel_loop3A_1600 = vector.shape_cast %parallel_loop3A_1579 : vector<16xf32> to vector<1x16xf32>
        tpu.vector_store %arg8[%parallel_loop3A_1596, %parallel_loop3A_1597], %parallel_loop3A_1600 {add = true, strides = array<i32>} : memref<32x768xf32, #tpu.memory_space<vmem>>, vector<1x16xf32>,
        %parallel_loop3A_1601 = arith.constant 24 : i32
        %parallel_loop3A_1602 = arith.addi %parallel_loop3A_1601, %parallel_loop3A_221 : i32
        %parallel_loop3A_1603 = arith.index_cast %parallel_loop3A_1602 : i32 to index
        %parallel_loop3A_1604 = arith.constant 656 : index
        %parallel_loop3A_1605 = tpu.vector_load %arg8[%parallel_loop3A_1603, %parallel_loop3A_1604] {strides = array<i32>} : memref<32x768xf32, #tpu.memory_space<vmem>>, vector<1x16xf32>,
        %parallel_loop3A_1606 = vector.shape_cast %parallel_loop3A_1605 : vector<1x16xf32> to vector<16xf32>
        %parallel_loop3A_1607 = vector.shape_cast %parallel_loop3A_1579 : vector<16xf32> to vector<1x16xf32>
        tpu.vector_store %arg8[%parallel_loop3A_1603, %parallel_loop3A_1604], %parallel_loop3A_1607 {add = true, strides = array<i32>} : memref<32x768xf32, #tpu.memory_space<vmem>>, vector<1x16xf32>,
        %parallel_loop3A_1608 = arith.addi %mul3A_153, %parallel_loop3A_221 : i32
        %parallel_loop3A_1609 = arith.index_cast %parallel_loop3A_1608 : i32 to index
        %parallel_loop3A_1610 = arith.constant 672 : index
        %parallel_loop3A_1611 = tpu.vector_load %arg9[%parallel_loop3A_1609, %parallel_loop3A_1610] {strides = array<i32>} : memref<64x768xf32, #tpu.memory_space<vmem>>, vector<1x16xf32>,
        %parallel_loop3A_1612 = vector.shape_cast %parallel_loop3A_1611 : vector<1x16xf32> to vector<16xf32>
        %parallel_loop3A_1613 = arith.constant 0 : i32
        %parallel_loop3A_1614 = arith.addi %parallel_loop3A_1613, %parallel_loop3A_221 : i32
        %parallel_loop3A_1615 = arith.index_cast %parallel_loop3A_1614 : i32 to index
        %parallel_loop3A_1616 = arith.constant 672 : index
        %parallel_loop3A_1617 = tpu.vector_load %arg8[%parallel_loop3A_1615, %parallel_loop3A_1616] {strides = array<i32>} : memref<32x768xf32, #tpu.memory_space<vmem>>, vector<1x16xf32>,
        %parallel_loop3A_1618 = vector.shape_cast %parallel_loop3A_1617 : vector<1x16xf32> to vector<16xf32>
        %parallel_loop3A_1619 = vector.shape_cast %parallel_loop3A_1612 : vector<16xf32> to vector<1x16xf32>
        tpu.vector_store %arg8[%parallel_loop3A_1615, %parallel_loop3A_1616], %parallel_loop3A_1619 {add = true, strides = array<i32>} : memref<32x768xf32, #tpu.memory_space<vmem>>, vector<1x16xf32>,
        %parallel_loop3A_1620 = arith.constant 8 : i32
        %parallel_loop3A_1621 = arith.addi %parallel_loop3A_1620, %parallel_loop3A_221 : i32
        %parallel_loop3A_1622 = arith.index_cast %parallel_loop3A_1621 : i32 to index
        %parallel_loop3A_1623 = arith.constant 672 : index
        %parallel_loop3A_1624 = tpu.vector_load %arg8[%parallel_loop3A_1622, %parallel_loop3A_1623] {strides = array<i32>} : memref<32x768xf32, #tpu.memory_space<vmem>>, vector<1x16xf32>,
        %parallel_loop3A_1625 = vector.shape_cast %parallel_loop3A_1624 : vector<1x16xf32> to vector<16xf32>
        %parallel_loop3A_1626 = vector.shape_cast %parallel_loop3A_1612 : vector<16xf32> to vector<1x16xf32>
        tpu.vector_store %arg8[%parallel_loop3A_1622, %parallel_loop3A_1623], %parallel_loop3A_1626 {add = true, strides = array<i32>} : memref<32x768xf32, #tpu.memory_space<vmem>>, vector<1x16xf32>,
        %parallel_loop3A_1627 = arith.constant 16 : i32
        %parallel_loop3A_1628 = arith.addi %parallel_loop3A_1627, %parallel_loop3A_221 : i32
        %parallel_loop3A_1629 = arith.index_cast %parallel_loop3A_1628 : i32 to index
        %parallel_loop3A_1630 = arith.constant 672 : index
        %parallel_loop3A_1631 = tpu.vector_load %arg8[%parallel_loop3A_1629, %parallel_loop3A_1630] {strides = array<i32>} : memref<32x768xf32, #tpu.memory_space<vmem>>, vector<1x16xf32>,
        %parallel_loop3A_1632 = vector.shape_cast %parallel_loop3A_1631 : vector<1x16xf32> to vector<16xf32>
        %parallel_loop3A_1633 = vector.shape_cast %parallel_loop3A_1612 : vector<16xf32> to vector<1x16xf32>
        tpu.vector_store %arg8[%parallel_loop3A_1629, %parallel_loop3A_1630], %parallel_loop3A_1633 {add = true, strides = array<i32>} : memref<32x768xf32, #tpu.memory_space<vmem>>, vector<1x16xf32>,
        %parallel_loop3A_1634 = arith.constant 24 : i32
        %parallel_loop3A_1635 = arith.addi %parallel_loop3A_1634, %parallel_loop3A_221 : i32
        %parallel_loop3A_1636 = arith.index_cast %parallel_loop3A_1635 : i32 to index
        %parallel_loop3A_1637 = arith.constant 672 : index
        %parallel_loop3A_1638 = tpu.vector_load %arg8[%parallel_loop3A_1636, %parallel_loop3A_1637] {strides = array<i32>} : memref<32x768xf32, #tpu.memory_space<vmem>>, vector<1x16xf32>,
        %parallel_loop3A_1639 = vector.shape_cast %parallel_loop3A_1638 : vector<1x16xf32> to vector<16xf32>
        %parallel_loop3A_1640 = vector.shape_cast %parallel_loop3A_1612 : vector<16xf32> to vector<1x16xf32>
        tpu.vector_store %arg8[%parallel_loop3A_1636, %parallel_loop3A_1637], %parallel_loop3A_1640 {add = true, strides = array<i32>} : memref<32x768xf32, #tpu.memory_space<vmem>>, vector<1x16xf32>,
        %parallel_loop3A_1641 = arith.addi %mul3A_153, %parallel_loop3A_221 : i32
        %parallel_loop3A_1642 = arith.index_cast %parallel_loop3A_1641 : i32 to index
        %parallel_loop3A_1643 = arith.constant 688 : index
        %parallel_loop3A_1644 = tpu.vector_load %arg9[%parallel_loop3A_1642, %parallel_loop3A_1643] {strides = array<i32>} : memref<64x768xf32, #tpu.memory_space<vmem>>, vector<1x16xf32>,
        %parallel_loop3A_1645 = vector.shape_cast %parallel_loop3A_1644 : vector<1x16xf32> to vector<16xf32>
        %parallel_loop3A_1646 = arith.constant 0 : i32
        %parallel_loop3A_1647 = arith.addi %parallel_loop3A_1646, %parallel_loop3A_221 : i32
        %parallel_loop3A_1648 = arith.index_cast %parallel_loop3A_1647 : i32 to index
        %parallel_loop3A_1649 = arith.constant 688 : index
        %parallel_loop3A_1650 = tpu.vector_load %arg8[%parallel_loop3A_1648, %parallel_loop3A_1649] {strides = array<i32>} : memref<32x768xf32, #tpu.memory_space<vmem>>, vector<1x16xf32>,
        %parallel_loop3A_1651 = vector.shape_cast %parallel_loop3A_1650 : vector<1x16xf32> to vector<16xf32>
        %parallel_loop3A_1652 = vector.shape_cast %parallel_loop3A_1645 : vector<16xf32> to vector<1x16xf32>
        tpu.vector_store %arg8[%parallel_loop3A_1648, %parallel_loop3A_1649], %parallel_loop3A_1652 {add = true, strides = array<i32>} : memref<32x768xf32, #tpu.memory_space<vmem>>, vector<1x16xf32>,
        %parallel_loop3A_1653 = arith.constant 8 : i32
        %parallel_loop3A_1654 = arith.addi %parallel_loop3A_1653, %parallel_loop3A_221 : i32
        %parallel_loop3A_1655 = arith.index_cast %parallel_loop3A_1654 : i32 to index
        %parallel_loop3A_1656 = arith.constant 688 : index
        %parallel_loop3A_1657 = tpu.vector_load %arg8[%parallel_loop3A_1655, %parallel_loop3A_1656] {strides = array<i32>} : memref<32x768xf32, #tpu.memory_space<vmem>>, vector<1x16xf32>,
        %parallel_loop3A_1658 = vector.shape_cast %parallel_loop3A_1657 : vector<1x16xf32> to vector<16xf32>
        %parallel_loop3A_1659 = vector.shape_cast %parallel_loop3A_1645 : vector<16xf32> to vector<1x16xf32>
        tpu.vector_store %arg8[%parallel_loop3A_1655, %parallel_loop3A_1656], %parallel_loop3A_1659 {add = true, strides = array<i32>} : memref<32x768xf32, #tpu.memory_space<vmem>>, vector<1x16xf32>,
        %parallel_loop3A_1660 = arith.constant 16 : i32
        %parallel_loop3A_1661 = arith.addi %parallel_loop3A_1660, %parallel_loop3A_221 : i32
        %parallel_loop3A_1662 = arith.index_cast %parallel_loop3A_1661 : i32 to index
        %parallel_loop3A_1663 = arith.constant 688 : index
        %parallel_loop3A_1664 = tpu.vector_load %arg8[%parallel_loop3A_1662, %parallel_loop3A_1663] {strides = array<i32>} : memref<32x768xf32, #tpu.memory_space<vmem>>, vector<1x16xf32>,
        %parallel_loop3A_1665 = vector.shape_cast %parallel_loop3A_1664 : vector<1x16xf32> to vector<16xf32>
        %parallel_loop3A_1666 = vector.shape_cast %parallel_loop3A_1645 : vector<16xf32> to vector<1x16xf32>
        tpu.vector_store %arg8[%parallel_loop3A_1662, %parallel_loop3A_1663], %parallel_loop3A_1666 {add = true, strides = array<i32>} : memref<32x768xf32, #tpu.memory_space<vmem>>, vector<1x16xf32>,
        %parallel_loop3A_1667 = arith.constant 24 : i32
        %parallel_loop3A_1668 = arith.addi %parallel_loop3A_1667, %parallel_loop3A_221 : i32
        %parallel_loop3A_1669 = arith.index_cast %parallel_loop3A_1668 : i32 to index
        %parallel_loop3A_1670 = arith.constant 688 : index
        %parallel_loop3A_1671 = tpu.vector_load %arg8[%parallel_loop3A_1669, %parallel_loop3A_1670] {strides = array<i32>} : memref<32x768xf32, #tpu.memory_space<vmem>>, vector<1x16xf32>,
        %parallel_loop3A_1672 = vector.shape_cast %parallel_loop3A_1671 : vector<1x16xf32> to vector<16xf32>
        %parallel_loop3A_1673 = vector.shape_cast %parallel_loop3A_1645 : vector<16xf32> to vector<1x16xf32>
        tpu.vector_store %arg8[%parallel_loop3A_1669, %parallel_loop3A_1670], %parallel_loop3A_1673 {add = true, strides = array<i32>} : memref<32x768xf32, #tpu.memory_space<vmem>>, vector<1x16xf32>,
        %parallel_loop3A_1674 = arith.addi %mul3A_153, %parallel_loop3A_221 : i32
        %parallel_loop3A_1675 = arith.index_cast %parallel_loop3A_1674 : i32 to index
        %parallel_loop3A_1676 = arith.constant 704 : index
        %parallel_loop3A_1677 = tpu.vector_load %arg9[%parallel_loop3A_1675, %parallel_loop3A_1676] {strides = array<i32>} : memref<64x768xf32, #tpu.memory_space<vmem>>, vector<1x16xf32>,
        %parallel_loop3A_1678 = vector.shape_cast %parallel_loop3A_1677 : vector<1x16xf32> to vector<16xf32>
        %parallel_loop3A_1679 = arith.constant 0 : i32
        %parallel_loop3A_1680 = arith.addi %parallel_loop3A_1679, %parallel_loop3A_221 : i32
        %parallel_loop3A_1681 = arith.index_cast %parallel_loop3A_1680 : i32 to index
        %parallel_loop3A_1682 = arith.constant 704 : index
        %parallel_loop3A_1683 = tpu.vector_load %arg8[%parallel_loop3A_1681, %parallel_loop3A_1682] {strides = array<i32>} : memref<32x768xf32, #tpu.memory_space<vmem>>, vector<1x16xf32>,
        %parallel_loop3A_1684 = vector.shape_cast %parallel_loop3A_1683 : vector<1x16xf32> to vector<16xf32>
        %parallel_loop3A_1685 = vector.shape_cast %parallel_loop3A_1678 : vector<16xf32> to vector<1x16xf32>
        tpu.vector_store %arg8[%parallel_loop3A_1681, %parallel_loop3A_1682], %parallel_loop3A_1685 {add = true, strides = array<i32>} : memref<32x768xf32, #tpu.memory_space<vmem>>, vector<1x16xf32>,
        %parallel_loop3A_1686 = arith.constant 8 : i32
        %parallel_loop3A_1687 = arith.addi %parallel_loop3A_1686, %parallel_loop3A_221 : i32
        %parallel_loop3A_1688 = arith.index_cast %parallel_loop3A_1687 : i32 to index
        %parallel_loop3A_1689 = arith.constant 704 : index
        %parallel_loop3A_1690 = tpu.vector_load %arg8[%parallel_loop3A_1688, %parallel_loop3A_1689] {strides = array<i32>} : memref<32x768xf32, #tpu.memory_space<vmem>>, vector<1x16xf32>,
        %parallel_loop3A_1691 = vector.shape_cast %parallel_loop3A_1690 : vector<1x16xf32> to vector<16xf32>
        %parallel_loop3A_1692 = vector.shape_cast %parallel_loop3A_1678 : vector<16xf32> to vector<1x16xf32>
        tpu.vector_store %arg8[%parallel_loop3A_1688, %parallel_loop3A_1689], %parallel_loop3A_1692 {add = true, strides = array<i32>} : memref<32x768xf32, #tpu.memory_space<vmem>>, vector<1x16xf32>,
        %parallel_loop3A_1693 = arith.constant 16 : i32
        %parallel_loop3A_1694 = arith.addi %parallel_loop3A_1693, %parallel_loop3A_221 : i32
        %parallel_loop3A_1695 = arith.index_cast %parallel_loop3A_1694 : i32 to index
        %parallel_loop3A_1696 = arith.constant 704 : index
        %parallel_loop3A_1697 = tpu.vector_load %arg8[%parallel_loop3A_1695, %parallel_loop3A_1696] {strides = array<i32>} : memref<32x768xf32, #tpu.memory_space<vmem>>, vector<1x16xf32>,
        %parallel_loop3A_1698 = vector.shape_cast %parallel_loop3A_1697 : vector<1x16xf32> to vector<16xf32>
        %parallel_loop3A_1699 = vector.shape_cast %parallel_loop3A_1678 : vector<16xf32> to vector<1x16xf32>
        tpu.vector_store %arg8[%parallel_loop3A_1695, %parallel_loop3A_1696], %parallel_loop3A_1699 {add = true, strides = array<i32>} : memref<32x768xf32, #tpu.memory_space<vmem>>, vector<1x16xf32>,
        %parallel_loop3A_1700 = arith.constant 24 : i32
        %parallel_loop3A_1701 = arith.addi %parallel_loop3A_1700, %parallel_loop3A_221 : i32
        %parallel_loop3A_1702 = arith.index_cast %parallel_loop3A_1701 : i32 to index
        %parallel_loop3A_1703 = arith.constant 704 : index
        %parallel_loop3A_1704 = tpu.vector_load %arg8[%parallel_loop3A_1702, %parallel_loop3A_1703] {strides = array<i32>} : memref<32x768xf32, #tpu.memory_space<vmem>>, vector<1x16xf32>,
        %parallel_loop3A_1705 = vector.shape_cast %parallel_loop3A_1704 : vector<1x16xf32> to vector<16xf32>
        %parallel_loop3A_1706 = vector.shape_cast %parallel_loop3A_1678 : vector<16xf32> to vector<1x16xf32>
        tpu.vector_store %arg8[%parallel_loop3A_1702, %parallel_loop3A_1703], %parallel_loop3A_1706 {add = true, strides = array<i32>} : memref<32x768xf32, #tpu.memory_space<vmem>>, vector<1x16xf32>,
        %parallel_loop3A_1707 = arith.addi %mul3A_153, %parallel_loop3A_221 : i32
        %parallel_loop3A_1708 = arith.index_cast %parallel_loop3A_1707 : i32 to index
        %parallel_loop3A_1709 = arith.constant 720 : index
        %parallel_loop3A_1710 = tpu.vector_load %arg9[%parallel_loop3A_1708, %parallel_loop3A_1709] {strides = array<i32>} : memref<64x768xf32, #tpu.memory_space<vmem>>, vector<1x16xf32>,
        %parallel_loop3A_1711 = vector.shape_cast %parallel_loop3A_1710 : vector<1x16xf32> to vector<16xf32>
        %parallel_loop3A_1712 = arith.constant 0 : i32
        %parallel_loop3A_1713 = arith.addi %parallel_loop3A_1712, %parallel_loop3A_221 : i32
        %parallel_loop3A_1714 = arith.index_cast %parallel_loop3A_1713 : i32 to index
        %parallel_loop3A_1715 = arith.constant 720 : index
        %parallel_loop3A_1716 = tpu.vector_load %arg8[%parallel_loop3A_1714, %parallel_loop3A_1715] {strides = array<i32>} : memref<32x768xf32, #tpu.memory_space<vmem>>, vector<1x16xf32>,
        %parallel_loop3A_1717 = vector.shape_cast %parallel_loop3A_1716 : vector<1x16xf32> to vector<16xf32>
        %parallel_loop3A_1718 = vector.shape_cast %parallel_loop3A_1711 : vector<16xf32> to vector<1x16xf32>
        tpu.vector_store %arg8[%parallel_loop3A_1714, %parallel_loop3A_1715], %parallel_loop3A_1718 {add = true, strides = array<i32>} : memref<32x768xf32, #tpu.memory_space<vmem>>, vector<1x16xf32>,
        %parallel_loop3A_1719 = arith.constant 8 : i32
        %parallel_loop3A_1720 = arith.addi %parallel_loop3A_1719, %parallel_loop3A_221 : i32
        %parallel_loop3A_1721 = arith.index_cast %parallel_loop3A_1720 : i32 to index
        %parallel_loop3A_1722 = arith.constant 720 : index
        %parallel_loop3A_1723 = tpu.vector_load %arg8[%parallel_loop3A_1721, %parallel_loop3A_1722] {strides = array<i32>} : memref<32x768xf32, #tpu.memory_space<vmem>>, vector<1x16xf32>,
        %parallel_loop3A_1724 = vector.shape_cast %parallel_loop3A_1723 : vector<1x16xf32> to vector<16xf32>
        %parallel_loop3A_1725 = vector.shape_cast %parallel_loop3A_1711 : vector<16xf32> to vector<1x16xf32>
        tpu.vector_store %arg8[%parallel_loop3A_1721, %parallel_loop3A_1722], %parallel_loop3A_1725 {add = true, strides = array<i32>} : memref<32x768xf32, #tpu.memory_space<vmem>>, vector<1x16xf32>,
        %parallel_loop3A_1726 = arith.constant 16 : i32
        %parallel_loop3A_1727 = arith.addi %parallel_loop3A_1726, %parallel_loop3A_221 : i32
        %parallel_loop3A_1728 = arith.index_cast %parallel_loop3A_1727 : i32 to index
        %parallel_loop3A_1729 = arith.constant 720 : index
        %parallel_loop3A_1730 = tpu.vector_load %arg8[%parallel_loop3A_1728, %parallel_loop3A_1729] {strides = array<i32>} : memref<32x768xf32, #tpu.memory_space<vmem>>, vector<1x16xf32>,
        %parallel_loop3A_1731 = vector.shape_cast %parallel_loop3A_1730 : vector<1x16xf32> to vector<16xf32>
        %parallel_loop3A_1732 = vector.shape_cast %parallel_loop3A_1711 : vector<16xf32> to vector<1x16xf32>
        tpu.vector_store %arg8[%parallel_loop3A_1728, %parallel_loop3A_1729], %parallel_loop3A_1732 {add = true, strides = array<i32>} : memref<32x768xf32, #tpu.memory_space<vmem>>, vector<1x16xf32>,
        %parallel_loop3A_1733 = arith.constant 24 : i32
        %parallel_loop3A_1734 = arith.addi %parallel_loop3A_1733, %parallel_loop3A_221 : i32
        %parallel_loop3A_1735 = arith.index_cast %parallel_loop3A_1734 : i32 to index
        %parallel_loop3A_1736 = arith.constant 720 : index
        %parallel_loop3A_1737 = tpu.vector_load %arg8[%parallel_loop3A_1735, %parallel_loop3A_1736] {strides = array<i32>} : memref<32x768xf32, #tpu.memory_space<vmem>>, vector<1x16xf32>,
        %parallel_loop3A_1738 = vector.shape_cast %parallel_loop3A_1737 : vector<1x16xf32> to vector<16xf32>
        %parallel_loop3A_1739 = vector.shape_cast %parallel_loop3A_1711 : vector<16xf32> to vector<1x16xf32>
        tpu.vector_store %arg8[%parallel_loop3A_1735, %parallel_loop3A_1736], %parallel_loop3A_1739 {add = true, strides = array<i32>} : memref<32x768xf32, #tpu.memory_space<vmem>>, vector<1x16xf32>,
        %parallel_loop3A_1740 = arith.addi %mul3A_153, %parallel_loop3A_221 : i32
        %parallel_loop3A_1741 = arith.index_cast %parallel_loop3A_1740 : i32 to index
        %parallel_loop3A_1742 = arith.constant 736 : index
        %parallel_loop3A_1743 = tpu.vector_load %arg9[%parallel_loop3A_1741, %parallel_loop3A_1742] {strides = array<i32>} : memref<64x768xf32, #tpu.memory_space<vmem>>, vector<1x16xf32>,
        %parallel_loop3A_1744 = vector.shape_cast %parallel_loop3A_1743 : vector<1x16xf32> to vector<16xf32>
        %parallel_loop3A_1745 = arith.constant 0 : i32
        %parallel_loop3A_1746 = arith.addi %parallel_loop3A_1745, %parallel_loop3A_221 : i32
        %parallel_loop3A_1747 = arith.index_cast %parallel_loop3A_1746 : i32 to index
        %parallel_loop3A_1748 = arith.constant 736 : index
        %parallel_loop3A_1749 = tpu.vector_load %arg8[%parallel_loop3A_1747, %parallel_loop3A_1748] {strides = array<i32>} : memref<32x768xf32, #tpu.memory_space<vmem>>, vector<1x16xf32>,
        %parallel_loop3A_1750 = vector.shape_cast %parallel_loop3A_1749 : vector<1x16xf32> to vector<16xf32>
        %parallel_loop3A_1751 = vector.shape_cast %parallel_loop3A_1744 : vector<16xf32> to vector<1x16xf32>
        tpu.vector_store %arg8[%parallel_loop3A_1747, %parallel_loop3A_1748], %parallel_loop3A_1751 {add = true, strides = array<i32>} : memref<32x768xf32, #tpu.memory_space<vmem>>, vector<1x16xf32>,
        %parallel_loop3A_1752 = arith.constant 8 : i32
        %parallel_loop3A_1753 = arith.addi %parallel_loop3A_1752, %parallel_loop3A_221 : i32
        %parallel_loop3A_1754 = arith.index_cast %parallel_loop3A_1753 : i32 to index
        %parallel_loop3A_1755 = arith.constant 736 : index
        %parallel_loop3A_1756 = tpu.vector_load %arg8[%parallel_loop3A_1754, %parallel_loop3A_1755] {strides = array<i32>} : memref<32x768xf32, #tpu.memory_space<vmem>>, vector<1x16xf32>,
        %parallel_loop3A_1757 = vector.shape_cast %parallel_loop3A_1756 : vector<1x16xf32> to vector<16xf32>
        %parallel_loop3A_1758 = vector.shape_cast %parallel_loop3A_1744 : vector<16xf32> to vector<1x16xf32>
        tpu.vector_store %arg8[%parallel_loop3A_1754, %parallel_loop3A_1755], %parallel_loop3A_1758 {add = true, strides = array<i32>} : memref<32x768xf32, #tpu.memory_space<vmem>>, vector<1x16xf32>,
        %parallel_loop3A_1759 = arith.constant 16 : i32
        %parallel_loop3A_1760 = arith.addi %parallel_loop3A_1759, %parallel_loop3A_221 : i32
        %parallel_loop3A_1761 = arith.index_cast %parallel_loop3A_1760 : i32 to index
        %parallel_loop3A_1762 = arith.constant 736 : index
        %parallel_loop3A_1763 = tpu.vector_load %arg8[%parallel_loop3A_1761, %parallel_loop3A_1762] {strides = array<i32>} : memref<32x768xf32, #tpu.memory_space<vmem>>, vector<1x16xf32>,
        %parallel_loop3A_1764 = vector.shape_cast %parallel_loop3A_1763 : vector<1x16xf32> to vector<16xf32>
        %parallel_loop3A_1765 = vector.shape_cast %parallel_loop3A_1744 : vector<16xf32> to vector<1x16xf32>
        tpu.vector_store %arg8[%parallel_loop3A_1761, %parallel_loop3A_1762], %parallel_loop3A_1765 {add = true, strides = array<i32>} : memref<32x768xf32, #tpu.memory_space<vmem>>, vector<1x16xf32>,
        %parallel_loop3A_1766 = arith.constant 24 : i32
        %parallel_loop3A_1767 = arith.addi %parallel_loop3A_1766, %parallel_loop3A_221 : i32
        %parallel_loop3A_1768 = arith.index_cast %parallel_loop3A_1767 : i32 to index
        %parallel_loop3A_1769 = arith.constant 736 : index
        %parallel_loop3A_1770 = tpu.vector_load %arg8[%parallel_loop3A_1768, %parallel_loop3A_1769] {strides = array<i32>} : memref<32x768xf32, #tpu.memory_space<vmem>>, vector<1x16xf32>,
        %parallel_loop3A_1771 = vector.shape_cast %parallel_loop3A_1770 : vector<1x16xf32> to vector<16xf32>
        %parallel_loop3A_1772 = vector.shape_cast %parallel_loop3A_1744 : vector<16xf32> to vector<1x16xf32>
        tpu.vector_store %arg8[%parallel_loop3A_1768, %parallel_loop3A_1769], %parallel_loop3A_1772 {add = true, strides = array<i32>} : memref<32x768xf32, #tpu.memory_space<vmem>>, vector<1x16xf32>,
        %parallel_loop3A_1773 = arith.addi %mul3A_153, %parallel_loop3A_221 : i32
        %parallel_loop3A_1774 = arith.index_cast %parallel_loop3A_1773 : i32 to index
        %parallel_loop3A_1775 = arith.constant 752 : index
        %parallel_loop3A_1776 = tpu.vector_load %arg9[%parallel_loop3A_1774, %parallel_loop3A_1775] {strides = array<i32>} : memref<64x768xf32, #tpu.memory_space<vmem>>, vector<1x16xf32>,
        %parallel_loop3A_1777 = vector.shape_cast %parallel_loop3A_1776 : vector<1x16xf32> to vector<16xf32>
        %parallel_loop3A_1778 = arith.constant 0 : i32
        %parallel_loop3A_1779 = arith.addi %parallel_loop3A_1778, %parallel_loop3A_221 : i32
        %parallel_loop3A_1780 = arith.index_cast %parallel_loop3A_1779 : i32 to index
        %parallel_loop3A_1781 = arith.constant 752 : index
        %parallel_loop3A_1782 = tpu.vector_load %arg8[%parallel_loop3A_1780, %parallel_loop3A_1781] {strides = array<i32>} : memref<32x768xf32, #tpu.memory_space<vmem>>, vector<1x16xf32>,
        %parallel_loop3A_1783 = vector.shape_cast %parallel_loop3A_1782 : vector<1x16xf32> to vector<16xf32>
        %parallel_loop3A_1784 = vector.shape_cast %parallel_loop3A_1777 : vector<16xf32> to vector<1x16xf32>
        tpu.vector_store %arg8[%parallel_loop3A_1780, %parallel_loop3A_1781], %parallel_loop3A_1784 {add = true, strides = array<i32>} : memref<32x768xf32, #tpu.memory_space<vmem>>, vector<1x16xf32>,
        %parallel_loop3A_1785 = arith.constant 8 : i32
        %parallel_loop3A_1786 = arith.addi %parallel_loop3A_1785, %parallel_loop3A_221 : i32
        %parallel_loop3A_1787 = arith.index_cast %parallel_loop3A_1786 : i32 to index
        %parallel_loop3A_1788 = arith.constant 752 : index
        %parallel_loop3A_1789 = tpu.vector_load %arg8[%parallel_loop3A_1787, %parallel_loop3A_1788] {strides = array<i32>} : memref<32x768xf32, #tpu.memory_space<vmem>>, vector<1x16xf32>,
        %parallel_loop3A_1790 = vector.shape_cast %parallel_loop3A_1789 : vector<1x16xf32> to vector<16xf32>
        %parallel_loop3A_1791 = vector.shape_cast %parallel_loop3A_1777 : vector<16xf32> to vector<1x16xf32>
        tpu.vector_store %arg8[%parallel_loop3A_1787, %parallel_loop3A_1788], %parallel_loop3A_1791 {add = true, strides = array<i32>} : memref<32x768xf32, #tpu.memory_space<vmem>>, vector<1x16xf32>,
        %parallel_loop3A_1792 = arith.constant 16 : i32
        %parallel_loop3A_1793 = arith.addi %parallel_loop3A_1792, %parallel_loop3A_221 : i32
        %parallel_loop3A_1794 = arith.index_cast %parallel_loop3A_1793 : i32 to index
        %parallel_loop3A_1795 = arith.constant 752 : index
        %parallel_loop3A_1796 = tpu.vector_load %arg8[%parallel_loop3A_1794, %parallel_loop3A_1795] {strides = array<i32>} : memref<32x768xf32, #tpu.memory_space<vmem>>, vector<1x16xf32>,
        %parallel_loop3A_1797 = vector.shape_cast %parallel_loop3A_1796 : vector<1x16xf32> to vector<16xf32>
        %parallel_loop3A_1798 = vector.shape_cast %parallel_loop3A_1777 : vector<16xf32> to vector<1x16xf32>
        tpu.vector_store %arg8[%parallel_loop3A_1794, %parallel_loop3A_1795], %parallel_loop3A_1798 {add = true, strides = array<i32>} : memref<32x768xf32, #tpu.memory_space<vmem>>, vector<1x16xf32>,
        %parallel_loop3A_1799 = arith.constant 24 : i32
        %parallel_loop3A_1800 = arith.addi %parallel_loop3A_1799, %parallel_loop3A_221 : i32
        %parallel_loop3A_1801 = arith.index_cast %parallel_loop3A_1800 : i32 to index
        %parallel_loop3A_1802 = arith.constant 752 : index
        %parallel_loop3A_1803 = tpu.vector_load %arg8[%parallel_loop3A_1801, %parallel_loop3A_1802] {strides = array<i32>} : memref<32x768xf32, #tpu.memory_space<vmem>>, vector<1x16xf32>,
        %parallel_loop3A_1804 = vector.shape_cast %parallel_loop3A_1803 : vector<1x16xf32> to vector<16xf32>
        %parallel_loop3A_1805 = vector.shape_cast %parallel_loop3A_1777 : vector<16xf32> to vector<1x16xf32>
        tpu.vector_store %arg8[%parallel_loop3A_1801, %parallel_loop3A_1802], %parallel_loop3A_1805 {add = true, strides = array<i32>} : memref<32x768xf32, #tpu.memory_space<vmem>>, vector<1x16xf32>,
      } {sc.loop_unroll_factor = 2 : i64, sc.parallel_access}
      %mul3A_157 = arith.constant 8 : i32
      %mul3A_158 = arith.muli %add3A_151, %mul3A_157 : i32
      %add3A_159 = arith.addi %mul3A_2, %mul3A_158 : i32
      %dma_start3A_160 = arith.constant 0 : i32
      %dma_start3A_161 = arith.constant 0 : i32
      %dma_start3A_162 = arith.constant 0 : i32
      %dma_start3A_163 = tpu.memref_slice %arg8[%dma_start3A_161, %dma_start3A_162] : memref<32x768xf32, #tpu.memory_space<vmem>> -> memref<8x768xf32, #tpu.memory_space<vmem>>
      %dma_start3A_164 = arith.constant 0 : i32
      %dma_start3A_165 = tpu.memref_slice %arg5[%dma_start3A_160, %add3A_159, %dma_start3A_164] : memref<4x2048x768xf32, #tpu.memory_space<hbm>> -> memref<1x8x768xf32, #tpu.memory_space<hbm>>
      %dma_start3A_166 = tpu.memref_squeeze %dma_start3A_165 : memref<1x8x768xf32, #tpu.memory_space<hbm>> -> memref<8x768xf32, #tpu.memory_space<hbm>>
      %dma_start3A_167 = arith.constant 0 : i32
      %dma_start3A_168 = tpu.memref_slice %arg5[%dma_start3A_160, %add3A_159, %dma_start3A_167] : memref<4x2048x768xf32, #tpu.memory_space<hbm>> -> memref<1x8x768xf32, #tpu.memory_space<hbm>>
      %dma_start3A_169 = tpu.memref_squeeze %dma_start3A_168 : memref<1x8x768xf32, #tpu.memory_space<hbm>> -> memref<8x768xf32, #tpu.memory_space<hbm>>
      %dma_start3A_170 = arith.constant 0 : i32
      %dma_start3A_171 = arith.constant 0 : i32
      %dma_start3A_172 = tpu.memref_slice %arg8[%dma_start3A_170, %dma_start3A_171] : memref<32x768xf32, #tpu.memory_space<vmem>> -> memref<8x768xf32, #tpu.memory_space<vmem>>
      tpu.enqueue_dma source(%dma_start3A_172 : memref<8x768xf32, #tpu.memory_space<vmem>>) target(%dma_start3A_169 : memref<8x768xf32, #tpu.memory_space<hbm>>) target_semaphore(%arg13 : memref<!tpu.dma_semaphore, #tpu.memory_space<semaphore_mem>>)
      %mul3A_173 = arith.constant 8 : i32
      %mul3A_174 = arith.muli %add3A_151, %mul3A_173 : i32
      %add3A_175 = arith.addi %mul3A_2, %mul3A_174 : i32
      %dma_start3A_176 = arith.constant 1 : i32
      %dma_start3A_177 = arith.constant 8 : i32
      %dma_start3A_178 = arith.constant 0 : i32
      %dma_start3A_179 = tpu.memref_slice %arg8[%dma_start3A_177, %dma_start3A_178] : memref<32x768xf32, #tpu.memory_space<vmem>> -> memref<8x768xf32, #tpu.memory_space<vmem>>
      %dma_start3A_180 = arith.constant 0 : i32
      %dma_start3A_181 = tpu.memref_slice %arg5[%dma_start3A_176, %add3A_175, %dma_start3A_180] : memref<4x2048x768xf32, #tpu.memory_space<hbm>> -> memref<1x8x768xf32, #tpu.memory_space<hbm>>
      %dma_start3A_182 = tpu.memref_squeeze %dma_start3A_181 : memref<1x8x768xf32, #tpu.memory_space<hbm>> -> memref<8x768xf32, #tpu.memory_space<hbm>>
      %dma_start3A_183 = arith.constant 0 : i32
      %dma_start3A_184 = tpu.memref_slice %arg5[%dma_start3A_176, %add3A_175, %dma_start3A_183] : memref<4x2048x768xf32, #tpu.memory_space<hbm>> -> memref<1x8x768xf32, #tpu.memory_space<hbm>>
      %dma_start3A_185 = tpu.memref_squeeze %dma_start3A_184 : memref<1x8x768xf32, #tpu.memory_space<hbm>> -> memref<8x768xf32, #tpu.memory_space<hbm>>
      %dma_start3A_186 = arith.constant 8 : i32
      %dma_start3A_187 = arith.constant 0 : i32
      %dma_start3A_188 = tpu.memref_slice %arg8[%dma_start3A_186, %dma_start3A_187] : memref<32x768xf32, #tpu.memory_space<vmem>> -> memref<8x768xf32, #tpu.memory_space<vmem>>
      tpu.enqueue_dma source(%dma_start3A_188 : memref<8x768xf32, #tpu.memory_space<vmem>>) target(%dma_start3A_185 : memref<8x768xf32, #tpu.memory_space<hbm>>) target_semaphore(%arg13 : memref<!tpu.dma_semaphore, #tpu.memory_space<semaphore_mem>>)
      %mul3A_189 = arith.constant 8 : i32
      %mul3A_190 = arith.muli %add3A_151, %mul3A_189 : i32
      %add3A_191 = arith.addi %mul3A_2, %mul3A_190 : i32
      %dma_start3A_192 = arith.constant 2 : i32
      %dma_start3A_193 = arith.constant 16 : i32
      %dma_start3A_194 = arith.constant 0 : i32
      %dma_start3A_195 = tpu.memref_slice %arg8[%dma_start3A_193, %dma_start3A_194] : memref<32x768xf32, #tpu.memory_space<vmem>> -> memref<8x768xf32, #tpu.memory_space<vmem>>
      %dma_start3A_196 = arith.constant 0 : i32
      %dma_start3A_197 = tpu.memref_slice %arg5[%dma_start3A_192, %add3A_191, %dma_start3A_196] : memref<4x2048x768xf32, #tpu.memory_space<hbm>> -> memref<1x8x768xf32, #tpu.memory_space<hbm>>
      %dma_start3A_198 = tpu.memref_squeeze %dma_start3A_197 : memref<1x8x768xf32, #tpu.memory_space<hbm>> -> memref<8x768xf32, #tpu.memory_space<hbm>>
      %dma_start3A_199 = arith.constant 0 : i32
      %dma_start3A_200 = tpu.memref_slice %arg5[%dma_start3A_192, %add3A_191, %dma_start3A_199] : memref<4x2048x768xf32, #tpu.memory_space<hbm>> -> memref<1x8x768xf32, #tpu.memory_space<hbm>>
      %dma_start3A_201 = tpu.memref_squeeze %dma_start3A_200 : memref<1x8x768xf32, #tpu.memory_space<hbm>> -> memref<8x768xf32, #tpu.memory_space<hbm>>
      %dma_start3A_202 = arith.constant 16 : i32
      %dma_start3A_203 = arith.constant 0 : i32
      %dma_start3A_204 = tpu.memref_slice %arg8[%dma_start3A_202, %dma_start3A_203] : memref<32x768xf32, #tpu.memory_space<vmem>> -> memref<8x768xf32, #tpu.memory_space<vmem>>
      tpu.enqueue_dma source(%dma_start3A_204 : memref<8x768xf32, #tpu.memory_space<vmem>>) target(%dma_start3A_201 : memref<8x768xf32, #tpu.memory_space<hbm>>) target_semaphore(%arg13 : memref<!tpu.dma_semaphore, #tpu.memory_space<semaphore_mem>>)
      %mul3A_205 = arith.constant 8 : i32
      %mul3A_206 = arith.muli %add3A_151, %mul3A_205 : i32
      %add3A_207 = arith.addi %mul3A_2, %mul3A_206 : i32
      %dma_start3A_208 = arith.constant 3 : i32
      %dma_start3A_209 = arith.constant 24 : i32
      %dma_start3A_210 = arith.constant 0 : i32
      %dma_start3A_211 = tpu.memref_slice %arg8[%dma_start3A_209, %dma_start3A_210] : memref<32x768xf32, #tpu.memory_space<vmem>> -> memref<8x768xf32, #tpu.memory_space<vmem>>
      %dma_start3A_212 = arith.constant 0 : i32
      %dma_start3A_213 = tpu.memref_slice %arg5[%dma_start3A_208, %add3A_207, %dma_start3A_212] : memref<4x2048x768xf32, #tpu.memory_space<hbm>> -> memref<1x8x768xf32, #tpu.memory_space<hbm>>
      %dma_start3A_214 = tpu.memref_squeeze %dma_start3A_213 : memref<1x8x768xf32, #tpu.memory_space<hbm>> -> memref<8x768xf32, #tpu.memory_space<hbm>>
      %dma_start3A_215 = arith.constant 0 : i32
      %dma_start3A_216 = tpu.memref_slice %arg5[%dma_start3A_208, %add3A_207, %dma_start3A_215] : memref<4x2048x768xf32, #tpu.memory_space<hbm>> -> memref<1x8x768xf32, #tpu.memory_space<hbm>>
      %dma_start3A_217 = tpu.memref_squeeze %dma_start3A_216 : memref<1x8x768xf32, #tpu.memory_space<hbm>> -> memref<8x768xf32, #tpu.memory_space<hbm>>
      %dma_start3A_218 = arith.constant 24 : i32
      %dma_start3A_219 = arith.constant 0 : i32
      %dma_start3A_220 = tpu.memref_slice %arg8[%dma_start3A_218, %dma_start3A_219] : memref<32x768xf32, #tpu.memory_space<vmem>> -> memref<8x768xf32, #tpu.memory_space<vmem>>
      tpu.enqueue_dma source(%dma_start3A_220 : memref<8x768xf32, #tpu.memory_space<vmem>>) target(%dma_start3A_217 : memref<8x768xf32, #tpu.memory_space<hbm>>) target_semaphore(%arg13 : memref<!tpu.dma_semaphore, #tpu.memory_space<semaphore_mem>>)
    }
    %scan3A_36 = arith.constant 4 : i32
    %dma_wait3A_37 = arith.constant 0 : i32
    %dma_wait3A_38 = arith.constant 0 : i32
    %dma_wait3A_39 = tpu.memref_slice %arg5[%dma_wait3A_37, %mul3A_2, %dma_wait3A_38] : memref<4x2048x768xf32, #tpu.memory_space<hbm>> -> memref<1x32x768xf32, #tpu.memory_space<hbm>>
    %dma_wait3A_40 = tpu.memref_squeeze %dma_wait3A_39 : memref<1x32x768xf32, #tpu.memory_space<hbm>> -> memref<32x768xf32, #tpu.memory_space<hbm>>
    %dma_wait3A_41 = arith.constant 0 : i32
    %dma_wait3A_42 = tpu.memref_slice %arg5[%dma_wait3A_37, %mul3A_2, %dma_wait3A_41] : memref<4x2048x768xf32, #tpu.memory_space<hbm>> -> memref<1x32x768xf32, #tpu.memory_space<hbm>>
    %dma_wait3A_43 = tpu.memref_squeeze %dma_wait3A_42 : memref<1x32x768xf32, #tpu.memory_space<hbm>> -> memref<32x768xf32, #tpu.memory_space<hbm>>
    tpu.wait_dma2 semaphore(%arg12 : memref<!tpu.dma_semaphore, #tpu.memory_space<semaphore_mem>>) src(%arg7 : memref<32x768xf32, #tpu.memory_space<vmem>>) dst(%dma_wait3A_43 : memref<32x768xf32, #tpu.memory_space<hbm>>)
    %dma_wait3A_44 = arith.constant 0 : i32
    %dma_wait3A_45 = arith.constant 0 : i32
    %dma_wait3A_46 = tpu.memref_slice %arg5[%dma_wait3A_44, %mul3A_2, %dma_wait3A_45] : memref<4x2048x768xf32, #tpu.memory_space<hbm>> -> memref<1x32x768xf32, #tpu.memory_space<hbm>>
    %dma_wait3A_47 = tpu.memref_squeeze %dma_wait3A_46 : memref<1x32x768xf32, #tpu.memory_space<hbm>> -> memref<32x768xf32, #tpu.memory_space<hbm>>
    %dma_wait3A_48 = arith.constant 0 : i32
    %dma_wait3A_49 = tpu.memref_slice %arg5[%dma_wait3A_44, %mul3A_2, %dma_wait3A_48] : memref<4x2048x768xf32, #tpu.memory_space<hbm>> -> memref<1x32x768xf32, #tpu.memory_space<hbm>>
    %dma_wait3A_50 = tpu.memref_squeeze %dma_wait3A_49 : memref<1x32x768xf32, #tpu.memory_space<hbm>> -> memref<32x768xf32, #tpu.memory_space<hbm>>
    tpu.wait_dma2 semaphore(%arg13 : memref<!tpu.dma_semaphore, #tpu.memory_space<semaphore_mem>>) src(%arg8 : memref<32x768xf32, #tpu.memory_space<vmem>>) dst(%dma_wait3A_50 : memref<32x768xf32, #tpu.memory_space<hbm>>)
    return
  }
}

</mosaic_0001>

<sc_bundles>
// kernel: kernel.3.cloned.1.call-start
scs
__scs_entry_jumppad:
0x0: {  	(pc) =	sbr.rel $0x88, $3  }
0x1: {  	(tag) =	ssettag $0x0;
	lr =	simm.s32 $0x1  }
0x2: {  	[smem:$0x3F9E] =	sst lr;
	_ =	strace $0xD0000000  }
0x3: {  	_ = 	snop  }
0x4: {  	_ = 	snop  }
0x5: {  	_ = 	snop  }
0x6: {  	_ = 	snop  }
0x7: {  	_ = 	snop  }
__scs_overlays_trampoline_lowered:
0x8: {  	[smem:$0x3FAD] =	sst s0  }
0x9: {  	[smem:$0x3FAE] =	sst s1  }
0xa: {  	[smem:$0x3FAF] =	sst s2  }
0xb: {  	[smem:$0x3FB0] =	sst s3  }
0xc: {  	[smem:$0x3FB1] =	sst s4  }
0xd: {  	[smem:$0x3FB2] =	sst s5  }
0xe: {  	[smem:$0x3FB3] =	sst s6  }
0xf: {  	[smem:$0x3FB4] =	sst s7  }
0x10: {  	[smem:$0x3FB5] =	sst s8  }
0x11: {  	[smem:$0x3FB6] =	sst s9;
	s0 =	simm.s32 @!p0 $0x0  }
0x12: {  	s1 =	sld [smem:$0x3F9C];
	s0 =	simm.s32 @p0 $0x1  }
0x13: {  	[smem:$0x3FB7] =	sst s0;
	s0 =	simm.s32 @!p1 $0x0  }
0x14: {  	s2 =	sld [smem:$0x3F9B];
	s0 =	simm.s32 @p1 $0x1  }
0x15: {  	[smem:$0x3FB8] =	sst s0;
	s0 =	simm.s32 @!p2 $0x0  }
0x16: {  	s3 =	sld [smem:$0x3FDB];
	s0 =	simm.s32 @p2 $0x1  }
0x17: {  	s4 =	simm.s32 $0x1BF5;
	[smem:$0x3FBA] =	sst s0  }
0x18: {  	s0 =	sld [smem:$0x3F9D];
	_ =	swait.ge [sflag:s4], $0x0  }
0x19: {  	s7 =	sld [smem:$0x3F9E]  }
0x1a: {  	s8 =	sadd.s32 $0xFFFFE003, lr  }
0x1b: {  	s9 =	sadd.s32 $0xFFFFFEF7, lr;
	s5 =	simm.s32 $0xFFFFFFFF;
	p2 =	slt.u32 s8, $0xFFFFF086  }
0x1c: {  	p1 =	slt.u32 s9, $0xF7A;
	s5 =	simm.s32 @!p2 $0x0  }
0x1d: {  	s5 =	simm.s32 @p1 $0x1;
	p0 =	seq.s32 s7, s2  }
0x1e: {  	s7 =	smul.u32 @!p0 $0xF7A, s2;
	p2 =	seq.s32 @!p0 s5, $0x0  }
0x1f: {  	s9 =	smul.u32 $0xF7A, s1;
	s8 =	simm.s32 @!p0 $0x1BF5;
	p2 =	por !p2, p0  }
0x20: {  	[sflag:s8] =	ssyncset.s32 @!p0 $0xFFFFF086;
	s6 =	sadd.s32 @!p0 s3, s7;
	s7 =	simm.s32 @!p0 $0x108  }
0x21: {  	s3 =	sadd.s32 s3, s9;
	s6 =	sadd.s32 @!p0 $0x88, s6;
	s7 =	simm.s32 @p2 $0x1082  }
0x22: {  	[simem:s7], [sflag:s8] =	dma.local @!p0 [hbm:s6], $0xF7A  }
0x23: {  	s9 =	sor.u32 $0xD0000000, s2;
	s6 =	simm.s32 $0x108;
	_ =	swait.ge @!p0 [sflag:s8], $0x0  }
0x24: {  	s3 =	sadd.s32 $0x88, s3;
	s6 =	simm.s32 @!p1 $0x1082;
	[sflag:s4] =	ssyncset.s32 $0xFFFFF086  }
0x25: {  	[simem:s6], [sflag:s4] =	dma.local [hbm:s3], $0xF7A  }
0x26: {  	[smem:$0x3F9E] =	sst s1;
	(tag) =	ssettag s2;
	_ =	strace s9  }
0x27: {  	s1 =	sld [smem:$0x3FAE]  }
0x28: {  	s2 =	sld [smem:$0x3FAF]  }
0x29: {  	s4 =	sld [smem:$0x3FB1]  }
0x2a: {  	p0 =	seq.s32 s5, $0x0;
	s5 =	sld [smem:$0x3FB2]  }
0x2b: {  	s6 =	sld [smem:$0x3FB3]  }
0x2c: {  	s7 =	sld [smem:$0x3FB4]  }
0x2d: {  	s3 =	simm.s32 $0x108;
	s8 =	sld [smem:$0x3FB5]  }
0x2e: {  	s3 =	simm.s32 @!p0 $0x1082;
	s9 =	sld [smem:$0x3FB6]  }
0x2f: {  	lr =	sadd.s32 s0, s3;
	s0 =	sld [smem:$0x3FAD]  }
0x30: {  	s3 =	sld [smem:$0x3FB0]  }
0x31: {  	[smem:$0x3FB9] =	sst s10  }
0x32: {  	s10 =	sld [smem:$0x3FB7];
	_ =	sdelay $0x3  }
0x33: {  	p0 =	seq.s32 s10, $0x1;
	s10 =	sld [smem:$0x3FB9];
	_ =	sdelay $0x3  }
0x34: {  	[smem:$0x3FB9] =	sst s10  }
0x35: {  	s10 =	sld [smem:$0x3FB8];
	_ =	sdelay $0x3  }
0x36: {  	p1 =	seq.s32 s10, $0x1;
	s10 =	sld [smem:$0x3FB9];
	_ =	sdelay $0x3  }
0x37: {  	[smem:$0x3FB9] =	sst s10  }
0x38: {  	s10 =	sld [smem:$0x3FBA]  }
0x39: {  	_ = 	snop;
	(pc) =	sbr.ind lr, $3  }
0x3a: {  	_ = 	snop  }
0x3b: {  	_ = 	snop  }
0x3c: {  	p2 =	seq.s32 s10, $0x1;
	s10 =	sld [smem:$0x3FB9]  }
0x3d: {  	_ =	shalt  }
0x3e: {  	_ =	shalt  }
0x3f: {  	_ =	shalt  }
0x40: {  	_ =	shalt  }
0x41: {  	_ =	shalt  }
0x42: {  	_ =	shalt  }
0x43: {  	_ =	shalt  }
0x44: {  	_ =	shalt  }
0x45: {  	_ =	shalt  }
0x46: {  	_ =	shalt  }
0x47: {  	_ =	shalt  }
0x48: {  	_ =	shalt  }
0x49: {  	_ =	shalt  }
0x4a: {  	_ =	shalt  }
0x4b: {  	_ =	shalt  }
0x4c: {  	_ =	shalt  }
0x4d: {  	_ =	shalt  }
0x4e: {  	_ =	shalt  }
0x4f: {  	_ =	shalt  }
0x50: {  	_ =	shalt  }
0x51: {  	_ =	shalt  }
0x52: {  	_ =	shalt  }
0x53: {  	_ =	shalt  }
0x54: {  	_ =	shalt  }
0x55: {  	_ =	shalt  }
0x56: {  	_ =	shalt  }
0x57: {  	_ =	shalt  }
0x58: {  	_ =	shalt  }
0x59: {  	_ =	shalt  }
0x5a: {  	_ =	shalt  }
0x5b: {  	_ =	shalt  }
0x5c: {  	_ =	shalt  }
0x5d: {  	_ =	shalt  }
0x5e: {  	_ =	shalt  }
0x5f: {  	_ =	shalt  }
0x60: {  	_ =	shalt  }
0x61: {  	_ =	shalt  }
0x62: {  	_ =	shalt  }
0x63: {  	_ =	shalt  }
0x64: {  	_ =	shalt  }
0x65: {  	_ =	shalt  }
0x66: {  	_ =	shalt  }
0x67: {  	_ =	shalt  }
0x68: {  	_ =	shalt  }
0x69: {  	_ =	shalt  }
0x6a: {  	_ =	shalt  }
0x6b: {  	_ =	shalt  }
0x6c: {  	_ =	shalt  }
0x6d: {  	_ =	shalt  }
0x6e: {  	_ =	shalt  }
0x6f: {  	_ =	shalt  }
0x70: {  	_ =	shalt  }
0x71: {  	_ =	shalt  }
0x72: {  	_ =	shalt  }
0x73: {  	_ =	shalt  }
0x74: {  	_ =	shalt  }
0x75: {  	_ =	shalt  }
0x76: {  	_ =	shalt  }
0x77: {  	_ =	shalt  }
0x78: {  	_ =	shalt  }
0x79: {  	_ =	shalt  }
0x7a: {  	_ =	shalt  }
0x7b: {  	_ =	shalt  }
0x7c: {  	_ =	shalt  }
0x7d: {  	_ =	shalt  }
0x7e: {  	_ =	shalt  }
0x7f: {  	_ =	shalt  }
0x80: {  	_ =	shalt  }
0x81: {  	_ =	shalt  }
0x82: {  	_ =	shalt  }
0x83: {  	_ =	shalt  }
0x84: {  	_ =	shalt  }
0x85: {  	_ =	shalt  }
0x86: {  	_ =	shalt  }
0x87: {  	_ =	shalt  }
.Lfunc_end0:
.L_simem_size_0:
called_computation_lowered:
.L_overlay_start_0:
0x88: {  	s2 =	sld [smem:$0x3FD9]  }
0x89: {  	s3 =	sld [smem:$0x3FFE];
	_ =	sdelay $0x1  }
0x8a: {  	s1 =	srdreg.scid  }
0x8b: {  	s0 =	sand.u32 $0x1, s1  }
0x8c: {  	s17 =	sshll.u32 s0, $0xA;
	s2 =	sadd.s32 s3, s2  }
0x8d: {  	s2 =	sadd.s32 s2, s17  }
0x8e: {  	[smem:$0x3FC5] =	sst s2  }
0x8f: {  	_ = 	snop  }
0x90: {  	s2 =	sld [smem:$0x3FC8]  }
0x91: {  	s18 =	sld [smem:$0x3FC7]  }
0x92: {  	s4 =	sld [smem:$0x3FD0];
	(tm) =	ssettm $0x1  }
0x93: {  	s5 =	sld [smem:$0x3FFB];
	_ =	sdelay $0x3  }
0x94: {  	_ =	strace s5  }
0x95: {  	s5 =	sld [smem:$0x3FFC];
	_ =	sdelay $0x3  }
0x96: {  	_ =	strace s5  }
0x97: {  	s5 =	sld [smem:$0x3FFD];
	_ =	sdelay $0x3  }
0x98: {  	_ =	strace s5  }
0x99: {  	_ =	strace $0x8FFFFFFF  }
0x9a: {  	s19 =	sld [smem:$0x3FDB];
	_ =	sdelay $0x1  }
0x9b: {  	s6 =	simm.s32 $_scs_section_size  }
0x9c: {  	s7 =	simm.s32 $_size__tile_overlayer_lowered;
	s8 =	simm.s32 $_tile_overlayer_lowered  }
0x9d: {  	s22 =	simm.s32 $0x1BFF;
	s21 =	sshll.u32 s8, $0x1;
	s5 =	sadd.s32 s6, s19  }
0x9e: {  	s9 =	simm.s32 $0x0;
	s20 =	sshll.u32 s7, $0x1;
	s7 =	sadd.s32 s21, s5  }
0x9f: {  	[timem:s9], [sflag:s22] =	dma.local [hbm:s7], s20  }
0xa0: {  	_ =	swait.ge [sflag:s22], s20  }
0xa1: {  	s6 =	ssub.s32 $0x0, s20;
	[sflag:s22] =	ssyncset.done $0x0  }
0xa2: {  	[sflag:s22] =	ssyncadd.s32 s6;
	_ =	sdelay $0x1  }
0xa3: {  	s23 =	simm.s32 $0x1B8B  }
0xa4: {  	_ =	swait.ge [sflag:s23], $0x1  }
0xa5: {  	[sflag:s23] =	ssyncset.done $0x0  }
0xa6: {  	s25 =	simm.s32 $0x1B8E;
	s24 =	sld [smem:$0x3FFE];
	[sflag:s23] =	ssyncadd.s32 $0xFFFFFFFF  }
0xa7: {  	s26 =	simm.s32 $execute0_lowered;
	[smem:$0x3FD2] =	sst s25  }
0xa8: {  	s7 =	sshll.u32 s26, $0x1;
	_ =	strace $0x80000046;
	[dreg:$0x1] =	wrdreg $0xFFFFFFFF  }
0xa9: {  	s28 =	simm.s32 $_size_execute0_lowered;
	s5 =	sadd.s32 s5, s7;
	[dreg:$0x0] =	wrdreg $0x0  }
0xaa: {  	s7 =	sshll.u32 s28, $0x1;
	[dreg:$0x2] =	wrdreg s5  }
0xab: {  	[dreg:$0x3] =	wrdreg s7  }
0xac: {  	[dreg:$0x4] =	wrdreg $0xC0  }
0xad: {  	_ =	task [dreg:s9], $0x5FFFF  }
0xae: {  	[dreg:$0x1] =	wrdreg $0xFFFFFFFF  }
0xaf: {  	[dreg:$0x0] =	wrdreg $0x60  }
0xb0: {  	[dreg:$0x2] =	wrdreg s24  }
0xb1: {  	[dreg:$0x3] =	wrdreg s2  }
0xb2: {  	[dreg:$0x4] =	wrdreg s18  }
0xb3: {  	[dreg:$0x5] =	wrdreg s4  }
0xb4: {  	[dreg:$0x6] =	wrdreg $0x9  }
0xb5: {  	_ =	task.clear_ibuf [dreg:s9], $0x7FFFF;
	_ =	strace $0x90000046  }
0xb6: {  	s29 =	simm.s32 $0x9;
	_ =	strace $0x80000048  }
0xb7: {  	_ =	swait.ge [sflag:s29], $0x1  }
0xb8: {  	[sflag:s29] =	ssyncadd.s32 $0xFFFFFFFF  }
0xb9: {  	_ =	strace $0x90000048  }
0xba: {  	_ =	sfence  }
0xbb: {  	s30 =	sld [smem:$0x0];
	_ =	sdelay $0x2  }
0xbc: {  	s31 =	sshll.u32 s1, $0xD;
	s1 =	sshrl.u32 s1, $0x2  }
0xbd: {  	s3 =	sand.u32 $0x4000, s31;
	s1 =	sadd.s32 s1, s30  }
0xbe: {  	s0 =	sor.u32 s3, s0;
	s1 =	sshll.u32 s1, $0x11  }
0xbf: {  	s0 =	sor.u32 s1, s0  }
0xc0: {  	s0 =	sadd.s32 $0x8F2B, s0  }
0xc1: {  	[sflag:s0] =	ssyncadd.remote.s32 $0x1  }
0xc2: {  	_ =	sfence.sel $0xFFFF  }
0xc3: {  	[dreg:$0x0] =	wrdreg $0xFFFFFFFF;
	(pc) =	sbr.abs _section_cstart, $3  }
0xc4: {  	[dreg:$0x1] =	wrdreg $0xFFFFFFFF  }
0xc5: {  	_ =	task.clear_ibuf [dreg:s9], $0x2FFFF;
	_ =	strace $0x9FFFFFFF  }
0xc6: {  	(tm) =	ssettm $0x7FFFFFFF  }
0xc7: {  	_ =	shalt  }
tec
execute0_lowered:
.L_overlay_start_1:
0x0: {  	(tag) =	ssettag $0x1  }
0x1: {  	s0 =	rddreg [dreg:$0x0]  }
0x2: {  	s1 =	rddreg [dreg:$0x1]  }
0x3: {  	s2 =	rddreg [dreg:$0x2]  }
0x4: {  	s3 =	rddreg [dreg:$0x3];
	s4 =	simm.s32 $0x0;
	s5 =	srdreg.scid  }
0x5: {  	s6 =	stileid.u32;
	s13 =	simm.s32 $0x400;
	s16 =	simm.s32 $0x1C00  }
0x6: {  	s19 =	simm.s32 $0x3400;
	s22 =	simm.s32 $0x4C00;
	s29 =	simm.s32 $0x7400  }
0x7: {  	s30 =	simm.s32 $0x7C00;
	s31 =	simm.s32 $0x8400;
	s11 =	simm.s32 $0x9C00  }
0x8: {  	s14 =	simm.s32 $0xA400;
	s15 =	simm.s32 $0xAC00;
	s17 =	simm.s32 $0xB400  }
0x9: {  	s18 =	simm.s32 $0xBC00;
	s20 =	simm.s32 $0x2;
	s10 =	simm.s32 $0x0  }
0xa: {  	[smem:$0x7FF] =	sst s4;
	s5 =	sand.u32 $0x1, s5;
	s6 =	sshll.u32 s6, $0x1  }
0xb: {  	_ =	strace $0x80000047;
	s6 =	sor.u32 s5, s6;
	s5 =	ssub.s32 $0x2, s5  }
0xc: {  	s7 =	sshll.u32 s6, $0x7;
	s8 =	sshrl.u32 s5, $0x1;
	s9 =	smul.u32 $0x1800, s6  }
0xd: {  	s0 =	sadd.s32 s7, s0;
	s25 =	ssub.s32 s5, s8;
	s5 =	sshll.u32 s6, $0x3  }
0xe: {  	s8 =	sadd.s32 $0x100, s1;
	s0 =	sadd.s32 $0x400, s0;
	s26 =	sadd.s32 s2, s9  }
0xf: {  	v2 =	vlaneseq.u32;
	s9 =	sadd.s32 $0x200, s1;
	s28 =	smax.u32 s25, $0x1;
	[dreg:$0x5] =	wrdreg s0  }
0x10: {  	vm0 =	vmmov $0xffff;
	v1 =	vshrl.u32 v2, $0x3;
	s25 =	simm.s32 $0x1;
	s2 =	simm.s32 $0x9400;
	[dreg:$0x6] =	wrdreg s26  }
0x11: {  	v0 =	vand.u32 $0x7, v2;
	v2 =	vor.u32 $0x8, v2;
	v1 =	vmul.u32 $0x8, v1;
	[dreg:$0x7] =	wrdreg s28;
	s26 =	simm.s32 $0x6400;
	s0 =	simm.s32 $0x8C00  }
.LBB2_1:
0x12: {  	[dreg:$0x8] =	wrdreg s10  }
0x13: {  	s6 =	rddreg [dreg:$0x5]  }
0x14: {  	[tilespmem:s4], [sflag:$0x5] =	stream.linear.gather [hbm4b:s6+s4], $0x400, $0x38;
	[tilespmem:$0x18400] =	vst v63  }
0x15: {  	s23 =	rddreg [dreg:$0x6];
	s7 =	simm.s32 $0xC400;
	s24 =	simm.s32 $0x5  }
0x16: {  	[tilespmem:s7], [sflag:$0x5] =	stream.linear.gather [hbm4b:s23+s4], $0xC000, $0x38;
	[tilespmem:$0x18400] =	vst v63  }
0x17: {  	_ =	swait.ge [sflag:s24], $0x400  }
0x18: {  	[sflag:s24] =	ssyncset.done $0x0  }
0x19: {  	[sflag:s24] =	ssyncadd.s32 $0xFFFFFC00  }
0x1a: {  	_ =	swait.ge [sflag:s24], $0xC000  }
0x1b: {  	[sflag:s24] =	ssyncset.done $0x0  }
0x1c: {  	[sflag:s24] =	ssyncadd.s32 $0xFFFF4000  }
0x1d: {  	v3 =	vld [tilespmem:$0x0];
	_ =	sdelay $0x4  }
0x1e: {  	v4 =	vshrl.u32 v3, $0x3  }
0x1f: {  	v4 =	vmul.u32 $0x30, v4  }
0x20: {  	v3 =	vand.u32 $0x7, v3  }
0x21: {  	v3 =	vor.u32 v3, v4  }
0x22: {  	v4 =	vperm.xlane v3, v0;
	_ =	sdelay $0x1  }
0x23: {  	v4 =	vadd.s32 v1, v4;
	_ =	sdelay $0x3  }
0x24: {  	v3 =	vperm.xlane v3, v2  }
0x25: {  	[tilespmem:s13], [sflag:$0x1] =	stream.indirect_vreg.gather [hbm4b:s1+s4], $0x80, v4, vm0, $0xb8;
	[tilespmem:$0x18400] =	vst v63  }
0x26: {  	s28 =	simm.s32 $0xC00;
	v3 =	vadd.s32 v1, v3  }
0x27: {  	[tilespmem:s28], [sflag:$0x1] =	stream.indirect_vreg.gather [hbm4b:s8+s4], $0x80, v4, vm0, $0xb8;
	[tilespmem:$0x18400] =	vst v63  }
0x28: {  	s7 =	simm.s32 $0x1400  }
0x29: {  	[tilespmem:s7], [sflag:$0x1] =	stream.indirect_vreg.gather [hbm4b:s9+s4], $0x80, v4, vm0, $0xb8;
	[tilespmem:$0x18400] =	vst v63  }
0x2a: {  	_ = 	snop  }
0x2b: {  	[tilespmem:s16], [sflag:$0x1] =	stream.indirect_vreg.gather [hbm4b:s1+s4], $0x80, v3, vm0, $0xb8;
	[tilespmem:$0x18400] =	vst v63  }
0x2c: {  	s10 =	simm.s32 $0x2400  }
0x2d: {  	[tilespmem:s10], [sflag:$0x1] =	stream.indirect_vreg.gather [hbm4b:s8+s4], $0x80, v3, vm0, $0xb8;
	[tilespmem:$0x18400] =	vst v63  }
0x2e: {  	s12 =	simm.s32 $0x2C00  }
0x2f: {  	[tilespmem:s12], [sflag:$0x1] =	stream.indirect_vreg.gather [hbm4b:s9+s4], $0x80, v3, vm0, $0xb8;
	[tilespmem:$0x18400] =	vst v63  }
0x30: {  	v3 =	vld [tilespmem:$0x10];
	_ =	sdelay $0x4  }
0x31: {  	v63 =	vshrl.u32 v3, $0x3  }
0x32: {  	v4 =	vmul.u32 $0x30, v63  }
0x33: {  	v3 =	vand.u32 $0x7, v3  }
0x34: {  	v3 =	vor.u32 v3, v4  }
0x35: {  	v4 =	vperm.xlane v3, v0;
	_ =	sdelay $0x1  }
0x36: {  	v4 =	vadd.s32 v1, v4;
	_ =	sdelay $0x3  }
0x37: {  	v3 =	vperm.xlane v3, v2  }
0x38: {  	[tilespmem:s19], [sflag:$0x1] =	stream.indirect_vreg.gather [hbm4b:s1+s4], $0x80, v4, vm0, $0xb8;
	[tilespmem:$0x18400] =	vst v63  }
0x39: {  	s21 =	simm.s32 $0x3C00;
	v3 =	vadd.s32 v1, v3  }
0x3a: {  	[tilespmem:s21], [sflag:$0x1] =	stream.indirect_vreg.gather [hbm4b:s8+s4], $0x80, v4, vm0, $0xb8;
	[tilespmem:$0x18400] =	vst v63  }
0x3b: {  	s23 =	simm.s32 $0x4400  }
0x3c: {  	[tilespmem:s23], [sflag:$0x1] =	stream.indirect_vreg.gather [hbm4b:s9+s4], $0x80, v4, vm0, $0xb8;
	[tilespmem:$0x18400] =	vst v63  }
0x3d: {  	_ = 	snop  }
0x3e: {  	[tilespmem:s22], [sflag:$0x1] =	stream.indirect_vreg.gather [hbm4b:s1+s4], $0x80, v3, vm0, $0xb8;
	[tilespmem:$0x18400] =	vst v63  }
0x3f: {  	s24 =	simm.s32 $0x5400  }
0x40: {  	[tilespmem:s24], [sflag:$0x1] =	stream.indirect_vreg.gather [hbm4b:s8+s4], $0x80, v3, vm0, $0xb8;
	[tilespmem:$0x18400] =	vst v63  }
0x41: {  	s6 =	simm.s32 $0x0;
	s28 =	simm.s32 $0x5C00  }
0x42: {  	[tilespmem:s28], [sflag:$0x1] =	stream.indirect_vreg.gather [hbm4b:s9+s4], $0x80, v3, vm0, $0xb8;
	[tilespmem:$0x18400] =	vst v63  }
.LBB2_2:
0x43: {  	_ =	swait.ge [sflag:s25], $0x6000  }
0x44: {  	p0 =	seq.s32 s6, $0x0;
	[sflag:s25] =	ssyncset.done $0x0  }
0x45: {  	s10 =	sshll.u32 s6, $0x1;
	s12 =	simm.s32 @!p0 $0x4;
	[sflag:s25] =	ssyncadd.s32 $0xFFFFA000  }
0x46: {  	s7 =	sor.u32 $0x1, s10;
	_ =	swait.ge @!p0 [sflag:s12], $0x6000  }
0x47: {  	s21 =	sshll.u32 s7, $0x7;
	[sflag:s12] =	ssyncset.done @!p0 $0x0  }
0x48: {  	s28 =	sand.u32 $0x3FFFFF80, s21;
	[sflag:s12] =	ssyncadd.s32 @!p0 $0xFFFFA000  }
0x49: {  	v3 =	vld [tilespmem:s28+$0x0];
	_ =	sdelay $0x4  }
0x4a: {  	v4 =	vshrl.u32 v3, $0x3  }
0x4b: {  	v4 =	vmul.u32 $0x30, v4  }
0x4c: {  	v3 =	vand.u32 $0x7, v3  }
0x4d: {  	v3 =	vor.u32 v3, v4  }
0x4e: {  	v4 =	vperm.xlane v3, v0;
	_ =	sdelay $0x1  }
0x4f: {  	v4 =	vadd.s32 v1, v4;
	_ =	sdelay $0x3  }
0x50: {  	s21 =	simm.s32 $0x0;
	v3 =	vperm.xlane v3, v2  }
0x51: {  	[tilespmem:s26], [sflag:$0x2] =	stream.indirect_vreg.gather [hbm4b:s1+s21], $0x80, v4, vm0, $0xb8;
	[tilespmem:$0x18400] =	vst v63  }
0x52: {  	s23 =	simm.s32 $0x6C00;
	v3 =	vadd.s32 v1, v3  }
0x53: {  	[tilespmem:s23], [sflag:$0x2] =	stream.indirect_vreg.gather [hbm4b:s8+s21], $0x80, v4, vm0, $0xb8;
	[tilespmem:$0x18400] =	vst v63  }
0x54: {  	_ = 	snop  }
0x55: {  	[tilespmem:s29], [sflag:$0x2] =	stream.indirect_vreg.gather [hbm4b:s9+s21], $0x80, v4, vm0, $0xb8;
	[tilespmem:$0x18400] =	vst v63  }
0x56: {  	_ = 	snop  }
0x57: {  	[tilespmem:s30], [sflag:$0x2] =	stream.indirect_vreg.gather [hbm4b:s1+s21], $0x80, v3, vm0, $0xb8;
	[tilespmem:$0x18400] =	vst v63  }
0x58: {  	_ = 	snop  }
0x59: {  	[tilespmem:s31], [sflag:$0x2] =	stream.indirect_vreg.gather [hbm4b:s8+s21], $0x80, v3, vm0, $0xb8;
	[tilespmem:$0x18400] =	vst v63  }
0x5a: {  	_ = 	snop  }
0x5b: {  	[tilespmem:s0], [sflag:$0x2] =	stream.indirect_vreg.gather [hbm4b:s9+s21], $0x80, v3, vm0, $0xb8;
	[tilespmem:$0x18400] =	vst v63  }
0x5c: {  	v3 =	vld [tilespmem:s28+$0x10];
	_ =	sdelay $0x4  }
0x5d: {  	v4 =	vshrl.u32 v3, $0x3  }
0x5e: {  	v4 =	vmul.u32 $0x30, v4  }
0x5f: {  	v3 =	vand.u32 $0x7, v3  }
0x60: {  	v3 =	vor.u32 v3, v4  }
0x61: {  	v4 =	vperm.xlane v3, v0;
	_ =	sdelay $0x1  }
0x62: {  	v4 =	vadd.s32 v1, v4;
	_ =	sdelay $0x3  }
0x63: {  	v3 =	vperm.xlane v3, v2  }
0x64: {  	[tilespmem:s2], [sflag:$0x2] =	stream.indirect_vreg.gather [hbm4b:s1+s21], $0x80, v4, vm0, $0xb8;
	[tilespmem:$0x18400] =	vst v63  }
0x65: {  	v3 =	vadd.s32 v1, v3  }
0x66: {  	[tilespmem:s11], [sflag:$0x2] =	stream.indirect_vreg.gather [hbm4b:s8+s21], $0x80, v4, vm0, $0xb8;
	[tilespmem:$0x18400] =	vst v63  }
0x67: {  	_ = 	snop  }
0x68: {  	[tilespmem:s14], [sflag:$0x2] =	stream.indirect_vreg.gather [hbm4b:s9+s21], $0x80, v4, vm0, $0xb8;
	[tilespmem:$0x18400] =	vst v63  }
0x69: {  	s24 =	smul.u32 $0xC000, s6  }
0x6a: {  	[tilespmem:s15], [sflag:$0x2] =	stream.indirect_vreg.gather [hbm4b:s1+s21], $0x80, v3, vm0, $0xb8;
	[tilespmem:$0x18400] =	vst v63  }
0x6b: {  	s12 =	sshra.s32 s24, $0x2  }
0x6c: {  	[tilespmem:s17], [sflag:$0x2] =	stream.indirect_vreg.gather [hbm4b:s8+s21], $0x80, v3, vm0, $0xb8;
	[tilespmem:$0x18400] =	vst v63  }
0x6d: {  	s28 =	sadd.s32 $0xC400, s12  }
0x6e: {  	[tilespmem:s18], [sflag:$0x2] =	stream.indirect_vreg.gather [hbm4b:s9+s21], $0x80, v3, vm0, $0xb8;
	v3 =	vmov s28;
	[tilespmem:$0x18400] =	vst v63  }
0x6f: {  	_ = 	snop  }
0x70: {  	s24 =	sadd.s32 $0xD400, s12;
	s12 =	sadd.s32 $0xD800, s12  }
0x71: {  	v5 =	vmov s12;
	v4 =	vmov s24  }
.LBB2_3:
0x72: {  	s23 =	sshll.u32 s21, $0x7  }
0x73: {  	v6 =	vld.idx.msk [tilespmem:v3+s23+$0x0 ss:$0x1], $0xffff;
	_ =	sdelay $0x2  }
0x74: {  	s12 =	sor.u32 $0x80, s23  }
0x75: {  	v7 =	vld.idx.msk [tilespmem:v3+s12+$0x0 ss:$0x1], $0xffff  }
0x76: {  	[tilespmem:s23+$0x400] =	vst.add.f32.msk $0xffff, v6  }
0x77: {  	[tilespmem:s23+$0x1C00] =	vst.add.f32.msk $0xffff, v6  }
0x78: {  	[tilespmem:s23+$0x3400] =	vst.add.f32.msk $0xffff, v6  }
0x79: {  	[tilespmem:s23+$0x4C00] =	vst.add.f32.msk $0xffff, v6  }
0x7a: {  	v6 =	vld.idx.msk [tilespmem:v3+s23+$0x10 ss:$0x1], $0xffff  }
0x7b: {  	[tilespmem:s23+$0x480] =	vst.add.f32.msk $0xffff, v7  }
0x7c: {  	[tilespmem:s23+$0x1C80] =	vst.add.f32.msk $0xffff, v7  }
0x7d: {  	[tilespmem:s23+$0x3480] =	vst.add.f32.msk $0xffff, v7  }
0x7e: {  	[tilespmem:s23+$0x4C80] =	vst.add.f32.msk $0xffff, v7  }
0x7f: {  	v7 =	vld.idx.msk [tilespmem:v3+s12+$0x10 ss:$0x1], $0xffff  }
0x80: {  	[tilespmem:s23+$0x410] =	vst.add.f32.msk $0xffff, v6  }
0x81: {  	[tilespmem:s23+$0x1C10] =	vst.add.f32.msk $0xffff, v6  }
0x82: {  	[tilespmem:s23+$0x3410] =	vst.add.f32.msk $0xffff, v6  }
0x83: {  	[tilespmem:s23+$0x4C10] =	vst.add.f32.msk $0xffff, v6  }
0x84: {  	v6 =	vld.idx.msk [tilespmem:v3+s23+$0x20 ss:$0x1], $0xffff  }
0x85: {  	[tilespmem:s23+$0x490] =	vst.add.f32.msk $0xffff, v7  }
0x86: {  	[tilespmem:s23+$0x1C90] =	vst.add.f32.msk $0xffff, v7  }
0x87: {  	[tilespmem:s23+$0x3490] =	vst.add.f32.msk $0xffff, v7  }
0x88: {  	[tilespmem:s23+$0x4C90] =	vst.add.f32.msk $0xffff, v7  }
0x89: {  	v7 =	vld.idx.msk [tilespmem:v3+s12+$0x20 ss:$0x1], $0xffff  }
0x8a: {  	[tilespmem:s23+$0x420] =	vst.add.f32.msk $0xffff, v6  }
0x8b: {  	[tilespmem:s23+$0x1C20] =	vst.add.f32.msk $0xffff, v6  }
0x8c: {  	[tilespmem:s23+$0x3420] =	vst.add.f32.msk $0xffff, v6  }
0x8d: {  	[tilespmem:s23+$0x4C20] =	vst.add.f32.msk $0xffff, v6  }
0x8e: {  	v6 =	vld.idx.msk [tilespmem:v3+s23+$0x30 ss:$0x1], $0xffff  }
0x8f: {  	[tilespmem:s23+$0x4A0] =	vst.add.f32.msk $0xffff, v7  }
0x90: {  	[tilespmem:s23+$0x1CA0] =	vst.add.f32.msk $0xffff, v7  }
0x91: {  	[tilespmem:s23+$0x34A0] =	vst.add.f32.msk $0xffff, v7  }
0x92: {  	[tilespmem:s23+$0x4CA0] =	vst.add.f32.msk $0xffff, v7  }
0x93: {  	v7 =	vld.idx.msk [tilespmem:v3+s12+$0x30 ss:$0x1], $0xffff  }
0x94: {  	[tilespmem:s23+$0x430] =	vst.add.f32.msk $0xffff, v6  }
0x95: {  	[tilespmem:s23+$0x1C30] =	vst.add.f32.msk $0xffff, v6  }
0x96: {  	[tilespmem:s23+$0x3430] =	vst.add.f32.msk $0xffff, v6  }
0x97: {  	[tilespmem:s23+$0x4C30] =	vst.add.f32.msk $0xffff, v6  }
0x98: {  	v6 =	vld.idx.msk [tilespmem:v3+s23+$0x40 ss:$0x1], $0xffff  }
0x99: {  	[tilespmem:s23+$0x4B0] =	vst.add.f32.msk $0xffff, v7  }
0x9a: {  	[tilespmem:s23+$0x1CB0] =	vst.add.f32.msk $0xffff, v7  }
0x9b: {  	[tilespmem:s23+$0x34B0] =	vst.add.f32.msk $0xffff, v7  }
0x9c: {  	[tilespmem:s23+$0x4CB0] =	vst.add.f32.msk $0xffff, v7  }
0x9d: {  	v7 =	vld.idx.msk [tilespmem:v3+s12+$0x40 ss:$0x1], $0xffff  }
0x9e: {  	[tilespmem:s23+$0x440] =	vst.add.f32.msk $0xffff, v6  }
0x9f: {  	[tilespmem:s23+$0x1C40] =	vst.add.f32.msk $0xffff, v6  }
0xa0: {  	[tilespmem:s23+$0x3440] =	vst.add.f32.msk $0xffff, v6  }
0xa1: {  	[tilespmem:s23+$0x4C40] =	vst.add.f32.msk $0xffff, v6  }
0xa2: {  	v6 =	vld.idx.msk [tilespmem:v3+s23+$0x50 ss:$0x1], $0xffff  }
0xa3: {  	[tilespmem:s23+$0x4C0] =	vst.add.f32.msk $0xffff, v7  }
0xa4: {  	[tilespmem:s23+$0x1CC0] =	vst.add.f32.msk $0xffff, v7  }
0xa5: {  	[tilespmem:s23+$0x34C0] =	vst.add.f32.msk $0xffff, v7  }
0xa6: {  	[tilespmem:s23+$0x4CC0] =	vst.add.f32.msk $0xffff, v7  }
0xa7: {  	v7 =	vld.idx.msk [tilespmem:v3+s12+$0x50 ss:$0x1], $0xffff  }
0xa8: {  	[tilespmem:s23+$0x450] =	vst.add.f32.msk $0xffff, v6  }
0xa9: {  	[tilespmem:s23+$0x1C50] =	vst.add.f32.msk $0xffff, v6  }
0xaa: {  	[tilespmem:s23+$0x3450] =	vst.add.f32.msk $0xffff, v6  }
0xab: {  	[tilespmem:s23+$0x4C50] =	vst.add.f32.msk $0xffff, v6  }
0xac: {  	v6 =	vld.idx.msk [tilespmem:v3+s23+$0x60 ss:$0x1], $0xffff  }
0xad: {  	[tilespmem:s23+$0x4D0] =	vst.add.f32.msk $0xffff, v7  }
0xae: {  	[tilespmem:s23+$0x1CD0] =	vst.add.f32.msk $0xffff, v7  }
0xaf: {  	[tilespmem:s23+$0x34D0] =	vst.add.f32.msk $0xffff, v7  }
0xb0: {  	[tilespmem:s23+$0x4CD0] =	vst.add.f32.msk $0xffff, v7  }
0xb1: {  	v7 =	vld.idx.msk [tilespmem:v3+s12+$0x60 ss:$0x1], $0xffff  }
0xb2: {  	[tilespmem:s23+$0x460] =	vst.add.f32.msk $0xffff, v6  }
0xb3: {  	[tilespmem:s23+$0x1C60] =	vst.add.f32.msk $0xffff, v6  }
0xb4: {  	[tilespmem:s23+$0x3460] =	vst.add.f32.msk $0xffff, v6  }
0xb5: {  	[tilespmem:s23+$0x4C60] =	vst.add.f32.msk $0xffff, v6  }
0xb6: {  	v6 =	vld.idx.msk [tilespmem:v3+s23+$0x70 ss:$0x1], $0xffff  }
0xb7: {  	[tilespmem:s23+$0x4E0] =	vst.add.f32.msk $0xffff, v7  }
0xb8: {  	[tilespmem:s23+$0x1CE0] =	vst.add.f32.msk $0xffff, v7  }
0xb9: {  	[tilespmem:s23+$0x34E0] =	vst.add.f32.msk $0xffff, v7  }
0xba: {  	[tilespmem:s23+$0x4CE0] =	vst.add.f32.msk $0xffff, v7  }
0xbb: {  	v7 =	vld.idx.msk [tilespmem:v3+s12+$0x70 ss:$0x1], $0xffff  }
0xbc: {  	[tilespmem:s23+$0x470] =	vst.add.f32.msk $0xffff, v6  }
0xbd: {  	[tilespmem:s23+$0x1C70] =	vst.add.f32.msk $0xffff, v6  }
0xbe: {  	[tilespmem:s23+$0x3470] =	vst.add.f32.msk $0xffff, v6  }
0xbf: {  	[tilespmem:s23+$0x4C70] =	vst.add.f32.msk $0xffff, v6  }
0xc0: {  	v6 =	vld.idx.msk [tilespmem:v3+s23+$0x400 ss:$0x1], $0xffff  }
0xc1: {  	[tilespmem:s23+$0x4F0] =	vst.add.f32.msk $0xffff, v7  }
0xc2: {  	[tilespmem:s23+$0x1CF0] =	vst.add.f32.msk $0xffff, v7  }
0xc3: {  	[tilespmem:s23+$0x34F0] =	vst.add.f32.msk $0xffff, v7  }
0xc4: {  	[tilespmem:s23+$0x4CF0] =	vst.add.f32.msk $0xffff, v7  }
0xc5: {  	v7 =	vld.idx.msk [tilespmem:v3+s12+$0x400 ss:$0x1], $0xffff  }
0xc6: {  	[tilespmem:s23+$0x800] =	vst.add.f32.msk $0xffff, v6  }
0xc7: {  	[tilespmem:s23+$0x2000] =	vst.add.f32.msk $0xffff, v6  }
0xc8: {  	[tilespmem:s23+$0x3800] =	vst.add.f32.msk $0xffff, v6  }
0xc9: {  	[tilespmem:s23+$0x5000] =	vst.add.f32.msk $0xffff, v6  }
0xca: {  	v6 =	vld.idx.msk [tilespmem:v3+s23+$0x410 ss:$0x1], $0xffff  }
0xcb: {  	[tilespmem:s23+$0x880] =	vst.add.f32.msk $0xffff, v7  }
0xcc: {  	[tilespmem:s23+$0x2080] =	vst.add.f32.msk $0xffff, v7  }
0xcd: {  	[tilespmem:s23+$0x3880] =	vst.add.f32.msk $0xffff, v7  }
0xce: {  	[tilespmem:s23+$0x5080] =	vst.add.f32.msk $0xffff, v7  }
0xcf: {  	v7 =	vld.idx.msk [tilespmem:v3+s12+$0x410 ss:$0x1], $0xffff  }
0xd0: {  	[tilespmem:s23+$0x810] =	vst.add.f32.msk $0xffff, v6  }
0xd1: {  	[tilespmem:s23+$0x2010] =	vst.add.f32.msk $0xffff, v6  }
0xd2: {  	[tilespmem:s23+$0x3810] =	vst.add.f32.msk $0xffff, v6  }
0xd3: {  	[tilespmem:s23+$0x5010] =	vst.add.f32.msk $0xffff, v6  }
0xd4: {  	v6 =	vld.idx.msk [tilespmem:v3+s23+$0x420 ss:$0x1], $0xffff  }
0xd5: {  	[tilespmem:s23+$0x890] =	vst.add.f32.msk $0xffff, v7  }
0xd6: {  	[tilespmem:s23+$0x2090] =	vst.add.f32.msk $0xffff, v7  }
0xd7: {  	[tilespmem:s23+$0x3890] =	vst.add.f32.msk $0xffff, v7  }
0xd8: {  	[tilespmem:s23+$0x5090] =	vst.add.f32.msk $0xffff, v7  }
0xd9: {  	v7 =	vld.idx.msk [tilespmem:v3+s12+$0x420 ss:$0x1], $0xffff  }
0xda: {  	[tilespmem:s23+$0x820] =	vst.add.f32.msk $0xffff, v6  }
0xdb: {  	[tilespmem:s23+$0x2020] =	vst.add.f32.msk $0xffff, v6  }
0xdc: {  	[tilespmem:s23+$0x3820] =	vst.add.f32.msk $0xffff, v6  }
0xdd: {  	[tilespmem:s23+$0x5020] =	vst.add.f32.msk $0xffff, v6  }
0xde: {  	v6 =	vld.idx.msk [tilespmem:v3+s23+$0x430 ss:$0x1], $0xffff  }
0xdf: {  	[tilespmem:s23+$0x8A0] =	vst.add.f32.msk $0xffff, v7  }
0xe0: {  	[tilespmem:s23+$0x20A0] =	vst.add.f32.msk $0xffff, v7  }
0xe1: {  	[tilespmem:s23+$0x38A0] =	vst.add.f32.msk $0xffff, v7  }
0xe2: {  	[tilespmem:s23+$0x50A0] =	vst.add.f32.msk $0xffff, v7  }
0xe3: {  	v7 =	vld.idx.msk [tilespmem:v3+s12+$0x430 ss:$0x1], $0xffff  }
0xe4: {  	[tilespmem:s23+$0x830] =	vst.add.f32.msk $0xffff, v6  }
0xe5: {  	[tilespmem:s23+$0x2030] =	vst.add.f32.msk $0xffff, v6  }
0xe6: {  	[tilespmem:s23+$0x3830] =	vst.add.f32.msk $0xffff, v6  }
0xe7: {  	[tilespmem:s23+$0x5030] =	vst.add.f32.msk $0xffff, v6  }
0xe8: {  	v6 =	vld.idx.msk [tilespmem:v3+s23+$0x440 ss:$0x1], $0xffff  }
0xe9: {  	[tilespmem:s23+$0x8B0] =	vst.add.f32.msk $0xffff, v7  }
0xea: {  	[tilespmem:s23+$0x20B0] =	vst.add.f32.msk $0xffff, v7  }
0xeb: {  	[tilespmem:s23+$0x38B0] =	vst.add.f32.msk $0xffff, v7  }
0xec: {  	[tilespmem:s23+$0x50B0] =	vst.add.f32.msk $0xffff, v7  }
0xed: {  	v7 =	vld.idx.msk [tilespmem:v3+s12+$0x440 ss:$0x1], $0xffff  }
0xee: {  	[tilespmem:s23+$0x840] =	vst.add.f32.msk $0xffff, v6  }
0xef: {  	[tilespmem:s23+$0x2040] =	vst.add.f32.msk $0xffff, v6  }
0xf0: {  	[tilespmem:s23+$0x3840] =	vst.add.f32.msk $0xffff, v6  }
0xf1: {  	[tilespmem:s23+$0x5040] =	vst.add.f32.msk $0xffff, v6  }
0xf2: {  	v6 =	vld.idx.msk [tilespmem:v3+s23+$0x450 ss:$0x1], $0xffff  }
0xf3: {  	[tilespmem:s23+$0x8C0] =	vst.add.f32.msk $0xffff, v7  }
0xf4: {  	[tilespmem:s23+$0x20C0] =	vst.add.f32.msk $0xffff, v7  }
0xf5: {  	[tilespmem:s23+$0x38C0] =	vst.add.f32.msk $0xffff, v7  }
0xf6: {  	[tilespmem:s23+$0x50C0] =	vst.add.f32.msk $0xffff, v7  }
0xf7: {  	v7 =	vld.idx.msk [tilespmem:v3+s12+$0x450 ss:$0x1], $0xffff  }
0xf8: {  	[tilespmem:s23+$0x850] =	vst.add.f32.msk $0xffff, v6  }
0xf9: {  	[tilespmem:s23+$0x2050] =	vst.add.f32.msk $0xffff, v6  }
0xfa: {  	[tilespmem:s23+$0x3850] =	vst.add.f32.msk $0xffff, v6  }
0xfb: {  	[tilespmem:s23+$0x5050] =	vst.add.f32.msk $0xffff, v6  }
0xfc: {  	v6 =	vld.idx.msk [tilespmem:v3+s23+$0x460 ss:$0x1], $0xffff  }
0xfd: {  	[tilespmem:s23+$0x8D0] =	vst.add.f32.msk $0xffff, v7  }
0xfe: {  	[tilespmem:s23+$0x20D0] =	vst.add.f32.msk $0xffff, v7  }
0xff: {  	[tilespmem:s23+$0x38D0] =	vst.add.f32.msk $0xffff, v7  }
0x100: {  	[tilespmem:s23+$0x50D0] =	vst.add.f32.msk $0xffff, v7  }
0x101: {  	v7 =	vld.idx.msk [tilespmem:v3+s12+$0x460 ss:$0x1], $0xffff  }
0x102: {  	[tilespmem:s23+$0x860] =	vst.add.f32.msk $0xffff, v6  }
0x103: {  	[tilespmem:s23+$0x2060] =	vst.add.f32.msk $0xffff, v6  }
0x104: {  	[tilespmem:s23+$0x3860] =	vst.add.f32.msk $0xffff, v6  }
0x105: {  	[tilespmem:s23+$0x5060] =	vst.add.f32.msk $0xffff, v6  }
0x106: {  	v6 =	vld.idx.msk [tilespmem:v3+s23+$0x470 ss:$0x1], $0xffff  }
0x107: {  	[tilespmem:s23+$0x8E0] =	vst.add.f32.msk $0xffff, v7  }
0x108: {  	[tilespmem:s23+$0x20E0] =	vst.add.f32.msk $0xffff, v7  }
0x109: {  	[tilespmem:s23+$0x38E0] =	vst.add.f32.msk $0xffff, v7  }
0x10a: {  	[tilespmem:s23+$0x50E0] =	vst.add.f32.msk $0xffff, v7  }
0x10b: {  	v7 =	vld.idx.msk [tilespmem:v3+s12+$0x470 ss:$0x1], $0xffff  }
0x10c: {  	[tilespmem:s23+$0x870] =	vst.add.f32.msk $0xffff, v6  }
0x10d: {  	[tilespmem:s23+$0x2070] =	vst.add.f32.msk $0xffff, v6  }
0x10e: {  	[tilespmem:s23+$0x3870] =	vst.add.f32.msk $0xffff, v6  }
0x10f: {  	[tilespmem:s23+$0x5070] =	vst.add.f32.msk $0xffff, v6  }
0x110: {  	v6 =	vld.idx.msk [tilespmem:v3+s23+$0x800 ss:$0x1], $0xffff  }
0x111: {  	[tilespmem:s23+$0x8F0] =	vst.add.f32.msk $0xffff, v7  }
0x112: {  	[tilespmem:s23+$0x20F0] =	vst.add.f32.msk $0xffff, v7  }
0x113: {  	[tilespmem:s23+$0x38F0] =	vst.add.f32.msk $0xffff, v7  }
0x114: {  	[tilespmem:s23+$0x50F0] =	vst.add.f32.msk $0xffff, v7  }
0x115: {  	v7 =	vld.idx.msk [tilespmem:v3+s12+$0x800 ss:$0x1], $0xffff  }
0x116: {  	[tilespmem:s23+$0xC00] =	vst.add.f32.msk $0xffff, v6  }
0x117: {  	[tilespmem:s23+$0x2400] =	vst.add.f32.msk $0xffff, v6  }
0x118: {  	[tilespmem:s23+$0x3C00] =	vst.add.f32.msk $0xffff, v6  }
0x119: {  	[tilespmem:s23+$0x5400] =	vst.add.f32.msk $0xffff, v6  }
0x11a: {  	v6 =	vld.idx.msk [tilespmem:v3+s23+$0x810 ss:$0x1], $0xffff  }
0x11b: {  	[tilespmem:s23+$0xC80] =	vst.add.f32.msk $0xffff, v7  }
0x11c: {  	[tilespmem:s23+$0x2480] =	vst.add.f32.msk $0xffff, v7  }
0x11d: {  	[tilespmem:s23+$0x3C80] =	vst.add.f32.msk $0xffff, v7  }
0x11e: {  	[tilespmem:s23+$0x5480] =	vst.add.f32.msk $0xffff, v7  }
0x11f: {  	v7 =	vld.idx.msk [tilespmem:v3+s12+$0x810 ss:$0x1], $0xffff  }
0x120: {  	[tilespmem:s23+$0xC10] =	vst.add.f32.msk $0xffff, v6  }
0x121: {  	[tilespmem:s23+$0x2410] =	vst.add.f32.msk $0xffff, v6  }
0x122: {  	[tilespmem:s23+$0x3C10] =	vst.add.f32.msk $0xffff, v6  }
0x123: {  	[tilespmem:s23+$0x5410] =	vst.add.f32.msk $0xffff, v6  }
0x124: {  	v6 =	vld.idx.msk [tilespmem:v3+s23+$0x820 ss:$0x1], $0xffff  }
0x125: {  	[tilespmem:s23+$0xC90] =	vst.add.f32.msk $0xffff, v7  }
0x126: {  	[tilespmem:s23+$0x2490] =	vst.add.f32.msk $0xffff, v7  }
0x127: {  	[tilespmem:s23+$0x3C90] =	vst.add.f32.msk $0xffff, v7  }
0x128: {  	[tilespmem:s23+$0x5490] =	vst.add.f32.msk $0xffff, v7  }
0x129: {  	v7 =	vld.idx.msk [tilespmem:v3+s12+$0x820 ss:$0x1], $0xffff  }
0x12a: {  	[tilespmem:s23+$0xC20] =	vst.add.f32.msk $0xffff, v6  }
0x12b: {  	[tilespmem:s23+$0x2420] =	vst.add.f32.msk $0xffff, v6  }
0x12c: {  	[tilespmem:s23+$0x3C20] =	vst.add.f32.msk $0xffff, v6  }
0x12d: {  	[tilespmem:s23+$0x5420] =	vst.add.f32.msk $0xffff, v6  }
0x12e: {  	v6 =	vld.idx.msk [tilespmem:v3+s23+$0x830 ss:$0x1], $0xffff  }
0x12f: {  	[tilespmem:s23+$0xCA0] =	vst.add.f32.msk $0xffff, v7  }
0x130: {  	[tilespmem:s23+$0x24A0] =	vst.add.f32.msk $0xffff, v7  }
0x131: {  	[tilespmem:s23+$0x3CA0] =	vst.add.f32.msk $0xffff, v7  }
0x132: {  	[tilespmem:s23+$0x54A0] =	vst.add.f32.msk $0xffff, v7  }
0x133: {  	v7 =	vld.idx.msk [tilespmem:v3+s12+$0x830 ss:$0x1], $0xffff  }
0x134: {  	[tilespmem:s23+$0xC30] =	vst.add.f32.msk $0xffff, v6  }
0x135: {  	[tilespmem:s23+$0x2430] =	vst.add.f32.msk $0xffff, v6  }
0x136: {  	[tilespmem:s23+$0x3C30] =	vst.add.f32.msk $0xffff, v6  }
0x137: {  	[tilespmem:s23+$0x5430] =	vst.add.f32.msk $0xffff, v6  }
0x138: {  	v6 =	vld.idx.msk [tilespmem:v3+s23+$0x840 ss:$0x1], $0xffff  }
0x139: {  	[tilespmem:s23+$0xCB0] =	vst.add.f32.msk $0xffff, v7  }
0x13a: {  	[tilespmem:s23+$0x24B0] =	vst.add.f32.msk $0xffff, v7  }
0x13b: {  	[tilespmem:s23+$0x3CB0] =	vst.add.f32.msk $0xffff, v7  }
0x13c: {  	[tilespmem:s23+$0x54B0] =	vst.add.f32.msk $0xffff, v7  }
0x13d: {  	v7 =	vld.idx.msk [tilespmem:v3+s12+$0x840 ss:$0x1], $0xffff  }
0x13e: {  	[tilespmem:s23+$0xC40] =	vst.add.f32.msk $0xffff, v6  }
0x13f: {  	[tilespmem:s23+$0x2440] =	vst.add.f32.msk $0xffff, v6  }
0x140: {  	[tilespmem:s23+$0x3C40] =	vst.add.f32.msk $0xffff, v6  }
0x141: {  	[tilespmem:s23+$0x5440] =	vst.add.f32.msk $0xffff, v6  }
0x142: {  	v6 =	vld.idx.msk [tilespmem:v3+s23+$0x850 ss:$0x1], $0xffff  }
0x143: {  	[tilespmem:s23+$0xCC0] =	vst.add.f32.msk $0xffff, v7  }
0x144: {  	[tilespmem:s23+$0x24C0] =	vst.add.f32.msk $0xffff, v7  }
0x145: {  	[tilespmem:s23+$0x3CC0] =	vst.add.f32.msk $0xffff, v7  }
0x146: {  	[tilespmem:s23+$0x54C0] =	vst.add.f32.msk $0xffff, v7  }
0x147: {  	v7 =	vld.idx.msk [tilespmem:v3+s12+$0x850 ss:$0x1], $0xffff  }
0x148: {  	[tilespmem:s23+$0xC50] =	vst.add.f32.msk $0xffff, v6  }
0x149: {  	[tilespmem:s23+$0x2450] =	vst.add.f32.msk $0xffff, v6  }
0x14a: {  	[tilespmem:s23+$0x3C50] =	vst.add.f32.msk $0xffff, v6  }
0x14b: {  	[tilespmem:s23+$0x5450] =	vst.add.f32.msk $0xffff, v6  }
0x14c: {  	v6 =	vld.idx.msk [tilespmem:v3+s23+$0x860 ss:$0x1], $0xffff  }
0x14d: {  	[tilespmem:s23+$0xCD0] =	vst.add.f32.msk $0xffff, v7  }
0x14e: {  	[tilespmem:s23+$0x24D0] =	vst.add.f32.msk $0xffff, v7  }
0x14f: {  	[tilespmem:s23+$0x3CD0] =	vst.add.f32.msk $0xffff, v7  }
0x150: {  	[tilespmem:s23+$0x54D0] =	vst.add.f32.msk $0xffff, v7  }
0x151: {  	v7 =	vld.idx.msk [tilespmem:v3+s12+$0x860 ss:$0x1], $0xffff  }
0x152: {  	[tilespmem:s23+$0xC60] =	vst.add.f32.msk $0xffff, v6  }
0x153: {  	[tilespmem:s23+$0x2460] =	vst.add.f32.msk $0xffff, v6  }
0x154: {  	[tilespmem:s23+$0x3C60] =	vst.add.f32.msk $0xffff, v6  }
0x155: {  	[tilespmem:s23+$0x5460] =	vst.add.f32.msk $0xffff, v6  }
0x156: {  	v6 =	vld.idx.msk [tilespmem:v3+s23+$0x870 ss:$0x1], $0xffff  }
0x157: {  	[tilespmem:s23+$0xCE0] =	vst.add.f32.msk $0xffff, v7  }
0x158: {  	[tilespmem:s23+$0x24E0] =	vst.add.f32.msk $0xffff, v7  }
0x159: {  	[tilespmem:s23+$0x3CE0] =	vst.add.f32.msk $0xffff, v7  }
0x15a: {  	[tilespmem:s23+$0x54E0] =	vst.add.f32.msk $0xffff, v7  }
0x15b: {  	v7 =	vld.idx.msk [tilespmem:v3+s12+$0x870 ss:$0x1], $0xffff  }
0x15c: {  	[tilespmem:s23+$0xC70] =	vst.add.f32.msk $0xffff, v6  }
0x15d: {  	[tilespmem:s23+$0x2470] =	vst.add.f32.msk $0xffff, v6  }
0x15e: {  	[tilespmem:s23+$0x3C70] =	vst.add.f32.msk $0xffff, v6  }
0x15f: {  	[tilespmem:s23+$0x5470] =	vst.add.f32.msk $0xffff, v6  }
0x160: {  	v6 =	vld.idx.msk [tilespmem:v3+s23+$0xC00 ss:$0x1], $0xffff  }
0x161: {  	[tilespmem:s23+$0xCF0] =	vst.add.f32.msk $0xffff, v7  }
0x162: {  	[tilespmem:s23+$0x24F0] =	vst.add.f32.msk $0xffff, v7  }
0x163: {  	[tilespmem:s23+$0x3CF0] =	vst.add.f32.msk $0xffff, v7  }
0x164: {  	[tilespmem:s23+$0x54F0] =	vst.add.f32.msk $0xffff, v7  }
0x165: {  	v7 =	vld.idx.msk [tilespmem:v3+s12+$0xC00 ss:$0x1], $0xffff  }
0x166: {  	[tilespmem:s23+$0x1000] =	vst.add.f32.msk $0xffff, v6  }
0x167: {  	[tilespmem:s23+$0x2800] =	vst.add.f32.msk $0xffff, v6  }
0x168: {  	[tilespmem:s23+$0x4000] =	vst.add.f32.msk $0xffff, v6  }
0x169: {  	[tilespmem:s23+$0x5800] =	vst.add.f32.msk $0xffff, v6  }
0x16a: {  	v6 =	vld.idx.msk [tilespmem:v3+s23+$0xC10 ss:$0x1], $0xffff  }
0x16b: {  	[tilespmem:s23+$0x1080] =	vst.add.f32.msk $0xffff, v7  }
0x16c: {  	[tilespmem:s23+$0x2880] =	vst.add.f32.msk $0xffff, v7  }
0x16d: {  	[tilespmem:s23+$0x4080] =	vst.add.f32.msk $0xffff, v7  }
0x16e: {  	[tilespmem:s23+$0x5880] =	vst.add.f32.msk $0xffff, v7  }
0x16f: {  	v7 =	vld.idx.msk [tilespmem:v3+s12+$0xC10 ss:$0x1], $0xffff  }
0x170: {  	[tilespmem:s23+$0x1010] =	vst.add.f32.msk $0xffff, v6  }
0x171: {  	[tilespmem:s23+$0x2810] =	vst.add.f32.msk $0xffff, v6  }
0x172: {  	[tilespmem:s23+$0x4010] =	vst.add.f32.msk $0xffff, v6  }
0x173: {  	[tilespmem:s23+$0x5810] =	vst.add.f32.msk $0xffff, v6  }
0x174: {  	v6 =	vld.idx.msk [tilespmem:v3+s23+$0xC20 ss:$0x1], $0xffff  }
0x175: {  	[tilespmem:s23+$0x1090] =	vst.add.f32.msk $0xffff, v7  }
0x176: {  	[tilespmem:s23+$0x2890] =	vst.add.f32.msk $0xffff, v7  }
0x177: {  	[tilespmem:s23+$0x4090] =	vst.add.f32.msk $0xffff, v7  }
0x178: {  	[tilespmem:s23+$0x5890] =	vst.add.f32.msk $0xffff, v7  }
0x179: {  	v7 =	vld.idx.msk [tilespmem:v3+s12+$0xC20 ss:$0x1], $0xffff  }
0x17a: {  	[tilespmem:s23+$0x1020] =	vst.add.f32.msk $0xffff, v6  }
0x17b: {  	[tilespmem:s23+$0x2820] =	vst.add.f32.msk $0xffff, v6  }
0x17c: {  	[tilespmem:s23+$0x4020] =	vst.add.f32.msk $0xffff, v6  }
0x17d: {  	[tilespmem:s23+$0x5820] =	vst.add.f32.msk $0xffff, v6  }
0x17e: {  	v6 =	vld.idx.msk [tilespmem:v3+s23+$0xC30 ss:$0x1], $0xffff  }
0x17f: {  	[tilespmem:s23+$0x10A0] =	vst.add.f32.msk $0xffff, v7  }
0x180: {  	[tilespmem:s23+$0x28A0] =	vst.add.f32.msk $0xffff, v7  }
0x181: {  	[tilespmem:s23+$0x40A0] =	vst.add.f32.msk $0xffff, v7  }
0x182: {  	[tilespmem:s23+$0x58A0] =	vst.add.f32.msk $0xffff, v7  }
0x183: {  	v7 =	vld.idx.msk [tilespmem:v3+s12+$0xC30 ss:$0x1], $0xffff  }
0x184: {  	[tilespmem:s23+$0x1030] =	vst.add.f32.msk $0xffff, v6  }
0x185: {  	[tilespmem:s23+$0x2830] =	vst.add.f32.msk $0xffff, v6  }
0x186: {  	[tilespmem:s23+$0x4030] =	vst.add.f32.msk $0xffff, v6  }
0x187: {  	[tilespmem:s23+$0x5830] =	vst.add.f32.msk $0xffff, v6  }
0x188: {  	v6 =	vld.idx.msk [tilespmem:v3+s23+$0xC40 ss:$0x1], $0xffff  }
0x189: {  	[tilespmem:s23+$0x10B0] =	vst.add.f32.msk $0xffff, v7  }
0x18a: {  	[tilespmem:s23+$0x28B0] =	vst.add.f32.msk $0xffff, v7  }
0x18b: {  	[tilespmem:s23+$0x40B0] =	vst.add.f32.msk $0xffff, v7  }
0x18c: {  	[tilespmem:s23+$0x58B0] =	vst.add.f32.msk $0xffff, v7  }
0x18d: {  	v7 =	vld.idx.msk [tilespmem:v3+s12+$0xC40 ss:$0x1], $0xffff  }
0x18e: {  	[tilespmem:s23+$0x1040] =	vst.add.f32.msk $0xffff, v6  }
0x18f: {  	[tilespmem:s23+$0x2840] =	vst.add.f32.msk $0xffff, v6  }
0x190: {  	[tilespmem:s23+$0x4040] =	vst.add.f32.msk $0xffff, v6  }
0x191: {  	[tilespmem:s23+$0x5840] =	vst.add.f32.msk $0xffff, v6  }
0x192: {  	v6 =	vld.idx.msk [tilespmem:v3+s23+$0xC50 ss:$0x1], $0xffff  }
0x193: {  	[tilespmem:s23+$0x10C0] =	vst.add.f32.msk $0xffff, v7  }
0x194: {  	[tilespmem:s23+$0x28C0] =	vst.add.f32.msk $0xffff, v7  }
0x195: {  	[tilespmem:s23+$0x40C0] =	vst.add.f32.msk $0xffff, v7  }
0x196: {  	[tilespmem:s23+$0x58C0] =	vst.add.f32.msk $0xffff, v7  }
0x197: {  	v7 =	vld.idx.msk [tilespmem:v3+s12+$0xC50 ss:$0x1], $0xffff  }
0x198: {  	[tilespmem:s23+$0x1050] =	vst.add.f32.msk $0xffff, v6  }
0x199: {  	[tilespmem:s23+$0x2850] =	vst.add.f32.msk $0xffff, v6  }
0x19a: {  	[tilespmem:s23+$0x4050] =	vst.add.f32.msk $0xffff, v6  }
0x19b: {  	[tilespmem:s23+$0x5850] =	vst.add.f32.msk $0xffff, v6  }
0x19c: {  	v6 =	vld.idx.msk [tilespmem:v3+s23+$0xC60 ss:$0x1], $0xffff  }
0x19d: {  	[tilespmem:s23+$0x10D0] =	vst.add.f32.msk $0xffff, v7  }
0x19e: {  	[tilespmem:s23+$0x28D0] =	vst.add.f32.msk $0xffff, v7  }
0x19f: {  	[tilespmem:s23+$0x40D0] =	vst.add.f32.msk $0xffff, v7  }
0x1a0: {  	[tilespmem:s23+$0x58D0] =	vst.add.f32.msk $0xffff, v7  }
0x1a1: {  	v7 =	vld.idx.msk [tilespmem:v3+s12+$0xC60 ss:$0x1], $0xffff  }
0x1a2: {  	[tilespmem:s23+$0x1060] =	vst.add.f32.msk $0xffff, v6  }
0x1a3: {  	[tilespmem:s23+$0x2860] =	vst.add.f32.msk $0xffff, v6  }
0x1a4: {  	[tilespmem:s23+$0x4060] =	vst.add.f32.msk $0xffff, v6  }
0x1a5: {  	[tilespmem:s23+$0x5860] =	vst.add.f32.msk $0xffff, v6  }
0x1a6: {  	v6 =	vld.idx.msk [tilespmem:v3+s23+$0xC70 ss:$0x1], $0xffff  }
0x1a7: {  	[tilespmem:s23+$0x10E0] =	vst.add.f32.msk $0xffff, v7  }
0x1a8: {  	[tilespmem:s23+$0x28E0] =	vst.add.f32.msk $0xffff, v7  }
0x1a9: {  	[tilespmem:s23+$0x40E0] =	vst.add.f32.msk $0xffff, v7  }
0x1aa: {  	[tilespmem:s23+$0x58E0] =	vst.add.f32.msk $0xffff, v7  }
0x1ab: {  	v7 =	vld.idx.msk [tilespmem:v3+s12+$0xC70 ss:$0x1], $0xffff  }
0x1ac: {  	[tilespmem:s23+$0x1070] =	vst.add.f32.msk $0xffff, v6  }
0x1ad: {  	[tilespmem:s23+$0x2870] =	vst.add.f32.msk $0xffff, v6  }
0x1ae: {  	[tilespmem:s23+$0x4070] =	vst.add.f32.msk $0xffff, v6  }
0x1af: {  	[tilespmem:s23+$0x5870] =	vst.add.f32.msk $0xffff, v6  }
0x1b0: {  	v6 =	vld.idx.msk [tilespmem:v4+s23+$0x0 ss:$0x1], $0xffff  }
0x1b1: {  	[tilespmem:s23+$0x10F0] =	vst.add.f32.msk $0xffff, v7  }
0x1b2: {  	[tilespmem:s23+$0x28F0] =	vst.add.f32.msk $0xffff, v7  }
0x1b3: {  	[tilespmem:s23+$0x40F0] =	vst.add.f32.msk $0xffff, v7  }
0x1b4: {  	[tilespmem:s23+$0x58F0] =	vst.add.f32.msk $0xffff, v7  }
0x1b5: {  	v7 =	vld.idx.msk [tilespmem:v4+s12+$0x0 ss:$0x1], $0xffff  }
0x1b6: {  	[tilespmem:s23+$0x1400] =	vst.add.f32.msk $0xffff, v6  }
0x1b7: {  	[tilespmem:s23+$0x2C00] =	vst.add.f32.msk $0xffff, v6  }
0x1b8: {  	[tilespmem:s23+$0x4400] =	vst.add.f32.msk $0xffff, v6  }
0x1b9: {  	[tilespmem:s23+$0x5C00] =	vst.add.f32.msk $0xffff, v6  }
0x1ba: {  	v6 =	vld.idx.msk [tilespmem:v4+s23+$0x10 ss:$0x1], $0xffff  }
0x1bb: {  	[tilespmem:s23+$0x1480] =	vst.add.f32.msk $0xffff, v7  }
0x1bc: {  	[tilespmem:s23+$0x2C80] =	vst.add.f32.msk $0xffff, v7  }
0x1bd: {  	[tilespmem:s23+$0x4480] =	vst.add.f32.msk $0xffff, v7  }
0x1be: {  	[tilespmem:s23+$0x5C80] =	vst.add.f32.msk $0xffff, v7  }
0x1bf: {  	v7 =	vld.idx.msk [tilespmem:v4+s12+$0x10 ss:$0x1], $0xffff  }
0x1c0: {  	[tilespmem:s23+$0x1410] =	vst.add.f32.msk $0xffff, v6  }
0x1c1: {  	[tilespmem:s23+$0x2C10] =	vst.add.f32.msk $0xffff, v6  }
0x1c2: {  	[tilespmem:s23+$0x4410] =	vst.add.f32.msk $0xffff, v6  }
0x1c3: {  	[tilespmem:s23+$0x5C10] =	vst.add.f32.msk $0xffff, v6  }
0x1c4: {  	v6 =	vld.idx.msk [tilespmem:v4+s23+$0x20 ss:$0x1], $0xffff  }
0x1c5: {  	[tilespmem:s23+$0x1490] =	vst.add.f32.msk $0xffff, v7  }
0x1c6: {  	[tilespmem:s23+$0x2C90] =	vst.add.f32.msk $0xffff, v7  }
0x1c7: {  	[tilespmem:s23+$0x4490] =	vst.add.f32.msk $0xffff, v7  }
0x1c8: {  	[tilespmem:s23+$0x5C90] =	vst.add.f32.msk $0xffff, v7  }
0x1c9: {  	v7 =	vld.idx.msk [tilespmem:v4+s12+$0x20 ss:$0x1], $0xffff  }
0x1ca: {  	[tilespmem:s23+$0x1420] =	vst.add.f32.msk $0xffff, v6  }
0x1cb: {  	[tilespmem:s23+$0x2C20] =	vst.add.f32.msk $0xffff, v6  }
0x1cc: {  	[tilespmem:s23+$0x4420] =	vst.add.f32.msk $0xffff, v6  }
0x1cd: {  	[tilespmem:s23+$0x5C20] =	vst.add.f32.msk $0xffff, v6  }
0x1ce: {  	v6 =	vld.idx.msk [tilespmem:v4+s23+$0x30 ss:$0x1], $0xffff  }
0x1cf: {  	[tilespmem:s23+$0x14A0] =	vst.add.f32.msk $0xffff, v7  }
0x1d0: {  	[tilespmem:s23+$0x2CA0] =	vst.add.f32.msk $0xffff, v7  }
0x1d1: {  	[tilespmem:s23+$0x44A0] =	vst.add.f32.msk $0xffff, v7  }
0x1d2: {  	[tilespmem:s23+$0x5CA0] =	vst.add.f32.msk $0xffff, v7  }
0x1d3: {  	v7 =	vld.idx.msk [tilespmem:v4+s12+$0x30 ss:$0x1], $0xffff  }
0x1d4: {  	[tilespmem:s23+$0x1430] =	vst.add.f32.msk $0xffff, v6  }
0x1d5: {  	[tilespmem:s23+$0x2C30] =	vst.add.f32.msk $0xffff, v6  }
0x1d6: {  	[tilespmem:s23+$0x4430] =	vst.add.f32.msk $0xffff, v6  }
0x1d7: {  	[tilespmem:s23+$0x5C30] =	vst.add.f32.msk $0xffff, v6  }
0x1d8: {  	v6 =	vld.idx.msk [tilespmem:v4+s23+$0x40 ss:$0x1], $0xffff  }
0x1d9: {  	[tilespmem:s23+$0x14B0] =	vst.add.f32.msk $0xffff, v7  }
0x1da: {  	[tilespmem:s23+$0x2CB0] =	vst.add.f32.msk $0xffff, v7  }
0x1db: {  	[tilespmem:s23+$0x44B0] =	vst.add.f32.msk $0xffff, v7  }
0x1dc: {  	[tilespmem:s23+$0x5CB0] =	vst.add.f32.msk $0xffff, v7  }
0x1dd: {  	v7 =	vld.idx.msk [tilespmem:v4+s12+$0x40 ss:$0x1], $0xffff  }
0x1de: {  	[tilespmem:s23+$0x1440] =	vst.add.f32.msk $0xffff, v6  }
0x1df: {  	[tilespmem:s23+$0x2C40] =	vst.add.f32.msk $0xffff, v6  }
0x1e0: {  	[tilespmem:s23+$0x4440] =	vst.add.f32.msk $0xffff, v6  }
0x1e1: {  	[tilespmem:s23+$0x5C40] =	vst.add.f32.msk $0xffff, v6  }
0x1e2: {  	v6 =	vld.idx.msk [tilespmem:v4+s23+$0x50 ss:$0x1], $0xffff  }
0x1e3: {  	[tilespmem:s23+$0x14C0] =	vst.add.f32.msk $0xffff, v7  }
0x1e4: {  	[tilespmem:s23+$0x2CC0] =	vst.add.f32.msk $0xffff, v7  }
0x1e5: {  	[tilespmem:s23+$0x44C0] =	vst.add.f32.msk $0xffff, v7  }
0x1e6: {  	[tilespmem:s23+$0x5CC0] =	vst.add.f32.msk $0xffff, v7  }
0x1e7: {  	v7 =	vld.idx.msk [tilespmem:v4+s12+$0x50 ss:$0x1], $0xffff  }
0x1e8: {  	[tilespmem:s23+$0x1450] =	vst.add.f32.msk $0xffff, v6  }
0x1e9: {  	[tilespmem:s23+$0x2C50] =	vst.add.f32.msk $0xffff, v6  }
0x1ea: {  	[tilespmem:s23+$0x4450] =	vst.add.f32.msk $0xffff, v6  }
0x1eb: {  	[tilespmem:s23+$0x5C50] =	vst.add.f32.msk $0xffff, v6  }
0x1ec: {  	v6 =	vld.idx.msk [tilespmem:v4+s23+$0x60 ss:$0x1], $0xffff  }
0x1ed: {  	[tilespmem:s23+$0x14D0] =	vst.add.f32.msk $0xffff, v7  }
0x1ee: {  	[tilespmem:s23+$0x2CD0] =	vst.add.f32.msk $0xffff, v7  }
0x1ef: {  	[tilespmem:s23+$0x44D0] =	vst.add.f32.msk $0xffff, v7  }
0x1f0: {  	[tilespmem:s23+$0x5CD0] =	vst.add.f32.msk $0xffff, v7  }
0x1f1: {  	v7 =	vld.idx.msk [tilespmem:v4+s12+$0x60 ss:$0x1], $0xffff  }
0x1f2: {  	[tilespmem:s23+$0x1460] =	vst.add.f32.msk $0xffff, v6  }
0x1f3: {  	[tilespmem:s23+$0x2C60] =	vst.add.f32.msk $0xffff, v6  }
0x1f4: {  	[tilespmem:s23+$0x4460] =	vst.add.f32.msk $0xffff, v6  }
0x1f5: {  	[tilespmem:s23+$0x5C60] =	vst.add.f32.msk $0xffff, v6  }
0x1f6: {  	v6 =	vld.idx.msk [tilespmem:v4+s23+$0x70 ss:$0x1], $0xffff  }
0x1f7: {  	[tilespmem:s23+$0x14E0] =	vst.add.f32.msk $0xffff, v7  }
0x1f8: {  	[tilespmem:s23+$0x2CE0] =	vst.add.f32.msk $0xffff, v7  }
0x1f9: {  	[tilespmem:s23+$0x44E0] =	vst.add.f32.msk $0xffff, v7  }
0x1fa: {  	[tilespmem:s23+$0x5CE0] =	vst.add.f32.msk $0xffff, v7  }
0x1fb: {  	v7 =	vld.idx.msk [tilespmem:v4+s12+$0x70 ss:$0x1], $0xffff  }
0x1fc: {  	[tilespmem:s23+$0x1470] =	vst.add.f32.msk $0xffff, v6  }
0x1fd: {  	[tilespmem:s23+$0x2C70] =	vst.add.f32.msk $0xffff, v6  }
0x1fe: {  	[tilespmem:s23+$0x4470] =	vst.add.f32.msk $0xffff, v6  }
0x1ff: {  	[tilespmem:s23+$0x5C70] =	vst.add.f32.msk $0xffff, v6  }
0x200: {  	v6 =	vld.idx.msk [tilespmem:v5+s23+$0x0 ss:$0x1], $0xffff  }
0x201: {  	[tilespmem:s23+$0x14F0] =	vst.add.f32.msk $0xffff, v7  }
0x202: {  	[tilespmem:s23+$0x2CF0] =	vst.add.f32.msk $0xffff, v7  }
0x203: {  	[tilespmem:s23+$0x44F0] =	vst.add.f32.msk $0xffff, v7  }
0x204: {  	[tilespmem:s23+$0x5CF0] =	vst.add.f32.msk $0xffff, v7  }
0x205: {  	v7 =	vld.idx.msk [tilespmem:v5+s12+$0x0 ss:$0x1], $0xffff  }
0x206: {  	[tilespmem:s23+$0x1800] =	vst.add.f32.msk $0xffff, v6  }
0x207: {  	[tilespmem:s23+$0x3000] =	vst.add.f32.msk $0xffff, v6  }
0x208: {  	[tilespmem:s23+$0x4800] =	vst.add.f32.msk $0xffff, v6  }
0x209: {  	[tilespmem:s23+$0x6000] =	vst.add.f32.msk $0xffff, v6  }
0x20a: {  	v6 =	vld.idx.msk [tilespmem:v5+s23+$0x10 ss:$0x1], $0xffff  }
0x20b: {  	[tilespmem:s23+$0x1880] =	vst.add.f32.msk $0xffff, v7  }
0x20c: {  	[tilespmem:s23+$0x3080] =	vst.add.f32.msk $0xffff, v7  }
0x20d: {  	[tilespmem:s23+$0x4880] =	vst.add.f32.msk $0xffff, v7  }
0x20e: {  	[tilespmem:s23+$0x6080] =	vst.add.f32.msk $0xffff, v7  }
0x20f: {  	v7 =	vld.idx.msk [tilespmem:v5+s12+$0x10 ss:$0x1], $0xffff  }
0x210: {  	[tilespmem:s23+$0x1810] =	vst.add.f32.msk $0xffff, v6  }
0x211: {  	[tilespmem:s23+$0x3010] =	vst.add.f32.msk $0xffff, v6  }
0x212: {  	[tilespmem:s23+$0x4810] =	vst.add.f32.msk $0xffff, v6  }
0x213: {  	[tilespmem:s23+$0x6010] =	vst.add.f32.msk $0xffff, v6  }
0x214: {  	v6 =	vld.idx.msk [tilespmem:v5+s23+$0x20 ss:$0x1], $0xffff  }
0x215: {  	[tilespmem:s23+$0x1890] =	vst.add.f32.msk $0xffff, v7  }
0x216: {  	[tilespmem:s23+$0x3090] =	vst.add.f32.msk $0xffff, v7  }
0x217: {  	[tilespmem:s23+$0x4890] =	vst.add.f32.msk $0xffff, v7  }
0x218: {  	[tilespmem:s23+$0x6090] =	vst.add.f32.msk $0xffff, v7  }
0x219: {  	v7 =	vld.idx.msk [tilespmem:v5+s12+$0x20 ss:$0x1], $0xffff  }
0x21a: {  	[tilespmem:s23+$0x1820] =	vst.add.f32.msk $0xffff, v6  }
0x21b: {  	[tilespmem:s23+$0x3020] =	vst.add.f32.msk $0xffff, v6  }
0x21c: {  	[tilespmem:s23+$0x4820] =	vst.add.f32.msk $0xffff, v6  }
0x21d: {  	[tilespmem:s23+$0x6020] =	vst.add.f32.msk $0xffff, v6  }
0x21e: {  	v6 =	vld.idx.msk [tilespmem:v5+s23+$0x30 ss:$0x1], $0xffff  }
0x21f: {  	[tilespmem:s23+$0x18A0] =	vst.add.f32.msk $0xffff, v7  }
0x220: {  	[tilespmem:s23+$0x30A0] =	vst.add.f32.msk $0xffff, v7  }
0x221: {  	[tilespmem:s23+$0x48A0] =	vst.add.f32.msk $0xffff, v7  }
0x222: {  	[tilespmem:s23+$0x60A0] =	vst.add.f32.msk $0xffff, v7  }
0x223: {  	v7 =	vld.idx.msk [tilespmem:v5+s12+$0x30 ss:$0x1], $0xffff  }
0x224: {  	[tilespmem:s23+$0x1830] =	vst.add.f32.msk $0xffff, v6  }
0x225: {  	[tilespmem:s23+$0x3030] =	vst.add.f32.msk $0xffff, v6  }
0x226: {  	[tilespmem:s23+$0x4830] =	vst.add.f32.msk $0xffff, v6  }
0x227: {  	[tilespmem:s23+$0x6030] =	vst.add.f32.msk $0xffff, v6  }
0x228: {  	v6 =	vld.idx.msk [tilespmem:v5+s23+$0x40 ss:$0x1], $0xffff  }
0x229: {  	[tilespmem:s23+$0x18B0] =	vst.add.f32.msk $0xffff, v7  }
0x22a: {  	[tilespmem:s23+$0x30B0] =	vst.add.f32.msk $0xffff, v7  }
0x22b: {  	[tilespmem:s23+$0x48B0] =	vst.add.f32.msk $0xffff, v7  }
0x22c: {  	[tilespmem:s23+$0x60B0] =	vst.add.f32.msk $0xffff, v7  }
0x22d: {  	v7 =	vld.idx.msk [tilespmem:v5+s12+$0x40 ss:$0x1], $0xffff  }
0x22e: {  	[tilespmem:s23+$0x1840] =	vst.add.f32.msk $0xffff, v6  }
0x22f: {  	[tilespmem:s23+$0x3040] =	vst.add.f32.msk $0xffff, v6  }
0x230: {  	[tilespmem:s23+$0x4840] =	vst.add.f32.msk $0xffff, v6  }
0x231: {  	[tilespmem:s23+$0x6040] =	vst.add.f32.msk $0xffff, v6  }
0x232: {  	v6 =	vld.idx.msk [tilespmem:v5+s23+$0x50 ss:$0x1], $0xffff  }
0x233: {  	[tilespmem:s23+$0x18C0] =	vst.add.f32.msk $0xffff, v7  }
0x234: {  	[tilespmem:s23+$0x30C0] =	vst.add.f32.msk $0xffff, v7  }
0x235: {  	[tilespmem:s23+$0x48C0] =	vst.add.f32.msk $0xffff, v7  }
0x236: {  	[tilespmem:s23+$0x60C0] =	vst.add.f32.msk $0xffff, v7  }
0x237: {  	v7 =	vld.idx.msk [tilespmem:v5+s12+$0x50 ss:$0x1], $0xffff  }
0x238: {  	[tilespmem:s23+$0x1850] =	vst.add.f32.msk $0xffff, v6  }
0x239: {  	[tilespmem:s23+$0x3050] =	vst.add.f32.msk $0xffff, v6  }
0x23a: {  	[tilespmem:s23+$0x4850] =	vst.add.f32.msk $0xffff, v6  }
0x23b: {  	[tilespmem:s23+$0x6050] =	vst.add.f32.msk $0xffff, v6  }
0x23c: {  	v6 =	vld.idx.msk [tilespmem:v5+s23+$0x60 ss:$0x1], $0xffff  }
0x23d: {  	[tilespmem:s23+$0x18D0] =	vst.add.f32.msk $0xffff, v7  }
0x23e: {  	[tilespmem:s23+$0x30D0] =	vst.add.f32.msk $0xffff, v7  }
0x23f: {  	[tilespmem:s23+$0x48D0] =	vst.add.f32.msk $0xffff, v7  }
0x240: {  	[tilespmem:s23+$0x60D0] =	vst.add.f32.msk $0xffff, v7  }
0x241: {  	v7 =	vld.idx.msk [tilespmem:v5+s12+$0x60 ss:$0x1], $0xffff  }
0x242: {  	[tilespmem:s23+$0x1860] =	vst.add.f32.msk $0xffff, v6  }
0x243: {  	[tilespmem:s23+$0x3060] =	vst.add.f32.msk $0xffff, v6  }
0x244: {  	[tilespmem:s23+$0x4860] =	vst.add.f32.msk $0xffff, v6  }
0x245: {  	[tilespmem:s23+$0x6060] =	vst.add.f32.msk $0xffff, v6  }
0x246: {  	v6 =	vld.idx.msk [tilespmem:v5+s23+$0x70 ss:$0x1], $0xffff  }
0x247: {  	[tilespmem:s23+$0x18E0] =	vst.add.f32.msk $0xffff, v7  }
0x248: {  	[tilespmem:s23+$0x30E0] =	vst.add.f32.msk $0xffff, v7  }
0x249: {  	[tilespmem:s23+$0x48E0] =	vst.add.f32.msk $0xffff, v7  }
0x24a: {  	[tilespmem:s23+$0x60E0] =	vst.add.f32.msk $0xffff, v7  }
0x24b: {  	v7 =	vld.idx.msk [tilespmem:v5+s12+$0x70 ss:$0x1], $0xffff  }
0x24c: {  	[tilespmem:s23+$0x1870] =	vst.add.f32.msk $0xffff, v6  }
0x24d: {  	[tilespmem:s23+$0x3070] =	vst.add.f32.msk $0xffff, v6  }
0x24e: {  	p0 =	slt.u32 s21, $0x6;
	[tilespmem:s23+$0x4870] =	vst.add.f32.msk $0xffff, v6  }
.Ltmp0:
0x24f: {  	[tilespmem:s23+$0x6070] =	vst.add.f32.msk $0xffff, v6;
	(pc) =	sbr.rel @p0 .LBB2_3-.Ltmp0, $4  }
0x250: {  	[tilespmem:s23+$0x18F0] =	vst.add.f32.msk $0xffff, v7  }
0x251: {  	[tilespmem:s23+$0x30F0] =	vst.add.f32.msk $0xffff, v7  }
0x252: {  	s28 =	sadd.s32 $0x2, s21;
	[tilespmem:s23+$0x48F0] =	vst.add.f32.msk $0xffff, v7  }
0x253: {  	s21 =	smov.u32 s28;
	[tilespmem:s23+$0x60F0] =	vst.add.f32.msk $0xffff, v7  }
0x254: {  	s10 =	sadd.s32 s5, s10  }
0x255: {  	s10 =	smul.u32 $0x1800, s10;
	_ =	sdelay $0x1  }
0x256: {  	s10 =	sshrl.u32 s10, $0x3  }
0x257: {  	s10 =	sadd.s32 s3, s10  }
0x258: {  	[hbm4b:s10+s4] =	stream.linear.scatter [tilespmem:s13], [sflag:$0x3], $0x1800, $0x38;
	[tilespmem:$0x18400] =	vst v63  }
0x259: {  	s12 =	sadd.s32 $0x30000, s10  }
0x25a: {  	[hbm4b:s12+s4] =	stream.linear.scatter [tilespmem:s16], [sflag:$0x3], $0x1800, $0x38;
	[tilespmem:$0x18400] =	vst v63  }
0x25b: {  	s23 =	sadd.s32 $0x60000, s10  }
0x25c: {  	[hbm4b:s23+s4] =	stream.linear.scatter [tilespmem:s19], [sflag:$0x3], $0x1800, $0x38;
	[tilespmem:$0x18400] =	vst v63  }
0x25d: {  	s10 =	sadd.s32 $0x90000, s10  }
0x25e: {  	[hbm4b:s10+s4] =	stream.linear.scatter [tilespmem:s22], [sflag:$0x3], $0x1800, $0x38;
	[tilespmem:$0x18400] =	vst v63  }
0x25f: {  	_ =	swait.ge [sflag:s20], $0x6000  }
0x260: {  	p0 =	seq.s32 s6, $0x3;
	[sflag:s20] =	ssyncset.done $0x0  }
0x261: {  	s10 =	simm.s32 @!p0 $0x3;
	[sflag:s20] =	ssyncadd.s32 $0xFFFFA000  }
0x262: {  	_ =	swait.ge @!p0 [sflag:s10], $0x6000  }
0x263: {  	s12 =	sshll.u32 @!p0 s6, $0x8;
	[sflag:s10] =	ssyncset.done @!p0 $0x0  }
0x264: {  	[sflag:s10] =	ssyncadd.s32 @!p0 $0xFFFFA000;
	s10 =	sand.u32 @!p0 $0x3FFFFF00, s12  }
0x265: {  	v3 =	vld @!p0 [tilespmem:s10+$0x100];
	_ =	sdelay $0x4  }
0x266: {  	v4 =	vshrl.u32 @!p0 v3, $0x3  }
0x267: {  	v4 =	vmul.u32 @!p0 $0x30, v4  }
0x268: {  	v5 =	vlaneseq.u32 @!p0;
	v3 =	vand.u32 @!p0 $0x7, v3  }
0x269: {  	v6 =	vshrl.u32 @!p0 v5, $0x3;
	v3 =	vor.u32 @!p0 v3, v4;
	v4 =	vand.u32 @!p0 $0x7, v5  }
0x26a: {  	v6 =	vmul.u32 @!p0 $0x8, v6;
	v7 =	vperm.xlane @!p0 v3, v4;
	_ =	sdelay $0x1  }
0x26b: {  	v7 =	vadd.s32 @!p0 v6, v7;
	_ =	sdelay $0x2  }
0x26c: {  	v5 =	vor.u32 @!p0 $0x8, v5  }
0x26d: {  	vm1 =	vmmov @!p0 $0xffff;
	s21 =	simm.s32 @!p0 $0x400;
	s12 =	simm.s32 @!p0 $0x0;
	v3 =	vperm.xlane @!p0 v3, v5  }
0x26e: {  	[tilespmem:s21], [sflag:$0x1] =	stream.indirect_vreg.gather @!p0 [hbm4b:s1+s12], $0x80, v7, vm1, $0xb8;
	[tilespmem:$0x18400] =	vst v63  }
0x26f: {  	v3 =	vadd.s32 @!p0 v6, v3;
	s21 =	simm.s32 @!p0 $0xC00  }
0x270: {  	[tilespmem:s21], [sflag:$0x1] =	stream.indirect_vreg.gather @!p0 [hbm4b:s8+s12], $0x80, v7, vm1, $0xb8;
	[tilespmem:$0x18400] =	vst v63  }
0x271: {  	s21 =	simm.s32 @!p0 $0x1400  }
0x272: {  	[tilespmem:s21], [sflag:$0x1] =	stream.indirect_vreg.gather @!p0 [hbm4b:s9+s12], $0x80, v7, vm1, $0xb8;
	[tilespmem:$0x18400] =	vst v63  }
0x273: {  	s21 =	simm.s32 @!p0 $0x1C00  }
0x274: {  	[tilespmem:s21], [sflag:$0x1] =	stream.indirect_vreg.gather @!p0 [hbm4b:s1+s12], $0x80, v3, vm1, $0xb8;
	[tilespmem:$0x18400] =	vst v63  }
0x275: {  	s21 =	simm.s32 @!p0 $0x2400  }
0x276: {  	[tilespmem:s21], [sflag:$0x1] =	stream.indirect_vreg.gather @!p0 [hbm4b:s8+s12], $0x80, v3, vm1, $0xb8;
	[tilespmem:$0x18400] =	vst v63  }
0x277: {  	s21 =	simm.s32 @!p0 $0x2C00  }
0x278: {  	[tilespmem:s21], [sflag:$0x1] =	stream.indirect_vreg.gather @!p0 [hbm4b:s9+s12], $0x80, v3, vm1, $0xb8;
	[tilespmem:$0x18400] =	vst v63  }
0x279: {  	v3 =	vld @!p0 [tilespmem:s10+$0x110];
	_ =	sdelay $0x4  }
0x27a: {  	v7 =	vshrl.u32 @!p0 v3, $0x3  }
0x27b: {  	v7 =	vmul.u32 @!p0 $0x30, v7  }
0x27c: {  	v3 =	vand.u32 @!p0 $0x7, v3  }
0x27d: {  	v3 =	vor.u32 @!p0 v3, v7  }
0x27e: {  	v4 =	vperm.xlane @!p0 v3, v4;
	_ =	sdelay $0x1  }
0x27f: {  	v4 =	vadd.s32 @!p0 v6, v4;
	_ =	sdelay $0x3  }
0x280: {  	s10 =	simm.s32 @!p0 $0x3400;
	v3 =	vperm.xlane @!p0 v3, v5  }
0x281: {  	[tilespmem:s10], [sflag:$0x1] =	stream.indirect_vreg.gather @!p0 [hbm4b:s1+s12], $0x80, v4, vm1, $0xb8;
	[tilespmem:$0x18400] =	vst v63  }
0x282: {  	v3 =	vadd.s32 @!p0 v6, v3;
	s10 =	simm.s32 @!p0 $0x3C00  }
0x283: {  	[tilespmem:s10], [sflag:$0x1] =	stream.indirect_vreg.gather @!p0 [hbm4b:s8+s12], $0x80, v4, vm1, $0xb8;
	[tilespmem:$0x18400] =	vst v63  }
0x284: {  	s10 =	simm.s32 @!p0 $0x4400  }
0x285: {  	[tilespmem:s10], [sflag:$0x1] =	stream.indirect_vreg.gather @!p0 [hbm4b:s9+s12], $0x80, v4, vm1, $0xb8;
	[tilespmem:$0x18400] =	vst v63  }
0x286: {  	s10 =	simm.s32 @!p0 $0x4C00  }
0x287: {  	[tilespmem:s10], [sflag:$0x1] =	stream.indirect_vreg.gather @!p0 [hbm4b:s1+s12], $0x80, v3, vm1, $0xb8;
	[tilespmem:$0x18400] =	vst v63  }
0x288: {  	s24 =	smul.u32 $0x6000, s7;
	s10 =	simm.s32 @!p0 $0x5400  }
0x289: {  	[tilespmem:s10], [sflag:$0x1] =	stream.indirect_vreg.gather @!p0 [hbm4b:s8+s12], $0x80, v3, vm1, $0xb8;
	[tilespmem:$0x18400] =	vst v63  }
0x28a: {  	s28 =	sshra.s32 s24, $0x2;
	s10 =	simm.s32 @!p0 $0x5C00  }
0x28b: {  	[tilespmem:s10], [sflag:$0x1] =	stream.indirect_vreg.gather @!p0 [hbm4b:s9+s12], $0x80, v3, vm1, $0xb8;
	[tilespmem:$0x18400] =	vst v63  }
0x28c: {  	s12 =	sadd.s32 $0xC400, s28  }
0x28d: {  	v3 =	vmov s12  }
0x28e: {  	s23 =	sadd.s32 $0xD000, s28  }
0x28f: {  	s24 =	sadd.s32 $0xD400, s28;
	s21 =	sadd.s32 $0xCC00, s28;
	v5 =	vmov s23;
	s28 =	sadd.s32 $0xD800, s28  }
0x290: {  	v6 =	vmov s24;
	v4 =	vmov s21;
	s10 =	simm.s32 $0x0;
	v7 =	vmov s28  }
.LBB2_5:
0x291: {  	s21 =	sshll.u32 s10, $0x7  }
0x292: {  	v8 =	vld.idx.msk [tilespmem:v3+s21+$0x0 ss:$0x1], $0xffff;
	_ =	sdelay $0x2  }
0x293: {  	s12 =	sor.u32 $0x80, s21  }
0x294: {  	v9 =	vld.idx.msk [tilespmem:v3+s12+$0x0 ss:$0x1], $0xffff  }
0x295: {  	[tilespmem:s21+$0x6400] =	vst.add.f32.msk $0xffff, v8  }
0x296: {  	[tilespmem:s21+$0x7C00] =	vst.add.f32.msk $0xffff, v8  }
0x297: {  	[tilespmem:s21+$0x9400] =	vst.add.f32.msk $0xffff, v8  }
0x298: {  	[tilespmem:s21+$0xAC00] =	vst.add.f32.msk $0xffff, v8  }
0x299: {  	v8 =	vld.idx.msk [tilespmem:v3+s21+$0x10 ss:$0x1], $0xffff  }
0x29a: {  	[tilespmem:s21+$0x6480] =	vst.add.f32.msk $0xffff, v9  }
0x29b: {  	[tilespmem:s21+$0x7C80] =	vst.add.f32.msk $0xffff, v9  }
0x29c: {  	[tilespmem:s21+$0x9480] =	vst.add.f32.msk $0xffff, v9  }
0x29d: {  	[tilespmem:s21+$0xAC80] =	vst.add.f32.msk $0xffff, v9  }
0x29e: {  	v9 =	vld.idx.msk [tilespmem:v3+s12+$0x10 ss:$0x1], $0xffff  }
0x29f: {  	[tilespmem:s21+$0x6410] =	vst.add.f32.msk $0xffff, v8  }
0x2a0: {  	[tilespmem:s21+$0x7C10] =	vst.add.f32.msk $0xffff, v8  }
0x2a1: {  	[tilespmem:s21+$0x9410] =	vst.add.f32.msk $0xffff, v8  }
0x2a2: {  	[tilespmem:s21+$0xAC10] =	vst.add.f32.msk $0xffff, v8  }
0x2a3: {  	v8 =	vld.idx.msk [tilespmem:v3+s21+$0x20 ss:$0x1], $0xffff  }
0x2a4: {  	[tilespmem:s21+$0x6490] =	vst.add.f32.msk $0xffff, v9  }
0x2a5: {  	[tilespmem:s21+$0x7C90] =	vst.add.f32.msk $0xffff, v9  }
0x2a6: {  	[tilespmem:s21+$0x9490] =	vst.add.f32.msk $0xffff, v9  }
0x2a7: {  	[tilespmem:s21+$0xAC90] =	vst.add.f32.msk $0xffff, v9  }
0x2a8: {  	v9 =	vld.idx.msk [tilespmem:v3+s12+$0x20 ss:$0x1], $0xffff  }
0x2a9: {  	[tilespmem:s21+$0x6420] =	vst.add.f32.msk $0xffff, v8  }
0x2aa: {  	[tilespmem:s21+$0x7C20] =	vst.add.f32.msk $0xffff, v8  }
0x2ab: {  	[tilespmem:s21+$0x9420] =	vst.add.f32.msk $0xffff, v8  }
0x2ac: {  	[tilespmem:s21+$0xAC20] =	vst.add.f32.msk $0xffff, v8  }
0x2ad: {  	v8 =	vld.idx.msk [tilespmem:v3+s21+$0x30 ss:$0x1], $0xffff  }
0x2ae: {  	[tilespmem:s21+$0x64A0] =	vst.add.f32.msk $0xffff, v9  }
0x2af: {  	[tilespmem:s21+$0x7CA0] =	vst.add.f32.msk $0xffff, v9  }
0x2b0: {  	[tilespmem:s21+$0x94A0] =	vst.add.f32.msk $0xffff, v9  }
0x2b1: {  	[tilespmem:s21+$0xACA0] =	vst.add.f32.msk $0xffff, v9  }
0x2b2: {  	v9 =	vld.idx.msk [tilespmem:v3+s12+$0x30 ss:$0x1], $0xffff  }
0x2b3: {  	[tilespmem:s21+$0x6430] =	vst.add.f32.msk $0xffff, v8  }
0x2b4: {  	[tilespmem:s21+$0x7C30] =	vst.add.f32.msk $0xffff, v8  }
0x2b5: {  	[tilespmem:s21+$0x9430] =	vst.add.f32.msk $0xffff, v8  }
0x2b6: {  	[tilespmem:s21+$0xAC30] =	vst.add.f32.msk $0xffff, v8  }
0x2b7: {  	v8 =	vld.idx.msk [tilespmem:v3+s21+$0x40 ss:$0x1], $0xffff  }
0x2b8: {  	[tilespmem:s21+$0x64B0] =	vst.add.f32.msk $0xffff, v9  }
0x2b9: {  	[tilespmem:s21+$0x7CB0] =	vst.add.f32.msk $0xffff, v9  }
0x2ba: {  	[tilespmem:s21+$0x94B0] =	vst.add.f32.msk $0xffff, v9  }
0x2bb: {  	[tilespmem:s21+$0xACB0] =	vst.add.f32.msk $0xffff, v9  }
0x2bc: {  	v9 =	vld.idx.msk [tilespmem:v3+s12+$0x40 ss:$0x1], $0xffff  }
0x2bd: {  	[tilespmem:s21+$0x6440] =	vst.add.f32.msk $0xffff, v8  }
0x2be: {  	[tilespmem:s21+$0x7C40] =	vst.add.f32.msk $0xffff, v8  }
0x2bf: {  	[tilespmem:s21+$0x9440] =	vst.add.f32.msk $0xffff, v8  }
0x2c0: {  	[tilespmem:s21+$0xAC40] =	vst.add.f32.msk $0xffff, v8  }
0x2c1: {  	v8 =	vld.idx.msk [tilespmem:v3+s21+$0x50 ss:$0x1], $0xffff  }
0x2c2: {  	[tilespmem:s21+$0x64C0] =	vst.add.f32.msk $0xffff, v9  }
0x2c3: {  	[tilespmem:s21+$0x7CC0] =	vst.add.f32.msk $0xffff, v9  }
0x2c4: {  	[tilespmem:s21+$0x94C0] =	vst.add.f32.msk $0xffff, v9  }
0x2c5: {  	[tilespmem:s21+$0xACC0] =	vst.add.f32.msk $0xffff, v9  }
0x2c6: {  	v9 =	vld.idx.msk [tilespmem:v3+s12+$0x50 ss:$0x1], $0xffff  }
0x2c7: {  	[tilespmem:s21+$0x6450] =	vst.add.f32.msk $0xffff, v8  }
0x2c8: {  	[tilespmem:s21+$0x7C50] =	vst.add.f32.msk $0xffff, v8  }
0x2c9: {  	[tilespmem:s21+$0x9450] =	vst.add.f32.msk $0xffff, v8  }
0x2ca: {  	[tilespmem:s21+$0xAC50] =	vst.add.f32.msk $0xffff, v8  }
0x2cb: {  	v8 =	vld.idx.msk [tilespmem:v3+s21+$0x60 ss:$0x1], $0xffff  }
0x2cc: {  	[tilespmem:s21+$0x64D0] =	vst.add.f32.msk $0xffff, v9  }
0x2cd: {  	[tilespmem:s21+$0x7CD0] =	vst.add.f32.msk $0xffff, v9  }
0x2ce: {  	[tilespmem:s21+$0x94D0] =	vst.add.f32.msk $0xffff, v9  }
0x2cf: {  	[tilespmem:s21+$0xACD0] =	vst.add.f32.msk $0xffff, v9  }
0x2d0: {  	v9 =	vld.idx.msk [tilespmem:v3+s12+$0x60 ss:$0x1], $0xffff  }
0x2d1: {  	[tilespmem:s21+$0x6460] =	vst.add.f32.msk $0xffff, v8  }
0x2d2: {  	[tilespmem:s21+$0x7C60] =	vst.add.f32.msk $0xffff, v8  }
0x2d3: {  	[tilespmem:s21+$0x9460] =	vst.add.f32.msk $0xffff, v8  }
0x2d4: {  	[tilespmem:s21+$0xAC60] =	vst.add.f32.msk $0xffff, v8  }
0x2d5: {  	v8 =	vld.idx.msk [tilespmem:v3+s21+$0x70 ss:$0x1], $0xffff  }
0x2d6: {  	[tilespmem:s21+$0x64E0] =	vst.add.f32.msk $0xffff, v9  }
0x2d7: {  	[tilespmem:s21+$0x7CE0] =	vst.add.f32.msk $0xffff, v9  }
0x2d8: {  	[tilespmem:s21+$0x94E0] =	vst.add.f32.msk $0xffff, v9  }
0x2d9: {  	[tilespmem:s21+$0xACE0] =	vst.add.f32.msk $0xffff, v9  }
0x2da: {  	v9 =	vld.idx.msk [tilespmem:v3+s12+$0x70 ss:$0x1], $0xffff  }
0x2db: {  	[tilespmem:s21+$0x6470] =	vst.add.f32.msk $0xffff, v8  }
0x2dc: {  	[tilespmem:s21+$0x7C70] =	vst.add.f32.msk $0xffff, v8  }
0x2dd: {  	[tilespmem:s21+$0x9470] =	vst.add.f32.msk $0xffff, v8  }
0x2de: {  	[tilespmem:s21+$0xAC70] =	vst.add.f32.msk $0xffff, v8  }
0x2df: {  	v8 =	vld.idx.msk [tilespmem:v3+s21+$0x400 ss:$0x1], $0xffff  }
0x2e0: {  	[tilespmem:s21+$0x64F0] =	vst.add.f32.msk $0xffff, v9  }
0x2e1: {  	[tilespmem:s21+$0x7CF0] =	vst.add.f32.msk $0xffff, v9  }
0x2e2: {  	[tilespmem:s21+$0x94F0] =	vst.add.f32.msk $0xffff, v9  }
0x2e3: {  	[tilespmem:s21+$0xACF0] =	vst.add.f32.msk $0xffff, v9  }
0x2e4: {  	v9 =	vld.idx.msk [tilespmem:v3+s12+$0x400 ss:$0x1], $0xffff  }
0x2e5: {  	[tilespmem:s21+$0x6800] =	vst.add.f32.msk $0xffff, v8  }
0x2e6: {  	[tilespmem:s21+$0x8000] =	vst.add.f32.msk $0xffff, v8  }
0x2e7: {  	[tilespmem:s21+$0x9800] =	vst.add.f32.msk $0xffff, v8  }
0x2e8: {  	[tilespmem:s21+$0xB000] =	vst.add.f32.msk $0xffff, v8  }
0x2e9: {  	v8 =	vld.idx.msk [tilespmem:v3+s21+$0x410 ss:$0x1], $0xffff  }
0x2ea: {  	[tilespmem:s21+$0x6880] =	vst.add.f32.msk $0xffff, v9  }
0x2eb: {  	[tilespmem:s21+$0x8080] =	vst.add.f32.msk $0xffff, v9  }
0x2ec: {  	[tilespmem:s21+$0x9880] =	vst.add.f32.msk $0xffff, v9  }
0x2ed: {  	[tilespmem:s21+$0xB080] =	vst.add.f32.msk $0xffff, v9  }
0x2ee: {  	v9 =	vld.idx.msk [tilespmem:v3+s12+$0x410 ss:$0x1], $0xffff  }
0x2ef: {  	[tilespmem:s21+$0x6810] =	vst.add.f32.msk $0xffff, v8  }
0x2f0: {  	[tilespmem:s21+$0x8010] =	vst.add.f32.msk $0xffff, v8  }
0x2f1: {  	[tilespmem:s21+$0x9810] =	vst.add.f32.msk $0xffff, v8  }
0x2f2: {  	[tilespmem:s21+$0xB010] =	vst.add.f32.msk $0xffff, v8  }
0x2f3: {  	v8 =	vld.idx.msk [tilespmem:v3+s21+$0x420 ss:$0x1], $0xffff  }
0x2f4: {  	[tilespmem:s21+$0x6890] =	vst.add.f32.msk $0xffff, v9  }
0x2f5: {  	[tilespmem:s21+$0x8090] =	vst.add.f32.msk $0xffff, v9  }
0x2f6: {  	[tilespmem:s21+$0x9890] =	vst.add.f32.msk $0xffff, v9  }
0x2f7: {  	[tilespmem:s21+$0xB090] =	vst.add.f32.msk $0xffff, v9  }
0x2f8: {  	v9 =	vld.idx.msk [tilespmem:v3+s12+$0x420 ss:$0x1], $0xffff  }
0x2f9: {  	[tilespmem:s21+$0x6820] =	vst.add.f32.msk $0xffff, v8  }
0x2fa: {  	[tilespmem:s21+$0x8020] =	vst.add.f32.msk $0xffff, v8  }
0x2fb: {  	[tilespmem:s21+$0x9820] =	vst.add.f32.msk $0xffff, v8  }
0x2fc: {  	[tilespmem:s21+$0xB020] =	vst.add.f32.msk $0xffff, v8  }
0x2fd: {  	v8 =	vld.idx.msk [tilespmem:v3+s21+$0x430 ss:$0x1], $0xffff  }
0x2fe: {  	[tilespmem:s21+$0x68A0] =	vst.add.f32.msk $0xffff, v9  }
0x2ff: {  	[tilespmem:s21+$0x80A0] =	vst.add.f32.msk $0xffff, v9  }
0x300: {  	[tilespmem:s21+$0x98A0] =	vst.add.f32.msk $0xffff, v9  }
0x301: {  	[tilespmem:s21+$0xB0A0] =	vst.add.f32.msk $0xffff, v9  }
0x302: {  	v9 =	vld.idx.msk [tilespmem:v3+s12+$0x430 ss:$0x1], $0xffff  }
0x303: {  	[tilespmem:s21+$0x6830] =	vst.add.f32.msk $0xffff, v8  }
0x304: {  	[tilespmem:s21+$0x8030] =	vst.add.f32.msk $0xffff, v8  }
0x305: {  	[tilespmem:s21+$0x9830] =	vst.add.f32.msk $0xffff, v8  }
0x306: {  	[tilespmem:s21+$0xB030] =	vst.add.f32.msk $0xffff, v8  }
0x307: {  	v8 =	vld.idx.msk [tilespmem:v3+s21+$0x440 ss:$0x1], $0xffff  }
0x308: {  	[tilespmem:s21+$0x68B0] =	vst.add.f32.msk $0xffff, v9  }
0x309: {  	[tilespmem:s21+$0x80B0] =	vst.add.f32.msk $0xffff, v9  }
0x30a: {  	[tilespmem:s21+$0x98B0] =	vst.add.f32.msk $0xffff, v9  }
0x30b: {  	[tilespmem:s21+$0xB0B0] =	vst.add.f32.msk $0xffff, v9  }
0x30c: {  	v9 =	vld.idx.msk [tilespmem:v3+s12+$0x440 ss:$0x1], $0xffff  }
0x30d: {  	[tilespmem:s21+$0x6840] =	vst.add.f32.msk $0xffff, v8  }
0x30e: {  	[tilespmem:s21+$0x8040] =	vst.add.f32.msk $0xffff, v8  }
0x30f: {  	[tilespmem:s21+$0x9840] =	vst.add.f32.msk $0xffff, v8  }
0x310: {  	[tilespmem:s21+$0xB040] =	vst.add.f32.msk $0xffff, v8  }
0x311: {  	v8 =	vld.idx.msk [tilespmem:v3+s21+$0x450 ss:$0x1], $0xffff  }
0x312: {  	[tilespmem:s21+$0x68C0] =	vst.add.f32.msk $0xffff, v9  }
0x313: {  	[tilespmem:s21+$0x80C0] =	vst.add.f32.msk $0xffff, v9  }
0x314: {  	[tilespmem:s21+$0x98C0] =	vst.add.f32.msk $0xffff, v9  }
0x315: {  	[tilespmem:s21+$0xB0C0] =	vst.add.f32.msk $0xffff, v9  }
0x316: {  	v9 =	vld.idx.msk [tilespmem:v3+s12+$0x450 ss:$0x1], $0xffff  }
0x317: {  	[tilespmem:s21+$0x6850] =	vst.add.f32.msk $0xffff, v8  }
0x318: {  	[tilespmem:s21+$0x8050] =	vst.add.f32.msk $0xffff, v8  }
0x319: {  	[tilespmem:s21+$0x9850] =	vst.add.f32.msk $0xffff, v8  }
0x31a: {  	[tilespmem:s21+$0xB050] =	vst.add.f32.msk $0xffff, v8  }
0x31b: {  	v8 =	vld.idx.msk [tilespmem:v3+s21+$0x460 ss:$0x1], $0xffff  }
0x31c: {  	[tilespmem:s21+$0x68D0] =	vst.add.f32.msk $0xffff, v9  }
0x31d: {  	[tilespmem:s21+$0x80D0] =	vst.add.f32.msk $0xffff, v9  }
0x31e: {  	[tilespmem:s21+$0x98D0] =	vst.add.f32.msk $0xffff, v9  }
0x31f: {  	[tilespmem:s21+$0xB0D0] =	vst.add.f32.msk $0xffff, v9  }
0x320: {  	v9 =	vld.idx.msk [tilespmem:v3+s12+$0x460 ss:$0x1], $0xffff  }
0x321: {  	[tilespmem:s21+$0x6860] =	vst.add.f32.msk $0xffff, v8  }
0x322: {  	[tilespmem:s21+$0x8060] =	vst.add.f32.msk $0xffff, v8  }
0x323: {  	[tilespmem:s21+$0x9860] =	vst.add.f32.msk $0xffff, v8  }
0x324: {  	[tilespmem:s21+$0xB060] =	vst.add.f32.msk $0xffff, v8  }
0x325: {  	v8 =	vld.idx.msk [tilespmem:v3+s21+$0x470 ss:$0x1], $0xffff  }
0x326: {  	[tilespmem:s21+$0x68E0] =	vst.add.f32.msk $0xffff, v9  }
0x327: {  	[tilespmem:s21+$0x80E0] =	vst.add.f32.msk $0xffff, v9  }
0x328: {  	[tilespmem:s21+$0x98E0] =	vst.add.f32.msk $0xffff, v9  }
0x329: {  	[tilespmem:s21+$0xB0E0] =	vst.add.f32.msk $0xffff, v9  }
0x32a: {  	v9 =	vld.idx.msk [tilespmem:v3+s12+$0x470 ss:$0x1], $0xffff  }
0x32b: {  	[tilespmem:s21+$0x6870] =	vst.add.f32.msk $0xffff, v8  }
0x32c: {  	[tilespmem:s21+$0x8070] =	vst.add.f32.msk $0xffff, v8  }
0x32d: {  	[tilespmem:s21+$0x9870] =	vst.add.f32.msk $0xffff, v8  }
0x32e: {  	[tilespmem:s21+$0xB070] =	vst.add.f32.msk $0xffff, v8  }
0x32f: {  	v8 =	vld.idx.msk [tilespmem:v4+s21+$0x0 ss:$0x1], $0xffff  }
0x330: {  	[tilespmem:s21+$0x68F0] =	vst.add.f32.msk $0xffff, v9  }
0x331: {  	[tilespmem:s21+$0x80F0] =	vst.add.f32.msk $0xffff, v9  }
0x332: {  	[tilespmem:s21+$0x98F0] =	vst.add.f32.msk $0xffff, v9  }
0x333: {  	[tilespmem:s21+$0xB0F0] =	vst.add.f32.msk $0xffff, v9  }
0x334: {  	v9 =	vld.idx.msk [tilespmem:v4+s12+$0x0 ss:$0x1], $0xffff  }
0x335: {  	[tilespmem:s21+$0x6C00] =	vst.add.f32.msk $0xffff, v8  }
0x336: {  	[tilespmem:s21+$0x8400] =	vst.add.f32.msk $0xffff, v8  }
0x337: {  	[tilespmem:s21+$0x9C00] =	vst.add.f32.msk $0xffff, v8  }
0x338: {  	[tilespmem:s21+$0xB400] =	vst.add.f32.msk $0xffff, v8  }
0x339: {  	v8 =	vld.idx.msk [tilespmem:v4+s21+$0x10 ss:$0x1], $0xffff  }
0x33a: {  	[tilespmem:s21+$0x6C80] =	vst.add.f32.msk $0xffff, v9  }
0x33b: {  	[tilespmem:s21+$0x8480] =	vst.add.f32.msk $0xffff, v9  }
0x33c: {  	[tilespmem:s21+$0x9C80] =	vst.add.f32.msk $0xffff, v9  }
0x33d: {  	[tilespmem:s21+$0xB480] =	vst.add.f32.msk $0xffff, v9  }
0x33e: {  	v9 =	vld.idx.msk [tilespmem:v4+s12+$0x10 ss:$0x1], $0xffff  }
0x33f: {  	[tilespmem:s21+$0x6C10] =	vst.add.f32.msk $0xffff, v8  }
0x340: {  	[tilespmem:s21+$0x8410] =	vst.add.f32.msk $0xffff, v8  }
0x341: {  	[tilespmem:s21+$0x9C10] =	vst.add.f32.msk $0xffff, v8  }
0x342: {  	[tilespmem:s21+$0xB410] =	vst.add.f32.msk $0xffff, v8  }
0x343: {  	v8 =	vld.idx.msk [tilespmem:v4+s21+$0x20 ss:$0x1], $0xffff  }
0x344: {  	[tilespmem:s21+$0x6C90] =	vst.add.f32.msk $0xffff, v9  }
0x345: {  	[tilespmem:s21+$0x8490] =	vst.add.f32.msk $0xffff, v9  }
0x346: {  	[tilespmem:s21+$0x9C90] =	vst.add.f32.msk $0xffff, v9  }
0x347: {  	[tilespmem:s21+$0xB490] =	vst.add.f32.msk $0xffff, v9  }
0x348: {  	v9 =	vld.idx.msk [tilespmem:v4+s12+$0x20 ss:$0x1], $0xffff  }
0x349: {  	[tilespmem:s21+$0x6C20] =	vst.add.f32.msk $0xffff, v8  }
0x34a: {  	[tilespmem:s21+$0x8420] =	vst.add.f32.msk $0xffff, v8  }
0x34b: {  	[tilespmem:s21+$0x9C20] =	vst.add.f32.msk $0xffff, v8  }
0x34c: {  	[tilespmem:s21+$0xB420] =	vst.add.f32.msk $0xffff, v8  }
0x34d: {  	v8 =	vld.idx.msk [tilespmem:v4+s21+$0x30 ss:$0x1], $0xffff  }
0x34e: {  	[tilespmem:s21+$0x6CA0] =	vst.add.f32.msk $0xffff, v9  }
0x34f: {  	[tilespmem:s21+$0x84A0] =	vst.add.f32.msk $0xffff, v9  }
0x350: {  	[tilespmem:s21+$0x9CA0] =	vst.add.f32.msk $0xffff, v9  }
0x351: {  	[tilespmem:s21+$0xB4A0] =	vst.add.f32.msk $0xffff, v9  }
0x352: {  	v9 =	vld.idx.msk [tilespmem:v4+s12+$0x30 ss:$0x1], $0xffff  }
0x353: {  	[tilespmem:s21+$0x6C30] =	vst.add.f32.msk $0xffff, v8  }
0x354: {  	[tilespmem:s21+$0x8430] =	vst.add.f32.msk $0xffff, v8  }
0x355: {  	[tilespmem:s21+$0x9C30] =	vst.add.f32.msk $0xffff, v8  }
0x356: {  	[tilespmem:s21+$0xB430] =	vst.add.f32.msk $0xffff, v8  }
0x357: {  	v8 =	vld.idx.msk [tilespmem:v4+s21+$0x40 ss:$0x1], $0xffff  }
0x358: {  	[tilespmem:s21+$0x6CB0] =	vst.add.f32.msk $0xffff, v9  }
0x359: {  	[tilespmem:s21+$0x84B0] =	vst.add.f32.msk $0xffff, v9  }
0x35a: {  	[tilespmem:s21+$0x9CB0] =	vst.add.f32.msk $0xffff, v9  }
0x35b: {  	[tilespmem:s21+$0xB4B0] =	vst.add.f32.msk $0xffff, v9  }
0x35c: {  	v9 =	vld.idx.msk [tilespmem:v4+s12+$0x40 ss:$0x1], $0xffff  }
0x35d: {  	[tilespmem:s21+$0x6C40] =	vst.add.f32.msk $0xffff, v8  }
0x35e: {  	[tilespmem:s21+$0x8440] =	vst.add.f32.msk $0xffff, v8  }
0x35f: {  	[tilespmem:s21+$0x9C40] =	vst.add.f32.msk $0xffff, v8  }
0x360: {  	[tilespmem:s21+$0xB440] =	vst.add.f32.msk $0xffff, v8  }
0x361: {  	v8 =	vld.idx.msk [tilespmem:v4+s21+$0x50 ss:$0x1], $0xffff  }
0x362: {  	[tilespmem:s21+$0x6CC0] =	vst.add.f32.msk $0xffff, v9  }
0x363: {  	[tilespmem:s21+$0x84C0] =	vst.add.f32.msk $0xffff, v9  }
0x364: {  	[tilespmem:s21+$0x9CC0] =	vst.add.f32.msk $0xffff, v9  }
0x365: {  	[tilespmem:s21+$0xB4C0] =	vst.add.f32.msk $0xffff, v9  }
0x366: {  	v9 =	vld.idx.msk [tilespmem:v4+s12+$0x50 ss:$0x1], $0xffff  }
0x367: {  	[tilespmem:s21+$0x6C50] =	vst.add.f32.msk $0xffff, v8  }
0x368: {  	[tilespmem:s21+$0x8450] =	vst.add.f32.msk $0xffff, v8  }
0x369: {  	[tilespmem:s21+$0x9C50] =	vst.add.f32.msk $0xffff, v8  }
0x36a: {  	[tilespmem:s21+$0xB450] =	vst.add.f32.msk $0xffff, v8  }
0x36b: {  	v8 =	vld.idx.msk [tilespmem:v4+s21+$0x60 ss:$0x1], $0xffff  }
0x36c: {  	[tilespmem:s21+$0x6CD0] =	vst.add.f32.msk $0xffff, v9  }
0x36d: {  	[tilespmem:s21+$0x84D0] =	vst.add.f32.msk $0xffff, v9  }
0x36e: {  	[tilespmem:s21+$0x9CD0] =	vst.add.f32.msk $0xffff, v9  }
0x36f: {  	[tilespmem:s21+$0xB4D0] =	vst.add.f32.msk $0xffff, v9  }
0x370: {  	v9 =	vld.idx.msk [tilespmem:v4+s12+$0x60 ss:$0x1], $0xffff  }
0x371: {  	[tilespmem:s21+$0x6C60] =	vst.add.f32.msk $0xffff, v8  }
0x372: {  	[tilespmem:s21+$0x8460] =	vst.add.f32.msk $0xffff, v8  }
0x373: {  	[tilespmem:s21+$0x9C60] =	vst.add.f32.msk $0xffff, v8  }
0x374: {  	[tilespmem:s21+$0xB460] =	vst.add.f32.msk $0xffff, v8  }
0x375: {  	v8 =	vld.idx.msk [tilespmem:v4+s21+$0x70 ss:$0x1], $0xffff  }
0x376: {  	[tilespmem:s21+$0x6CE0] =	vst.add.f32.msk $0xffff, v9  }
0x377: {  	[tilespmem:s21+$0x84E0] =	vst.add.f32.msk $0xffff, v9  }
0x378: {  	[tilespmem:s21+$0x9CE0] =	vst.add.f32.msk $0xffff, v9  }
0x379: {  	[tilespmem:s21+$0xB4E0] =	vst.add.f32.msk $0xffff, v9  }
0x37a: {  	v9 =	vld.idx.msk [tilespmem:v4+s12+$0x70 ss:$0x1], $0xffff  }
0x37b: {  	[tilespmem:s21+$0x6C70] =	vst.add.f32.msk $0xffff, v8  }
0x37c: {  	[tilespmem:s21+$0x8470] =	vst.add.f32.msk $0xffff, v8  }
0x37d: {  	[tilespmem:s21+$0x9C70] =	vst.add.f32.msk $0xffff, v8  }
0x37e: {  	[tilespmem:s21+$0xB470] =	vst.add.f32.msk $0xffff, v8  }
0x37f: {  	v8 =	vld.idx.msk [tilespmem:v5+s21+$0x0 ss:$0x1], $0xffff  }
0x380: {  	[tilespmem:s21+$0x6CF0] =	vst.add.f32.msk $0xffff, v9  }
0x381: {  	[tilespmem:s21+$0x84F0] =	vst.add.f32.msk $0xffff, v9  }
0x382: {  	[tilespmem:s21+$0x9CF0] =	vst.add.f32.msk $0xffff, v9  }
0x383: {  	[tilespmem:s21+$0xB4F0] =	vst.add.f32.msk $0xffff, v9  }
0x384: {  	v9 =	vld.idx.msk [tilespmem:v5+s12+$0x0 ss:$0x1], $0xffff  }
0x385: {  	[tilespmem:s21+$0x7000] =	vst.add.f32.msk $0xffff, v8  }
0x386: {  	[tilespmem:s21+$0x8800] =	vst.add.f32.msk $0xffff, v8  }
0x387: {  	[tilespmem:s21+$0xA000] =	vst.add.f32.msk $0xffff, v8  }
0x388: {  	[tilespmem:s21+$0xB800] =	vst.add.f32.msk $0xffff, v8  }
0x389: {  	v8 =	vld.idx.msk [tilespmem:v5+s21+$0x10 ss:$0x1], $0xffff  }
0x38a: {  	[tilespmem:s21+$0x7080] =	vst.add.f32.msk $0xffff, v9  }
0x38b: {  	[tilespmem:s21+$0x8880] =	vst.add.f32.msk $0xffff, v9  }
0x38c: {  	[tilespmem:s21+$0xA080] =	vst.add.f32.msk $0xffff, v9  }
0x38d: {  	[tilespmem:s21+$0xB880] =	vst.add.f32.msk $0xffff, v9  }
0x38e: {  	v9 =	vld.idx.msk [tilespmem:v5+s12+$0x10 ss:$0x1], $0xffff  }
0x38f: {  	[tilespmem:s21+$0x7010] =	vst.add.f32.msk $0xffff, v8  }
0x390: {  	[tilespmem:s21+$0x8810] =	vst.add.f32.msk $0xffff, v8  }
0x391: {  	[tilespmem:s21+$0xA010] =	vst.add.f32.msk $0xffff, v8  }
0x392: {  	[tilespmem:s21+$0xB810] =	vst.add.f32.msk $0xffff, v8  }
0x393: {  	v8 =	vld.idx.msk [tilespmem:v5+s21+$0x20 ss:$0x1], $0xffff  }
0x394: {  	[tilespmem:s21+$0x7090] =	vst.add.f32.msk $0xffff, v9  }
0x395: {  	[tilespmem:s21+$0x8890] =	vst.add.f32.msk $0xffff, v9  }
0x396: {  	[tilespmem:s21+$0xA090] =	vst.add.f32.msk $0xffff, v9  }
0x397: {  	[tilespmem:s21+$0xB890] =	vst.add.f32.msk $0xffff, v9  }
0x398: {  	v9 =	vld.idx.msk [tilespmem:v5+s12+$0x20 ss:$0x1], $0xffff  }
0x399: {  	[tilespmem:s21+$0x7020] =	vst.add.f32.msk $0xffff, v8  }
0x39a: {  	[tilespmem:s21+$0x8820] =	vst.add.f32.msk $0xffff, v8  }
0x39b: {  	[tilespmem:s21+$0xA020] =	vst.add.f32.msk $0xffff, v8  }
0x39c: {  	[tilespmem:s21+$0xB820] =	vst.add.f32.msk $0xffff, v8  }
0x39d: {  	v8 =	vld.idx.msk [tilespmem:v5+s21+$0x30 ss:$0x1], $0xffff  }
0x39e: {  	[tilespmem:s21+$0x70A0] =	vst.add.f32.msk $0xffff, v9  }
0x39f: {  	[tilespmem:s21+$0x88A0] =	vst.add.f32.msk $0xffff, v9  }
0x3a0: {  	[tilespmem:s21+$0xA0A0] =	vst.add.f32.msk $0xffff, v9  }
0x3a1: {  	[tilespmem:s21+$0xB8A0] =	vst.add.f32.msk $0xffff, v9  }
0x3a2: {  	v9 =	vld.idx.msk [tilespmem:v5+s12+$0x30 ss:$0x1], $0xffff  }
0x3a3: {  	[tilespmem:s21+$0x7030] =	vst.add.f32.msk $0xffff, v8  }
0x3a4: {  	[tilespmem:s21+$0x8830] =	vst.add.f32.msk $0xffff, v8  }
0x3a5: {  	[tilespmem:s21+$0xA030] =	vst.add.f32.msk $0xffff, v8  }
0x3a6: {  	[tilespmem:s21+$0xB830] =	vst.add.f32.msk $0xffff, v8  }
0x3a7: {  	v8 =	vld.idx.msk [tilespmem:v5+s21+$0x40 ss:$0x1], $0xffff  }
0x3a8: {  	[tilespmem:s21+$0x70B0] =	vst.add.f32.msk $0xffff, v9  }
0x3a9: {  	[tilespmem:s21+$0x88B0] =	vst.add.f32.msk $0xffff, v9  }
0x3aa: {  	[tilespmem:s21+$0xA0B0] =	vst.add.f32.msk $0xffff, v9  }
0x3ab: {  	[tilespmem:s21+$0xB8B0] =	vst.add.f32.msk $0xffff, v9  }
0x3ac: {  	v9 =	vld.idx.msk [tilespmem:v5+s12+$0x40 ss:$0x1], $0xffff  }
0x3ad: {  	[tilespmem:s21+$0x7040] =	vst.add.f32.msk $0xffff, v8  }
0x3ae: {  	[tilespmem:s21+$0x8840] =	vst.add.f32.msk $0xffff, v8  }
0x3af: {  	[tilespmem:s21+$0xA040] =	vst.add.f32.msk $0xffff, v8  }
0x3b0: {  	[tilespmem:s21+$0xB840] =	vst.add.f32.msk $0xffff, v8  }
0x3b1: {  	v8 =	vld.idx.msk [tilespmem:v5+s21+$0x50 ss:$0x1], $0xffff  }
0x3b2: {  	[tilespmem:s21+$0x70C0] =	vst.add.f32.msk $0xffff, v9  }
0x3b3: {  	[tilespmem:s21+$0x88C0] =	vst.add.f32.msk $0xffff, v9  }
0x3b4: {  	[tilespmem:s21+$0xA0C0] =	vst.add.f32.msk $0xffff, v9  }
0x3b5: {  	[tilespmem:s21+$0xB8C0] =	vst.add.f32.msk $0xffff, v9  }
0x3b6: {  	v9 =	vld.idx.msk [tilespmem:v5+s12+$0x50 ss:$0x1], $0xffff  }
0x3b7: {  	[tilespmem:s21+$0x7050] =	vst.add.f32.msk $0xffff, v8  }
0x3b8: {  	[tilespmem:s21+$0x8850] =	vst.add.f32.msk $0xffff, v8  }
0x3b9: {  	[tilespmem:s21+$0xA050] =	vst.add.f32.msk $0xffff, v8  }
0x3ba: {  	[tilespmem:s21+$0xB850] =	vst.add.f32.msk $0xffff, v8  }
0x3bb: {  	v8 =	vld.idx.msk [tilespmem:v5+s21+$0x60 ss:$0x1], $0xffff  }
0x3bc: {  	[tilespmem:s21+$0x70D0] =	vst.add.f32.msk $0xffff, v9  }
0x3bd: {  	[tilespmem:s21+$0x88D0] =	vst.add.f32.msk $0xffff, v9  }
0x3be: {  	[tilespmem:s21+$0xA0D0] =	vst.add.f32.msk $0xffff, v9  }
0x3bf: {  	[tilespmem:s21+$0xB8D0] =	vst.add.f32.msk $0xffff, v9  }
0x3c0: {  	v9 =	vld.idx.msk [tilespmem:v5+s12+$0x60 ss:$0x1], $0xffff  }
0x3c1: {  	[tilespmem:s21+$0x7060] =	vst.add.f32.msk $0xffff, v8  }
0x3c2: {  	[tilespmem:s21+$0x8860] =	vst.add.f32.msk $0xffff, v8  }
0x3c3: {  	[tilespmem:s21+$0xA060] =	vst.add.f32.msk $0xffff, v8  }
0x3c4: {  	[tilespmem:s21+$0xB860] =	vst.add.f32.msk $0xffff, v8  }
0x3c5: {  	v8 =	vld.idx.msk [tilespmem:v5+s21+$0x70 ss:$0x1], $0xffff  }
0x3c6: {  	[tilespmem:s21+$0x70E0] =	vst.add.f32.msk $0xffff, v9  }
0x3c7: {  	[tilespmem:s21+$0x88E0] =	vst.add.f32.msk $0xffff, v9  }
0x3c8: {  	[tilespmem:s21+$0xA0E0] =	vst.add.f32.msk $0xffff, v9  }
0x3c9: {  	[tilespmem:s21+$0xB8E0] =	vst.add.f32.msk $0xffff, v9  }
0x3ca: {  	v9 =	vld.idx.msk [tilespmem:v5+s12+$0x70 ss:$0x1], $0xffff  }
0x3cb: {  	[tilespmem:s21+$0x7070] =	vst.add.f32.msk $0xffff, v8  }
0x3cc: {  	[tilespmem:s21+$0x8870] =	vst.add.f32.msk $0xffff, v8  }
0x3cd: {  	[tilespmem:s21+$0xA070] =	vst.add.f32.msk $0xffff, v8  }
0x3ce: {  	[tilespmem:s21+$0xB870] =	vst.add.f32.msk $0xffff, v8  }
0x3cf: {  	v8 =	vld.idx.msk [tilespmem:v6+s21+$0x0 ss:$0x1], $0xffff  }
0x3d0: {  	[tilespmem:s21+$0x70F0] =	vst.add.f32.msk $0xffff, v9  }
0x3d1: {  	[tilespmem:s21+$0x88F0] =	vst.add.f32.msk $0xffff, v9  }
0x3d2: {  	[tilespmem:s21+$0xA0F0] =	vst.add.f32.msk $0xffff, v9  }
0x3d3: {  	[tilespmem:s21+$0xB8F0] =	vst.add.f32.msk $0xffff, v9  }
0x3d4: {  	v9 =	vld.idx.msk [tilespmem:v6+s12+$0x0 ss:$0x1], $0xffff  }
0x3d5: {  	[tilespmem:s21+$0x7400] =	vst.add.f32.msk $0xffff, v8  }
0x3d6: {  	[tilespmem:s21+$0x8C00] =	vst.add.f32.msk $0xffff, v8  }
0x3d7: {  	[tilespmem:s21+$0xA400] =	vst.add.f32.msk $0xffff, v8  }
0x3d8: {  	[tilespmem:s21+$0xBC00] =	vst.add.f32.msk $0xffff, v8  }
0x3d9: {  	v8 =	vld.idx.msk [tilespmem:v6+s21+$0x10 ss:$0x1], $0xffff  }
0x3da: {  	[tilespmem:s21+$0x7480] =	vst.add.f32.msk $0xffff, v9  }
0x3db: {  	[tilespmem:s21+$0x8C80] =	vst.add.f32.msk $0xffff, v9  }
0x3dc: {  	[tilespmem:s21+$0xA480] =	vst.add.f32.msk $0xffff, v9  }
0x3dd: {  	[tilespmem:s21+$0xBC80] =	vst.add.f32.msk $0xffff, v9  }
0x3de: {  	v9 =	vld.idx.msk [tilespmem:v6+s12+$0x10 ss:$0x1], $0xffff  }
0x3df: {  	[tilespmem:s21+$0x7410] =	vst.add.f32.msk $0xffff, v8  }
0x3e0: {  	[tilespmem:s21+$0x8C10] =	vst.add.f32.msk $0xffff, v8  }
0x3e1: {  	[tilespmem:s21+$0xA410] =	vst.add.f32.msk $0xffff, v8  }
0x3e2: {  	[tilespmem:s21+$0xBC10] =	vst.add.f32.msk $0xffff, v8  }
0x3e3: {  	v8 =	vld.idx.msk [tilespmem:v6+s21+$0x20 ss:$0x1], $0xffff  }
0x3e4: {  	[tilespmem:s21+$0x7490] =	vst.add.f32.msk $0xffff, v9  }
0x3e5: {  	[tilespmem:s21+$0x8C90] =	vst.add.f32.msk $0xffff, v9  }
0x3e6: {  	[tilespmem:s21+$0xA490] =	vst.add.f32.msk $0xffff, v9  }
0x3e7: {  	[tilespmem:s21+$0xBC90] =	vst.add.f32.msk $0xffff, v9  }
0x3e8: {  	v9 =	vld.idx.msk [tilespmem:v6+s12+$0x20 ss:$0x1], $0xffff  }
0x3e9: {  	[tilespmem:s21+$0x7420] =	vst.add.f32.msk $0xffff, v8  }
0x3ea: {  	[tilespmem:s21+$0x8C20] =	vst.add.f32.msk $0xffff, v8  }
0x3eb: {  	[tilespmem:s21+$0xA420] =	vst.add.f32.msk $0xffff, v8  }
0x3ec: {  	[tilespmem:s21+$0xBC20] =	vst.add.f32.msk $0xffff, v8  }
0x3ed: {  	v8 =	vld.idx.msk [tilespmem:v6+s21+$0x30 ss:$0x1], $0xffff  }
0x3ee: {  	[tilespmem:s21+$0x74A0] =	vst.add.f32.msk $0xffff, v9  }
0x3ef: {  	[tilespmem:s21+$0x8CA0] =	vst.add.f32.msk $0xffff, v9  }
0x3f0: {  	[tilespmem:s21+$0xA4A0] =	vst.add.f32.msk $0xffff, v9  }
0x3f1: {  	[tilespmem:s21+$0xBCA0] =	vst.add.f32.msk $0xffff, v9  }
0x3f2: {  	v9 =	vld.idx.msk [tilespmem:v6+s12+$0x30 ss:$0x1], $0xffff  }
0x3f3: {  	[tilespmem:s21+$0x7430] =	vst.add.f32.msk $0xffff, v8  }
0x3f4: {  	[tilespmem:s21+$0x8C30] =	vst.add.f32.msk $0xffff, v8  }
0x3f5: {  	[tilespmem:s21+$0xA430] =	vst.add.f32.msk $0xffff, v8  }
0x3f6: {  	[tilespmem:s21+$0xBC30] =	vst.add.f32.msk $0xffff, v8  }
0x3f7: {  	v8 =	vld.idx.msk [tilespmem:v6+s21+$0x40 ss:$0x1], $0xffff  }
0x3f8: {  	[tilespmem:s21+$0x74B0] =	vst.add.f32.msk $0xffff, v9  }
0x3f9: {  	[tilespmem:s21+$0x8CB0] =	vst.add.f32.msk $0xffff, v9  }
0x3fa: {  	[tilespmem:s21+$0xA4B0] =	vst.add.f32.msk $0xffff, v9  }
0x3fb: {  	[tilespmem:s21+$0xBCB0] =	vst.add.f32.msk $0xffff, v9  }
0x3fc: {  	v9 =	vld.idx.msk [tilespmem:v6+s12+$0x40 ss:$0x1], $0xffff  }
0x3fd: {  	[tilespmem:s21+$0x7440] =	vst.add.f32.msk $0xffff, v8  }
0x3fe: {  	[tilespmem:s21+$0x8C40] =	vst.add.f32.msk $0xffff, v8  }
0x3ff: {  	[tilespmem:s21+$0xA440] =	vst.add.f32.msk $0xffff, v8  }
0x400: {  	[tilespmem:s21+$0xBC40] =	vst.add.f32.msk $0xffff, v8  }
0x401: {  	v8 =	vld.idx.msk [tilespmem:v6+s21+$0x50 ss:$0x1], $0xffff  }
0x402: {  	[tilespmem:s21+$0x74C0] =	vst.add.f32.msk $0xffff, v9  }
0x403: {  	[tilespmem:s21+$0x8CC0] =	vst.add.f32.msk $0xffff, v9  }
0x404: {  	[tilespmem:s21+$0xA4C0] =	vst.add.f32.msk $0xffff, v9  }
0x405: {  	[tilespmem:s21+$0xBCC0] =	vst.add.f32.msk $0xffff, v9  }
0x406: {  	v9 =	vld.idx.msk [tilespmem:v6+s12+$0x50 ss:$0x1], $0xffff  }
0x407: {  	[tilespmem:s21+$0x7450] =	vst.add.f32.msk $0xffff, v8  }
0x408: {  	[tilespmem:s21+$0x8C50] =	vst.add.f32.msk $0xffff, v8  }
0x409: {  	[tilespmem:s21+$0xA450] =	vst.add.f32.msk $0xffff, v8  }
0x40a: {  	[tilespmem:s21+$0xBC50] =	vst.add.f32.msk $0xffff, v8  }
0x40b: {  	v8 =	vld.idx.msk [tilespmem:v6+s21+$0x60 ss:$0x1], $0xffff  }
0x40c: {  	[tilespmem:s21+$0x74D0] =	vst.add.f32.msk $0xffff, v9  }
0x40d: {  	[tilespmem:s21+$0x8CD0] =	vst.add.f32.msk $0xffff, v9  }
0x40e: {  	[tilespmem:s21+$0xA4D0] =	vst.add.f32.msk $0xffff, v9  }
0x40f: {  	[tilespmem:s21+$0xBCD0] =	vst.add.f32.msk $0xffff, v9  }
0x410: {  	v9 =	vld.idx.msk [tilespmem:v6+s12+$0x60 ss:$0x1], $0xffff  }
0x411: {  	[tilespmem:s21+$0x7460] =	vst.add.f32.msk $0xffff, v8  }
0x412: {  	[tilespmem:s21+$0x8C60] =	vst.add.f32.msk $0xffff, v8  }
0x413: {  	[tilespmem:s21+$0xA460] =	vst.add.f32.msk $0xffff, v8  }
0x414: {  	[tilespmem:s21+$0xBC60] =	vst.add.f32.msk $0xffff, v8  }
0x415: {  	v8 =	vld.idx.msk [tilespmem:v6+s21+$0x70 ss:$0x1], $0xffff  }
0x416: {  	[tilespmem:s21+$0x74E0] =	vst.add.f32.msk $0xffff, v9  }
0x417: {  	[tilespmem:s21+$0x8CE0] =	vst.add.f32.msk $0xffff, v9  }
0x418: {  	[tilespmem:s21+$0xA4E0] =	vst.add.f32.msk $0xffff, v9  }
0x419: {  	[tilespmem:s21+$0xBCE0] =	vst.add.f32.msk $0xffff, v9  }
0x41a: {  	v9 =	vld.idx.msk [tilespmem:v6+s12+$0x70 ss:$0x1], $0xffff  }
0x41b: {  	[tilespmem:s21+$0x7470] =	vst.add.f32.msk $0xffff, v8  }
0x41c: {  	[tilespmem:s21+$0x8C70] =	vst.add.f32.msk $0xffff, v8  }
0x41d: {  	[tilespmem:s21+$0xA470] =	vst.add.f32.msk $0xffff, v8  }
0x41e: {  	[tilespmem:s21+$0xBC70] =	vst.add.f32.msk $0xffff, v8  }
0x41f: {  	v8 =	vld.idx.msk [tilespmem:v7+s21+$0x0 ss:$0x1], $0xffff  }
0x420: {  	[tilespmem:s21+$0x74F0] =	vst.add.f32.msk $0xffff, v9  }
0x421: {  	[tilespmem:s21+$0x8CF0] =	vst.add.f32.msk $0xffff, v9  }
0x422: {  	[tilespmem:s21+$0xA4F0] =	vst.add.f32.msk $0xffff, v9  }
0x423: {  	[tilespmem:s21+$0xBCF0] =	vst.add.f32.msk $0xffff, v9  }
0x424: {  	v9 =	vld.idx.msk [tilespmem:v7+s12+$0x0 ss:$0x1], $0xffff  }
0x425: {  	[tilespmem:s21+$0x7800] =	vst.add.f32.msk $0xffff, v8  }
0x426: {  	[tilespmem:s21+$0x9000] =	vst.add.f32.msk $0xffff, v8  }
0x427: {  	[tilespmem:s21+$0xA800] =	vst.add.f32.msk $0xffff, v8  }
0x428: {  	[tilespmem:s21+$0xC000] =	vst.add.f32.msk $0xffff, v8  }
0x429: {  	v8 =	vld.idx.msk [tilespmem:v7+s21+$0x10 ss:$0x1], $0xffff  }
0x42a: {  	[tilespmem:s21+$0x7880] =	vst.add.f32.msk $0xffff, v9  }
0x42b: {  	[tilespmem:s21+$0x9080] =	vst.add.f32.msk $0xffff, v9  }
0x42c: {  	[tilespmem:s21+$0xA880] =	vst.add.f32.msk $0xffff, v9  }
0x42d: {  	[tilespmem:s21+$0xC080] =	vst.add.f32.msk $0xffff, v9  }
0x42e: {  	v9 =	vld.idx.msk [tilespmem:v7+s12+$0x10 ss:$0x1], $0xffff  }
0x42f: {  	[tilespmem:s21+$0x7810] =	vst.add.f32.msk $0xffff, v8  }
0x430: {  	[tilespmem:s21+$0x9010] =	vst.add.f32.msk $0xffff, v8  }
0x431: {  	[tilespmem:s21+$0xA810] =	vst.add.f32.msk $0xffff, v8  }
0x432: {  	[tilespmem:s21+$0xC010] =	vst.add.f32.msk $0xffff, v8  }
0x433: {  	v8 =	vld.idx.msk [tilespmem:v7+s21+$0x20 ss:$0x1], $0xffff  }
0x434: {  	[tilespmem:s21+$0x7890] =	vst.add.f32.msk $0xffff, v9  }
0x435: {  	[tilespmem:s21+$0x9090] =	vst.add.f32.msk $0xffff, v9  }
0x436: {  	[tilespmem:s21+$0xA890] =	vst.add.f32.msk $0xffff, v9  }
0x437: {  	[tilespmem:s21+$0xC090] =	vst.add.f32.msk $0xffff, v9  }
0x438: {  	v9 =	vld.idx.msk [tilespmem:v7+s12+$0x20 ss:$0x1], $0xffff  }
0x439: {  	[tilespmem:s21+$0x7820] =	vst.add.f32.msk $0xffff, v8  }
0x43a: {  	[tilespmem:s21+$0x9020] =	vst.add.f32.msk $0xffff, v8  }
0x43b: {  	[tilespmem:s21+$0xA820] =	vst.add.f32.msk $0xffff, v8  }
0x43c: {  	[tilespmem:s21+$0xC020] =	vst.add.f32.msk $0xffff, v8  }
0x43d: {  	v8 =	vld.idx.msk [tilespmem:v7+s21+$0x30 ss:$0x1], $0xffff  }
0x43e: {  	[tilespmem:s21+$0x78A0] =	vst.add.f32.msk $0xffff, v9  }
0x43f: {  	[tilespmem:s21+$0x90A0] =	vst.add.f32.msk $0xffff, v9  }
0x440: {  	[tilespmem:s21+$0xA8A0] =	vst.add.f32.msk $0xffff, v9  }
0x441: {  	[tilespmem:s21+$0xC0A0] =	vst.add.f32.msk $0xffff, v9  }
0x442: {  	v9 =	vld.idx.msk [tilespmem:v7+s12+$0x30 ss:$0x1], $0xffff  }
0x443: {  	[tilespmem:s21+$0x7830] =	vst.add.f32.msk $0xffff, v8  }
0x444: {  	[tilespmem:s21+$0x9030] =	vst.add.f32.msk $0xffff, v8  }
0x445: {  	[tilespmem:s21+$0xA830] =	vst.add.f32.msk $0xffff, v8  }
0x446: {  	[tilespmem:s21+$0xC030] =	vst.add.f32.msk $0xffff, v8  }
0x447: {  	v8 =	vld.idx.msk [tilespmem:v7+s21+$0x40 ss:$0x1], $0xffff  }
0x448: {  	[tilespmem:s21+$0x78B0] =	vst.add.f32.msk $0xffff, v9  }
0x449: {  	[tilespmem:s21+$0x90B0] =	vst.add.f32.msk $0xffff, v9  }
0x44a: {  	[tilespmem:s21+$0xA8B0] =	vst.add.f32.msk $0xffff, v9  }
0x44b: {  	[tilespmem:s21+$0xC0B0] =	vst.add.f32.msk $0xffff, v9  }
0x44c: {  	v9 =	vld.idx.msk [tilespmem:v7+s12+$0x40 ss:$0x1], $0xffff  }
0x44d: {  	[tilespmem:s21+$0x7840] =	vst.add.f32.msk $0xffff, v8  }
0x44e: {  	[tilespmem:s21+$0x9040] =	vst.add.f32.msk $0xffff, v8  }
0x44f: {  	[tilespmem:s21+$0xA840] =	vst.add.f32.msk $0xffff, v8  }
0x450: {  	[tilespmem:s21+$0xC040] =	vst.add.f32.msk $0xffff, v8  }
0x451: {  	v8 =	vld.idx.msk [tilespmem:v7+s21+$0x50 ss:$0x1], $0xffff  }
0x452: {  	[tilespmem:s21+$0x78C0] =	vst.add.f32.msk $0xffff, v9  }
0x453: {  	[tilespmem:s21+$0x90C0] =	vst.add.f32.msk $0xffff, v9  }
0x454: {  	[tilespmem:s21+$0xA8C0] =	vst.add.f32.msk $0xffff, v9  }
0x455: {  	[tilespmem:s21+$0xC0C0] =	vst.add.f32.msk $0xffff, v9  }
0x456: {  	v9 =	vld.idx.msk [tilespmem:v7+s12+$0x50 ss:$0x1], $0xffff  }
0x457: {  	[tilespmem:s21+$0x7850] =	vst.add.f32.msk $0xffff, v8  }
0x458: {  	[tilespmem:s21+$0x9050] =	vst.add.f32.msk $0xffff, v8  }
0x459: {  	[tilespmem:s21+$0xA850] =	vst.add.f32.msk $0xffff, v8  }
0x45a: {  	[tilespmem:s21+$0xC050] =	vst.add.f32.msk $0xffff, v8  }
0x45b: {  	v8 =	vld.idx.msk [tilespmem:v7+s21+$0x60 ss:$0x1], $0xffff  }
0x45c: {  	[tilespmem:s21+$0x78D0] =	vst.add.f32.msk $0xffff, v9  }
0x45d: {  	[tilespmem:s21+$0x90D0] =	vst.add.f32.msk $0xffff, v9  }
0x45e: {  	[tilespmem:s21+$0xA8D0] =	vst.add.f32.msk $0xffff, v9  }
0x45f: {  	[tilespmem:s21+$0xC0D0] =	vst.add.f32.msk $0xffff, v9  }
0x460: {  	v9 =	vld.idx.msk [tilespmem:v7+s12+$0x60 ss:$0x1], $0xffff  }
0x461: {  	[tilespmem:s21+$0x7860] =	vst.add.f32.msk $0xffff, v8  }
0x462: {  	[tilespmem:s21+$0x9060] =	vst.add.f32.msk $0xffff, v8  }
0x463: {  	[tilespmem:s21+$0xA860] =	vst.add.f32.msk $0xffff, v8  }
0x464: {  	[tilespmem:s21+$0xC060] =	vst.add.f32.msk $0xffff, v8  }
0x465: {  	v8 =	vld.idx.msk [tilespmem:v7+s21+$0x70 ss:$0x1], $0xffff  }
0x466: {  	[tilespmem:s21+$0x78E0] =	vst.add.f32.msk $0xffff, v9  }
0x467: {  	[tilespmem:s21+$0x90E0] =	vst.add.f32.msk $0xffff, v9  }
0x468: {  	[tilespmem:s21+$0xA8E0] =	vst.add.f32.msk $0xffff, v9  }
0x469: {  	[tilespmem:s21+$0xC0E0] =	vst.add.f32.msk $0xffff, v9  }
0x46a: {  	v9 =	vld.idx.msk [tilespmem:v7+s12+$0x70 ss:$0x1], $0xffff  }
0x46b: {  	[tilespmem:s21+$0x7870] =	vst.add.f32.msk $0xffff, v8  }
0x46c: {  	[tilespmem:s21+$0x9070] =	vst.add.f32.msk $0xffff, v8  }
0x46d: {  	p0 =	slt.u32 s10, $0x6;
	[tilespmem:s21+$0xA870] =	vst.add.f32.msk $0xffff, v8  }
.Ltmp1:
0x46e: {  	[tilespmem:s21+$0xC070] =	vst.add.f32.msk $0xffff, v8;
	(pc) =	sbr.rel @p0 .LBB2_5-.Ltmp1, $4  }
0x46f: {  	[tilespmem:s21+$0x78F0] =	vst.add.f32.msk $0xffff, v9  }
0x470: {  	[tilespmem:s21+$0x90F0] =	vst.add.f32.msk $0xffff, v9  }
0x471: {  	s28 =	sadd.s32 $0x2, s10;
	[tilespmem:s21+$0xA8F0] =	vst.add.f32.msk $0xffff, v9  }
0x472: {  	s10 =	smov.u32 s28;
	[tilespmem:s21+$0xC0F0] =	vst.add.f32.msk $0xffff, v9  }
0x473: {  	s7 =	sadd.s32 s5, s7  }
0x474: {  	s7 =	smul.u32 $0x1800, s7;
	_ =	sdelay $0x1  }
0x475: {  	s7 =	sshrl.u32 s7, $0x3  }
0x476: {  	s6 =	sadd.s32 $0x1, s6;
	s7 =	sadd.s32 s3, s7  }
0x477: {  	[hbm4b:s7+s4] =	stream.linear.scatter [tilespmem:s26], [sflag:$0x4], $0x1800, $0x38;
	[tilespmem:$0x18400] =	vst v63  }
0x478: {  	p0 =	sne.s32 s6, $0x4;
	s10 =	sadd.s32 $0x30000, s7  }
0x479: {  	[hbm4b:s10+s4] =	stream.linear.scatter [tilespmem:s30], [sflag:$0x4], $0x1800, $0x38;
	[tilespmem:$0x18400] =	vst v63  }
.Ltmp2:
0x47a: {  	_ = 	snop;
	(pc) =	sbr.rel @p0 .LBB2_2-.Ltmp2, $4  }
0x47b: {  	s28 =	sadd.s32 $0x60000, s7  }
0x47c: {  	[hbm4b:s28+s4] =	stream.linear.scatter [tilespmem:s2], [sflag:$0x4], $0x1800, $0x38;
	[tilespmem:$0x18400] =	vst v63  }
0x47d: {  	s7 =	sadd.s32 $0x90000, s7  }
0x47e: {  	[hbm4b:s7+s4] =	stream.linear.scatter [tilespmem:s15], [sflag:$0x4], $0x1800, $0x38;
	[tilespmem:$0x18400] =	vst v63  }
0x47f: {  	s6 =	simm.s32 $0x3  }
0x480: {  	_ =	swait.ge [sflag:s6], $0x6000  }
0x481: {  	[sflag:s6] =	ssyncset.done $0x0  }
0x482: {  	s7 =	simm.s32 $0x4;
	[sflag:s6] =	ssyncadd.s32 $0xFFFFA000  }
0x483: {  	_ =	swait.ge [sflag:s7], $0x6000  }
0x484: {  	s10 =	rddreg [dreg:$0x8]  }
0x485: {  	s28 =	rddreg [dreg:$0x7];
	s10 =	sadd.s32 $0x1, s10  }
0x486: {  	p0 =	sne.s32 s10, s28  }
.Ltmp3:
0x487: {  	_ = 	snop;
	(pc) =	sbr.rel @p0 .LBB2_1-.Ltmp3, $3  }
0x488: {  	_ =	sdelay $0x1  }
0x489: {  	[sflag:s7] =	ssyncset.done $0x0  }
0x48a: {  	[sflag:s7] =	ssyncadd.s32 $0xFFFFA000  }
0x48b: {  	_ =	sfence.sel $0x180000  }
0x48c: {  	[bflag:$0x0] =	sbarrier.arrive $0xFFFF  }
0x48d: {  	_ =	strace $0x90000047  }
0x48e: {  	s0 =	stileid.u32;
	[bflag:$0x2] =	sbarrier.arrive $0xFFFF  }
0x48f: {  	p0 =	sne.s32 s0, $0x0;
	s0 =	rddreg [dreg:$0x4]  }
0x490: {  	s0 =	sadd.s32 @!p0 $0x100000, s0  }
0x491: {  	[sflag:s0] =	ssyncadd.tile.s32 @!p0 $0x1;
	_ =	shalt  }
.Lfunc_end2:
_tile_overlayer_lowered:
.L_overlay_start_2:
0x492: {  	(tag) =	ssettag $0x2  }
0x493: {  	s0 =	rddreg [dreg:$0x0];
	s2 =	stileid.u32  }
0x494: {  	s1 =	rddreg [dreg:$0x1];
	p0 =	sne.s32 s2, $0x0  }
0x495: {  	s3 =	rddreg [dreg:$0x2];
	[bflag:$0x3] =	sbarrier.arrive $0xFFFF;
	s2 =	simm.s32 @!p0 $0x1C06  }
0x496: {  	[timem:s3], [sflag:s2] =	dma.local @!p0 [hbm:s0], s1  }
0x497: {  	s0 =	simm.s32 @!p0 $0x6  }
0x498: {  	_ =	swait.ge @!p0 [sflag:s0], s1  }
0x499: {  	s1 =	ssub.s32 @!p0 $0x0, s1;
	[sflag:s0] =	ssyncset.done @!p0 $0x0  }
0x49a: {  	[sflag:s0] =	ssyncadd.s32 @!p0 s1  }
0x49b: {  	[bflag:$0x3] =	sbarrier.arrive $0xFFFF  }
0x49c: {  	_ =	shalt  }

</sc_bundles>
